<compile_context>
chip_gen: v7x
topology: tpu7x:2x2x1
jax: 0.10.2.dev20260603
libtpu: 0.0.44.dev20260713+nightly
codegen_flags: <defaults>
</compile_context>

<pallas_src>
import functools

import numpy as np

import jax
import jax.numpy as jnp
from jax import lax
from jax.experimental import pallas as pl
from jax.experimental.pallas import tpu as pltpu
from jax.experimental.pallas import tpu_sc as plsc

NC = 2
NS = 16
LANES = 16
CH = 128
W128 = 128
ZR = 64
NBUF = 2


def _splits(n):
  half = n // NC
  acc_rows = half + 8
  rows_lo = (half // (8 * NS)) * 8
  rows_last = half - (NS - 1) * rows_lo
  assert half % 8 == 0 and rows_last % 8 == 0 and rows_last > 0
  return half, acc_rows, rows_lo, rows_last


def _remap_dst(ed_v, dst_v, c_off, half, spread):
  for j in range(CH // LANES):
    loc = ed_v[pl.ds(CH + j * LANES, LANES)] - c_off
    ok = (loc >= 0) & (loc < half)
    trash = jnp.int32(half) + (spread & 7)
    dst_v[pl.ds(j * LANES, LANES)] = jnp.where(ok, loc, trash)


def _copy_out(acc_sh, out_hbm, s, c_off, rows_lo, rows_last):
  @pl.when(s < NS - 1)
  def _():
    r0 = s * rows_lo
    pltpu.sync_copy(acc_sh.at[pl.ds(r0, rows_lo)],
                    out_hbm.at[pl.ds(c_off + r0, rows_lo)])

  @pl.when(s == NS - 1)
  def _():
    r0 = (NS - 1) * rows_lo
    pltpu.sync_copy(acc_sh.at[pl.ds(r0, rows_last)],
                    out_hbm.at[pl.ds(c_off + r0, rows_last)])


def _zero_acc(buf, accs, s, rows_lo, rows_last):
  d = buf.shape[1]

  def zrow(r, carry):
    for j in range(d // LANES):
      buf[r, pl.ds(j * LANES, LANES)] = jnp.zeros((LANES,), jnp.float32)
    return carry
  lax.fori_loop(jnp.int32(0), jnp.int32(ZR), zrow, jnp.int32(0))

  def zspan(r0, nrows):
    off = 0
    while off < nrows:
      step = min(ZR, nrows - off)
      for acc in accs:
        pltpu.sync_copy(buf.at[pl.ds(0, step)], acc.at[pl.ds(r0 + off, step)])
      off += step

  @pl.when(s < NS - 1)
  def _():
    zspan(s * rows_lo, rows_lo)

  @pl.when(s == NS - 1)
  def _():
    zspan((NS - 1) * rows_lo, rows_last + 8)


def _seg_sum_builder(n, n_blocks):
  acc_rows = n + 8
  rows_lo = (n // (8 * NS)) * 8
  rows_last = n - (NS - 1) * rows_lo
  assert n % 8 == 0 and rows_last % 8 == 0 and rows_last > 0
  bpt = n_blocks // NS
  assert bpt % NBUF == 0
  outer = bpt // NBUF

  mesh = plsc.VectorSubcoreMesh(core_axis_name="c", subcore_axis_name="s")

  @functools.partial(
      pl.kernel,
      out_type=(jax.ShapeDtypeStruct((n, W128), jnp.float32),
                jax.ShapeDtypeStruct((n, W128), jnp.float32)),
      mesh=mesh,
      scratch_types=(
          [pltpu.VMEM((2 * CH,), jnp.int32) for _ in range(NBUF)]
          + [pltpu.VMEM((CH,), jnp.int32) for _ in range(NBUF)]
          + [pltpu.VMEM((CH, W128), jnp.float32) for _ in range(NBUF)]
          + [pltpu.VMEM_SHARED((acc_rows, W128), jnp.float32)]
          + [pltpu.SemaphoreType.DMA for _ in range(3 * NBUF)]
      ),
  )
  def seg_sum(x_lo_hbm, x_hi_hbm, edges_hbm, out_lo_hbm, out_hi_hbm, *scr):
    ed = scr[0:NBUF]
    dst = scr[NBUF:2 * NBUF]
    ra = scr[2 * NBUF:3 * NBUF]
    acc = scr[3 * NBUF]
    isem = scr[3 * NBUF + 1:3 * NBUF + 1 + NBUF]
    gsem = scr[3 * NBUF + 1 + NBUF:3 * NBUF + 1 + 2 * NBUF]
    ssem = scr[3 * NBUF + 1 + 2 * NBUF:3 * NBUF + 1 + 3 * NBUF]

    c = lax.axis_index("c")
    s = lax.axis_index("s")

    _zero_acc(ra[0], (acc,), s, rows_lo, rows_last)
    plsc.subcore_barrier()

    base_blk = s * jnp.int32(bpt)

    def copy_dst(b):
      for j in range(CH // LANES):
        dst[b][pl.ds(j * LANES, LANES)] = ed[b][pl.ds(CH + j * LANES, LANES)]

    def gather(b):
      src = ed[b].at[pl.ds(0, CH)]

      @pl.when(c == 0)
      def _():
        pltpu.async_copy(x_lo_hbm.at[src], ra[b], gsem[b])

      @pl.when(c == 1)
      def _():
        pltpu.async_copy(x_hi_hbm.at[src], ra[b], gsem[b])

    def wait_gather(b):
      src = ed[b].at[pl.ds(0, CH)]
      pltpu.make_async_copy(x_lo_hbm.at[src], ra[b], gsem[b]).wait()

    def scatter(b):
      pltpu.async_copy(ra[b], acc.at[dst[b]], ssem[b], add=True)

    def wait_scatter(b):
      pltpu.make_async_copy(ra[b], acc.at[dst[b]], ssem[b]).wait()

    def wait_idx(b):
      pltpu.make_async_copy(edges_hbm.at[base_blk], ed[b], isem[b]).wait()

    pltpu.async_copy(edges_hbm.at[base_blk], ed[0], isem[0])

    def body(g, carry):
      for b in range(NBUF):
        i = NBUF * g + jnp.int32(b)
        pb = (b - 1) % NBUF
        nb = (b + 1) % NBUF

        @pl.when(g > 0)
        def _():
          wait_scatter(b)
        wait_idx(b)
        copy_dst(b)
        gather(b)
        if b == 0:
          @pl.when(g > 0)
          def _():
            wait_gather(pb)
            scatter(pb)
        else:
          wait_gather(pb)
          scatter(pb)
        if b == NBUF - 1:
          @pl.when(g < outer - 1)
          def _():
            pltpu.async_copy(edges_hbm.at[base_blk + i + 1], ed[nb], isem[nb])
        else:
          pltpu.async_copy(edges_hbm.at[base_blk + i + 1], ed[nb], isem[nb])
      return carry

    lax.fori_loop(jnp.int32(0), jnp.int32(outer), body, jnp.int32(0))

    last = NBUF - 1
    wait_gather(last)
    scatter(last)
    for b in range(NBUF):
      wait_scatter(b)

    plsc.subcore_barrier()

    @pl.when(c == 0)
    def _():
      _copy_out(acc, out_lo_hbm, s, jnp.int32(0), rows_lo, rows_last)

    @pl.when(c == 1)
    def _():
      _copy_out(acc, out_hi_hbm, s, jnp.int32(0), rows_lo, rows_last)

  return seg_sum


def _deg_builder(n, n_blocks):
  half, acc_rows, _, _ = _splits(n)
  bpt = n_blocks // NS
  assert bpt % NBUF == 0
  outer = bpt // NBUF
  h640 = acc_rows * LANES // W128
  out_rows = half * LANES // W128
  assert half * LANES % W128 == 0

  mesh = plsc.VectorSubcoreMesh(core_axis_name="c", subcore_axis_name="s")

  @functools.partial(
      pl.kernel,
      out_type=jax.ShapeDtypeStruct((NC, NS, out_rows * W128), jnp.float32),
      mesh=mesh,
      compiler_params=pltpu.CompilerParams(needs_layout_passes=False),
      scratch_types=(
          [pltpu.VMEM((2 * CH,), jnp.int32) for _ in range(NBUF)]
          + [pltpu.VMEM((h640 * W128,), jnp.float32)]
          + [pltpu.SemaphoreType.DMA for _ in range(NBUF)]
      ),
  )
  def degk(edges_hbm, out_hbm, *scr):
    ed = scr[0:NBUF]
    hist = scr[NBUF]
    isem = scr[NBUF + 1:NBUF + 1 + NBUF]

    c = lax.axis_index("c")
    s = lax.axis_index("s")
    c_off = c * jnp.int32(half)

    def zrow(r, carry):
      for j in range(8):
        hist[pl.ds(r * (8 * LANES) + j * LANES, LANES)] = jnp.zeros(
            (LANES,), jnp.float32)
      return carry
    lax.fori_loop(jnp.int32(0), jnp.int32(h640 * W128 // (8 * LANES)), zrow,
                  jnp.int32(0))

    base_blk = s * jnp.int32(bpt)
    spread = lax.iota(jnp.int32, LANES)
    ones16 = jnp.full((LANES,), 1.0, jnp.float32)

    def wait_idx(b):
      pltpu.make_async_copy(edges_hbm.at[base_blk], ed[b], isem[b]).wait()

    pltpu.async_copy(edges_hbm.at[base_blk], ed[0], isem[0])

    def body(g, carry):
      for b in range(NBUF):
        i = NBUF * g + jnp.int32(b)
        nb = (b + 1) % NBUF

        wait_idx(b)
        for j in range(CH // LANES):
          loc = ed[b][pl.ds(CH + j * LANES, LANES)] - c_off
          ok = (loc >= 0) & (loc < half)
          trash = jnp.int32(half) + (spread & 7)
          loc = jnp.where(ok, loc, trash)
          flat = loc * LANES + spread
          plsc.addupdate_scatter(hist, (flat,), ones16)
        if b == NBUF - 1:
          @pl.when(g < outer - 1)
          def _():
            pltpu.async_copy(edges_hbm.at[base_blk + i + 1], ed[nb], isem[nb])
        else:
          pltpu.async_copy(edges_hbm.at[base_blk + i + 1], ed[nb], isem[nb])
      return carry

    lax.fori_loop(jnp.int32(0), jnp.int32(outer), body, jnp.int32(0))
    pltpu.sync_copy(hist.at[pl.ds(0, out_rows * W128)], out_hbm.at[c, s])

  return degk


def _tc_layer(n, d, blk, residual):
  grid = (n // blk,)
  half = n // NC
  blocks_per_core = half // blk
  assert half % blk == 0

  def body(x_ref, alo_ref, ahi_ref, dg_ref, ws_ref, wlo_ref, whi_ref, b_ref,
           o_ref, *half_refs):
    x = x_ref[...]
    deg = jnp.sum(dg_ref[0], axis=(0, 2))[:, None]
    invd = 1.0 / jnp.maximum(deg, 1.0)
    h = (
        jnp.dot(x, ws_ref[...], preferred_element_type=jnp.float32)
        + jnp.dot(alo_ref[...] * invd, wlo_ref[...],
                  preferred_element_type=jnp.float32)
        + jnp.dot(ahi_ref[...] * invd, whi_ref[...],
                  preferred_element_type=jnp.float32)
        + b_ref[...]
    )
    h = jnp.maximum(h, 0.0)
    o_ref[...] = x + h if residual else h
    if half_refs:
      olo_ref, ohi_ref = half_refs
      olo_ref[...] = h[:, :W128]
      ohi_ref[...] = h[:, W128:]

  z = np.int32(0)
  row_map = lambda i: (i, z)
  const_map = lambda i: (z, z)
  deg_map = lambda i: (i // blocks_per_core, z, i % blocks_per_core, z)
  out_specs = (pl.BlockSpec((blk, d), row_map),)
  out_shape = (jax.ShapeDtypeStruct((n, d), jnp.float32),)
  if not residual:
    out_specs += (pl.BlockSpec((blk, W128), row_map),
                  pl.BlockSpec((blk, W128), row_map))
    out_shape += (jax.ShapeDtypeStruct((n, W128), jnp.float32),
                  jax.ShapeDtypeStruct((n, W128), jnp.float32))
  return pl.pallas_call(
      body,
      grid=grid,
      in_specs=[
          pl.BlockSpec((blk, d), row_map),
          pl.BlockSpec((blk, W128), row_map),
          pl.BlockSpec((blk, W128), row_map),
          pl.BlockSpec((1, NS, blk, LANES), deg_map),
          pl.BlockSpec((d, d), const_map),
          pl.BlockSpec((W128, d), const_map),
          pl.BlockSpec((W128, d), const_map),
          pl.BlockSpec((1, d), const_map),
      ],
      out_specs=out_specs,
      out_shape=out_shape,
  )


@jax.jit
def kernel(X, edge_index, W1_self, W1_neigh, b1, W2_self, W2_neigh, b2):
  n, d = X.shape
  e = edge_index.shape[1]

  src = edge_index[0].astype(jnp.int32)
  dst = edge_index[1].astype(jnp.int32)
  epc = NS * CH * NBUF
  e_pad = ((e + epc - 1) // epc) * epc
  pad = e_pad - e
  if pad:
    arp = jnp.arange(pad, dtype=jnp.int32)
    src = jnp.concatenate([src, (arp * 37) % n])
    dst = jnp.concatenate([dst, n + (arp & 7)])
  n_blocks = e_pad // CH
  edges = (jnp.stack([src, dst]).reshape(2, n_blocks, CH)
           .transpose(1, 0, 2).reshape(n_blocks, 2 * CH))

  seg = _seg_sum_builder(n, n_blocks)
  degk = _deg_builder(n, n_blocks)
  tc1 = _tc_layer(n, d, 1000, residual=False)
  tc2 = _tc_layer(n, d, 1000, residual=True)

  f32 = jnp.float32
  w1s, w1n = W1_self.astype(f32), W1_neigh.astype(f32)
  w2s, w2n = W2_self.astype(f32), W2_neigh.astype(f32)
  bb1 = b1.astype(f32).reshape(1, d)
  bb2 = b2.astype(f32).reshape(1, d)
  w1n_lo = lax.slice(w1n, (0, 0), (W128, d))
  w1n_hi = lax.slice(w1n, (W128, 0), (d, d))
  w2n_lo = lax.slice(w2n, (0, 0), (W128, d))
  w2n_hi = lax.slice(w2n, (W128, 0), (d, d))

  Xf = X.astype(f32)
  x_lo = lax.slice(Xf, (0, 0), (n, W128))
  x_hi = lax.slice(Xf, (0, W128), (n, d))
  half = n // NC
  deg = degk(edges).reshape(NC, NS, half, LANES)
  a1_lo, a1_hi = seg(x_lo, x_hi, edges)
  X1, x1_lo, x1_hi = tc1(Xf, a1_lo, a1_hi, deg, w1s, w1n_lo, w1n_hi, bb1)
  a2_lo, a2_hi = seg(x1_lo, x1_hi, edges)
  (out,) = tc2(X1, a2_lo, a2_hi, deg, w2s, w2n_lo, w2n_hi, bb2)
  out_dtype = jnp.result_type(X.dtype, W1_self.dtype)
  return out.astype(out_dtype)

# --- scband reference (transcript-rebuilt; emitter-appended) ---
"""Pipeline reference for scband-crl-block-47356309406282 (READ-ONLY COPY).

The authoritative reference and input builder live on the scoring server;
editing this copy changes nothing except your own understanding.
"""

import jax, jax.numpy as jnp
import numpy as np
jax.config.update("jax_enable_x64", True)

N = 10000
E = 160000
D_IN = 256
D_OUT = 256


def sage_conv(x, edge_index, w_self, w_neigh, b):
    # GraphSAGE-style conv: self transform + mean-aggregated neighbor transform + ReLU
    src = edge_index[0]
    dst = edge_index[1]
    msgs = x[src]  # gather
    agg = jax.ops.segment_sum(msgs, dst, num_segments=x.shape[0])  # scatter-add
    deg = jax.ops.segment_sum(jnp.ones((edge_index.shape[1],), x.dtype), dst, num_segments=x.shape[0])
    mean = agg / jnp.maximum(deg, 1.0)[:, None]
    return jax.nn.relu(x @ w_self + mean @ w_neigh + b)


def setup_inputs(seed: int = 0) -> dict:
    key = jax.random.key(seed)
    ks = jax.random.split(key, 9)
    X = jax.random.normal(ks[0], (N, D_IN), dtype=jnp.float32)
    edge_index = jax.random.randint(ks[1], (2, E), 0, N, dtype=jnp.int64)
    s1 = 1.0 / np.sqrt(D_IN)
    s2 = 1.0 / np.sqrt(D_OUT)
    W1_self = jax.random.normal(ks[2], (D_IN, D_OUT), dtype=jnp.float32) * s1
    W1_neigh = jax.random.normal(ks[3], (D_IN, D_OUT), dtype=jnp.float32) * s1
    b1 = jnp.zeros((D_OUT,), dtype=jnp.float32)
    W2_self = jax.random.normal(ks[4], (D_OUT, D_OUT), dtype=jnp.float32) * s2
    W2_neigh = jax.random.normal(ks[5], (D_OUT, D_OUT), dtype=jnp.float32) * s2
    b2 = jnp.zeros((D_OUT,), dtype=jnp.float32)
    return {"X": X, "edge_index": edge_index, "W1_self": W1_self, "W1_neigh": W1_neigh, "b1": b1, "W2_self": W2_self, "W2_neigh": W2_neigh, "b2": b2}


def reference(X, edge_index, W1_self, W1_neigh, b1, W2_self, W2_neigh, b2):
    # CRL_block: two stacked convs with residual sum of both outputs
    X1 = sage_conv(X, edge_index, W1_self, W1_neigh, b1)
    X2 = sage_conv(X1, edge_index, W2_self, W2_neigh, b2)
    return X1 + X2

if __name__ == "__main__":
    import jax
    _d = setup_inputs()
    print(jax.jit(kernel)(*tuple(_d.values())))

</pallas_src>

<mosaic_0001>
#map = affine_map<(d0, d1) -> (0, 0)>
module attributes {stable_mosaic.version = 14 : i64} {
  func.func @seg_sum(%arg0: i32, %arg1: i32, %arg2: memref<10000x128xf32, #tpu.memory_space<hbm>>, %arg3: memref<10000x128xf32, #tpu.memory_space<hbm>>, %arg4: memref<1280x256xi32, #tpu.memory_space<hbm>>, %arg5: memref<10000x128xf32, #tpu.memory_space<hbm>>, %arg6: memref<10000x128xf32, #tpu.memory_space<hbm>>, %arg7: memref<256xi32, #tpu.memory_space<vmem>>, %arg8: memref<256xi32, #tpu.memory_space<vmem>>, %arg9: memref<128xi32, #tpu.memory_space<vmem>>, %arg10: memref<128xi32, #tpu.memory_space<vmem>>, %arg11: memref<128x128xf32, #tpu.memory_space<vmem>>, %arg12: memref<128x128xf32, #tpu.memory_space<vmem>>, %arg13: memref<10008x128xf32, #tpu.memory_space<vmem_shared>>, %arg14: memref<!tpu.dma_semaphore, #tpu.memory_space<semaphore_mem>>, %arg15: memref<!tpu.dma_semaphore, #tpu.memory_space<semaphore_mem>>, %arg16: memref<!tpu.dma_semaphore, #tpu.memory_space<semaphore_mem>>, %arg17: memref<!tpu.dma_semaphore, #tpu.memory_space<semaphore_mem>>, %arg18: memref<!tpu.dma_semaphore, #tpu.memory_space<semaphore_mem>>, %arg19: memref<!tpu.dma_semaphore, #tpu.memory_space<semaphore_mem>>) attributes {dimension_semantics = [#tpu.dimension_semantics<core_parallel>, #tpu.dimension_semantics<subcore_parallel>], iteration_bounds = array<i64: 2, 16>, scalar_prefetch = 0 : i64, scratch_operands = 13 : i64, tpu.core_type = #tpu.core_type<sc_vector_subcore>, window_params = [{transform_indices = #map}, {transform_indices = #map}, {transform_indices = #map}, {transform_indices = #map}, {transform_indices = #map}]} {
    %while3A = arith.constant 0 : i32
    %while3A_0 = arith.constant 0 : i32
    %while3A_1 = arith.constant 64 : i32
    %while3A_2 = arith.subi %while3A_1, %while3A_0 : i32
    %while3A_3 = arith.addi %while3A_0, %while3A_2 : i32
    %while3A_4 = arith.constant 1 : i32
    %while3A_5 = arith.divsi %while3A_2, %while3A_4 : i32
    %while3A_6 = arith.muli %while3A_5, %while3A_4 : i32
    %while3A_7 = arith.addi %while3A_0, %while3A_6 : i32
    %while3A_8 = arith.constant 1 : i32
    scf.for %while3A_57 = %while3A_0 to %while3A_7 step %while3A_8  : i32 {
      %broadcast_in_dim3A = arith.constant 0.000000e+00 : f32
      %broadcast_in_dim3A_58 = vector.broadcast %broadcast_in_dim3A : f32 to vector<16xf32>
      %swap3A = arith.index_cast %while3A_57 : i32 to index
      %swap3A_59 = arith.constant 0 : index
      %swap3A_60 = tpu.vector_load %arg11[%swap3A, %swap3A_59] {strides = array<i32>} : memref<128x128xf32, #tpu.memory_space<vmem>>, vector<1x16xf32>,
      %swap3A_61 = vector.shape_cast %swap3A_60 : vector<1x16xf32> to vector<16xf32>
      %swap3A_62 = vector.shape_cast %broadcast_in_dim3A_58 : vector<16xf32> to vector<1x16xf32>
      tpu.vector_store %arg11[%swap3A, %swap3A_59], %swap3A_62 {strides = array<i32>} : memref<128x128xf32, #tpu.memory_space<vmem>>, vector<1x16xf32>,
      %broadcast_in_dim3A_63 = arith.constant 0.000000e+00 : f32
      %broadcast_in_dim3A_64 = vector.broadcast %broadcast_in_dim3A_63 : f32 to vector<16xf32>
      %swap3A_65 = arith.index_cast %while3A_57 : i32 to index
      %swap3A_66 = arith.constant 16 : index
      %swap3A_67 = tpu.vector_load %arg11[%swap3A_65, %swap3A_66] {strides = array<i32>} : memref<128x128xf32, #tpu.memory_space<vmem>>, vector<1x16xf32>,
      %swap3A_68 = vector.shape_cast %swap3A_67 : vector<1x16xf32> to vector<16xf32>
      %swap3A_69 = vector.shape_cast %broadcast_in_dim3A_64 : vector<16xf32> to vector<1x16xf32>
      tpu.vector_store %arg11[%swap3A_65, %swap3A_66], %swap3A_69 {strides = array<i32>} : memref<128x128xf32, #tpu.memory_space<vmem>>, vector<1x16xf32>,
      %broadcast_in_dim3A_70 = arith.constant 0.000000e+00 : f32
      %broadcast_in_dim3A_71 = vector.broadcast %broadcast_in_dim3A_70 : f32 to vector<16xf32>
      %swap3A_72 = arith.index_cast %while3A_57 : i32 to index
      %swap3A_73 = arith.constant 32 : index
      %swap3A_74 = tpu.vector_load %arg11[%swap3A_72, %swap3A_73] {strides = array<i32>} : memref<128x128xf32, #tpu.memory_space<vmem>>, vector<1x16xf32>,
      %swap3A_75 = vector.shape_cast %swap3A_74 : vector<1x16xf32> to vector<16xf32>
      %swap3A_76 = vector.shape_cast %broadcast_in_dim3A_71 : vector<16xf32> to vector<1x16xf32>
      tpu.vector_store %arg11[%swap3A_72, %swap3A_73], %swap3A_76 {strides = array<i32>} : memref<128x128xf32, #tpu.memory_space<vmem>>, vector<1x16xf32>,
      %broadcast_in_dim3A_77 = arith.constant 0.000000e+00 : f32
      %broadcast_in_dim3A_78 = vector.broadcast %broadcast_in_dim3A_77 : f32 to vector<16xf32>
      %swap3A_79 = arith.index_cast %while3A_57 : i32 to index
      %swap3A_80 = arith.constant 48 : index
      %swap3A_81 = tpu.vector_load %arg11[%swap3A_79, %swap3A_80] {strides = array<i32>} : memref<128x128xf32, #tpu.memory_space<vmem>>, vector<1x16xf32>,
      %swap3A_82 = vector.shape_cast %swap3A_81 : vector<1x16xf32> to vector<16xf32>
      %swap3A_83 = vector.shape_cast %broadcast_in_dim3A_78 : vector<16xf32> to vector<1x16xf32>
      tpu.vector_store %arg11[%swap3A_79, %swap3A_80], %swap3A_83 {strides = array<i32>} : memref<128x128xf32, #tpu.memory_space<vmem>>, vector<1x16xf32>,
      %broadcast_in_dim3A_84 = arith.constant 0.000000e+00 : f32
      %broadcast_in_dim3A_85 = vector.broadcast %broadcast_in_dim3A_84 : f32 to vector<16xf32>
      %swap3A_86 = arith.index_cast %while3A_57 : i32 to index
      %swap3A_87 = arith.constant 64 : index
      %swap3A_88 = tpu.vector_load %arg11[%swap3A_86, %swap3A_87] {strides = array<i32>} : memref<128x128xf32, #tpu.memory_space<vmem>>, vector<1x16xf32>,
      %swap3A_89 = vector.shape_cast %swap3A_88 : vector<1x16xf32> to vector<16xf32>
      %swap3A_90 = vector.shape_cast %broadcast_in_dim3A_85 : vector<16xf32> to vector<1x16xf32>
      tpu.vector_store %arg11[%swap3A_86, %swap3A_87], %swap3A_90 {strides = array<i32>} : memref<128x128xf32, #tpu.memory_space<vmem>>, vector<1x16xf32>,
      %broadcast_in_dim3A_91 = arith.constant 0.000000e+00 : f32
      %broadcast_in_dim3A_92 = vector.broadcast %broadcast_in_dim3A_91 : f32 to vector<16xf32>
      %swap3A_93 = arith.index_cast %while3A_57 : i32 to index
      %swap3A_94 = arith.constant 80 : index
      %swap3A_95 = tpu.vector_load %arg11[%swap3A_93, %swap3A_94] {strides = array<i32>} : memref<128x128xf32, #tpu.memory_space<vmem>>, vector<1x16xf32>,
      %swap3A_96 = vector.shape_cast %swap3A_95 : vector<1x16xf32> to vector<16xf32>
      %swap3A_97 = vector.shape_cast %broadcast_in_dim3A_92 : vector<16xf32> to vector<1x16xf32>
      tpu.vector_store %arg11[%swap3A_93, %swap3A_94], %swap3A_97 {strides = array<i32>} : memref<128x128xf32, #tpu.memory_space<vmem>>, vector<1x16xf32>,
      %broadcast_in_dim3A_98 = arith.constant 0.000000e+00 : f32
      %broadcast_in_dim3A_99 = vector.broadcast %broadcast_in_dim3A_98 : f32 to vector<16xf32>
      %swap3A_100 = arith.index_cast %while3A_57 : i32 to index
      %swap3A_101 = arith.constant 96 : index
      %swap3A_102 = tpu.vector_load %arg11[%swap3A_100, %swap3A_101] {strides = array<i32>} : memref<128x128xf32, #tpu.memory_space<vmem>>, vector<1x16xf32>,
      %swap3A_103 = vector.shape_cast %swap3A_102 : vector<1x16xf32> to vector<16xf32>
      %swap3A_104 = vector.shape_cast %broadcast_in_dim3A_99 : vector<16xf32> to vector<1x16xf32>
      tpu.vector_store %arg11[%swap3A_100, %swap3A_101], %swap3A_104 {strides = array<i32>} : memref<128x128xf32, #tpu.memory_space<vmem>>, vector<1x16xf32>,
      %broadcast_in_dim3A_105 = arith.constant 0.000000e+00 : f32
      %broadcast_in_dim3A_106 = vector.broadcast %broadcast_in_dim3A_105 : f32 to vector<16xf32>
      %swap3A_107 = arith.index_cast %while3A_57 : i32 to index
      %swap3A_108 = arith.constant 112 : index
      %swap3A_109 = tpu.vector_load %arg11[%swap3A_107, %swap3A_108] {strides = array<i32>} : memref<128x128xf32, #tpu.memory_space<vmem>>, vector<1x16xf32>,
      %swap3A_110 = vector.shape_cast %swap3A_109 : vector<1x16xf32> to vector<16xf32>
      %swap3A_111 = vector.shape_cast %broadcast_in_dim3A_106 : vector<16xf32> to vector<1x16xf32>
      tpu.vector_store %arg11[%swap3A_107, %swap3A_108], %swap3A_111 {strides = array<i32>} : memref<128x128xf32, #tpu.memory_space<vmem>>, vector<1x16xf32>,
    }
    %while3A_9 = arith.constant 1 : i32
    scf.for %while3A_57 = %while3A_7 to %while3A_3 step %while3A_9  : i32 {
      %broadcast_in_dim3A = arith.constant 0.000000e+00 : f32
      %broadcast_in_dim3A_58 = vector.broadcast %broadcast_in_dim3A : f32 to vector<16xf32>
      %swap3A = arith.index_cast %while3A_57 : i32 to index
      %swap3A_59 = arith.constant 0 : index
      %swap3A_60 = tpu.vector_load %arg11[%swap3A, %swap3A_59] {strides = array<i32>} : memref<128x128xf32, #tpu.memory_space<vmem>>, vector<1x16xf32>,
      %swap3A_61 = vector.shape_cast %swap3A_60 : vector<1x16xf32> to vector<16xf32>
      %swap3A_62 = vector.shape_cast %broadcast_in_dim3A_58 : vector<16xf32> to vector<1x16xf32>
      tpu.vector_store %arg11[%swap3A, %swap3A_59], %swap3A_62 {strides = array<i32>} : memref<128x128xf32, #tpu.memory_space<vmem>>, vector<1x16xf32>,
      %broadcast_in_dim3A_63 = arith.constant 0.000000e+00 : f32
      %broadcast_in_dim3A_64 = vector.broadcast %broadcast_in_dim3A_63 : f32 to vector<16xf32>
      %swap3A_65 = arith.index_cast %while3A_57 : i32 to index
      %swap3A_66 = arith.constant 16 : index
      %swap3A_67 = tpu.vector_load %arg11[%swap3A_65, %swap3A_66] {strides = array<i32>} : memref<128x128xf32, #tpu.memory_space<vmem>>, vector<1x16xf32>,
      %swap3A_68 = vector.shape_cast %swap3A_67 : vector<1x16xf32> to vector<16xf32>
      %swap3A_69 = vector.shape_cast %broadcast_in_dim3A_64 : vector<16xf32> to vector<1x16xf32>
      tpu.vector_store %arg11[%swap3A_65, %swap3A_66], %swap3A_69 {strides = array<i32>} : memref<128x128xf32, #tpu.memory_space<vmem>>, vector<1x16xf32>,
      %broadcast_in_dim3A_70 = arith.constant 0.000000e+00 : f32
      %broadcast_in_dim3A_71 = vector.broadcast %broadcast_in_dim3A_70 : f32 to vector<16xf32>
      %swap3A_72 = arith.index_cast %while3A_57 : i32 to index
      %swap3A_73 = arith.constant 32 : index
      %swap3A_74 = tpu.vector_load %arg11[%swap3A_72, %swap3A_73] {strides = array<i32>} : memref<128x128xf32, #tpu.memory_space<vmem>>, vector<1x16xf32>,
      %swap3A_75 = vector.shape_cast %swap3A_74 : vector<1x16xf32> to vector<16xf32>
      %swap3A_76 = vector.shape_cast %broadcast_in_dim3A_71 : vector<16xf32> to vector<1x16xf32>
      tpu.vector_store %arg11[%swap3A_72, %swap3A_73], %swap3A_76 {strides = array<i32>} : memref<128x128xf32, #tpu.memory_space<vmem>>, vector<1x16xf32>,
      %broadcast_in_dim3A_77 = arith.constant 0.000000e+00 : f32
      %broadcast_in_dim3A_78 = vector.broadcast %broadcast_in_dim3A_77 : f32 to vector<16xf32>
      %swap3A_79 = arith.index_cast %while3A_57 : i32 to index
      %swap3A_80 = arith.constant 48 : index
      %swap3A_81 = tpu.vector_load %arg11[%swap3A_79, %swap3A_80] {strides = array<i32>} : memref<128x128xf32, #tpu.memory_space<vmem>>, vector<1x16xf32>,
      %swap3A_82 = vector.shape_cast %swap3A_81 : vector<1x16xf32> to vector<16xf32>
      %swap3A_83 = vector.shape_cast %broadcast_in_dim3A_78 : vector<16xf32> to vector<1x16xf32>
      tpu.vector_store %arg11[%swap3A_79, %swap3A_80], %swap3A_83 {strides = array<i32>} : memref<128x128xf32, #tpu.memory_space<vmem>>, vector<1x16xf32>,
      %broadcast_in_dim3A_84 = arith.constant 0.000000e+00 : f32
      %broadcast_in_dim3A_85 = vector.broadcast %broadcast_in_dim3A_84 : f32 to vector<16xf32>
      %swap3A_86 = arith.index_cast %while3A_57 : i32 to index
      %swap3A_87 = arith.constant 64 : index
      %swap3A_88 = tpu.vector_load %arg11[%swap3A_86, %swap3A_87] {strides = array<i32>} : memref<128x128xf32, #tpu.memory_space<vmem>>, vector<1x16xf32>,
      %swap3A_89 = vector.shape_cast %swap3A_88 : vector<1x16xf32> to vector<16xf32>
      %swap3A_90 = vector.shape_cast %broadcast_in_dim3A_85 : vector<16xf32> to vector<1x16xf32>
      tpu.vector_store %arg11[%swap3A_86, %swap3A_87], %swap3A_90 {strides = array<i32>} : memref<128x128xf32, #tpu.memory_space<vmem>>, vector<1x16xf32>,
      %broadcast_in_dim3A_91 = arith.constant 0.000000e+00 : f32
      %broadcast_in_dim3A_92 = vector.broadcast %broadcast_in_dim3A_91 : f32 to vector<16xf32>
      %swap3A_93 = arith.index_cast %while3A_57 : i32 to index
      %swap3A_94 = arith.constant 80 : index
      %swap3A_95 = tpu.vector_load %arg11[%swap3A_93, %swap3A_94] {strides = array<i32>} : memref<128x128xf32, #tpu.memory_space<vmem>>, vector<1x16xf32>,
      %swap3A_96 = vector.shape_cast %swap3A_95 : vector<1x16xf32> to vector<16xf32>
      %swap3A_97 = vector.shape_cast %broadcast_in_dim3A_92 : vector<16xf32> to vector<1x16xf32>
      tpu.vector_store %arg11[%swap3A_93, %swap3A_94], %swap3A_97 {strides = array<i32>} : memref<128x128xf32, #tpu.memory_space<vmem>>, vector<1x16xf32>,
      %broadcast_in_dim3A_98 = arith.constant 0.000000e+00 : f32
      %broadcast_in_dim3A_99 = vector.broadcast %broadcast_in_dim3A_98 : f32 to vector<16xf32>
      %swap3A_100 = arith.index_cast %while3A_57 : i32 to index
      %swap3A_101 = arith.constant 96 : index
      %swap3A_102 = tpu.vector_load %arg11[%swap3A_100, %swap3A_101] {strides = array<i32>} : memref<128x128xf32, #tpu.memory_space<vmem>>, vector<1x16xf32>,
      %swap3A_103 = vector.shape_cast %swap3A_102 : vector<1x16xf32> to vector<16xf32>
      %swap3A_104 = vector.shape_cast %broadcast_in_dim3A_99 : vector<16xf32> to vector<1x16xf32>
      tpu.vector_store %arg11[%swap3A_100, %swap3A_101], %swap3A_104 {strides = array<i32>} : memref<128x128xf32, #tpu.memory_space<vmem>>, vector<1x16xf32>,
      %broadcast_in_dim3A_105 = arith.constant 0.000000e+00 : f32
      %broadcast_in_dim3A_106 = vector.broadcast %broadcast_in_dim3A_105 : f32 to vector<16xf32>
      %swap3A_107 = arith.index_cast %while3A_57 : i32 to index
      %swap3A_108 = arith.constant 112 : index
      %swap3A_109 = tpu.vector_load %arg11[%swap3A_107, %swap3A_108] {strides = array<i32>} : memref<128x128xf32, #tpu.memory_space<vmem>>, vector<1x16xf32>,
      %swap3A_110 = vector.shape_cast %swap3A_109 : vector<1x16xf32> to vector<16xf32>
      %swap3A_111 = vector.shape_cast %broadcast_in_dim3A_106 : vector<16xf32> to vector<1x16xf32>
      tpu.vector_store %arg11[%swap3A_107, %swap3A_108], %swap3A_111 {strides = array<i32>} : memref<128x128xf32, #tpu.memory_space<vmem>>, vector<1x16xf32>,
    }
    %lt3A = arith.constant 15 : i32
    %lt3A_10 = arith.cmpi slt, %arg1, %lt3A : i32
    %convert_element_type3A = arith.extui %lt3A_10 : i1 to i32
    %cond3A = arith.constant 0 : i32
    %cond3A_11 = arith.cmpi ne, %convert_element_type3A, %cond3A : i32
    scf.if %cond3A_11 {
      %mul3A_57 = arith.constant 624 : i32
      %mul3A_58 = arith.muli %arg1, %mul3A_57 : i32
      %add3A = arith.constant 0 : i32
      %add3A_59 = arith.addi %mul3A_58, %add3A : i32
      "tpu.region"() ({
        %run_scoped3A = tpu.sem_alloc : memref<!tpu.dma_semaphore, #tpu.memory_space<semaphore_mem>>
        %dma_start3A_78 = arith.constant 0 : i32
        %dma_start3A_79 = arith.constant 0 : i32
        %dma_start3A_80 = tpu.memref_slice %arg11[%dma_start3A_78, %dma_start3A_79] : memref<128x128xf32, #tpu.memory_space<vmem>> -> memref<64x128xf32, #tpu.memory_space<vmem>>
        %dma_start3A_81 = arith.constant 0 : i32
        %dma_start3A_82 = tpu.memref_slice %arg13[%add3A_59, %dma_start3A_81] : memref<10008x128xf32, #tpu.memory_space<vmem_shared>> -> memref<64x128xf32, #tpu.memory_space<vmem_shared>>
        %dma_start3A_83 = arith.constant 0 : i32
        %dma_start3A_84 = tpu.memref_slice %arg13[%add3A_59, %dma_start3A_83] : memref<10008x128xf32, #tpu.memory_space<vmem_shared>> -> memref<64x128xf32, #tpu.memory_space<vmem_shared>>
        %dma_start3A_85 = arith.constant 0 : i32
        %dma_start3A_86 = arith.constant 0 : i32
        %dma_start3A_87 = tpu.memref_slice %arg11[%dma_start3A_85, %dma_start3A_86] : memref<128x128xf32, #tpu.memory_space<vmem>> -> memref<64x128xf32, #tpu.memory_space<vmem>>
        tpu.enqueue_dma source(%dma_start3A_87 : memref<64x128xf32, #tpu.memory_space<vmem>>) target(%dma_start3A_84 : memref<64x128xf32, #tpu.memory_space<vmem_shared>>) target_semaphore(%run_scoped3A : memref<!tpu.dma_semaphore, #tpu.memory_space<semaphore_mem>>)
        %dma_wait3A_88 = arith.constant 0 : i32
        %dma_wait3A_89 = arith.constant 0 : i32
        %dma_wait3A_90 = tpu.memref_slice %arg11[%dma_wait3A_88, %dma_wait3A_89] : memref<128x128xf32, #tpu.memory_space<vmem>> -> memref<64x128xf32, #tpu.memory_space<vmem>>
        %dma_wait3A_91 = arith.constant 0 : i32
        %dma_wait3A_92 = tpu.memref_slice %arg13[%add3A_59, %dma_wait3A_91] : memref<10008x128xf32, #tpu.memory_space<vmem_shared>> -> memref<64x128xf32, #tpu.memory_space<vmem_shared>>
        %dma_wait3A_93 = arith.constant 0 : i32
        %dma_wait3A_94 = tpu.memref_slice %arg13[%add3A_59, %dma_wait3A_93] : memref<10008x128xf32, #tpu.memory_space<vmem_shared>> -> memref<64x128xf32, #tpu.memory_space<vmem_shared>>
        %dma_wait3A_95 = arith.constant 0 : i32
        %dma_wait3A_96 = arith.constant 0 : i32
        %dma_wait3A_97 = tpu.memref_slice %arg11[%dma_wait3A_95, %dma_wait3A_96] : memref<128x128xf32, #tpu.memory_space<vmem>> -> memref<64x128xf32, #tpu.memory_space<vmem>>
        tpu.wait_dma2 semaphore(%run_scoped3A : memref<!tpu.dma_semaphore, #tpu.memory_space<semaphore_mem>>) src(%dma_wait3A_97 : memref<64x128xf32, #tpu.memory_space<vmem>>) dst(%dma_wait3A_94 : memref<64x128xf32, #tpu.memory_space<vmem_shared>>)
        tpu.yield
      }) : () -> ()
      %add3A_60 = arith.constant 64 : i32
      %add3A_61 = arith.addi %mul3A_58, %add3A_60 : i32
      "tpu.region"() ({
        %run_scoped3A = tpu.sem_alloc : memref<!tpu.dma_semaphore, #tpu.memory_space<semaphore_mem>>
        %dma_start3A_78 = arith.constant 0 : i32
        %dma_start3A_79 = arith.constant 0 : i32
        %dma_start3A_80 = tpu.memref_slice %arg11[%dma_start3A_78, %dma_start3A_79] : memref<128x128xf32, #tpu.memory_space<vmem>> -> memref<64x128xf32, #tpu.memory_space<vmem>>
        %dma_start3A_81 = arith.constant 0 : i32
        %dma_start3A_82 = tpu.memref_slice %arg13[%add3A_61, %dma_start3A_81] : memref<10008x128xf32, #tpu.memory_space<vmem_shared>> -> memref<64x128xf32, #tpu.memory_space<vmem_shared>>
        %dma_start3A_83 = arith.constant 0 : i32
        %dma_start3A_84 = tpu.memref_slice %arg13[%add3A_61, %dma_start3A_83] : memref<10008x128xf32, #tpu.memory_space<vmem_shared>> -> memref<64x128xf32, #tpu.memory_space<vmem_shared>>
        %dma_start3A_85 = arith.constant 0 : i32
        %dma_start3A_86 = arith.constant 0 : i32
        %dma_start3A_87 = tpu.memref_slice %arg11[%dma_start3A_85, %dma_start3A_86] : memref<128x128xf32, #tpu.memory_space<vmem>> -> memref<64x128xf32, #tpu.memory_space<vmem>>
        tpu.enqueue_dma source(%dma_start3A_87 : memref<64x128xf32, #tpu.memory_space<vmem>>) target(%dma_start3A_84 : memref<64x128xf32, #tpu.memory_space<vmem_shared>>) target_semaphore(%run_scoped3A : memref<!tpu.dma_semaphore, #tpu.memory_space<semaphore_mem>>)
        %dma_wait3A_88 = arith.constant 0 : i32
        %dma_wait3A_89 = arith.constant 0 : i32
        %dma_wait3A_90 = tpu.memref_slice %arg11[%dma_wait3A_88, %dma_wait3A_89] : memref<128x128xf32, #tpu.memory_space<vmem>> -> memref<64x128xf32, #tpu.memory_space<vmem>>
        %dma_wait3A_91 = arith.constant 0 : i32
        %dma_wait3A_92 = tpu.memref_slice %arg13[%add3A_61, %dma_wait3A_91] : memref<10008x128xf32, #tpu.memory_space<vmem_shared>> -> memref<64x128xf32, #tpu.memory_space<vmem_shared>>
        %dma_wait3A_93 = arith.constant 0 : i32
        %dma_wait3A_94 = tpu.memref_slice %arg13[%add3A_61, %dma_wait3A_93] : memref<10008x128xf32, #tpu.memory_space<vmem_shared>> -> memref<64x128xf32, #tpu.memory_space<vmem_shared>>
        %dma_wait3A_95 = arith.constant 0 : i32
        %dma_wait3A_96 = arith.constant 0 : i32
        %dma_wait3A_97 = tpu.memref_slice %arg11[%dma_wait3A_95, %dma_wait3A_96] : memref<128x128xf32, #tpu.memory_space<vmem>> -> memref<64x128xf32, #tpu.memory_space<vmem>>
        tpu.wait_dma2 semaphore(%run_scoped3A : memref<!tpu.dma_semaphore, #tpu.memory_space<semaphore_mem>>) src(%dma_wait3A_97 : memref<64x128xf32, #tpu.memory_space<vmem>>) dst(%dma_wait3A_94 : memref<64x128xf32, #tpu.memory_space<vmem_shared>>)
        tpu.yield
      }) : () -> ()
      %add3A_62 = arith.constant 128 : i32
      %add3A_63 = arith.addi %mul3A_58, %add3A_62 : i32
      "tpu.region"() ({
        %run_scoped3A = tpu.sem_alloc : memref<!tpu.dma_semaphore, #tpu.memory_space<semaphore_mem>>
        %dma_start3A_78 = arith.constant 0 : i32
        %dma_start3A_79 = arith.constant 0 : i32
        %dma_start3A_80 = tpu.memref_slice %arg11[%dma_start3A_78, %dma_start3A_79] : memref<128x128xf32, #tpu.memory_space<vmem>> -> memref<64x128xf32, #tpu.memory_space<vmem>>
        %dma_start3A_81 = arith.constant 0 : i32
        %dma_start3A_82 = tpu.memref_slice %arg13[%add3A_63, %dma_start3A_81] : memref<10008x128xf32, #tpu.memory_space<vmem_shared>> -> memref<64x128xf32, #tpu.memory_space<vmem_shared>>
        %dma_start3A_83 = arith.constant 0 : i32
        %dma_start3A_84 = tpu.memref_slice %arg13[%add3A_63, %dma_start3A_83] : memref<10008x128xf32, #tpu.memory_space<vmem_shared>> -> memref<64x128xf32, #tpu.memory_space<vmem_shared>>
        %dma_start3A_85 = arith.constant 0 : i32
        %dma_start3A_86 = arith.constant 0 : i32
        %dma_start3A_87 = tpu.memref_slice %arg11[%dma_start3A_85, %dma_start3A_86] : memref<128x128xf32, #tpu.memory_space<vmem>> -> memref<64x128xf32, #tpu.memory_space<vmem>>
        tpu.enqueue_dma source(%dma_start3A_87 : memref<64x128xf32, #tpu.memory_space<vmem>>) target(%dma_start3A_84 : memref<64x128xf32, #tpu.memory_space<vmem_shared>>) target_semaphore(%run_scoped3A : memref<!tpu.dma_semaphore, #tpu.memory_space<semaphore_mem>>)
        %dma_wait3A_88 = arith.constant 0 : i32
        %dma_wait3A_89 = arith.constant 0 : i32
        %dma_wait3A_90 = tpu.memref_slice %arg11[%dma_wait3A_88, %dma_wait3A_89] : memref<128x128xf32, #tpu.memory_space<vmem>> -> memref<64x128xf32, #tpu.memory_space<vmem>>
        %dma_wait3A_91 = arith.constant 0 : i32
        %dma_wait3A_92 = tpu.memref_slice %arg13[%add3A_63, %dma_wait3A_91] : memref<10008x128xf32, #tpu.memory_space<vmem_shared>> -> memref<64x128xf32, #tpu.memory_space<vmem_shared>>
        %dma_wait3A_93 = arith.constant 0 : i32
        %dma_wait3A_94 = tpu.memref_slice %arg13[%add3A_63, %dma_wait3A_93] : memref<10008x128xf32, #tpu.memory_space<vmem_shared>> -> memref<64x128xf32, #tpu.memory_space<vmem_shared>>
        %dma_wait3A_95 = arith.constant 0 : i32
        %dma_wait3A_96 = arith.constant 0 : i32
        %dma_wait3A_97 = tpu.memref_slice %arg11[%dma_wait3A_95, %dma_wait3A_96] : memref<128x128xf32, #tpu.memory_space<vmem>> -> memref<64x128xf32, #tpu.memory_space<vmem>>
        tpu.wait_dma2 semaphore(%run_scoped3A : memref<!tpu.dma_semaphore, #tpu.memory_space<semaphore_mem>>) src(%dma_wait3A_97 : memref<64x128xf32, #tpu.memory_space<vmem>>) dst(%dma_wait3A_94 : memref<64x128xf32, #tpu.memory_space<vmem_shared>>)
        tpu.yield
      }) : () -> ()
      %add3A_64 = arith.constant 192 : i32
      %add3A_65 = arith.addi %mul3A_58, %add3A_64 : i32
      "tpu.region"() ({
        %run_scoped3A = tpu.sem_alloc : memref<!tpu.dma_semaphore, #tpu.memory_space<semaphore_mem>>
        %dma_start3A_78 = arith.constant 0 : i32
        %dma_start3A_79 = arith.constant 0 : i32
        %dma_start3A_80 = tpu.memref_slice %arg11[%dma_start3A_78, %dma_start3A_79] : memref<128x128xf32, #tpu.memory_space<vmem>> -> memref<64x128xf32, #tpu.memory_space<vmem>>
        %dma_start3A_81 = arith.constant 0 : i32
        %dma_start3A_82 = tpu.memref_slice %arg13[%add3A_65, %dma_start3A_81] : memref<10008x128xf32, #tpu.memory_space<vmem_shared>> -> memref<64x128xf32, #tpu.memory_space<vmem_shared>>
        %dma_start3A_83 = arith.constant 0 : i32
        %dma_start3A_84 = tpu.memref_slice %arg13[%add3A_65, %dma_start3A_83] : memref<10008x128xf32, #tpu.memory_space<vmem_shared>> -> memref<64x128xf32, #tpu.memory_space<vmem_shared>>
        %dma_start3A_85 = arith.constant 0 : i32
        %dma_start3A_86 = arith.constant 0 : i32
        %dma_start3A_87 = tpu.memref_slice %arg11[%dma_start3A_85, %dma_start3A_86] : memref<128x128xf32, #tpu.memory_space<vmem>> -> memref<64x128xf32, #tpu.memory_space<vmem>>
        tpu.enqueue_dma source(%dma_start3A_87 : memref<64x128xf32, #tpu.memory_space<vmem>>) target(%dma_start3A_84 : memref<64x128xf32, #tpu.memory_space<vmem_shared>>) target_semaphore(%run_scoped3A : memref<!tpu.dma_semaphore, #tpu.memory_space<semaphore_mem>>)
        %dma_wait3A_88 = arith.constant 0 : i32
        %dma_wait3A_89 = arith.constant 0 : i32
        %dma_wait3A_90 = tpu.memref_slice %arg11[%dma_wait3A_88, %dma_wait3A_89] : memref<128x128xf32, #tpu.memory_space<vmem>> -> memref<64x128xf32, #tpu.memory_space<vmem>>
        %dma_wait3A_91 = arith.constant 0 : i32
        %dma_wait3A_92 = tpu.memref_slice %arg13[%add3A_65, %dma_wait3A_91] : memref<10008x128xf32, #tpu.memory_space<vmem_shared>> -> memref<64x128xf32, #tpu.memory_space<vmem_shared>>
        %dma_wait3A_93 = arith.constant 0 : i32
        %dma_wait3A_94 = tpu.memref_slice %arg13[%add3A_65, %dma_wait3A_93] : memref<10008x128xf32, #tpu.memory_space<vmem_shared>> -> memref<64x128xf32, #tpu.memory_space<vmem_shared>>
        %dma_wait3A_95 = arith.constant 0 : i32
        %dma_wait3A_96 = arith.constant 0 : i32
        %dma_wait3A_97 = tpu.memref_slice %arg11[%dma_wait3A_95, %dma_wait3A_96] : memref<128x128xf32, #tpu.memory_space<vmem>> -> memref<64x128xf32, #tpu.memory_space<vmem>>
        tpu.wait_dma2 semaphore(%run_scoped3A : memref<!tpu.dma_semaphore, #tpu.memory_space<semaphore_mem>>) src(%dma_wait3A_97 : memref<64x128xf32, #tpu.memory_space<vmem>>) dst(%dma_wait3A_94 : memref<64x128xf32, #tpu.memory_space<vmem_shared>>)
        tpu.yield
      }) : () -> ()
      %add3A_66 = arith.constant 256 : i32
      %add3A_67 = arith.addi %mul3A_58, %add3A_66 : i32
      "tpu.region"() ({
        %run_scoped3A = tpu.sem_alloc : memref<!tpu.dma_semaphore, #tpu.memory_space<semaphore_mem>>
        %dma_start3A_78 = arith.constant 0 : i32
        %dma_start3A_79 = arith.constant 0 : i32
        %dma_start3A_80 = tpu.memref_slice %arg11[%dma_start3A_78, %dma_start3A_79] : memref<128x128xf32, #tpu.memory_space<vmem>> -> memref<64x128xf32, #tpu.memory_space<vmem>>
        %dma_start3A_81 = arith.constant 0 : i32
        %dma_start3A_82 = tpu.memref_slice %arg13[%add3A_67, %dma_start3A_81] : memref<10008x128xf32, #tpu.memory_space<vmem_shared>> -> memref<64x128xf32, #tpu.memory_space<vmem_shared>>
        %dma_start3A_83 = arith.constant 0 : i32
        %dma_start3A_84 = tpu.memref_slice %arg13[%add3A_67, %dma_start3A_83] : memref<10008x128xf32, #tpu.memory_space<vmem_shared>> -> memref<64x128xf32, #tpu.memory_space<vmem_shared>>
        %dma_start3A_85 = arith.constant 0 : i32
        %dma_start3A_86 = arith.constant 0 : i32
        %dma_start3A_87 = tpu.memref_slice %arg11[%dma_start3A_85, %dma_start3A_86] : memref<128x128xf32, #tpu.memory_space<vmem>> -> memref<64x128xf32, #tpu.memory_space<vmem>>
        tpu.enqueue_dma source(%dma_start3A_87 : memref<64x128xf32, #tpu.memory_space<vmem>>) target(%dma_start3A_84 : memref<64x128xf32, #tpu.memory_space<vmem_shared>>) target_semaphore(%run_scoped3A : memref<!tpu.dma_semaphore, #tpu.memory_space<semaphore_mem>>)
        %dma_wait3A_88 = arith.constant 0 : i32
        %dma_wait3A_89 = arith.constant 0 : i32
        %dma_wait3A_90 = tpu.memref_slice %arg11[%dma_wait3A_88, %dma_wait3A_89] : memref<128x128xf32, #tpu.memory_space<vmem>> -> memref<64x128xf32, #tpu.memory_space<vmem>>
        %dma_wait3A_91 = arith.constant 0 : i32
        %dma_wait3A_92 = tpu.memref_slice %arg13[%add3A_67, %dma_wait3A_91] : memref<10008x128xf32, #tpu.memory_space<vmem_shared>> -> memref<64x128xf32, #tpu.memory_space<vmem_shared>>
        %dma_wait3A_93 = arith.constant 0 : i32
        %dma_wait3A_94 = tpu.memref_slice %arg13[%add3A_67, %dma_wait3A_93] : memref<10008x128xf32, #tpu.memory_space<vmem_shared>> -> memref<64x128xf32, #tpu.memory_space<vmem_shared>>
        %dma_wait3A_95 = arith.constant 0 : i32
        %dma_wait3A_96 = arith.constant 0 : i32
        %dma_wait3A_97 = tpu.memref_slice %arg11[%dma_wait3A_95, %dma_wait3A_96] : memref<128x128xf32, #tpu.memory_space<vmem>> -> memref<64x128xf32, #tpu.memory_space<vmem>>
        tpu.wait_dma2 semaphore(%run_scoped3A : memref<!tpu.dma_semaphore, #tpu.memory_space<semaphore_mem>>) src(%dma_wait3A_97 : memref<64x128xf32, #tpu.memory_space<vmem>>) dst(%dma_wait3A_94 : memref<64x128xf32, #tpu.memory_space<vmem_shared>>)
        tpu.yield
      }) : () -> ()
      %add3A_68 = arith.constant 320 : i32
      %add3A_69 = arith.addi %mul3A_58, %add3A_68 : i32
      "tpu.region"() ({
        %run_scoped3A = tpu.sem_alloc : memref<!tpu.dma_semaphore, #tpu.memory_space<semaphore_mem>>
        %dma_start3A_78 = arith.constant 0 : i32
        %dma_start3A_79 = arith.constant 0 : i32
        %dma_start3A_80 = tpu.memref_slice %arg11[%dma_start3A_78, %dma_start3A_79] : memref<128x128xf32, #tpu.memory_space<vmem>> -> memref<64x128xf32, #tpu.memory_space<vmem>>
        %dma_start3A_81 = arith.constant 0 : i32
        %dma_start3A_82 = tpu.memref_slice %arg13[%add3A_69, %dma_start3A_81] : memref<10008x128xf32, #tpu.memory_space<vmem_shared>> -> memref<64x128xf32, #tpu.memory_space<vmem_shared>>
        %dma_start3A_83 = arith.constant 0 : i32
        %dma_start3A_84 = tpu.memref_slice %arg13[%add3A_69, %dma_start3A_83] : memref<10008x128xf32, #tpu.memory_space<vmem_shared>> -> memref<64x128xf32, #tpu.memory_space<vmem_shared>>
        %dma_start3A_85 = arith.constant 0 : i32
        %dma_start3A_86 = arith.constant 0 : i32
        %dma_start3A_87 = tpu.memref_slice %arg11[%dma_start3A_85, %dma_start3A_86] : memref<128x128xf32, #tpu.memory_space<vmem>> -> memref<64x128xf32, #tpu.memory_space<vmem>>
        tpu.enqueue_dma source(%dma_start3A_87 : memref<64x128xf32, #tpu.memory_space<vmem>>) target(%dma_start3A_84 : memref<64x128xf32, #tpu.memory_space<vmem_shared>>) target_semaphore(%run_scoped3A : memref<!tpu.dma_semaphore, #tpu.memory_space<semaphore_mem>>)
        %dma_wait3A_88 = arith.constant 0 : i32
        %dma_wait3A_89 = arith.constant 0 : i32
        %dma_wait3A_90 = tpu.memref_slice %arg11[%dma_wait3A_88, %dma_wait3A_89] : memref<128x128xf32, #tpu.memory_space<vmem>> -> memref<64x128xf32, #tpu.memory_space<vmem>>
        %dma_wait3A_91 = arith.constant 0 : i32
        %dma_wait3A_92 = tpu.memref_slice %arg13[%add3A_69, %dma_wait3A_91] : memref<10008x128xf32, #tpu.memory_space<vmem_shared>> -> memref<64x128xf32, #tpu.memory_space<vmem_shared>>
        %dma_wait3A_93 = arith.constant 0 : i32
        %dma_wait3A_94 = tpu.memref_slice %arg13[%add3A_69, %dma_wait3A_93] : memref<10008x128xf32, #tpu.memory_space<vmem_shared>> -> memref<64x128xf32, #tpu.memory_space<vmem_shared>>
        %dma_wait3A_95 = arith.constant 0 : i32
        %dma_wait3A_96 = arith.constant 0 : i32
        %dma_wait3A_97 = tpu.memref_slice %arg11[%dma_wait3A_95, %dma_wait3A_96] : memref<128x128xf32, #tpu.memory_space<vmem>> -> memref<64x128xf32, #tpu.memory_space<vmem>>
        tpu.wait_dma2 semaphore(%run_scoped3A : memref<!tpu.dma_semaphore, #tpu.memory_space<semaphore_mem>>) src(%dma_wait3A_97 : memref<64x128xf32, #tpu.memory_space<vmem>>) dst(%dma_wait3A_94 : memref<64x128xf32, #tpu.memory_space<vmem_shared>>)
        tpu.yield
      }) : () -> ()
      %add3A_70 = arith.constant 384 : i32
      %add3A_71 = arith.addi %mul3A_58, %add3A_70 : i32
      "tpu.region"() ({
        %run_scoped3A = tpu.sem_alloc : memref<!tpu.dma_semaphore, #tpu.memory_space<semaphore_mem>>
        %dma_start3A_78 = arith.constant 0 : i32
        %dma_start3A_79 = arith.constant 0 : i32
        %dma_start3A_80 = tpu.memref_slice %arg11[%dma_start3A_78, %dma_start3A_79] : memref<128x128xf32, #tpu.memory_space<vmem>> -> memref<64x128xf32, #tpu.memory_space<vmem>>
        %dma_start3A_81 = arith.constant 0 : i32
        %dma_start3A_82 = tpu.memref_slice %arg13[%add3A_71, %dma_start3A_81] : memref<10008x128xf32, #tpu.memory_space<vmem_shared>> -> memref<64x128xf32, #tpu.memory_space<vmem_shared>>
        %dma_start3A_83 = arith.constant 0 : i32
        %dma_start3A_84 = tpu.memref_slice %arg13[%add3A_71, %dma_start3A_83] : memref<10008x128xf32, #tpu.memory_space<vmem_shared>> -> memref<64x128xf32, #tpu.memory_space<vmem_shared>>
        %dma_start3A_85 = arith.constant 0 : i32
        %dma_start3A_86 = arith.constant 0 : i32
        %dma_start3A_87 = tpu.memref_slice %arg11[%dma_start3A_85, %dma_start3A_86] : memref<128x128xf32, #tpu.memory_space<vmem>> -> memref<64x128xf32, #tpu.memory_space<vmem>>
        tpu.enqueue_dma source(%dma_start3A_87 : memref<64x128xf32, #tpu.memory_space<vmem>>) target(%dma_start3A_84 : memref<64x128xf32, #tpu.memory_space<vmem_shared>>) target_semaphore(%run_scoped3A : memref<!tpu.dma_semaphore, #tpu.memory_space<semaphore_mem>>)
        %dma_wait3A_88 = arith.constant 0 : i32
        %dma_wait3A_89 = arith.constant 0 : i32
        %dma_wait3A_90 = tpu.memref_slice %arg11[%dma_wait3A_88, %dma_wait3A_89] : memref<128x128xf32, #tpu.memory_space<vmem>> -> memref<64x128xf32, #tpu.memory_space<vmem>>
        %dma_wait3A_91 = arith.constant 0 : i32
        %dma_wait3A_92 = tpu.memref_slice %arg13[%add3A_71, %dma_wait3A_91] : memref<10008x128xf32, #tpu.memory_space<vmem_shared>> -> memref<64x128xf32, #tpu.memory_space<vmem_shared>>
        %dma_wait3A_93 = arith.constant 0 : i32
        %dma_wait3A_94 = tpu.memref_slice %arg13[%add3A_71, %dma_wait3A_93] : memref<10008x128xf32, #tpu.memory_space<vmem_shared>> -> memref<64x128xf32, #tpu.memory_space<vmem_shared>>
        %dma_wait3A_95 = arith.constant 0 : i32
        %dma_wait3A_96 = arith.constant 0 : i32
        %dma_wait3A_97 = tpu.memref_slice %arg11[%dma_wait3A_95, %dma_wait3A_96] : memref<128x128xf32, #tpu.memory_space<vmem>> -> memref<64x128xf32, #tpu.memory_space<vmem>>
        tpu.wait_dma2 semaphore(%run_scoped3A : memref<!tpu.dma_semaphore, #tpu.memory_space<semaphore_mem>>) src(%dma_wait3A_97 : memref<64x128xf32, #tpu.memory_space<vmem>>) dst(%dma_wait3A_94 : memref<64x128xf32, #tpu.memory_space<vmem_shared>>)
        tpu.yield
      }) : () -> ()
      %add3A_72 = arith.constant 448 : i32
      %add3A_73 = arith.addi %mul3A_58, %add3A_72 : i32
      "tpu.region"() ({
        %run_scoped3A = tpu.sem_alloc : memref<!tpu.dma_semaphore, #tpu.memory_space<semaphore_mem>>
        %dma_start3A_78 = arith.constant 0 : i32
        %dma_start3A_79 = arith.constant 0 : i32
        %dma_start3A_80 = tpu.memref_slice %arg11[%dma_start3A_78, %dma_start3A_79] : memref<128x128xf32, #tpu.memory_space<vmem>> -> memref<64x128xf32, #tpu.memory_space<vmem>>
        %dma_start3A_81 = arith.constant 0 : i32
        %dma_start3A_82 = tpu.memref_slice %arg13[%add3A_73, %dma_start3A_81] : memref<10008x128xf32, #tpu.memory_space<vmem_shared>> -> memref<64x128xf32, #tpu.memory_space<vmem_shared>>
        %dma_start3A_83 = arith.constant 0 : i32
        %dma_start3A_84 = tpu.memref_slice %arg13[%add3A_73, %dma_start3A_83] : memref<10008x128xf32, #tpu.memory_space<vmem_shared>> -> memref<64x128xf32, #tpu.memory_space<vmem_shared>>
        %dma_start3A_85 = arith.constant 0 : i32
        %dma_start3A_86 = arith.constant 0 : i32
        %dma_start3A_87 = tpu.memref_slice %arg11[%dma_start3A_85, %dma_start3A_86] : memref<128x128xf32, #tpu.memory_space<vmem>> -> memref<64x128xf32, #tpu.memory_space<vmem>>
        tpu.enqueue_dma source(%dma_start3A_87 : memref<64x128xf32, #tpu.memory_space<vmem>>) target(%dma_start3A_84 : memref<64x128xf32, #tpu.memory_space<vmem_shared>>) target_semaphore(%run_scoped3A : memref<!tpu.dma_semaphore, #tpu.memory_space<semaphore_mem>>)
        %dma_wait3A_88 = arith.constant 0 : i32
        %dma_wait3A_89 = arith.constant 0 : i32
        %dma_wait3A_90 = tpu.memref_slice %arg11[%dma_wait3A_88, %dma_wait3A_89] : memref<128x128xf32, #tpu.memory_space<vmem>> -> memref<64x128xf32, #tpu.memory_space<vmem>>
        %dma_wait3A_91 = arith.constant 0 : i32
        %dma_wait3A_92 = tpu.memref_slice %arg13[%add3A_73, %dma_wait3A_91] : memref<10008x128xf32, #tpu.memory_space<vmem_shared>> -> memref<64x128xf32, #tpu.memory_space<vmem_shared>>
        %dma_wait3A_93 = arith.constant 0 : i32
        %dma_wait3A_94 = tpu.memref_slice %arg13[%add3A_73, %dma_wait3A_93] : memref<10008x128xf32, #tpu.memory_space<vmem_shared>> -> memref<64x128xf32, #tpu.memory_space<vmem_shared>>
        %dma_wait3A_95 = arith.constant 0 : i32
        %dma_wait3A_96 = arith.constant 0 : i32
        %dma_wait3A_97 = tpu.memref_slice %arg11[%dma_wait3A_95, %dma_wait3A_96] : memref<128x128xf32, #tpu.memory_space<vmem>> -> memref<64x128xf32, #tpu.memory_space<vmem>>
        tpu.wait_dma2 semaphore(%run_scoped3A : memref<!tpu.dma_semaphore, #tpu.memory_space<semaphore_mem>>) src(%dma_wait3A_97 : memref<64x128xf32, #tpu.memory_space<vmem>>) dst(%dma_wait3A_94 : memref<64x128xf32, #tpu.memory_space<vmem_shared>>)
        tpu.yield
      }) : () -> ()
      %add3A_74 = arith.constant 512 : i32
      %add3A_75 = arith.addi %mul3A_58, %add3A_74 : i32
      "tpu.region"() ({
        %run_scoped3A = tpu.sem_alloc : memref<!tpu.dma_semaphore, #tpu.memory_space<semaphore_mem>>
        %dma_start3A_78 = arith.constant 0 : i32
        %dma_start3A_79 = arith.constant 0 : i32
        %dma_start3A_80 = tpu.memref_slice %arg11[%dma_start3A_78, %dma_start3A_79] : memref<128x128xf32, #tpu.memory_space<vmem>> -> memref<64x128xf32, #tpu.memory_space<vmem>>
        %dma_start3A_81 = arith.constant 0 : i32
        %dma_start3A_82 = tpu.memref_slice %arg13[%add3A_75, %dma_start3A_81] : memref<10008x128xf32, #tpu.memory_space<vmem_shared>> -> memref<64x128xf32, #tpu.memory_space<vmem_shared>>
        %dma_start3A_83 = arith.constant 0 : i32
        %dma_start3A_84 = tpu.memref_slice %arg13[%add3A_75, %dma_start3A_83] : memref<10008x128xf32, #tpu.memory_space<vmem_shared>> -> memref<64x128xf32, #tpu.memory_space<vmem_shared>>
        %dma_start3A_85 = arith.constant 0 : i32
        %dma_start3A_86 = arith.constant 0 : i32
        %dma_start3A_87 = tpu.memref_slice %arg11[%dma_start3A_85, %dma_start3A_86] : memref<128x128xf32, #tpu.memory_space<vmem>> -> memref<64x128xf32, #tpu.memory_space<vmem>>
        tpu.enqueue_dma source(%dma_start3A_87 : memref<64x128xf32, #tpu.memory_space<vmem>>) target(%dma_start3A_84 : memref<64x128xf32, #tpu.memory_space<vmem_shared>>) target_semaphore(%run_scoped3A : memref<!tpu.dma_semaphore, #tpu.memory_space<semaphore_mem>>)
        %dma_wait3A_88 = arith.constant 0 : i32
        %dma_wait3A_89 = arith.constant 0 : i32
        %dma_wait3A_90 = tpu.memref_slice %arg11[%dma_wait3A_88, %dma_wait3A_89] : memref<128x128xf32, #tpu.memory_space<vmem>> -> memref<64x128xf32, #tpu.memory_space<vmem>>
        %dma_wait3A_91 = arith.constant 0 : i32
        %dma_wait3A_92 = tpu.memref_slice %arg13[%add3A_75, %dma_wait3A_91] : memref<10008x128xf32, #tpu.memory_space<vmem_shared>> -> memref<64x128xf32, #tpu.memory_space<vmem_shared>>
        %dma_wait3A_93 = arith.constant 0 : i32
        %dma_wait3A_94 = tpu.memref_slice %arg13[%add3A_75, %dma_wait3A_93] : memref<10008x128xf32, #tpu.memory_space<vmem_shared>> -> memref<64x128xf32, #tpu.memory_space<vmem_shared>>
        %dma_wait3A_95 = arith.constant 0 : i32
        %dma_wait3A_96 = arith.constant 0 : i32
        %dma_wait3A_97 = tpu.memref_slice %arg11[%dma_wait3A_95, %dma_wait3A_96] : memref<128x128xf32, #tpu.memory_space<vmem>> -> memref<64x128xf32, #tpu.memory_space<vmem>>
        tpu.wait_dma2 semaphore(%run_scoped3A : memref<!tpu.dma_semaphore, #tpu.memory_space<semaphore_mem>>) src(%dma_wait3A_97 : memref<64x128xf32, #tpu.memory_space<vmem>>) dst(%dma_wait3A_94 : memref<64x128xf32, #tpu.memory_space<vmem_shared>>)
        tpu.yield
      }) : () -> ()
      %add3A_76 = arith.constant 576 : i32
      %add3A_77 = arith.addi %mul3A_58, %add3A_76 : i32
      "tpu.region"() ({
        %run_scoped3A = tpu.sem_alloc : memref<!tpu.dma_semaphore, #tpu.memory_space<semaphore_mem>>
        %dma_start3A_78 = arith.constant 0 : i32
        %dma_start3A_79 = arith.constant 0 : i32
        %dma_start3A_80 = tpu.memref_slice %arg11[%dma_start3A_78, %dma_start3A_79] : memref<128x128xf32, #tpu.memory_space<vmem>> -> memref<48x128xf32, #tpu.memory_space<vmem>>
        %dma_start3A_81 = arith.constant 0 : i32
        %dma_start3A_82 = tpu.memref_slice %arg13[%add3A_77, %dma_start3A_81] : memref<10008x128xf32, #tpu.memory_space<vmem_shared>> -> memref<48x128xf32, #tpu.memory_space<vmem_shared>>
        %dma_start3A_83 = arith.constant 0 : i32
        %dma_start3A_84 = tpu.memref_slice %arg13[%add3A_77, %dma_start3A_83] : memref<10008x128xf32, #tpu.memory_space<vmem_shared>> -> memref<48x128xf32, #tpu.memory_space<vmem_shared>>
        %dma_start3A_85 = arith.constant 0 : i32
        %dma_start3A_86 = arith.constant 0 : i32
        %dma_start3A_87 = tpu.memref_slice %arg11[%dma_start3A_85, %dma_start3A_86] : memref<128x128xf32, #tpu.memory_space<vmem>> -> memref<48x128xf32, #tpu.memory_space<vmem>>
        tpu.enqueue_dma source(%dma_start3A_87 : memref<48x128xf32, #tpu.memory_space<vmem>>) target(%dma_start3A_84 : memref<48x128xf32, #tpu.memory_space<vmem_shared>>) target_semaphore(%run_scoped3A : memref<!tpu.dma_semaphore, #tpu.memory_space<semaphore_mem>>)
        %dma_wait3A_88 = arith.constant 0 : i32
        %dma_wait3A_89 = arith.constant 0 : i32
        %dma_wait3A_90 = tpu.memref_slice %arg11[%dma_wait3A_88, %dma_wait3A_89] : memref<128x128xf32, #tpu.memory_space<vmem>> -> memref<48x128xf32, #tpu.memory_space<vmem>>
        %dma_wait3A_91 = arith.constant 0 : i32
        %dma_wait3A_92 = tpu.memref_slice %arg13[%add3A_77, %dma_wait3A_91] : memref<10008x128xf32, #tpu.memory_space<vmem_shared>> -> memref<48x128xf32, #tpu.memory_space<vmem_shared>>
        %dma_wait3A_93 = arith.constant 0 : i32
        %dma_wait3A_94 = tpu.memref_slice %arg13[%add3A_77, %dma_wait3A_93] : memref<10008x128xf32, #tpu.memory_space<vmem_shared>> -> memref<48x128xf32, #tpu.memory_space<vmem_shared>>
        %dma_wait3A_95 = arith.constant 0 : i32
        %dma_wait3A_96 = arith.constant 0 : i32
        %dma_wait3A_97 = tpu.memref_slice %arg11[%dma_wait3A_95, %dma_wait3A_96] : memref<128x128xf32, #tpu.memory_space<vmem>> -> memref<48x128xf32, #tpu.memory_space<vmem>>
        tpu.wait_dma2 semaphore(%run_scoped3A : memref<!tpu.dma_semaphore, #tpu.memory_space<semaphore_mem>>) src(%dma_wait3A_97 : memref<48x128xf32, #tpu.memory_space<vmem>>) dst(%dma_wait3A_94 : memref<48x128xf32, #tpu.memory_space<vmem_shared>>)
        tpu.yield
      }) : () -> ()
    } else {
    }
    %eq3A = arith.constant 15 : i32
    %eq3A_12 = arith.cmpi eq, %arg1, %eq3A : i32
    %convert_element_type3A_13 = arith.extui %eq3A_12 : i1 to i32
    %cond3A_14 = arith.constant 0 : i32
    %cond3A_15 = arith.cmpi ne, %convert_element_type3A_13, %cond3A_14 : i32
    scf.if %cond3A_15 {
      "tpu.region"() ({
        %run_scoped3A = tpu.sem_alloc : memref<!tpu.dma_semaphore, #tpu.memory_space<semaphore_mem>>
        %dma_start3A_57 = arith.constant 0 : i32
        %dma_start3A_58 = arith.constant 0 : i32
        %dma_start3A_59 = tpu.memref_slice %arg11[%dma_start3A_57, %dma_start3A_58] : memref<128x128xf32, #tpu.memory_space<vmem>> -> memref<64x128xf32, #tpu.memory_space<vmem>>
        %dma_start3A_60 = arith.constant 9360 : i32
        %dma_start3A_61 = arith.constant 0 : i32
        %dma_start3A_62 = tpu.memref_slice %arg13[%dma_start3A_60, %dma_start3A_61] : memref<10008x128xf32, #tpu.memory_space<vmem_shared>> -> memref<64x128xf32, #tpu.memory_space<vmem_shared>>
        %dma_start3A_63 = arith.constant 9360 : i32
        %dma_start3A_64 = arith.constant 0 : i32
        %dma_start3A_65 = tpu.memref_slice %arg13[%dma_start3A_63, %dma_start3A_64] : memref<10008x128xf32, #tpu.memory_space<vmem_shared>> -> memref<64x128xf32, #tpu.memory_space<vmem_shared>>
        %dma_start3A_66 = arith.constant 0 : i32
        %dma_start3A_67 = arith.constant 0 : i32
        %dma_start3A_68 = tpu.memref_slice %arg11[%dma_start3A_66, %dma_start3A_67] : memref<128x128xf32, #tpu.memory_space<vmem>> -> memref<64x128xf32, #tpu.memory_space<vmem>>
        tpu.enqueue_dma source(%dma_start3A_68 : memref<64x128xf32, #tpu.memory_space<vmem>>) target(%dma_start3A_65 : memref<64x128xf32, #tpu.memory_space<vmem_shared>>) target_semaphore(%run_scoped3A : memref<!tpu.dma_semaphore, #tpu.memory_space<semaphore_mem>>)
        %dma_wait3A_69 = arith.constant 0 : i32
        %dma_wait3A_70 = arith.constant 0 : i32
        %dma_wait3A_71 = tpu.memref_slice %arg11[%dma_wait3A_69, %dma_wait3A_70] : memref<128x128xf32, #tpu.memory_space<vmem>> -> memref<64x128xf32, #tpu.memory_space<vmem>>
        %dma_wait3A_72 = arith.constant 9360 : i32
        %dma_wait3A_73 = arith.constant 0 : i32
        %dma_wait3A_74 = tpu.memref_slice %arg13[%dma_wait3A_72, %dma_wait3A_73] : memref<10008x128xf32, #tpu.memory_space<vmem_shared>> -> memref<64x128xf32, #tpu.memory_space<vmem_shared>>
        %dma_wait3A_75 = arith.constant 9360 : i32
        %dma_wait3A_76 = arith.constant 0 : i32
        %dma_wait3A_77 = tpu.memref_slice %arg13[%dma_wait3A_75, %dma_wait3A_76] : memref<10008x128xf32, #tpu.memory_space<vmem_shared>> -> memref<64x128xf32, #tpu.memory_space<vmem_shared>>
        %dma_wait3A_78 = arith.constant 0 : i32
        %dma_wait3A_79 = arith.constant 0 : i32
        %dma_wait3A_80 = tpu.memref_slice %arg11[%dma_wait3A_78, %dma_wait3A_79] : memref<128x128xf32, #tpu.memory_space<vmem>> -> memref<64x128xf32, #tpu.memory_space<vmem>>
        tpu.wait_dma2 semaphore(%run_scoped3A : memref<!tpu.dma_semaphore, #tpu.memory_space<semaphore_mem>>) src(%dma_wait3A_80 : memref<64x128xf32, #tpu.memory_space<vmem>>) dst(%dma_wait3A_77 : memref<64x128xf32, #tpu.memory_space<vmem_shared>>)
        tpu.yield
      }) : () -> ()
      "tpu.region"() ({
        %run_scoped3A = tpu.sem_alloc : memref<!tpu.dma_semaphore, #tpu.memory_space<semaphore_mem>>
        %dma_start3A_57 = arith.constant 0 : i32
        %dma_start3A_58 = arith.constant 0 : i32
        %dma_start3A_59 = tpu.memref_slice %arg11[%dma_start3A_57, %dma_start3A_58] : memref<128x128xf32, #tpu.memory_space<vmem>> -> memref<64x128xf32, #tpu.memory_space<vmem>>
        %dma_start3A_60 = arith.constant 9424 : i32
        %dma_start3A_61 = arith.constant 0 : i32
        %dma_start3A_62 = tpu.memref_slice %arg13[%dma_start3A_60, %dma_start3A_61] : memref<10008x128xf32, #tpu.memory_space<vmem_shared>> -> memref<64x128xf32, #tpu.memory_space<vmem_shared>>
        %dma_start3A_63 = arith.constant 9424 : i32
        %dma_start3A_64 = arith.constant 0 : i32
        %dma_start3A_65 = tpu.memref_slice %arg13[%dma_start3A_63, %dma_start3A_64] : memref<10008x128xf32, #tpu.memory_space<vmem_shared>> -> memref<64x128xf32, #tpu.memory_space<vmem_shared>>
        %dma_start3A_66 = arith.constant 0 : i32
        %dma_start3A_67 = arith.constant 0 : i32
        %dma_start3A_68 = tpu.memref_slice %arg11[%dma_start3A_66, %dma_start3A_67] : memref<128x128xf32, #tpu.memory_space<vmem>> -> memref<64x128xf32, #tpu.memory_space<vmem>>
        tpu.enqueue_dma source(%dma_start3A_68 : memref<64x128xf32, #tpu.memory_space<vmem>>) target(%dma_start3A_65 : memref<64x128xf32, #tpu.memory_space<vmem_shared>>) target_semaphore(%run_scoped3A : memref<!tpu.dma_semaphore, #tpu.memory_space<semaphore_mem>>)
        %dma_wait3A_69 = arith.constant 0 : i32
        %dma_wait3A_70 = arith.constant 0 : i32
        %dma_wait3A_71 = tpu.memref_slice %arg11[%dma_wait3A_69, %dma_wait3A_70] : memref<128x128xf32, #tpu.memory_space<vmem>> -> memref<64x128xf32, #tpu.memory_space<vmem>>
        %dma_wait3A_72 = arith.constant 9424 : i32
        %dma_wait3A_73 = arith.constant 0 : i32
        %dma_wait3A_74 = tpu.memref_slice %arg13[%dma_wait3A_72, %dma_wait3A_73] : memref<10008x128xf32, #tpu.memory_space<vmem_shared>> -> memref<64x128xf32, #tpu.memory_space<vmem_shared>>
        %dma_wait3A_75 = arith.constant 9424 : i32
        %dma_wait3A_76 = arith.constant 0 : i32
        %dma_wait3A_77 = tpu.memref_slice %arg13[%dma_wait3A_75, %dma_wait3A_76] : memref<10008x128xf32, #tpu.memory_space<vmem_shared>> -> memref<64x128xf32, #tpu.memory_space<vmem_shared>>
        %dma_wait3A_78 = arith.constant 0 : i32
        %dma_wait3A_79 = arith.constant 0 : i32
        %dma_wait3A_80 = tpu.memref_slice %arg11[%dma_wait3A_78, %dma_wait3A_79] : memref<128x128xf32, #tpu.memory_space<vmem>> -> memref<64x128xf32, #tpu.memory_space<vmem>>
        tpu.wait_dma2 semaphore(%run_scoped3A : memref<!tpu.dma_semaphore, #tpu.memory_space<semaphore_mem>>) src(%dma_wait3A_80 : memref<64x128xf32, #tpu.memory_space<vmem>>) dst(%dma_wait3A_77 : memref<64x128xf32, #tpu.memory_space<vmem_shared>>)
        tpu.yield
      }) : () -> ()
      "tpu.region"() ({
        %run_scoped3A = tpu.sem_alloc : memref<!tpu.dma_semaphore, #tpu.memory_space<semaphore_mem>>
        %dma_start3A_57 = arith.constant 0 : i32
        %dma_start3A_58 = arith.constant 0 : i32
        %dma_start3A_59 = tpu.memref_slice %arg11[%dma_start3A_57, %dma_start3A_58] : memref<128x128xf32, #tpu.memory_space<vmem>> -> memref<64x128xf32, #tpu.memory_space<vmem>>
        %dma_start3A_60 = arith.constant 9488 : i32
        %dma_start3A_61 = arith.constant 0 : i32
        %dma_start3A_62 = tpu.memref_slice %arg13[%dma_start3A_60, %dma_start3A_61] : memref<10008x128xf32, #tpu.memory_space<vmem_shared>> -> memref<64x128xf32, #tpu.memory_space<vmem_shared>>
        %dma_start3A_63 = arith.constant 9488 : i32
        %dma_start3A_64 = arith.constant 0 : i32
        %dma_start3A_65 = tpu.memref_slice %arg13[%dma_start3A_63, %dma_start3A_64] : memref<10008x128xf32, #tpu.memory_space<vmem_shared>> -> memref<64x128xf32, #tpu.memory_space<vmem_shared>>
        %dma_start3A_66 = arith.constant 0 : i32
        %dma_start3A_67 = arith.constant 0 : i32
        %dma_start3A_68 = tpu.memref_slice %arg11[%dma_start3A_66, %dma_start3A_67] : memref<128x128xf32, #tpu.memory_space<vmem>> -> memref<64x128xf32, #tpu.memory_space<vmem>>
        tpu.enqueue_dma source(%dma_start3A_68 : memref<64x128xf32, #tpu.memory_space<vmem>>) target(%dma_start3A_65 : memref<64x128xf32, #tpu.memory_space<vmem_shared>>) target_semaphore(%run_scoped3A : memref<!tpu.dma_semaphore, #tpu.memory_space<semaphore_mem>>)
        %dma_wait3A_69 = arith.constant 0 : i32
        %dma_wait3A_70 = arith.constant 0 : i32
        %dma_wait3A_71 = tpu.memref_slice %arg11[%dma_wait3A_69, %dma_wait3A_70] : memref<128x128xf32, #tpu.memory_space<vmem>> -> memref<64x128xf32, #tpu.memory_space<vmem>>
        %dma_wait3A_72 = arith.constant 9488 : i32
        %dma_wait3A_73 = arith.constant 0 : i32
        %dma_wait3A_74 = tpu.memref_slice %arg13[%dma_wait3A_72, %dma_wait3A_73] : memref<10008x128xf32, #tpu.memory_space<vmem_shared>> -> memref<64x128xf32, #tpu.memory_space<vmem_shared>>
        %dma_wait3A_75 = arith.constant 9488 : i32
        %dma_wait3A_76 = arith.constant 0 : i32
        %dma_wait3A_77 = tpu.memref_slice %arg13[%dma_wait3A_75, %dma_wait3A_76] : memref<10008x128xf32, #tpu.memory_space<vmem_shared>> -> memref<64x128xf32, #tpu.memory_space<vmem_shared>>
        %dma_wait3A_78 = arith.constant 0 : i32
        %dma_wait3A_79 = arith.constant 0 : i32
        %dma_wait3A_80 = tpu.memref_slice %arg11[%dma_wait3A_78, %dma_wait3A_79] : memref<128x128xf32, #tpu.memory_space<vmem>> -> memref<64x128xf32, #tpu.memory_space<vmem>>
        tpu.wait_dma2 semaphore(%run_scoped3A : memref<!tpu.dma_semaphore, #tpu.memory_space<semaphore_mem>>) src(%dma_wait3A_80 : memref<64x128xf32, #tpu.memory_space<vmem>>) dst(%dma_wait3A_77 : memref<64x128xf32, #tpu.memory_space<vmem_shared>>)
        tpu.yield
      }) : () -> ()
      "tpu.region"() ({
        %run_scoped3A = tpu.sem_alloc : memref<!tpu.dma_semaphore, #tpu.memory_space<semaphore_mem>>
        %dma_start3A_57 = arith.constant 0 : i32
        %dma_start3A_58 = arith.constant 0 : i32
        %dma_start3A_59 = tpu.memref_slice %arg11[%dma_start3A_57, %dma_start3A_58] : memref<128x128xf32, #tpu.memory_space<vmem>> -> memref<64x128xf32, #tpu.memory_space<vmem>>
        %dma_start3A_60 = arith.constant 9552 : i32
        %dma_start3A_61 = arith.constant 0 : i32
        %dma_start3A_62 = tpu.memref_slice %arg13[%dma_start3A_60, %dma_start3A_61] : memref<10008x128xf32, #tpu.memory_space<vmem_shared>> -> memref<64x128xf32, #tpu.memory_space<vmem_shared>>
        %dma_start3A_63 = arith.constant 9552 : i32
        %dma_start3A_64 = arith.constant 0 : i32
        %dma_start3A_65 = tpu.memref_slice %arg13[%dma_start3A_63, %dma_start3A_64] : memref<10008x128xf32, #tpu.memory_space<vmem_shared>> -> memref<64x128xf32, #tpu.memory_space<vmem_shared>>
        %dma_start3A_66 = arith.constant 0 : i32
        %dma_start3A_67 = arith.constant 0 : i32
        %dma_start3A_68 = tpu.memref_slice %arg11[%dma_start3A_66, %dma_start3A_67] : memref<128x128xf32, #tpu.memory_space<vmem>> -> memref<64x128xf32, #tpu.memory_space<vmem>>
        tpu.enqueue_dma source(%dma_start3A_68 : memref<64x128xf32, #tpu.memory_space<vmem>>) target(%dma_start3A_65 : memref<64x128xf32, #tpu.memory_space<vmem_shared>>) target_semaphore(%run_scoped3A : memref<!tpu.dma_semaphore, #tpu.memory_space<semaphore_mem>>)
        %dma_wait3A_69 = arith.constant 0 : i32
        %dma_wait3A_70 = arith.constant 0 : i32
        %dma_wait3A_71 = tpu.memref_slice %arg11[%dma_wait3A_69, %dma_wait3A_70] : memref<128x128xf32, #tpu.memory_space<vmem>> -> memref<64x128xf32, #tpu.memory_space<vmem>>
        %dma_wait3A_72 = arith.constant 9552 : i32
        %dma_wait3A_73 = arith.constant 0 : i32
        %dma_wait3A_74 = tpu.memref_slice %arg13[%dma_wait3A_72, %dma_wait3A_73] : memref<10008x128xf32, #tpu.memory_space<vmem_shared>> -> memref<64x128xf32, #tpu.memory_space<vmem_shared>>
        %dma_wait3A_75 = arith.constant 9552 : i32
        %dma_wait3A_76 = arith.constant 0 : i32
        %dma_wait3A_77 = tpu.memref_slice %arg13[%dma_wait3A_75, %dma_wait3A_76] : memref<10008x128xf32, #tpu.memory_space<vmem_shared>> -> memref<64x128xf32, #tpu.memory_space<vmem_shared>>
        %dma_wait3A_78 = arith.constant 0 : i32
        %dma_wait3A_79 = arith.constant 0 : i32
        %dma_wait3A_80 = tpu.memref_slice %arg11[%dma_wait3A_78, %dma_wait3A_79] : memref<128x128xf32, #tpu.memory_space<vmem>> -> memref<64x128xf32, #tpu.memory_space<vmem>>
        tpu.wait_dma2 semaphore(%run_scoped3A : memref<!tpu.dma_semaphore, #tpu.memory_space<semaphore_mem>>) src(%dma_wait3A_80 : memref<64x128xf32, #tpu.memory_space<vmem>>) dst(%dma_wait3A_77 : memref<64x128xf32, #tpu.memory_space<vmem_shared>>)
        tpu.yield
      }) : () -> ()
      "tpu.region"() ({
        %run_scoped3A = tpu.sem_alloc : memref<!tpu.dma_semaphore, #tpu.memory_space<semaphore_mem>>
        %dma_start3A_57 = arith.constant 0 : i32
        %dma_start3A_58 = arith.constant 0 : i32
        %dma_start3A_59 = tpu.memref_slice %arg11[%dma_start3A_57, %dma_start3A_58] : memref<128x128xf32, #tpu.memory_space<vmem>> -> memref<64x128xf32, #tpu.memory_space<vmem>>
        %dma_start3A_60 = arith.constant 9616 : i32
        %dma_start3A_61 = arith.constant 0 : i32
        %dma_start3A_62 = tpu.memref_slice %arg13[%dma_start3A_60, %dma_start3A_61] : memref<10008x128xf32, #tpu.memory_space<vmem_shared>> -> memref<64x128xf32, #tpu.memory_space<vmem_shared>>
        %dma_start3A_63 = arith.constant 9616 : i32
        %dma_start3A_64 = arith.constant 0 : i32
        %dma_start3A_65 = tpu.memref_slice %arg13[%dma_start3A_63, %dma_start3A_64] : memref<10008x128xf32, #tpu.memory_space<vmem_shared>> -> memref<64x128xf32, #tpu.memory_space<vmem_shared>>
        %dma_start3A_66 = arith.constant 0 : i32
        %dma_start3A_67 = arith.constant 0 : i32
        %dma_start3A_68 = tpu.memref_slice %arg11[%dma_start3A_66, %dma_start3A_67] : memref<128x128xf32, #tpu.memory_space<vmem>> -> memref<64x128xf32, #tpu.memory_space<vmem>>
        tpu.enqueue_dma source(%dma_start3A_68 : memref<64x128xf32, #tpu.memory_space<vmem>>) target(%dma_start3A_65 : memref<64x128xf32, #tpu.memory_space<vmem_shared>>) target_semaphore(%run_scoped3A : memref<!tpu.dma_semaphore, #tpu.memory_space<semaphore_mem>>)
        %dma_wait3A_69 = arith.constant 0 : i32
        %dma_wait3A_70 = arith.constant 0 : i32
        %dma_wait3A_71 = tpu.memref_slice %arg11[%dma_wait3A_69, %dma_wait3A_70] : memref<128x128xf32, #tpu.memory_space<vmem>> -> memref<64x128xf32, #tpu.memory_space<vmem>>
        %dma_wait3A_72 = arith.constant 9616 : i32
        %dma_wait3A_73 = arith.constant 0 : i32
        %dma_wait3A_74 = tpu.memref_slice %arg13[%dma_wait3A_72, %dma_wait3A_73] : memref<10008x128xf32, #tpu.memory_space<vmem_shared>> -> memref<64x128xf32, #tpu.memory_space<vmem_shared>>
        %dma_wait3A_75 = arith.constant 9616 : i32
        %dma_wait3A_76 = arith.constant 0 : i32
        %dma_wait3A_77 = tpu.memref_slice %arg13[%dma_wait3A_75, %dma_wait3A_76] : memref<10008x128xf32, #tpu.memory_space<vmem_shared>> -> memref<64x128xf32, #tpu.memory_space<vmem_shared>>
        %dma_wait3A_78 = arith.constant 0 : i32
        %dma_wait3A_79 = arith.constant 0 : i32
        %dma_wait3A_80 = tpu.memref_slice %arg11[%dma_wait3A_78, %dma_wait3A_79] : memref<128x128xf32, #tpu.memory_space<vmem>> -> memref<64x128xf32, #tpu.memory_space<vmem>>
        tpu.wait_dma2 semaphore(%run_scoped3A : memref<!tpu.dma_semaphore, #tpu.memory_space<semaphore_mem>>) src(%dma_wait3A_80 : memref<64x128xf32, #tpu.memory_space<vmem>>) dst(%dma_wait3A_77 : memref<64x128xf32, #tpu.memory_space<vmem_shared>>)
        tpu.yield
      }) : () -> ()
      "tpu.region"() ({
        %run_scoped3A = tpu.sem_alloc : memref<!tpu.dma_semaphore, #tpu.memory_space<semaphore_mem>>
        %dma_start3A_57 = arith.constant 0 : i32
        %dma_start3A_58 = arith.constant 0 : i32
        %dma_start3A_59 = tpu.memref_slice %arg11[%dma_start3A_57, %dma_start3A_58] : memref<128x128xf32, #tpu.memory_space<vmem>> -> memref<64x128xf32, #tpu.memory_space<vmem>>
        %dma_start3A_60 = arith.constant 9680 : i32
        %dma_start3A_61 = arith.constant 0 : i32
        %dma_start3A_62 = tpu.memref_slice %arg13[%dma_start3A_60, %dma_start3A_61] : memref<10008x128xf32, #tpu.memory_space<vmem_shared>> -> memref<64x128xf32, #tpu.memory_space<vmem_shared>>
        %dma_start3A_63 = arith.constant 9680 : i32
        %dma_start3A_64 = arith.constant 0 : i32
        %dma_start3A_65 = tpu.memref_slice %arg13[%dma_start3A_63, %dma_start3A_64] : memref<10008x128xf32, #tpu.memory_space<vmem_shared>> -> memref<64x128xf32, #tpu.memory_space<vmem_shared>>
        %dma_start3A_66 = arith.constant 0 : i32
        %dma_start3A_67 = arith.constant 0 : i32
        %dma_start3A_68 = tpu.memref_slice %arg11[%dma_start3A_66, %dma_start3A_67] : memref<128x128xf32, #tpu.memory_space<vmem>> -> memref<64x128xf32, #tpu.memory_space<vmem>>
        tpu.enqueue_dma source(%dma_start3A_68 : memref<64x128xf32, #tpu.memory_space<vmem>>) target(%dma_start3A_65 : memref<64x128xf32, #tpu.memory_space<vmem_shared>>) target_semaphore(%run_scoped3A : memref<!tpu.dma_semaphore, #tpu.memory_space<semaphore_mem>>)
        %dma_wait3A_69 = arith.constant 0 : i32
        %dma_wait3A_70 = arith.constant 0 : i32
        %dma_wait3A_71 = tpu.memref_slice %arg11[%dma_wait3A_69, %dma_wait3A_70] : memref<128x128xf32, #tpu.memory_space<vmem>> -> memref<64x128xf32, #tpu.memory_space<vmem>>
        %dma_wait3A_72 = arith.constant 9680 : i32
        %dma_wait3A_73 = arith.constant 0 : i32
        %dma_wait3A_74 = tpu.memref_slice %arg13[%dma_wait3A_72, %dma_wait3A_73] : memref<10008x128xf32, #tpu.memory_space<vmem_shared>> -> memref<64x128xf32, #tpu.memory_space<vmem_shared>>
        %dma_wait3A_75 = arith.constant 9680 : i32
        %dma_wait3A_76 = arith.constant 0 : i32
        %dma_wait3A_77 = tpu.memref_slice %arg13[%dma_wait3A_75, %dma_wait3A_76] : memref<10008x128xf32, #tpu.memory_space<vmem_shared>> -> memref<64x128xf32, #tpu.memory_space<vmem_shared>>
        %dma_wait3A_78 = arith.constant 0 : i32
        %dma_wait3A_79 = arith.constant 0 : i32
        %dma_wait3A_80 = tpu.memref_slice %arg11[%dma_wait3A_78, %dma_wait3A_79] : memref<128x128xf32, #tpu.memory_space<vmem>> -> memref<64x128xf32, #tpu.memory_space<vmem>>
        tpu.wait_dma2 semaphore(%run_scoped3A : memref<!tpu.dma_semaphore, #tpu.memory_space<semaphore_mem>>) src(%dma_wait3A_80 : memref<64x128xf32, #tpu.memory_space<vmem>>) dst(%dma_wait3A_77 : memref<64x128xf32, #tpu.memory_space<vmem_shared>>)
        tpu.yield
      }) : () -> ()
      "tpu.region"() ({
        %run_scoped3A = tpu.sem_alloc : memref<!tpu.dma_semaphore, #tpu.memory_space<semaphore_mem>>
        %dma_start3A_57 = arith.constant 0 : i32
        %dma_start3A_58 = arith.constant 0 : i32
        %dma_start3A_59 = tpu.memref_slice %arg11[%dma_start3A_57, %dma_start3A_58] : memref<128x128xf32, #tpu.memory_space<vmem>> -> memref<64x128xf32, #tpu.memory_space<vmem>>
        %dma_start3A_60 = arith.constant 9744 : i32
        %dma_start3A_61 = arith.constant 0 : i32
        %dma_start3A_62 = tpu.memref_slice %arg13[%dma_start3A_60, %dma_start3A_61] : memref<10008x128xf32, #tpu.memory_space<vmem_shared>> -> memref<64x128xf32, #tpu.memory_space<vmem_shared>>
        %dma_start3A_63 = arith.constant 9744 : i32
        %dma_start3A_64 = arith.constant 0 : i32
        %dma_start3A_65 = tpu.memref_slice %arg13[%dma_start3A_63, %dma_start3A_64] : memref<10008x128xf32, #tpu.memory_space<vmem_shared>> -> memref<64x128xf32, #tpu.memory_space<vmem_shared>>
        %dma_start3A_66 = arith.constant 0 : i32
        %dma_start3A_67 = arith.constant 0 : i32
        %dma_start3A_68 = tpu.memref_slice %arg11[%dma_start3A_66, %dma_start3A_67] : memref<128x128xf32, #tpu.memory_space<vmem>> -> memref<64x128xf32, #tpu.memory_space<vmem>>
        tpu.enqueue_dma source(%dma_start3A_68 : memref<64x128xf32, #tpu.memory_space<vmem>>) target(%dma_start3A_65 : memref<64x128xf32, #tpu.memory_space<vmem_shared>>) target_semaphore(%run_scoped3A : memref<!tpu.dma_semaphore, #tpu.memory_space<semaphore_mem>>)
        %dma_wait3A_69 = arith.constant 0 : i32
        %dma_wait3A_70 = arith.constant 0 : i32
        %dma_wait3A_71 = tpu.memref_slice %arg11[%dma_wait3A_69, %dma_wait3A_70] : memref<128x128xf32, #tpu.memory_space<vmem>> -> memref<64x128xf32, #tpu.memory_space<vmem>>
        %dma_wait3A_72 = arith.constant 9744 : i32
        %dma_wait3A_73 = arith.constant 0 : i32
        %dma_wait3A_74 = tpu.memref_slice %arg13[%dma_wait3A_72, %dma_wait3A_73] : memref<10008x128xf32, #tpu.memory_space<vmem_shared>> -> memref<64x128xf32, #tpu.memory_space<vmem_shared>>
        %dma_wait3A_75 = arith.constant 9744 : i32
        %dma_wait3A_76 = arith.constant 0 : i32
        %dma_wait3A_77 = tpu.memref_slice %arg13[%dma_wait3A_75, %dma_wait3A_76] : memref<10008x128xf32, #tpu.memory_space<vmem_shared>> -> memref<64x128xf32, #tpu.memory_space<vmem_shared>>
        %dma_wait3A_78 = arith.constant 0 : i32
        %dma_wait3A_79 = arith.constant 0 : i32
        %dma_wait3A_80 = tpu.memref_slice %arg11[%dma_wait3A_78, %dma_wait3A_79] : memref<128x128xf32, #tpu.memory_space<vmem>> -> memref<64x128xf32, #tpu.memory_space<vmem>>
        tpu.wait_dma2 semaphore(%run_scoped3A : memref<!tpu.dma_semaphore, #tpu.memory_space<semaphore_mem>>) src(%dma_wait3A_80 : memref<64x128xf32, #tpu.memory_space<vmem>>) dst(%dma_wait3A_77 : memref<64x128xf32, #tpu.memory_space<vmem_shared>>)
        tpu.yield
      }) : () -> ()
      "tpu.region"() ({
        %run_scoped3A = tpu.sem_alloc : memref<!tpu.dma_semaphore, #tpu.memory_space<semaphore_mem>>
        %dma_start3A_57 = arith.constant 0 : i32
        %dma_start3A_58 = arith.constant 0 : i32
        %dma_start3A_59 = tpu.memref_slice %arg11[%dma_start3A_57, %dma_start3A_58] : memref<128x128xf32, #tpu.memory_space<vmem>> -> memref<64x128xf32, #tpu.memory_space<vmem>>
        %dma_start3A_60 = arith.constant 9808 : i32
        %dma_start3A_61 = arith.constant 0 : i32
        %dma_start3A_62 = tpu.memref_slice %arg13[%dma_start3A_60, %dma_start3A_61] : memref<10008x128xf32, #tpu.memory_space<vmem_shared>> -> memref<64x128xf32, #tpu.memory_space<vmem_shared>>
        %dma_start3A_63 = arith.constant 9808 : i32
        %dma_start3A_64 = arith.constant 0 : i32
        %dma_start3A_65 = tpu.memref_slice %arg13[%dma_start3A_63, %dma_start3A_64] : memref<10008x128xf32, #tpu.memory_space<vmem_shared>> -> memref<64x128xf32, #tpu.memory_space<vmem_shared>>
        %dma_start3A_66 = arith.constant 0 : i32
        %dma_start3A_67 = arith.constant 0 : i32
        %dma_start3A_68 = tpu.memref_slice %arg11[%dma_start3A_66, %dma_start3A_67] : memref<128x128xf32, #tpu.memory_space<vmem>> -> memref<64x128xf32, #tpu.memory_space<vmem>>
        tpu.enqueue_dma source(%dma_start3A_68 : memref<64x128xf32, #tpu.memory_space<vmem>>) target(%dma_start3A_65 : memref<64x128xf32, #tpu.memory_space<vmem_shared>>) target_semaphore(%run_scoped3A : memref<!tpu.dma_semaphore, #tpu.memory_space<semaphore_mem>>)
        %dma_wait3A_69 = arith.constant 0 : i32
        %dma_wait3A_70 = arith.constant 0 : i32
        %dma_wait3A_71 = tpu.memref_slice %arg11[%dma_wait3A_69, %dma_wait3A_70] : memref<128x128xf32, #tpu.memory_space<vmem>> -> memref<64x128xf32, #tpu.memory_space<vmem>>
        %dma_wait3A_72 = arith.constant 9808 : i32
        %dma_wait3A_73 = arith.constant 0 : i32
        %dma_wait3A_74 = tpu.memref_slice %arg13[%dma_wait3A_72, %dma_wait3A_73] : memref<10008x128xf32, #tpu.memory_space<vmem_shared>> -> memref<64x128xf32, #tpu.memory_space<vmem_shared>>
        %dma_wait3A_75 = arith.constant 9808 : i32
        %dma_wait3A_76 = arith.constant 0 : i32
        %dma_wait3A_77 = tpu.memref_slice %arg13[%dma_wait3A_75, %dma_wait3A_76] : memref<10008x128xf32, #tpu.memory_space<vmem_shared>> -> memref<64x128xf32, #tpu.memory_space<vmem_shared>>
        %dma_wait3A_78 = arith.constant 0 : i32
        %dma_wait3A_79 = arith.constant 0 : i32
        %dma_wait3A_80 = tpu.memref_slice %arg11[%dma_wait3A_78, %dma_wait3A_79] : memref<128x128xf32, #tpu.memory_space<vmem>> -> memref<64x128xf32, #tpu.memory_space<vmem>>
        tpu.wait_dma2 semaphore(%run_scoped3A : memref<!tpu.dma_semaphore, #tpu.memory_space<semaphore_mem>>) src(%dma_wait3A_80 : memref<64x128xf32, #tpu.memory_space<vmem>>) dst(%dma_wait3A_77 : memref<64x128xf32, #tpu.memory_space<vmem_shared>>)
        tpu.yield
      }) : () -> ()
      "tpu.region"() ({
        %run_scoped3A = tpu.sem_alloc : memref<!tpu.dma_semaphore, #tpu.memory_space<semaphore_mem>>
        %dma_start3A_57 = arith.constant 0 : i32
        %dma_start3A_58 = arith.constant 0 : i32
        %dma_start3A_59 = tpu.memref_slice %arg11[%dma_start3A_57, %dma_start3A_58] : memref<128x128xf32, #tpu.memory_space<vmem>> -> memref<64x128xf32, #tpu.memory_space<vmem>>
        %dma_start3A_60 = arith.constant 9872 : i32
        %dma_start3A_61 = arith.constant 0 : i32
        %dma_start3A_62 = tpu.memref_slice %arg13[%dma_start3A_60, %dma_start3A_61] : memref<10008x128xf32, #tpu.memory_space<vmem_shared>> -> memref<64x128xf32, #tpu.memory_space<vmem_shared>>
        %dma_start3A_63 = arith.constant 9872 : i32
        %dma_start3A_64 = arith.constant 0 : i32
        %dma_start3A_65 = tpu.memref_slice %arg13[%dma_start3A_63, %dma_start3A_64] : memref<10008x128xf32, #tpu.memory_space<vmem_shared>> -> memref<64x128xf32, #tpu.memory_space<vmem_shared>>
        %dma_start3A_66 = arith.constant 0 : i32
        %dma_start3A_67 = arith.constant 0 : i32
        %dma_start3A_68 = tpu.memref_slice %arg11[%dma_start3A_66, %dma_start3A_67] : memref<128x128xf32, #tpu.memory_space<vmem>> -> memref<64x128xf32, #tpu.memory_space<vmem>>
        tpu.enqueue_dma source(%dma_start3A_68 : memref<64x128xf32, #tpu.memory_space<vmem>>) target(%dma_start3A_65 : memref<64x128xf32, #tpu.memory_space<vmem_shared>>) target_semaphore(%run_scoped3A : memref<!tpu.dma_semaphore, #tpu.memory_space<semaphore_mem>>)
        %dma_wait3A_69 = arith.constant 0 : i32
        %dma_wait3A_70 = arith.constant 0 : i32
        %dma_wait3A_71 = tpu.memref_slice %arg11[%dma_wait3A_69, %dma_wait3A_70] : memref<128x128xf32, #tpu.memory_space<vmem>> -> memref<64x128xf32, #tpu.memory_space<vmem>>
        %dma_wait3A_72 = arith.constant 9872 : i32
        %dma_wait3A_73 = arith.constant 0 : i32
        %dma_wait3A_74 = tpu.memref_slice %arg13[%dma_wait3A_72, %dma_wait3A_73] : memref<10008x128xf32, #tpu.memory_space<vmem_shared>> -> memref<64x128xf32, #tpu.memory_space<vmem_shared>>
        %dma_wait3A_75 = arith.constant 9872 : i32
        %dma_wait3A_76 = arith.constant 0 : i32
        %dma_wait3A_77 = tpu.memref_slice %arg13[%dma_wait3A_75, %dma_wait3A_76] : memref<10008x128xf32, #tpu.memory_space<vmem_shared>> -> memref<64x128xf32, #tpu.memory_space<vmem_shared>>
        %dma_wait3A_78 = arith.constant 0 : i32
        %dma_wait3A_79 = arith.constant 0 : i32
        %dma_wait3A_80 = tpu.memref_slice %arg11[%dma_wait3A_78, %dma_wait3A_79] : memref<128x128xf32, #tpu.memory_space<vmem>> -> memref<64x128xf32, #tpu.memory_space<vmem>>
        tpu.wait_dma2 semaphore(%run_scoped3A : memref<!tpu.dma_semaphore, #tpu.memory_space<semaphore_mem>>) src(%dma_wait3A_80 : memref<64x128xf32, #tpu.memory_space<vmem>>) dst(%dma_wait3A_77 : memref<64x128xf32, #tpu.memory_space<vmem_shared>>)
        tpu.yield
      }) : () -> ()
      "tpu.region"() ({
        %run_scoped3A = tpu.sem_alloc : memref<!tpu.dma_semaphore, #tpu.memory_space<semaphore_mem>>
        %dma_start3A_57 = arith.constant 0 : i32
        %dma_start3A_58 = arith.constant 0 : i32
        %dma_start3A_59 = tpu.memref_slice %arg11[%dma_start3A_57, %dma_start3A_58] : memref<128x128xf32, #tpu.memory_space<vmem>> -> memref<64x128xf32, #tpu.memory_space<vmem>>
        %dma_start3A_60 = arith.constant 9936 : i32
        %dma_start3A_61 = arith.constant 0 : i32
        %dma_start3A_62 = tpu.memref_slice %arg13[%dma_start3A_60, %dma_start3A_61] : memref<10008x128xf32, #tpu.memory_space<vmem_shared>> -> memref<64x128xf32, #tpu.memory_space<vmem_shared>>
        %dma_start3A_63 = arith.constant 9936 : i32
        %dma_start3A_64 = arith.constant 0 : i32
        %dma_start3A_65 = tpu.memref_slice %arg13[%dma_start3A_63, %dma_start3A_64] : memref<10008x128xf32, #tpu.memory_space<vmem_shared>> -> memref<64x128xf32, #tpu.memory_space<vmem_shared>>
        %dma_start3A_66 = arith.constant 0 : i32
        %dma_start3A_67 = arith.constant 0 : i32
        %dma_start3A_68 = tpu.memref_slice %arg11[%dma_start3A_66, %dma_start3A_67] : memref<128x128xf32, #tpu.memory_space<vmem>> -> memref<64x128xf32, #tpu.memory_space<vmem>>
        tpu.enqueue_dma source(%dma_start3A_68 : memref<64x128xf32, #tpu.memory_space<vmem>>) target(%dma_start3A_65 : memref<64x128xf32, #tpu.memory_space<vmem_shared>>) target_semaphore(%run_scoped3A : memref<!tpu.dma_semaphore, #tpu.memory_space<semaphore_mem>>)
        %dma_wait3A_69 = arith.constant 0 : i32
        %dma_wait3A_70 = arith.constant 0 : i32
        %dma_wait3A_71 = tpu.memref_slice %arg11[%dma_wait3A_69, %dma_wait3A_70] : memref<128x128xf32, #tpu.memory_space<vmem>> -> memref<64x128xf32, #tpu.memory_space<vmem>>
        %dma_wait3A_72 = arith.constant 9936 : i32
        %dma_wait3A_73 = arith.constant 0 : i32
        %dma_wait3A_74 = tpu.memref_slice %arg13[%dma_wait3A_72, %dma_wait3A_73] : memref<10008x128xf32, #tpu.memory_space<vmem_shared>> -> memref<64x128xf32, #tpu.memory_space<vmem_shared>>
        %dma_wait3A_75 = arith.constant 9936 : i32
        %dma_wait3A_76 = arith.constant 0 : i32
        %dma_wait3A_77 = tpu.memref_slice %arg13[%dma_wait3A_75, %dma_wait3A_76] : memref<10008x128xf32, #tpu.memory_space<vmem_shared>> -> memref<64x128xf32, #tpu.memory_space<vmem_shared>>
        %dma_wait3A_78 = arith.constant 0 : i32
        %dma_wait3A_79 = arith.constant 0 : i32
        %dma_wait3A_80 = tpu.memref_slice %arg11[%dma_wait3A_78, %dma_wait3A_79] : memref<128x128xf32, #tpu.memory_space<vmem>> -> memref<64x128xf32, #tpu.memory_space<vmem>>
        tpu.wait_dma2 semaphore(%run_scoped3A : memref<!tpu.dma_semaphore, #tpu.memory_space<semaphore_mem>>) src(%dma_wait3A_80 : memref<64x128xf32, #tpu.memory_space<vmem>>) dst(%dma_wait3A_77 : memref<64x128xf32, #tpu.memory_space<vmem_shared>>)
        tpu.yield
      }) : () -> ()
      "tpu.region"() ({
        %run_scoped3A = tpu.sem_alloc : memref<!tpu.dma_semaphore, #tpu.memory_space<semaphore_mem>>
        %dma_start3A_57 = arith.constant 0 : i32
        %dma_start3A_58 = arith.constant 0 : i32
        %dma_start3A_59 = tpu.memref_slice %arg11[%dma_start3A_57, %dma_start3A_58] : memref<128x128xf32, #tpu.memory_space<vmem>> -> memref<8x128xf32, #tpu.memory_space<vmem>>
        %dma_start3A_60 = arith.constant 10000 : i32
        %dma_start3A_61 = arith.constant 0 : i32
        %dma_start3A_62 = tpu.memref_slice %arg13[%dma_start3A_60, %dma_start3A_61] : memref<10008x128xf32, #tpu.memory_space<vmem_shared>> -> memref<8x128xf32, #tpu.memory_space<vmem_shared>>
        %dma_start3A_63 = arith.constant 10000 : i32
        %dma_start3A_64 = arith.constant 0 : i32
        %dma_start3A_65 = tpu.memref_slice %arg13[%dma_start3A_63, %dma_start3A_64] : memref<10008x128xf32, #tpu.memory_space<vmem_shared>> -> memref<8x128xf32, #tpu.memory_space<vmem_shared>>
        %dma_start3A_66 = arith.constant 0 : i32
        %dma_start3A_67 = arith.constant 0 : i32
        %dma_start3A_68 = tpu.memref_slice %arg11[%dma_start3A_66, %dma_start3A_67] : memref<128x128xf32, #tpu.memory_space<vmem>> -> memref<8x128xf32, #tpu.memory_space<vmem>>
        tpu.enqueue_dma source(%dma_start3A_68 : memref<8x128xf32, #tpu.memory_space<vmem>>) target(%dma_start3A_65 : memref<8x128xf32, #tpu.memory_space<vmem_shared>>) target_semaphore(%run_scoped3A : memref<!tpu.dma_semaphore, #tpu.memory_space<semaphore_mem>>)
        %dma_wait3A_69 = arith.constant 0 : i32
        %dma_wait3A_70 = arith.constant 0 : i32
        %dma_wait3A_71 = tpu.memref_slice %arg11[%dma_wait3A_69, %dma_wait3A_70] : memref<128x128xf32, #tpu.memory_space<vmem>> -> memref<8x128xf32, #tpu.memory_space<vmem>>
        %dma_wait3A_72 = arith.constant 10000 : i32
        %dma_wait3A_73 = arith.constant 0 : i32
        %dma_wait3A_74 = tpu.memref_slice %arg13[%dma_wait3A_72, %dma_wait3A_73] : memref<10008x128xf32, #tpu.memory_space<vmem_shared>> -> memref<8x128xf32, #tpu.memory_space<vmem_shared>>
        %dma_wait3A_75 = arith.constant 10000 : i32
        %dma_wait3A_76 = arith.constant 0 : i32
        %dma_wait3A_77 = tpu.memref_slice %arg13[%dma_wait3A_75, %dma_wait3A_76] : memref<10008x128xf32, #tpu.memory_space<vmem_shared>> -> memref<8x128xf32, #tpu.memory_space<vmem_shared>>
        %dma_wait3A_78 = arith.constant 0 : i32
        %dma_wait3A_79 = arith.constant 0 : i32
        %dma_wait3A_80 = tpu.memref_slice %arg11[%dma_wait3A_78, %dma_wait3A_79] : memref<128x128xf32, #tpu.memory_space<vmem>> -> memref<8x128xf32, #tpu.memory_space<vmem>>
        tpu.wait_dma2 semaphore(%run_scoped3A : memref<!tpu.dma_semaphore, #tpu.memory_space<semaphore_mem>>) src(%dma_wait3A_80 : memref<8x128xf32, #tpu.memory_space<vmem>>) dst(%dma_wait3A_77 : memref<8x128xf32, #tpu.memory_space<vmem_shared>>)
        tpu.yield
      }) : () -> ()
    } else {
    }
    %barrier3A = arith.constant 0 : index
    tpu.barrier barrier_id(%barrier3A)
    %mul3A = arith.constant 80 : i32
    %mul3A_16 = arith.muli %arg1, %mul3A : i32
    %dma_start3A = arith.constant 0 : i32
    %dma_start3A_17 = tpu.memref_slice %arg4[%mul3A_16, %dma_start3A] : memref<1280x256xi32, #tpu.memory_space<hbm>> -> memref<1x256xi32, #tpu.memory_space<hbm>>
    %dma_start3A_18 = tpu.memref_squeeze %dma_start3A_17 : memref<1x256xi32, #tpu.memory_space<hbm>> -> memref<256xi32, #tpu.memory_space<hbm>>
    %dma_start3A_19 = arith.constant 0 : i32
    %dma_start3A_20 = tpu.memref_slice %arg4[%mul3A_16, %dma_start3A_19] : memref<1280x256xi32, #tpu.memory_space<hbm>> -> memref<1x256xi32, #tpu.memory_space<hbm>>
    %dma_start3A_21 = tpu.memref_squeeze %dma_start3A_20 : memref<1x256xi32, #tpu.memory_space<hbm>> -> memref<256xi32, #tpu.memory_space<hbm>>
    tpu.enqueue_dma source(%dma_start3A_21 : memref<256xi32, #tpu.memory_space<hbm>>) target(%arg7 : memref<256xi32, #tpu.memory_space<vmem>>) target_semaphore(%arg14 : memref<!tpu.dma_semaphore, #tpu.memory_space<semaphore_mem>>)
    %while3A_22 = arith.constant 0 : i32
    %while3A_23 = arith.constant 0 : i32
    %while3A_24 = arith.constant 40 : i32
    %while3A_25 = arith.subi %while3A_24, %while3A_23 : i32
    %while3A_26 = arith.addi %while3A_23, %while3A_25 : i32
    %while3A_27 = arith.constant 1 : i32
    %while3A_28 = arith.divsi %while3A_25, %while3A_27 : i32
    %while3A_29 = arith.muli %while3A_28, %while3A_27 : i32
    %while3A_30 = arith.addi %while3A_23, %while3A_29 : i32
    %while3A_31 = arith.constant 1 : i32
    scf.for %while3A_57 = %while3A_23 to %while3A_30 step %while3A_31  : i32 {
      %mul3A_58 = arith.constant 2 : i32
      %mul3A_59 = arith.muli %mul3A_58, %while3A_57 : i32
      %add3A = arith.constant 0 : i32
      %add3A_60 = arith.addi %mul3A_59, %add3A : i32
      %gt3A = arith.constant 0 : i32
      %gt3A_61 = arith.cmpi sgt, %while3A_57, %gt3A : i32
      %convert_element_type3A_62 = arith.extui %gt3A_61 : i1 to i32
      %cond3A_63 = arith.constant 0 : i32
      %cond3A_64 = arith.cmpi ne, %convert_element_type3A_62, %cond3A_63 : i32
      scf.if %cond3A_64 {
        %dma_wait3A_227 = arith.constant 0 : i32
        %dma_wait3A_228 = arith.constant 0 : i32
        %dma_wait3A_229 = tpu.memref_slice %arg13[%dma_wait3A_227, %dma_wait3A_228] : memref<10008x128xf32, #tpu.memory_space<vmem_shared>> -> memref<10008x128xf32, #tpu.memory_space<vmem_shared>>
        tpu.wait_indirect_dma semaphore(%arg18 : memref<!tpu.dma_semaphore, #tpu.memory_space<semaphore_mem>>) src(%arg11 : memref<128x128xf32, #tpu.memory_space<vmem>>) dst(%dma_wait3A_229 : memref<10008x128xf32, #tpu.memory_space<vmem_shared>>)
      } else {
      }
      %dma_wait3A_65 = arith.constant 0 : i32
      %dma_wait3A_66 = tpu.memref_slice %arg4[%mul3A_16, %dma_wait3A_65] : memref<1280x256xi32, #tpu.memory_space<hbm>> -> memref<1x256xi32, #tpu.memory_space<hbm>>
      %dma_wait3A_67 = tpu.memref_squeeze %dma_wait3A_66 : memref<1x256xi32, #tpu.memory_space<hbm>> -> memref<256xi32, #tpu.memory_space<hbm>>
      %dma_wait3A_68 = arith.constant 0 : i32
      %dma_wait3A_69 = tpu.memref_slice %arg4[%mul3A_16, %dma_wait3A_68] : memref<1280x256xi32, #tpu.memory_space<hbm>> -> memref<1x256xi32, #tpu.memory_space<hbm>>
      %dma_wait3A_70 = tpu.memref_squeeze %dma_wait3A_69 : memref<1x256xi32, #tpu.memory_space<hbm>> -> memref<256xi32, #tpu.memory_space<hbm>>
      tpu.wait_dma2 semaphore(%arg14 : memref<!tpu.dma_semaphore, #tpu.memory_space<semaphore_mem>>) src(%dma_wait3A_70 : memref<256xi32, #tpu.memory_space<hbm>>) dst(%arg7 : memref<256xi32, #tpu.memory_space<vmem>>)
      %get3A = arith.constant 128 : index
      %get3A_71 = tpu.vector_load %arg7[%get3A] {strides = array<i32>} : memref<256xi32, #tpu.memory_space<vmem>>, vector<16xi32>,
      %swap3A = arith.constant 0 : index
      %swap3A_72 = tpu.vector_load %arg9[%swap3A] {strides = array<i32>} : memref<128xi32, #tpu.memory_space<vmem>>, vector<16xi32>,
      %swap3A_73 = vector.shape_cast %swap3A_72 : vector<16xi32> to vector<16xi32>
      %swap3A_74 = vector.shape_cast %get3A_71 : vector<16xi32> to vector<16xi32>
      tpu.vector_store %arg9[%swap3A], %swap3A_74 {strides = array<i32>} : memref<128xi32, #tpu.memory_space<vmem>>, vector<16xi32>,
      %get3A_75 = arith.constant 144 : index
      %get3A_76 = tpu.vector_load %arg7[%get3A_75] {strides = array<i32>} : memref<256xi32, #tpu.memory_space<vmem>>, vector<16xi32>,
      %swap3A_77 = arith.constant 16 : index
      %swap3A_78 = tpu.vector_load %arg9[%swap3A_77] {strides = array<i32>} : memref<128xi32, #tpu.memory_space<vmem>>, vector<16xi32>,
      %swap3A_79 = vector.shape_cast %swap3A_78 : vector<16xi32> to vector<16xi32>
      %swap3A_80 = vector.shape_cast %get3A_76 : vector<16xi32> to vector<16xi32>
      tpu.vector_store %arg9[%swap3A_77], %swap3A_80 {strides = array<i32>} : memref<128xi32, #tpu.memory_space<vmem>>, vector<16xi32>,
      %get3A_81 = arith.constant 160 : index
      %get3A_82 = tpu.vector_load %arg7[%get3A_81] {strides = array<i32>} : memref<256xi32, #tpu.memory_space<vmem>>, vector<16xi32>,
      %swap3A_83 = arith.constant 32 : index
      %swap3A_84 = tpu.vector_load %arg9[%swap3A_83] {strides = array<i32>} : memref<128xi32, #tpu.memory_space<vmem>>, vector<16xi32>,
      %swap3A_85 = vector.shape_cast %swap3A_84 : vector<16xi32> to vector<16xi32>
      %swap3A_86 = vector.shape_cast %get3A_82 : vector<16xi32> to vector<16xi32>
      tpu.vector_store %arg9[%swap3A_83], %swap3A_86 {strides = array<i32>} : memref<128xi32, #tpu.memory_space<vmem>>, vector<16xi32>,
      %get3A_87 = arith.constant 176 : index
      %get3A_88 = tpu.vector_load %arg7[%get3A_87] {strides = array<i32>} : memref<256xi32, #tpu.memory_space<vmem>>, vector<16xi32>,
      %swap3A_89 = arith.constant 48 : index
      %swap3A_90 = tpu.vector_load %arg9[%swap3A_89] {strides = array<i32>} : memref<128xi32, #tpu.memory_space<vmem>>, vector<16xi32>,
      %swap3A_91 = vector.shape_cast %swap3A_90 : vector<16xi32> to vector<16xi32>
      %swap3A_92 = vector.shape_cast %get3A_88 : vector<16xi32> to vector<16xi32>
      tpu.vector_store %arg9[%swap3A_89], %swap3A_92 {strides = array<i32>} : memref<128xi32, #tpu.memory_space<vmem>>, vector<16xi32>,
      %get3A_93 = arith.constant 192 : index
      %get3A_94 = tpu.vector_load %arg7[%get3A_93] {strides = array<i32>} : memref<256xi32, #tpu.memory_space<vmem>>, vector<16xi32>,
      %swap3A_95 = arith.constant 64 : index
      %swap3A_96 = tpu.vector_load %arg9[%swap3A_95] {strides = array<i32>} : memref<128xi32, #tpu.memory_space<vmem>>, vector<16xi32>,
      %swap3A_97 = vector.shape_cast %swap3A_96 : vector<16xi32> to vector<16xi32>
      %swap3A_98 = vector.shape_cast %get3A_94 : vector<16xi32> to vector<16xi32>
      tpu.vector_store %arg9[%swap3A_95], %swap3A_98 {strides = array<i32>} : memref<128xi32, #tpu.memory_space<vmem>>, vector<16xi32>,
      %get3A_99 = arith.constant 208 : index
      %get3A_100 = tpu.vector_load %arg7[%get3A_99] {strides = array<i32>} : memref<256xi32, #tpu.memory_space<vmem>>, vector<16xi32>,
      %swap3A_101 = arith.constant 80 : index
      %swap3A_102 = tpu.vector_load %arg9[%swap3A_101] {strides = array<i32>} : memref<128xi32, #tpu.memory_space<vmem>>, vector<16xi32>,
      %swap3A_103 = vector.shape_cast %swap3A_102 : vector<16xi32> to vector<16xi32>
      %swap3A_104 = vector.shape_cast %get3A_100 : vector<16xi32> to vector<16xi32>
      tpu.vector_store %arg9[%swap3A_101], %swap3A_104 {strides = array<i32>} : memref<128xi32, #tpu.memory_space<vmem>>, vector<16xi32>,
      %get3A_105 = arith.constant 224 : index
      %get3A_106 = tpu.vector_load %arg7[%get3A_105] {strides = array<i32>} : memref<256xi32, #tpu.memory_space<vmem>>, vector<16xi32>,
      %swap3A_107 = arith.constant 96 : index
      %swap3A_108 = tpu.vector_load %arg9[%swap3A_107] {strides = array<i32>} : memref<128xi32, #tpu.memory_space<vmem>>, vector<16xi32>,
      %swap3A_109 = vector.shape_cast %swap3A_108 : vector<16xi32> to vector<16xi32>
      %swap3A_110 = vector.shape_cast %get3A_106 : vector<16xi32> to vector<16xi32>
      tpu.vector_store %arg9[%swap3A_107], %swap3A_110 {strides = array<i32>} : memref<128xi32, #tpu.memory_space<vmem>>, vector<16xi32>,
      %get3A_111 = arith.constant 240 : index
      %get3A_112 = tpu.vector_load %arg7[%get3A_111] {strides = array<i32>} : memref<256xi32, #tpu.memory_space<vmem>>, vector<16xi32>,
      %swap3A_113 = arith.constant 112 : index
      %swap3A_114 = tpu.vector_load %arg9[%swap3A_113] {strides = array<i32>} : memref<128xi32, #tpu.memory_space<vmem>>, vector<16xi32>,
      %swap3A_115 = vector.shape_cast %swap3A_114 : vector<16xi32> to vector<16xi32>
      %swap3A_116 = vector.shape_cast %get3A_112 : vector<16xi32> to vector<16xi32>
      tpu.vector_store %arg9[%swap3A_113], %swap3A_116 {strides = array<i32>} : memref<128xi32, #tpu.memory_space<vmem>>, vector<16xi32>,
      %eq3A_117 = arith.constant 0 : i32
      %eq3A_118 = arith.cmpi eq, %arg0, %eq3A_117 : i32
      %convert_element_type3A_119 = arith.extui %eq3A_118 : i1 to i32
      %cond3A_120 = arith.constant 0 : i32
      %cond3A_121 = arith.cmpi ne, %convert_element_type3A_119, %cond3A_120 : i32
      scf.if %cond3A_121 {
        %dma_start3A_227 = arith.constant 0 : i32
        %dma_start3A_228 = tpu.memref_slice %arg7[%dma_start3A_227] : memref<256xi32, #tpu.memory_space<vmem>> -> memref<128xi32, #tpu.memory_space<vmem>>
        %dma_start3A_229 = arith.constant 0 : i32
        %dma_start3A_230 = arith.constant 0 : i32
        %dma_start3A_231 = tpu.memref_slice %arg2[%dma_start3A_229, %dma_start3A_230] : memref<10000x128xf32, #tpu.memory_space<hbm>> -> memref<10000x128xf32, #tpu.memory_space<hbm>>
        tpu.enqueue_indirect_dma source(%dma_start3A_231 : memref<10000x128xf32, #tpu.memory_space<hbm>>) target(%arg11 : memref<128x128xf32, #tpu.memory_space<vmem>>) offsets(%dma_start3A_228 : memref<128xi32, #tpu.memory_space<vmem>>) semaphore(%arg16 : memref<!tpu.dma_semaphore, #tpu.memory_space<semaphore_mem>>)
      } else {
      }
      %eq3A_122 = arith.constant 1 : i32
      %eq3A_123 = arith.cmpi eq, %arg0, %eq3A_122 : i32
      %convert_element_type3A_124 = arith.extui %eq3A_123 : i1 to i32
      %cond3A_125 = arith.constant 0 : i32
      %cond3A_126 = arith.cmpi ne, %convert_element_type3A_124, %cond3A_125 : i32
      scf.if %cond3A_126 {
        %dma_start3A_227 = arith.constant 0 : i32
        %dma_start3A_228 = tpu.memref_slice %arg7[%dma_start3A_227] : memref<256xi32, #tpu.memory_space<vmem>> -> memref<128xi32, #tpu.memory_space<vmem>>
        %dma_start3A_229 = arith.constant 0 : i32
        %dma_start3A_230 = arith.constant 0 : i32
        %dma_start3A_231 = tpu.memref_slice %arg3[%dma_start3A_229, %dma_start3A_230] : memref<10000x128xf32, #tpu.memory_space<hbm>> -> memref<10000x128xf32, #tpu.memory_space<hbm>>
        tpu.enqueue_indirect_dma source(%dma_start3A_231 : memref<10000x128xf32, #tpu.memory_space<hbm>>) target(%arg11 : memref<128x128xf32, #tpu.memory_space<vmem>>) offsets(%dma_start3A_228 : memref<128xi32, #tpu.memory_space<vmem>>) semaphore(%arg16 : memref<!tpu.dma_semaphore, #tpu.memory_space<semaphore_mem>>)
      } else {
      }
      %gt3A_127 = arith.constant 0 : i32
      %gt3A_128 = arith.cmpi sgt, %while3A_57, %gt3A_127 : i32
      %convert_element_type3A_129 = arith.extui %gt3A_128 : i1 to i32
      %cond3A_130 = arith.constant 0 : i32
      %cond3A_131 = arith.cmpi ne, %convert_element_type3A_129, %cond3A_130 : i32
      scf.if %cond3A_131 {
        %dma_wait3A_227 = arith.constant 0 : i32
        %dma_wait3A_228 = tpu.memref_slice %arg8[%dma_wait3A_227] : memref<256xi32, #tpu.memory_space<vmem>> -> memref<128xi32, #tpu.memory_space<vmem>>
        %dma_wait3A_229 = arith.constant 0 : i32
        %dma_wait3A_230 = arith.constant 0 : i32
        %dma_wait3A_231 = tpu.memref_slice %arg2[%dma_wait3A_229, %dma_wait3A_230] : memref<10000x128xf32, #tpu.memory_space<hbm>> -> memref<10000x128xf32, #tpu.memory_space<hbm>>
        tpu.wait_indirect_dma semaphore(%arg17 : memref<!tpu.dma_semaphore, #tpu.memory_space<semaphore_mem>>) src(%dma_wait3A_231 : memref<10000x128xf32, #tpu.memory_space<hbm>>) dst(%arg12 : memref<128x128xf32, #tpu.memory_space<vmem>>)
        %dma_start3A_232 = arith.constant 0 : i32
        %dma_start3A_233 = arith.constant 0 : i32
        %dma_start3A_234 = tpu.memref_slice %arg13[%dma_start3A_232, %dma_start3A_233] : memref<10008x128xf32, #tpu.memory_space<vmem_shared>> -> memref<10008x128xf32, #tpu.memory_space<vmem_shared>>
        tpu.enqueue_indirect_dma source(%arg12 : memref<128x128xf32, #tpu.memory_space<vmem>>) target(%dma_start3A_234 : memref<10008x128xf32, #tpu.memory_space<vmem_shared>>) offsets(%arg10 : memref<128xi32, #tpu.memory_space<vmem>>) semaphore(%arg19 : memref<!tpu.dma_semaphore, #tpu.memory_space<semaphore_mem>>) {add = true}
      } else {
      }
      %add3A_132 = arith.addi %mul3A_16, %add3A_60 : i32
      %add3A_133 = arith.constant 1 : i32
      %add3A_134 = arith.addi %add3A_132, %add3A_133 : i32
      %dma_start3A_135 = arith.constant 0 : i32
      %dma_start3A_136 = tpu.memref_slice %arg4[%add3A_134, %dma_start3A_135] : memref<1280x256xi32, #tpu.memory_space<hbm>> -> memref<1x256xi32, #tpu.memory_space<hbm>>
      %dma_start3A_137 = tpu.memref_squeeze %dma_start3A_136 : memref<1x256xi32, #tpu.memory_space<hbm>> -> memref<256xi32, #tpu.memory_space<hbm>>
      %dma_start3A_138 = arith.constant 0 : i32
      %dma_start3A_139 = tpu.memref_slice %arg4[%add3A_134, %dma_start3A_138] : memref<1280x256xi32, #tpu.memory_space<hbm>> -> memref<1x256xi32, #tpu.memory_space<hbm>>
      %dma_start3A_140 = tpu.memref_squeeze %dma_start3A_139 : memref<1x256xi32, #tpu.memory_space<hbm>> -> memref<256xi32, #tpu.memory_space<hbm>>
      tpu.enqueue_dma source(%dma_start3A_140 : memref<256xi32, #tpu.memory_space<hbm>>) target(%arg8 : memref<256xi32, #tpu.memory_space<vmem>>) target_semaphore(%arg15 : memref<!tpu.dma_semaphore, #tpu.memory_space<semaphore_mem>>)
      %mul3A_141 = arith.constant 2 : i32
      %mul3A_142 = arith.muli %mul3A_141, %while3A_57 : i32
      %add3A_143 = arith.constant 1 : i32
      %add3A_144 = arith.addi %mul3A_142, %add3A_143 : i32
      %gt3A_145 = arith.constant 0 : i32
      %gt3A_146 = arith.cmpi sgt, %while3A_57, %gt3A_145 : i32
      %convert_element_type3A_147 = arith.extui %gt3A_146 : i1 to i32
      %cond3A_148 = arith.constant 0 : i32
      %cond3A_149 = arith.cmpi ne, %convert_element_type3A_147, %cond3A_148 : i32
      scf.if %cond3A_149 {
        %dma_wait3A_227 = arith.constant 0 : i32
        %dma_wait3A_228 = arith.constant 0 : i32
        %dma_wait3A_229 = tpu.memref_slice %arg13[%dma_wait3A_227, %dma_wait3A_228] : memref<10008x128xf32, #tpu.memory_space<vmem_shared>> -> memref<10008x128xf32, #tpu.memory_space<vmem_shared>>
        tpu.wait_indirect_dma semaphore(%arg19 : memref<!tpu.dma_semaphore, #tpu.memory_space<semaphore_mem>>) src(%arg12 : memref<128x128xf32, #tpu.memory_space<vmem>>) dst(%dma_wait3A_229 : memref<10008x128xf32, #tpu.memory_space<vmem_shared>>)
      } else {
      }
      %dma_wait3A_150 = arith.constant 0 : i32
      %dma_wait3A_151 = tpu.memref_slice %arg4[%mul3A_16, %dma_wait3A_150] : memref<1280x256xi32, #tpu.memory_space<hbm>> -> memref<1x256xi32, #tpu.memory_space<hbm>>
      %dma_wait3A_152 = tpu.memref_squeeze %dma_wait3A_151 : memref<1x256xi32, #tpu.memory_space<hbm>> -> memref<256xi32, #tpu.memory_space<hbm>>
      %dma_wait3A_153 = arith.constant 0 : i32
      %dma_wait3A_154 = tpu.memref_slice %arg4[%mul3A_16, %dma_wait3A_153] : memref<1280x256xi32, #tpu.memory_space<hbm>> -> memref<1x256xi32, #tpu.memory_space<hbm>>
      %dma_wait3A_155 = tpu.memref_squeeze %dma_wait3A_154 : memref<1x256xi32, #tpu.memory_space<hbm>> -> memref<256xi32, #tpu.memory_space<hbm>>
      tpu.wait_dma2 semaphore(%arg15 : memref<!tpu.dma_semaphore, #tpu.memory_space<semaphore_mem>>) src(%dma_wait3A_155 : memref<256xi32, #tpu.memory_space<hbm>>) dst(%arg8 : memref<256xi32, #tpu.memory_space<vmem>>)
      %get3A_156 = arith.constant 128 : index
      %get3A_157 = tpu.vector_load %arg8[%get3A_156] {strides = array<i32>} : memref<256xi32, #tpu.memory_space<vmem>>, vector<16xi32>,
      %swap3A_158 = arith.constant 0 : index
      %swap3A_159 = tpu.vector_load %arg10[%swap3A_158] {strides = array<i32>} : memref<128xi32, #tpu.memory_space<vmem>>, vector<16xi32>,
      %swap3A_160 = vector.shape_cast %swap3A_159 : vector<16xi32> to vector<16xi32>
      %swap3A_161 = vector.shape_cast %get3A_157 : vector<16xi32> to vector<16xi32>
      tpu.vector_store %arg10[%swap3A_158], %swap3A_161 {strides = array<i32>} : memref<128xi32, #tpu.memory_space<vmem>>, vector<16xi32>,
      %get3A_162 = arith.constant 144 : index
      %get3A_163 = tpu.vector_load %arg8[%get3A_162] {strides = array<i32>} : memref<256xi32, #tpu.memory_space<vmem>>, vector<16xi32>,
      %swap3A_164 = arith.constant 16 : index
      %swap3A_165 = tpu.vector_load %arg10[%swap3A_164] {strides = array<i32>} : memref<128xi32, #tpu.memory_space<vmem>>, vector<16xi32>,
      %swap3A_166 = vector.shape_cast %swap3A_165 : vector<16xi32> to vector<16xi32>
      %swap3A_167 = vector.shape_cast %get3A_163 : vector<16xi32> to vector<16xi32>
      tpu.vector_store %arg10[%swap3A_164], %swap3A_167 {strides = array<i32>} : memref<128xi32, #tpu.memory_space<vmem>>, vector<16xi32>,
      %get3A_168 = arith.constant 160 : index
      %get3A_169 = tpu.vector_load %arg8[%get3A_168] {strides = array<i32>} : memref<256xi32, #tpu.memory_space<vmem>>, vector<16xi32>,
      %swap3A_170 = arith.constant 32 : index
      %swap3A_171 = tpu.vector_load %arg10[%swap3A_170] {strides = array<i32>} : memref<128xi32, #tpu.memory_space<vmem>>, vector<16xi32>,
      %swap3A_172 = vector.shape_cast %swap3A_171 : vector<16xi32> to vector<16xi32>
      %swap3A_173 = vector.shape_cast %get3A_169 : vector<16xi32> to vector<16xi32>
      tpu.vector_store %arg10[%swap3A_170], %swap3A_173 {strides = array<i32>} : memref<128xi32, #tpu.memory_space<vmem>>, vector<16xi32>,
      %get3A_174 = arith.constant 176 : index
      %get3A_175 = tpu.vector_load %arg8[%get3A_174] {strides = array<i32>} : memref<256xi32, #tpu.memory_space<vmem>>, vector<16xi32>,
      %swap3A_176 = arith.constant 48 : index
      %swap3A_177 = tpu.vector_load %arg10[%swap3A_176] {strides = array<i32>} : memref<128xi32, #tpu.memory_space<vmem>>, vector<16xi32>,
      %swap3A_178 = vector.shape_cast %swap3A_177 : vector<16xi32> to vector<16xi32>
      %swap3A_179 = vector.shape_cast %get3A_175 : vector<16xi32> to vector<16xi32>
      tpu.vector_store %arg10[%swap3A_176], %swap3A_179 {strides = array<i32>} : memref<128xi32, #tpu.memory_space<vmem>>, vector<16xi32>,
      %get3A_180 = arith.constant 192 : index
      %get3A_181 = tpu.vector_load %arg8[%get3A_180] {strides = array<i32>} : memref<256xi32, #tpu.memory_space<vmem>>, vector<16xi32>,
      %swap3A_182 = arith.constant 64 : index
      %swap3A_183 = tpu.vector_load %arg10[%swap3A_182] {strides = array<i32>} : memref<128xi32, #tpu.memory_space<vmem>>, vector<16xi32>,
      %swap3A_184 = vector.shape_cast %swap3A_183 : vector<16xi32> to vector<16xi32>
      %swap3A_185 = vector.shape_cast %get3A_181 : vector<16xi32> to vector<16xi32>
      tpu.vector_store %arg10[%swap3A_182], %swap3A_185 {strides = array<i32>} : memref<128xi32, #tpu.memory_space<vmem>>, vector<16xi32>,
      %get3A_186 = arith.constant 208 : index
      %get3A_187 = tpu.vector_load %arg8[%get3A_186] {strides = array<i32>} : memref<256xi32, #tpu.memory_space<vmem>>, vector<16xi32>,
      %swap3A_188 = arith.constant 80 : index
      %swap3A_189 = tpu.vector_load %arg10[%swap3A_188] {strides = array<i32>} : memref<128xi32, #tpu.memory_space<vmem>>, vector<16xi32>,
      %swap3A_190 = vector.shape_cast %swap3A_189 : vector<16xi32> to vector<16xi32>
      %swap3A_191 = vector.shape_cast %get3A_187 : vector<16xi32> to vector<16xi32>
      tpu.vector_store %arg10[%swap3A_188], %swap3A_191 {strides = array<i32>} : memref<128xi32, #tpu.memory_space<vmem>>, vector<16xi32>,
      %get3A_192 = arith.constant 224 : index
      %get3A_193 = tpu.vector_load %arg8[%get3A_192] {strides = array<i32>} : memref<256xi32, #tpu.memory_space<vmem>>, vector<16xi32>,
      %swap3A_194 = arith.constant 96 : index
      %swap3A_195 = tpu.vector_load %arg10[%swap3A_194] {strides = array<i32>} : memref<128xi32, #tpu.memory_space<vmem>>, vector<16xi32>,
      %swap3A_196 = vector.shape_cast %swap3A_195 : vector<16xi32> to vector<16xi32>
      %swap3A_197 = vector.shape_cast %get3A_193 : vector<16xi32> to vector<16xi32>
      tpu.vector_store %arg10[%swap3A_194], %swap3A_197 {strides = array<i32>} : memref<128xi32, #tpu.memory_space<vmem>>, vector<16xi32>,
      %get3A_198 = arith.constant 240 : index
      %get3A_199 = tpu.vector_load %arg8[%get3A_198] {strides = array<i32>} : memref<256xi32, #tpu.memory_space<vmem>>, vector<16xi32>,
      %swap3A_200 = arith.constant 112 : index
      %swap3A_201 = tpu.vector_load %arg10[%swap3A_200] {strides = array<i32>} : memref<128xi32, #tpu.memory_space<vmem>>, vector<16xi32>,
      %swap3A_202 = vector.shape_cast %swap3A_201 : vector<16xi32> to vector<16xi32>
      %swap3A_203 = vector.shape_cast %get3A_199 : vector<16xi32> to vector<16xi32>
      tpu.vector_store %arg10[%swap3A_200], %swap3A_203 {strides = array<i32>} : memref<128xi32, #tpu.memory_space<vmem>>, vector<16xi32>,
      %eq3A_204 = arith.constant 0 : i32
      %eq3A_205 = arith.cmpi eq, %arg0, %eq3A_204 : i32
      %convert_element_type3A_206 = arith.extui %eq3A_205 : i1 to i32
      %cond3A_207 = arith.constant 0 : i32
      %cond3A_208 = arith.cmpi ne, %convert_element_type3A_206, %cond3A_207 : i32
      scf.if %cond3A_208 {
        %dma_start3A_227 = arith.constant 0 : i32
        %dma_start3A_228 = tpu.memref_slice %arg8[%dma_start3A_227] : memref<256xi32, #tpu.memory_space<vmem>> -> memref<128xi32, #tpu.memory_space<vmem>>
        %dma_start3A_229 = arith.constant 0 : i32
        %dma_start3A_230 = arith.constant 0 : i32
        %dma_start3A_231 = tpu.memref_slice %arg2[%dma_start3A_229, %dma_start3A_230] : memref<10000x128xf32, #tpu.memory_space<hbm>> -> memref<10000x128xf32, #tpu.memory_space<hbm>>
        tpu.enqueue_indirect_dma source(%dma_start3A_231 : memref<10000x128xf32, #tpu.memory_space<hbm>>) target(%arg12 : memref<128x128xf32, #tpu.memory_space<vmem>>) offsets(%dma_start3A_228 : memref<128xi32, #tpu.memory_space<vmem>>) semaphore(%arg17 : memref<!tpu.dma_semaphore, #tpu.memory_space<semaphore_mem>>)
      } else {
      }
      %eq3A_209 = arith.constant 1 : i32
      %eq3A_210 = arith.cmpi eq, %arg0, %eq3A_209 : i32
      %convert_element_type3A_211 = arith.extui %eq3A_210 : i1 to i32
      %cond3A_212 = arith.constant 0 : i32
      %cond3A_213 = arith.cmpi ne, %convert_element_type3A_211, %cond3A_212 : i32
      scf.if %cond3A_213 {
        %dma_start3A_227 = arith.constant 0 : i32
        %dma_start3A_228 = tpu.memref_slice %arg8[%dma_start3A_227] : memref<256xi32, #tpu.memory_space<vmem>> -> memref<128xi32, #tpu.memory_space<vmem>>
        %dma_start3A_229 = arith.constant 0 : i32
        %dma_start3A_230 = arith.constant 0 : i32
        %dma_start3A_231 = tpu.memref_slice %arg3[%dma_start3A_229, %dma_start3A_230] : memref<10000x128xf32, #tpu.memory_space<hbm>> -> memref<10000x128xf32, #tpu.memory_space<hbm>>
        tpu.enqueue_indirect_dma source(%dma_start3A_231 : memref<10000x128xf32, #tpu.memory_space<hbm>>) target(%arg12 : memref<128x128xf32, #tpu.memory_space<vmem>>) offsets(%dma_start3A_228 : memref<128xi32, #tpu.memory_space<vmem>>) semaphore(%arg17 : memref<!tpu.dma_semaphore, #tpu.memory_space<semaphore_mem>>)
      } else {
      }
      %dma_wait3A_214 = arith.constant 0 : i32
      %dma_wait3A_215 = tpu.memref_slice %arg7[%dma_wait3A_214] : memref<256xi32, #tpu.memory_space<vmem>> -> memref<128xi32, #tpu.memory_space<vmem>>
      %dma_wait3A_216 = arith.constant 0 : i32
      %dma_wait3A_217 = arith.constant 0 : i32
      %dma_wait3A_218 = tpu.memref_slice %arg2[%dma_wait3A_216, %dma_wait3A_217] : memref<10000x128xf32, #tpu.memory_space<hbm>> -> memref<10000x128xf32, #tpu.memory_space<hbm>>
      tpu.wait_indirect_dma semaphore(%arg16 : memref<!tpu.dma_semaphore, #tpu.memory_space<semaphore_mem>>) src(%dma_wait3A_218 : memref<10000x128xf32, #tpu.memory_space<hbm>>) dst(%arg11 : memref<128x128xf32, #tpu.memory_space<vmem>>)
      %dma_start3A_219 = arith.constant 0 : i32
      %dma_start3A_220 = arith.constant 0 : i32
      %dma_start3A_221 = tpu.memref_slice %arg13[%dma_start3A_219, %dma_start3A_220] : memref<10008x128xf32, #tpu.memory_space<vmem_shared>> -> memref<10008x128xf32, #tpu.memory_space<vmem_shared>>
      tpu.enqueue_indirect_dma source(%arg11 : memref<128x128xf32, #tpu.memory_space<vmem>>) target(%dma_start3A_221 : memref<10008x128xf32, #tpu.memory_space<vmem_shared>>) offsets(%arg9 : memref<128xi32, #tpu.memory_space<vmem>>) semaphore(%arg18 : memref<!tpu.dma_semaphore, #tpu.memory_space<semaphore_mem>>) {add = true}
      %lt3A_222 = arith.constant 39 : i32
      %lt3A_223 = arith.cmpi slt, %while3A_57, %lt3A_222 : i32
      %convert_element_type3A_224 = arith.extui %lt3A_223 : i1 to i32
      %cond3A_225 = arith.constant 0 : i32
      %cond3A_226 = arith.cmpi ne, %convert_element_type3A_224, %cond3A_225 : i32
      scf.if %cond3A_226 {
        %add3A_227 = arith.addi %mul3A_16, %add3A_144 : i32
        %add3A_228 = arith.constant 1 : i32
        %add3A_229 = arith.addi %add3A_227, %add3A_228 : i32
        %dma_start3A_230 = arith.constant 0 : i32
        %dma_start3A_231 = tpu.memref_slice %arg4[%add3A_229, %dma_start3A_230] : memref<1280x256xi32, #tpu.memory_space<hbm>> -> memref<1x256xi32, #tpu.memory_space<hbm>>
        %dma_start3A_232 = tpu.memref_squeeze %dma_start3A_231 : memref<1x256xi32, #tpu.memory_space<hbm>> -> memref<256xi32, #tpu.memory_space<hbm>>
        %dma_start3A_233 = arith.constant 0 : i32
        %dma_start3A_234 = tpu.memref_slice %arg4[%add3A_229, %dma_start3A_233] : memref<1280x256xi32, #tpu.memory_space<hbm>> -> memref<1x256xi32, #tpu.memory_space<hbm>>
        %dma_start3A_235 = tpu.memref_squeeze %dma_start3A_234 : memref<1x256xi32, #tpu.memory_space<hbm>> -> memref<256xi32, #tpu.memory_space<hbm>>
        tpu.enqueue_dma source(%dma_start3A_235 : memref<256xi32, #tpu.memory_space<hbm>>) target(%arg7 : memref<256xi32, #tpu.memory_space<vmem>>) target_semaphore(%arg14 : memref<!tpu.dma_semaphore, #tpu.memory_space<semaphore_mem>>)
      } else {
      }
    }
    %while3A_32 = arith.constant 1 : i32
    scf.for %while3A_57 = %while3A_30 to %while3A_26 step %while3A_32  : i32 {
      %mul3A_58 = arith.constant 2 : i32
      %mul3A_59 = arith.muli %mul3A_58, %while3A_57 : i32
      %add3A = arith.constant 0 : i32
      %add3A_60 = arith.addi %mul3A_59, %add3A : i32
      %gt3A = arith.constant 0 : i32
      %gt3A_61 = arith.cmpi sgt, %while3A_57, %gt3A : i32
      %convert_element_type3A_62 = arith.extui %gt3A_61 : i1 to i32
      %cond3A_63 = arith.constant 0 : i32
      %cond3A_64 = arith.cmpi ne, %convert_element_type3A_62, %cond3A_63 : i32
      scf.if %cond3A_64 {
        %dma_wait3A_227 = arith.constant 0 : i32
        %dma_wait3A_228 = arith.constant 0 : i32
        %dma_wait3A_229 = tpu.memref_slice %arg13[%dma_wait3A_227, %dma_wait3A_228] : memref<10008x128xf32, #tpu.memory_space<vmem_shared>> -> memref<10008x128xf32, #tpu.memory_space<vmem_shared>>
        tpu.wait_indirect_dma semaphore(%arg18 : memref<!tpu.dma_semaphore, #tpu.memory_space<semaphore_mem>>) src(%arg11 : memref<128x128xf32, #tpu.memory_space<vmem>>) dst(%dma_wait3A_229 : memref<10008x128xf32, #tpu.memory_space<vmem_shared>>)
      } else {
      }
      %dma_wait3A_65 = arith.constant 0 : i32
      %dma_wait3A_66 = tpu.memref_slice %arg4[%mul3A_16, %dma_wait3A_65] : memref<1280x256xi32, #tpu.memory_space<hbm>> -> memref<1x256xi32, #tpu.memory_space<hbm>>
      %dma_wait3A_67 = tpu.memref_squeeze %dma_wait3A_66 : memref<1x256xi32, #tpu.memory_space<hbm>> -> memref<256xi32, #tpu.memory_space<hbm>>
      %dma_wait3A_68 = arith.constant 0 : i32
      %dma_wait3A_69 = tpu.memref_slice %arg4[%mul3A_16, %dma_wait3A_68] : memref<1280x256xi32, #tpu.memory_space<hbm>> -> memref<1x256xi32, #tpu.memory_space<hbm>>
      %dma_wait3A_70 = tpu.memref_squeeze %dma_wait3A_69 : memref<1x256xi32, #tpu.memory_space<hbm>> -> memref<256xi32, #tpu.memory_space<hbm>>
      tpu.wait_dma2 semaphore(%arg14 : memref<!tpu.dma_semaphore, #tpu.memory_space<semaphore_mem>>) src(%dma_wait3A_70 : memref<256xi32, #tpu.memory_space<hbm>>) dst(%arg7 : memref<256xi32, #tpu.memory_space<vmem>>)
      %get3A = arith.constant 128 : index
      %get3A_71 = tpu.vector_load %arg7[%get3A] {strides = array<i32>} : memref<256xi32, #tpu.memory_space<vmem>>, vector<16xi32>,
      %swap3A = arith.constant 0 : index
      %swap3A_72 = tpu.vector_load %arg9[%swap3A] {strides = array<i32>} : memref<128xi32, #tpu.memory_space<vmem>>, vector<16xi32>,
      %swap3A_73 = vector.shape_cast %swap3A_72 : vector<16xi32> to vector<16xi32>
      %swap3A_74 = vector.shape_cast %get3A_71 : vector<16xi32> to vector<16xi32>
      tpu.vector_store %arg9[%swap3A], %swap3A_74 {strides = array<i32>} : memref<128xi32, #tpu.memory_space<vmem>>, vector<16xi32>,
      %get3A_75 = arith.constant 144 : index
      %get3A_76 = tpu.vector_load %arg7[%get3A_75] {strides = array<i32>} : memref<256xi32, #tpu.memory_space<vmem>>, vector<16xi32>,
      %swap3A_77 = arith.constant 16 : index
      %swap3A_78 = tpu.vector_load %arg9[%swap3A_77] {strides = array<i32>} : memref<128xi32, #tpu.memory_space<vmem>>, vector<16xi32>,
      %swap3A_79 = vector.shape_cast %swap3A_78 : vector<16xi32> to vector<16xi32>
      %swap3A_80 = vector.shape_cast %get3A_76 : vector<16xi32> to vector<16xi32>
      tpu.vector_store %arg9[%swap3A_77], %swap3A_80 {strides = array<i32>} : memref<128xi32, #tpu.memory_space<vmem>>, vector<16xi32>,
      %get3A_81 = arith.constant 160 : index
      %get3A_82 = tpu.vector_load %arg7[%get3A_81] {strides = array<i32>} : memref<256xi32, #tpu.memory_space<vmem>>, vector<16xi32>,
      %swap3A_83 = arith.constant 32 : index
      %swap3A_84 = tpu.vector_load %arg9[%swap3A_83] {strides = array<i32>} : memref<128xi32, #tpu.memory_space<vmem>>, vector<16xi32>,
      %swap3A_85 = vector.shape_cast %swap3A_84 : vector<16xi32> to vector<16xi32>
      %swap3A_86 = vector.shape_cast %get3A_82 : vector<16xi32> to vector<16xi32>
      tpu.vector_store %arg9[%swap3A_83], %swap3A_86 {strides = array<i32>} : memref<128xi32, #tpu.memory_space<vmem>>, vector<16xi32>,
      %get3A_87 = arith.constant 176 : index
      %get3A_88 = tpu.vector_load %arg7[%get3A_87] {strides = array<i32>} : memref<256xi32, #tpu.memory_space<vmem>>, vector<16xi32>,
      %swap3A_89 = arith.constant 48 : index
      %swap3A_90 = tpu.vector_load %arg9[%swap3A_89] {strides = array<i32>} : memref<128xi32, #tpu.memory_space<vmem>>, vector<16xi32>,
      %swap3A_91 = vector.shape_cast %swap3A_90 : vector<16xi32> to vector<16xi32>
      %swap3A_92 = vector.shape_cast %get3A_88 : vector<16xi32> to vector<16xi32>
      tpu.vector_store %arg9[%swap3A_89], %swap3A_92 {strides = array<i32>} : memref<128xi32, #tpu.memory_space<vmem>>, vector<16xi32>,
      %get3A_93 = arith.constant 192 : index
      %get3A_94 = tpu.vector_load %arg7[%get3A_93] {strides = array<i32>} : memref<256xi32, #tpu.memory_space<vmem>>, vector<16xi32>,
      %swap3A_95 = arith.constant 64 : index
      %swap3A_96 = tpu.vector_load %arg9[%swap3A_95] {strides = array<i32>} : memref<128xi32, #tpu.memory_space<vmem>>, vector<16xi32>,
      %swap3A_97 = vector.shape_cast %swap3A_96 : vector<16xi32> to vector<16xi32>
      %swap3A_98 = vector.shape_cast %get3A_94 : vector<16xi32> to vector<16xi32>
      tpu.vector_store %arg9[%swap3A_95], %swap3A_98 {strides = array<i32>} : memref<128xi32, #tpu.memory_space<vmem>>, vector<16xi32>,
      %get3A_99 = arith.constant 208 : index
      %get3A_100 = tpu.vector_load %arg7[%get3A_99] {strides = array<i32>} : memref<256xi32, #tpu.memory_space<vmem>>, vector<16xi32>,
      %swap3A_101 = arith.constant 80 : index
      %swap3A_102 = tpu.vector_load %arg9[%swap3A_101] {strides = array<i32>} : memref<128xi32, #tpu.memory_space<vmem>>, vector<16xi32>,
      %swap3A_103 = vector.shape_cast %swap3A_102 : vector<16xi32> to vector<16xi32>
      %swap3A_104 = vector.shape_cast %get3A_100 : vector<16xi32> to vector<16xi32>
      tpu.vector_store %arg9[%swap3A_101], %swap3A_104 {strides = array<i32>} : memref<128xi32, #tpu.memory_space<vmem>>, vector<16xi32>,
      %get3A_105 = arith.constant 224 : index
      %get3A_106 = tpu.vector_load %arg7[%get3A_105] {strides = array<i32>} : memref<256xi32, #tpu.memory_space<vmem>>, vector<16xi32>,
      %swap3A_107 = arith.constant 96 : index
      %swap3A_108 = tpu.vector_load %arg9[%swap3A_107] {strides = array<i32>} : memref<128xi32, #tpu.memory_space<vmem>>, vector<16xi32>,
      %swap3A_109 = vector.shape_cast %swap3A_108 : vector<16xi32> to vector<16xi32>
      %swap3A_110 = vector.shape_cast %get3A_106 : vector<16xi32> to vector<16xi32>
      tpu.vector_store %arg9[%swap3A_107], %swap3A_110 {strides = array<i32>} : memref<128xi32, #tpu.memory_space<vmem>>, vector<16xi32>,
      %get3A_111 = arith.constant 240 : index
      %get3A_112 = tpu.vector_load %arg7[%get3A_111] {strides = array<i32>} : memref<256xi32, #tpu.memory_space<vmem>>, vector<16xi32>,
      %swap3A_113 = arith.constant 112 : index
      %swap3A_114 = tpu.vector_load %arg9[%swap3A_113] {strides = array<i32>} : memref<128xi32, #tpu.memory_space<vmem>>, vector<16xi32>,
      %swap3A_115 = vector.shape_cast %swap3A_114 : vector<16xi32> to vector<16xi32>
      %swap3A_116 = vector.shape_cast %get3A_112 : vector<16xi32> to vector<16xi32>
      tpu.vector_store %arg9[%swap3A_113], %swap3A_116 {strides = array<i32>} : memref<128xi32, #tpu.memory_space<vmem>>, vector<16xi32>,
      %eq3A_117 = arith.constant 0 : i32
      %eq3A_118 = arith.cmpi eq, %arg0, %eq3A_117 : i32
      %convert_element_type3A_119 = arith.extui %eq3A_118 : i1 to i32
      %cond3A_120 = arith.constant 0 : i32
      %cond3A_121 = arith.cmpi ne, %convert_element_type3A_119, %cond3A_120 : i32
      scf.if %cond3A_121 {
        %dma_start3A_227 = arith.constant 0 : i32
        %dma_start3A_228 = tpu.memref_slice %arg7[%dma_start3A_227] : memref<256xi32, #tpu.memory_space<vmem>> -> memref<128xi32, #tpu.memory_space<vmem>>
        %dma_start3A_229 = arith.constant 0 : i32
        %dma_start3A_230 = arith.constant 0 : i32
        %dma_start3A_231 = tpu.memref_slice %arg2[%dma_start3A_229, %dma_start3A_230] : memref<10000x128xf32, #tpu.memory_space<hbm>> -> memref<10000x128xf32, #tpu.memory_space<hbm>>
        tpu.enqueue_indirect_dma source(%dma_start3A_231 : memref<10000x128xf32, #tpu.memory_space<hbm>>) target(%arg11 : memref<128x128xf32, #tpu.memory_space<vmem>>) offsets(%dma_start3A_228 : memref<128xi32, #tpu.memory_space<vmem>>) semaphore(%arg16 : memref<!tpu.dma_semaphore, #tpu.memory_space<semaphore_mem>>)
      } else {
      }
      %eq3A_122 = arith.constant 1 : i32
      %eq3A_123 = arith.cmpi eq, %arg0, %eq3A_122 : i32
      %convert_element_type3A_124 = arith.extui %eq3A_123 : i1 to i32
      %cond3A_125 = arith.constant 0 : i32
      %cond3A_126 = arith.cmpi ne, %convert_element_type3A_124, %cond3A_125 : i32
      scf.if %cond3A_126 {
        %dma_start3A_227 = arith.constant 0 : i32
        %dma_start3A_228 = tpu.memref_slice %arg7[%dma_start3A_227] : memref<256xi32, #tpu.memory_space<vmem>> -> memref<128xi32, #tpu.memory_space<vmem>>
        %dma_start3A_229 = arith.constant 0 : i32
        %dma_start3A_230 = arith.constant 0 : i32
        %dma_start3A_231 = tpu.memref_slice %arg3[%dma_start3A_229, %dma_start3A_230] : memref<10000x128xf32, #tpu.memory_space<hbm>> -> memref<10000x128xf32, #tpu.memory_space<hbm>>
        tpu.enqueue_indirect_dma source(%dma_start3A_231 : memref<10000x128xf32, #tpu.memory_space<hbm>>) target(%arg11 : memref<128x128xf32, #tpu.memory_space<vmem>>) offsets(%dma_start3A_228 : memref<128xi32, #tpu.memory_space<vmem>>) semaphore(%arg16 : memref<!tpu.dma_semaphore, #tpu.memory_space<semaphore_mem>>)
      } else {
      }
      %gt3A_127 = arith.constant 0 : i32
      %gt3A_128 = arith.cmpi sgt, %while3A_57, %gt3A_127 : i32
      %convert_element_type3A_129 = arith.extui %gt3A_128 : i1 to i32
      %cond3A_130 = arith.constant 0 : i32
      %cond3A_131 = arith.cmpi ne, %convert_element_type3A_129, %cond3A_130 : i32
      scf.if %cond3A_131 {
        %dma_wait3A_227 = arith.constant 0 : i32
        %dma_wait3A_228 = tpu.memref_slice %arg8[%dma_wait3A_227] : memref<256xi32, #tpu.memory_space<vmem>> -> memref<128xi32, #tpu.memory_space<vmem>>
        %dma_wait3A_229 = arith.constant 0 : i32
        %dma_wait3A_230 = arith.constant 0 : i32
        %dma_wait3A_231 = tpu.memref_slice %arg2[%dma_wait3A_229, %dma_wait3A_230] : memref<10000x128xf32, #tpu.memory_space<hbm>> -> memref<10000x128xf32, #tpu.memory_space<hbm>>
        tpu.wait_indirect_dma semaphore(%arg17 : memref<!tpu.dma_semaphore, #tpu.memory_space<semaphore_mem>>) src(%dma_wait3A_231 : memref<10000x128xf32, #tpu.memory_space<hbm>>) dst(%arg12 : memref<128x128xf32, #tpu.memory_space<vmem>>)
        %dma_start3A_232 = arith.constant 0 : i32
        %dma_start3A_233 = arith.constant 0 : i32
        %dma_start3A_234 = tpu.memref_slice %arg13[%dma_start3A_232, %dma_start3A_233] : memref<10008x128xf32, #tpu.memory_space<vmem_shared>> -> memref<10008x128xf32, #tpu.memory_space<vmem_shared>>
        tpu.enqueue_indirect_dma source(%arg12 : memref<128x128xf32, #tpu.memory_space<vmem>>) target(%dma_start3A_234 : memref<10008x128xf32, #tpu.memory_space<vmem_shared>>) offsets(%arg10 : memref<128xi32, #tpu.memory_space<vmem>>) semaphore(%arg19 : memref<!tpu.dma_semaphore, #tpu.memory_space<semaphore_mem>>) {add = true}
      } else {
      }
      %add3A_132 = arith.addi %mul3A_16, %add3A_60 : i32
      %add3A_133 = arith.constant 1 : i32
      %add3A_134 = arith.addi %add3A_132, %add3A_133 : i32
      %dma_start3A_135 = arith.constant 0 : i32
      %dma_start3A_136 = tpu.memref_slice %arg4[%add3A_134, %dma_start3A_135] : memref<1280x256xi32, #tpu.memory_space<hbm>> -> memref<1x256xi32, #tpu.memory_space<hbm>>
      %dma_start3A_137 = tpu.memref_squeeze %dma_start3A_136 : memref<1x256xi32, #tpu.memory_space<hbm>> -> memref<256xi32, #tpu.memory_space<hbm>>
      %dma_start3A_138 = arith.constant 0 : i32
      %dma_start3A_139 = tpu.memref_slice %arg4[%add3A_134, %dma_start3A_138] : memref<1280x256xi32, #tpu.memory_space<hbm>> -> memref<1x256xi32, #tpu.memory_space<hbm>>
      %dma_start3A_140 = tpu.memref_squeeze %dma_start3A_139 : memref<1x256xi32, #tpu.memory_space<hbm>> -> memref<256xi32, #tpu.memory_space<hbm>>
      tpu.enqueue_dma source(%dma_start3A_140 : memref<256xi32, #tpu.memory_space<hbm>>) target(%arg8 : memref<256xi32, #tpu.memory_space<vmem>>) target_semaphore(%arg15 : memref<!tpu.dma_semaphore, #tpu.memory_space<semaphore_mem>>)
      %mul3A_141 = arith.constant 2 : i32
      %mul3A_142 = arith.muli %mul3A_141, %while3A_57 : i32
      %add3A_143 = arith.constant 1 : i32
      %add3A_144 = arith.addi %mul3A_142, %add3A_143 : i32
      %gt3A_145 = arith.constant 0 : i32
      %gt3A_146 = arith.cmpi sgt, %while3A_57, %gt3A_145 : i32
      %convert_element_type3A_147 = arith.extui %gt3A_146 : i1 to i32
      %cond3A_148 = arith.constant 0 : i32
      %cond3A_149 = arith.cmpi ne, %convert_element_type3A_147, %cond3A_148 : i32
      scf.if %cond3A_149 {
        %dma_wait3A_227 = arith.constant 0 : i32
        %dma_wait3A_228 = arith.constant 0 : i32
        %dma_wait3A_229 = tpu.memref_slice %arg13[%dma_wait3A_227, %dma_wait3A_228] : memref<10008x128xf32, #tpu.memory_space<vmem_shared>> -> memref<10008x128xf32, #tpu.memory_space<vmem_shared>>
        tpu.wait_indirect_dma semaphore(%arg19 : memref<!tpu.dma_semaphore, #tpu.memory_space<semaphore_mem>>) src(%arg12 : memref<128x128xf32, #tpu.memory_space<vmem>>) dst(%dma_wait3A_229 : memref<10008x128xf32, #tpu.memory_space<vmem_shared>>)
      } else {
      }
      %dma_wait3A_150 = arith.constant 0 : i32
      %dma_wait3A_151 = tpu.memref_slice %arg4[%mul3A_16, %dma_wait3A_150] : memref<1280x256xi32, #tpu.memory_space<hbm>> -> memref<1x256xi32, #tpu.memory_space<hbm>>
      %dma_wait3A_152 = tpu.memref_squeeze %dma_wait3A_151 : memref<1x256xi32, #tpu.memory_space<hbm>> -> memref<256xi32, #tpu.memory_space<hbm>>
      %dma_wait3A_153 = arith.constant 0 : i32
      %dma_wait3A_154 = tpu.memref_slice %arg4[%mul3A_16, %dma_wait3A_153] : memref<1280x256xi32, #tpu.memory_space<hbm>> -> memref<1x256xi32, #tpu.memory_space<hbm>>
      %dma_wait3A_155 = tpu.memref_squeeze %dma_wait3A_154 : memref<1x256xi32, #tpu.memory_space<hbm>> -> memref<256xi32, #tpu.memory_space<hbm>>
      tpu.wait_dma2 semaphore(%arg15 : memref<!tpu.dma_semaphore, #tpu.memory_space<semaphore_mem>>) src(%dma_wait3A_155 : memref<256xi32, #tpu.memory_space<hbm>>) dst(%arg8 : memref<256xi32, #tpu.memory_space<vmem>>)
      %get3A_156 = arith.constant 128 : index
      %get3A_157 = tpu.vector_load %arg8[%get3A_156] {strides = array<i32>} : memref<256xi32, #tpu.memory_space<vmem>>, vector<16xi32>,
      %swap3A_158 = arith.constant 0 : index
      %swap3A_159 = tpu.vector_load %arg10[%swap3A_158] {strides = array<i32>} : memref<128xi32, #tpu.memory_space<vmem>>, vector<16xi32>,
      %swap3A_160 = vector.shape_cast %swap3A_159 : vector<16xi32> to vector<16xi32>
      %swap3A_161 = vector.shape_cast %get3A_157 : vector<16xi32> to vector<16xi32>
      tpu.vector_store %arg10[%swap3A_158], %swap3A_161 {strides = array<i32>} : memref<128xi32, #tpu.memory_space<vmem>>, vector<16xi32>,
      %get3A_162 = arith.constant 144 : index
      %get3A_163 = tpu.vector_load %arg8[%get3A_162] {strides = array<i32>} : memref<256xi32, #tpu.memory_space<vmem>>, vector<16xi32>,
      %swap3A_164 = arith.constant 16 : index
      %swap3A_165 = tpu.vector_load %arg10[%swap3A_164] {strides = array<i32>} : memref<128xi32, #tpu.memory_space<vmem>>, vector<16xi32>,
      %swap3A_166 = vector.shape_cast %swap3A_165 : vector<16xi32> to vector<16xi32>
      %swap3A_167 = vector.shape_cast %get3A_163 : vector<16xi32> to vector<16xi32>
      tpu.vector_store %arg10[%swap3A_164], %swap3A_167 {strides = array<i32>} : memref<128xi32, #tpu.memory_space<vmem>>, vector<16xi32>,
      %get3A_168 = arith.constant 160 : index
      %get3A_169 = tpu.vector_load %arg8[%get3A_168] {strides = array<i32>} : memref<256xi32, #tpu.memory_space<vmem>>, vector<16xi32>,
      %swap3A_170 = arith.constant 32 : index
      %swap3A_171 = tpu.vector_load %arg10[%swap3A_170] {strides = array<i32>} : memref<128xi32, #tpu.memory_space<vmem>>, vector<16xi32>,
      %swap3A_172 = vector.shape_cast %swap3A_171 : vector<16xi32> to vector<16xi32>
      %swap3A_173 = vector.shape_cast %get3A_169 : vector<16xi32> to vector<16xi32>
      tpu.vector_store %arg10[%swap3A_170], %swap3A_173 {strides = array<i32>} : memref<128xi32, #tpu.memory_space<vmem>>, vector<16xi32>,
      %get3A_174 = arith.constant 176 : index
      %get3A_175 = tpu.vector_load %arg8[%get3A_174] {strides = array<i32>} : memref<256xi32, #tpu.memory_space<vmem>>, vector<16xi32>,
      %swap3A_176 = arith.constant 48 : index
      %swap3A_177 = tpu.vector_load %arg10[%swap3A_176] {strides = array<i32>} : memref<128xi32, #tpu.memory_space<vmem>>, vector<16xi32>,
      %swap3A_178 = vector.shape_cast %swap3A_177 : vector<16xi32> to vector<16xi32>
      %swap3A_179 = vector.shape_cast %get3A_175 : vector<16xi32> to vector<16xi32>
      tpu.vector_store %arg10[%swap3A_176], %swap3A_179 {strides = array<i32>} : memref<128xi32, #tpu.memory_space<vmem>>, vector<16xi32>,
      %get3A_180 = arith.constant 192 : index
      %get3A_181 = tpu.vector_load %arg8[%get3A_180] {strides = array<i32>} : memref<256xi32, #tpu.memory_space<vmem>>, vector<16xi32>,
      %swap3A_182 = arith.constant 64 : index
      %swap3A_183 = tpu.vector_load %arg10[%swap3A_182] {strides = array<i32>} : memref<128xi32, #tpu.memory_space<vmem>>, vector<16xi32>,
      %swap3A_184 = vector.shape_cast %swap3A_183 : vector<16xi32> to vector<16xi32>
      %swap3A_185 = vector.shape_cast %get3A_181 : vector<16xi32> to vector<16xi32>
      tpu.vector_store %arg10[%swap3A_182], %swap3A_185 {strides = array<i32>} : memref<128xi32, #tpu.memory_space<vmem>>, vector<16xi32>,
      %get3A_186 = arith.constant 208 : index
      %get3A_187 = tpu.vector_load %arg8[%get3A_186] {strides = array<i32>} : memref<256xi32, #tpu.memory_space<vmem>>, vector<16xi32>,
      %swap3A_188 = arith.constant 80 : index
      %swap3A_189 = tpu.vector_load %arg10[%swap3A_188] {strides = array<i32>} : memref<128xi32, #tpu.memory_space<vmem>>, vector<16xi32>,
      %swap3A_190 = vector.shape_cast %swap3A_189 : vector<16xi32> to vector<16xi32>
      %swap3A_191 = vector.shape_cast %get3A_187 : vector<16xi32> to vector<16xi32>
      tpu.vector_store %arg10[%swap3A_188], %swap3A_191 {strides = array<i32>} : memref<128xi32, #tpu.memory_space<vmem>>, vector<16xi32>,
      %get3A_192 = arith.constant 224 : index
      %get3A_193 = tpu.vector_load %arg8[%get3A_192] {strides = array<i32>} : memref<256xi32, #tpu.memory_space<vmem>>, vector<16xi32>,
      %swap3A_194 = arith.constant 96 : index
      %swap3A_195 = tpu.vector_load %arg10[%swap3A_194] {strides = array<i32>} : memref<128xi32, #tpu.memory_space<vmem>>, vector<16xi32>,
      %swap3A_196 = vector.shape_cast %swap3A_195 : vector<16xi32> to vector<16xi32>
      %swap3A_197 = vector.shape_cast %get3A_193 : vector<16xi32> to vector<16xi32>
      tpu.vector_store %arg10[%swap3A_194], %swap3A_197 {strides = array<i32>} : memref<128xi32, #tpu.memory_space<vmem>>, vector<16xi32>,
      %get3A_198 = arith.constant 240 : index
      %get3A_199 = tpu.vector_load %arg8[%get3A_198] {strides = array<i32>} : memref<256xi32, #tpu.memory_space<vmem>>, vector<16xi32>,
      %swap3A_200 = arith.constant 112 : index
      %swap3A_201 = tpu.vector_load %arg10[%swap3A_200] {strides = array<i32>} : memref<128xi32, #tpu.memory_space<vmem>>, vector<16xi32>,
      %swap3A_202 = vector.shape_cast %swap3A_201 : vector<16xi32> to vector<16xi32>
      %swap3A_203 = vector.shape_cast %get3A_199 : vector<16xi32> to vector<16xi32>
      tpu.vector_store %arg10[%swap3A_200], %swap3A_203 {strides = array<i32>} : memref<128xi32, #tpu.memory_space<vmem>>, vector<16xi32>,
      %eq3A_204 = arith.constant 0 : i32
      %eq3A_205 = arith.cmpi eq, %arg0, %eq3A_204 : i32
      %convert_element_type3A_206 = arith.extui %eq3A_205 : i1 to i32
      %cond3A_207 = arith.constant 0 : i32
      %cond3A_208 = arith.cmpi ne, %convert_element_type3A_206, %cond3A_207 : i32
      scf.if %cond3A_208 {
        %dma_start3A_227 = arith.constant 0 : i32
        %dma_start3A_228 = tpu.memref_slice %arg8[%dma_start3A_227] : memref<256xi32, #tpu.memory_space<vmem>> -> memref<128xi32, #tpu.memory_space<vmem>>
        %dma_start3A_229 = arith.constant 0 : i32
        %dma_start3A_230 = arith.constant 0 : i32
        %dma_start3A_231 = tpu.memref_slice %arg2[%dma_start3A_229, %dma_start3A_230] : memref<10000x128xf32, #tpu.memory_space<hbm>> -> memref<10000x128xf32, #tpu.memory_space<hbm>>
        tpu.enqueue_indirect_dma source(%dma_start3A_231 : memref<10000x128xf32, #tpu.memory_space<hbm>>) target(%arg12 : memref<128x128xf32, #tpu.memory_space<vmem>>) offsets(%dma_start3A_228 : memref<128xi32, #tpu.memory_space<vmem>>) semaphore(%arg17 : memref<!tpu.dma_semaphore, #tpu.memory_space<semaphore_mem>>)
      } else {
      }
      %eq3A_209 = arith.constant 1 : i32
      %eq3A_210 = arith.cmpi eq, %arg0, %eq3A_209 : i32
      %convert_element_type3A_211 = arith.extui %eq3A_210 : i1 to i32
      %cond3A_212 = arith.constant 0 : i32
      %cond3A_213 = arith.cmpi ne, %convert_element_type3A_211, %cond3A_212 : i32
      scf.if %cond3A_213 {
        %dma_start3A_227 = arith.constant 0 : i32
        %dma_start3A_228 = tpu.memref_slice %arg8[%dma_start3A_227] : memref<256xi32, #tpu.memory_space<vmem>> -> memref<128xi32, #tpu.memory_space<vmem>>
        %dma_start3A_229 = arith.constant 0 : i32
        %dma_start3A_230 = arith.constant 0 : i32
        %dma_start3A_231 = tpu.memref_slice %arg3[%dma_start3A_229, %dma_start3A_230] : memref<10000x128xf32, #tpu.memory_space<hbm>> -> memref<10000x128xf32, #tpu.memory_space<hbm>>
        tpu.enqueue_indirect_dma source(%dma_start3A_231 : memref<10000x128xf32, #tpu.memory_space<hbm>>) target(%arg12 : memref<128x128xf32, #tpu.memory_space<vmem>>) offsets(%dma_start3A_228 : memref<128xi32, #tpu.memory_space<vmem>>) semaphore(%arg17 : memref<!tpu.dma_semaphore, #tpu.memory_space<semaphore_mem>>)
      } else {
      }
      %dma_wait3A_214 = arith.constant 0 : i32
      %dma_wait3A_215 = tpu.memref_slice %arg7[%dma_wait3A_214] : memref<256xi32, #tpu.memory_space<vmem>> -> memref<128xi32, #tpu.memory_space<vmem>>
      %dma_wait3A_216 = arith.constant 0 : i32
      %dma_wait3A_217 = arith.constant 0 : i32
      %dma_wait3A_218 = tpu.memref_slice %arg2[%dma_wait3A_216, %dma_wait3A_217] : memref<10000x128xf32, #tpu.memory_space<hbm>> -> memref<10000x128xf32, #tpu.memory_space<hbm>>
      tpu.wait_indirect_dma semaphore(%arg16 : memref<!tpu.dma_semaphore, #tpu.memory_space<semaphore_mem>>) src(%dma_wait3A_218 : memref<10000x128xf32, #tpu.memory_space<hbm>>) dst(%arg11 : memref<128x128xf32, #tpu.memory_space<vmem>>)
      %dma_start3A_219 = arith.constant 0 : i32
      %dma_start3A_220 = arith.constant 0 : i32
      %dma_start3A_221 = tpu.memref_slice %arg13[%dma_start3A_219, %dma_start3A_220] : memref<10008x128xf32, #tpu.memory_space<vmem_shared>> -> memref<10008x128xf32, #tpu.memory_space<vmem_shared>>
      tpu.enqueue_indirect_dma source(%arg11 : memref<128x128xf32, #tpu.memory_space<vmem>>) target(%dma_start3A_221 : memref<10008x128xf32, #tpu.memory_space<vmem_shared>>) offsets(%arg9 : memref<128xi32, #tpu.memory_space<vmem>>) semaphore(%arg18 : memref<!tpu.dma_semaphore, #tpu.memory_space<semaphore_mem>>) {add = true}
      %lt3A_222 = arith.constant 39 : i32
      %lt3A_223 = arith.cmpi slt, %while3A_57, %lt3A_222 : i32
      %convert_element_type3A_224 = arith.extui %lt3A_223 : i1 to i32
      %cond3A_225 = arith.constant 0 : i32
      %cond3A_226 = arith.cmpi ne, %convert_element_type3A_224, %cond3A_225 : i32
      scf.if %cond3A_226 {
        %add3A_227 = arith.addi %mul3A_16, %add3A_144 : i32
        %add3A_228 = arith.constant 1 : i32
        %add3A_229 = arith.addi %add3A_227, %add3A_228 : i32
        %dma_start3A_230 = arith.constant 0 : i32
        %dma_start3A_231 = tpu.memref_slice %arg4[%add3A_229, %dma_start3A_230] : memref<1280x256xi32, #tpu.memory_space<hbm>> -> memref<1x256xi32, #tpu.memory_space<hbm>>
        %dma_start3A_232 = tpu.memref_squeeze %dma_start3A_231 : memref<1x256xi32, #tpu.memory_space<hbm>> -> memref<256xi32, #tpu.memory_space<hbm>>
        %dma_start3A_233 = arith.constant 0 : i32
        %dma_start3A_234 = tpu.memref_slice %arg4[%add3A_229, %dma_start3A_233] : memref<1280x256xi32, #tpu.memory_space<hbm>> -> memref<1x256xi32, #tpu.memory_space<hbm>>
        %dma_start3A_235 = tpu.memref_squeeze %dma_start3A_234 : memref<1x256xi32, #tpu.memory_space<hbm>> -> memref<256xi32, #tpu.memory_space<hbm>>
        tpu.enqueue_dma source(%dma_start3A_235 : memref<256xi32, #tpu.memory_space<hbm>>) target(%arg7 : memref<256xi32, #tpu.memory_space<vmem>>) target_semaphore(%arg14 : memref<!tpu.dma_semaphore, #tpu.memory_space<semaphore_mem>>)
      } else {
      }
    }
    %dma_wait3A = arith.constant 0 : i32
    %dma_wait3A_33 = tpu.memref_slice %arg8[%dma_wait3A] : memref<256xi32, #tpu.memory_space<vmem>> -> memref<128xi32, #tpu.memory_space<vmem>>
    %dma_wait3A_34 = arith.constant 0 : i32
    %dma_wait3A_35 = arith.constant 0 : i32
    %dma_wait3A_36 = tpu.memref_slice %arg2[%dma_wait3A_34, %dma_wait3A_35] : memref<10000x128xf32, #tpu.memory_space<hbm>> -> memref<10000x128xf32, #tpu.memory_space<hbm>>
    tpu.wait_indirect_dma semaphore(%arg17 : memref<!tpu.dma_semaphore, #tpu.memory_space<semaphore_mem>>) src(%dma_wait3A_36 : memref<10000x128xf32, #tpu.memory_space<hbm>>) dst(%arg12 : memref<128x128xf32, #tpu.memory_space<vmem>>)
    %dma_start3A_37 = arith.constant 0 : i32
    %dma_start3A_38 = arith.constant 0 : i32
    %dma_start3A_39 = tpu.memref_slice %arg13[%dma_start3A_37, %dma_start3A_38] : memref<10008x128xf32, #tpu.memory_space<vmem_shared>> -> memref<10008x128xf32, #tpu.memory_space<vmem_shared>>
    tpu.enqueue_indirect_dma source(%arg12 : memref<128x128xf32, #tpu.memory_space<vmem>>) target(%dma_start3A_39 : memref<10008x128xf32, #tpu.memory_space<vmem_shared>>) offsets(%arg10 : memref<128xi32, #tpu.memory_space<vmem>>) semaphore(%arg19 : memref<!tpu.dma_semaphore, #tpu.memory_space<semaphore_mem>>) {add = true}
    %dma_wait3A_40 = arith.constant 0 : i32
    %dma_wait3A_41 = arith.constant 0 : i32
    %dma_wait3A_42 = tpu.memref_slice %arg13[%dma_wait3A_40, %dma_wait3A_41] : memref<10008x128xf32, #tpu.memory_space<vmem_shared>> -> memref<10008x128xf32, #tpu.memory_space<vmem_shared>>
    tpu.wait_indirect_dma semaphore(%arg18 : memref<!tpu.dma_semaphore, #tpu.memory_space<semaphore_mem>>) src(%arg11 : memref<128x128xf32, #tpu.memory_space<vmem>>) dst(%dma_wait3A_42 : memref<10008x128xf32, #tpu.memory_space<vmem_shared>>)
    %dma_wait3A_43 = arith.constant 0 : i32
    %dma_wait3A_44 = arith.constant 0 : i32
    %dma_wait3A_45 = tpu.memref_slice %arg13[%dma_wait3A_43, %dma_wait3A_44] : memref<10008x128xf32, #tpu.memory_space<vmem_shared>> -> memref<10008x128xf32, #tpu.memory_space<vmem_shared>>
    tpu.wait_indirect_dma semaphore(%arg19 : memref<!tpu.dma_semaphore, #tpu.memory_space<semaphore_mem>>) src(%arg12 : memref<128x128xf32, #tpu.memory_space<vmem>>) dst(%dma_wait3A_45 : memref<10008x128xf32, #tpu.memory_space<vmem_shared>>)
    %barrier3A_46 = arith.constant 0 : index
    tpu.barrier barrier_id(%barrier3A_46)
    %eq3A_47 = arith.constant 0 : i32
    %eq3A_48 = arith.cmpi eq, %arg0, %eq3A_47 : i32
    %convert_element_type3A_49 = arith.extui %eq3A_48 : i1 to i32
    %cond3A_50 = arith.constant 0 : i32
    %cond3A_51 = arith.cmpi ne, %convert_element_type3A_49, %cond3A_50 : i32
    scf.if %cond3A_51 {
      %lt3A_57 = arith.constant 15 : i32
      %lt3A_58 = arith.cmpi slt, %arg1, %lt3A_57 : i32
      %convert_element_type3A_59 = arith.extui %lt3A_58 : i1 to i32
      %cond3A_60 = arith.constant 0 : i32
      %cond3A_61 = arith.constant 0 : i32
      %cond3A_62 = arith.cmpi ne, %convert_element_type3A_59, %cond3A_61 : i32
      scf.if %cond3A_62 {
        %mul3A_69 = arith.constant 624 : i32
        %mul3A_70 = arith.muli %arg1, %mul3A_69 : i32
        %add3A = arith.addi %cond3A_60, %mul3A_70 : i32
        "tpu.region"() ({
          %run_scoped3A = tpu.sem_alloc : memref<!tpu.dma_semaphore, #tpu.memory_space<semaphore_mem>>
          %dma_start3A_71 = arith.constant 0 : i32
          %dma_start3A_72 = tpu.memref_slice %arg5[%add3A, %dma_start3A_71] : memref<10000x128xf32, #tpu.memory_space<hbm>> -> memref<624x128xf32, #tpu.memory_space<hbm>>
          %dma_start3A_73 = arith.constant 0 : i32
          %dma_start3A_74 = tpu.memref_slice %arg13[%mul3A_70, %dma_start3A_73] : memref<10008x128xf32, #tpu.memory_space<vmem_shared>> -> memref<624x128xf32, #tpu.memory_space<vmem_shared>>
          tpu.enqueue_dma source(%dma_start3A_74 : memref<624x128xf32, #tpu.memory_space<vmem_shared>>) target(%dma_start3A_72 : memref<624x128xf32, #tpu.memory_space<hbm>>) target_semaphore(%run_scoped3A : memref<!tpu.dma_semaphore, #tpu.memory_space<semaphore_mem>>)
          %dma_wait3A_75 = arith.constant 0 : i32
          %dma_wait3A_76 = tpu.memref_slice %arg5[%add3A, %dma_wait3A_75] : memref<10000x128xf32, #tpu.memory_space<hbm>> -> memref<624x128xf32, #tpu.memory_space<hbm>>
          %dma_wait3A_77 = arith.constant 0 : i32
          %dma_wait3A_78 = tpu.memref_slice %arg13[%mul3A_70, %dma_wait3A_77] : memref<10008x128xf32, #tpu.memory_space<vmem_shared>> -> memref<624x128xf32, #tpu.memory_space<vmem_shared>>
          tpu.wait_dma2 semaphore(%run_scoped3A : memref<!tpu.dma_semaphore, #tpu.memory_space<semaphore_mem>>) src(%dma_wait3A_78 : memref<624x128xf32, #tpu.memory_space<vmem_shared>>) dst(%dma_wait3A_76 : memref<624x128xf32, #tpu.memory_space<hbm>>)
          tpu.yield
        }) : () -> ()
      } else {
      }
      %eq3A_63 = arith.constant 15 : i32
      %eq3A_64 = arith.cmpi eq, %arg1, %eq3A_63 : i32
      %convert_element_type3A_65 = arith.extui %eq3A_64 : i1 to i32
      %cond3A_66 = arith.constant 0 : i32
      %cond3A_67 = arith.constant 0 : i32
      %cond3A_68 = arith.cmpi ne, %convert_element_type3A_65, %cond3A_67 : i32
      scf.if %cond3A_68 {
        %add3A = arith.constant 9360 : i32
        %add3A_69 = arith.addi %cond3A_66, %add3A : i32
        "tpu.region"() ({
          %run_scoped3A = tpu.sem_alloc : memref<!tpu.dma_semaphore, #tpu.memory_space<semaphore_mem>>
          %dma_start3A_70 = arith.constant 0 : i32
          %dma_start3A_71 = tpu.memref_slice %arg5[%add3A_69, %dma_start3A_70] : memref<10000x128xf32, #tpu.memory_space<hbm>> -> memref<640x128xf32, #tpu.memory_space<hbm>>
          %dma_start3A_72 = arith.constant 9360 : i32
          %dma_start3A_73 = arith.constant 0 : i32
          %dma_start3A_74 = tpu.memref_slice %arg13[%dma_start3A_72, %dma_start3A_73] : memref<10008x128xf32, #tpu.memory_space<vmem_shared>> -> memref<640x128xf32, #tpu.memory_space<vmem_shared>>
          tpu.enqueue_dma source(%dma_start3A_74 : memref<640x128xf32, #tpu.memory_space<vmem_shared>>) target(%dma_start3A_71 : memref<640x128xf32, #tpu.memory_space<hbm>>) target_semaphore(%run_scoped3A : memref<!tpu.dma_semaphore, #tpu.memory_space<semaphore_mem>>)
          %dma_wait3A_75 = arith.constant 0 : i32
          %dma_wait3A_76 = tpu.memref_slice %arg5[%add3A_69, %dma_wait3A_75] : memref<10000x128xf32, #tpu.memory_space<hbm>> -> memref<640x128xf32, #tpu.memory_space<hbm>>
          %dma_wait3A_77 = arith.constant 9360 : i32
          %dma_wait3A_78 = arith.constant 0 : i32
          %dma_wait3A_79 = tpu.memref_slice %arg13[%dma_wait3A_77, %dma_wait3A_78] : memref<10008x128xf32, #tpu.memory_space<vmem_shared>> -> memref<640x128xf32, #tpu.memory_space<vmem_shared>>
          tpu.wait_dma2 semaphore(%run_scoped3A : memref<!tpu.dma_semaphore, #tpu.memory_space<semaphore_mem>>) src(%dma_wait3A_79 : memref<640x128xf32, #tpu.memory_space<vmem_shared>>) dst(%dma_wait3A_76 : memref<640x128xf32, #tpu.memory_space<hbm>>)
          tpu.yield
        }) : () -> ()
      } else {
      }
    } else {
    }
    %eq3A_52 = arith.constant 1 : i32
    %eq3A_53 = arith.cmpi eq, %arg0, %eq3A_52 : i32
    %convert_element_type3A_54 = arith.extui %eq3A_53 : i1 to i32
    %cond3A_55 = arith.constant 0 : i32
    %cond3A_56 = arith.cmpi ne, %convert_element_type3A_54, %cond3A_55 : i32
    scf.if %cond3A_56 {
      %lt3A_57 = arith.constant 15 : i32
      %lt3A_58 = arith.cmpi slt, %arg1, %lt3A_57 : i32
      %convert_element_type3A_59 = arith.extui %lt3A_58 : i1 to i32
      %cond3A_60 = arith.constant 0 : i32
      %cond3A_61 = arith.constant 0 : i32
      %cond3A_62 = arith.cmpi ne, %convert_element_type3A_59, %cond3A_61 : i32
      scf.if %cond3A_62 {
        %mul3A_69 = arith.constant 624 : i32
        %mul3A_70 = arith.muli %arg1, %mul3A_69 : i32
        %add3A = arith.addi %cond3A_60, %mul3A_70 : i32
        "tpu.region"() ({
          %run_scoped3A = tpu.sem_alloc : memref<!tpu.dma_semaphore, #tpu.memory_space<semaphore_mem>>
          %dma_start3A_71 = arith.constant 0 : i32
          %dma_start3A_72 = tpu.memref_slice %arg6[%add3A, %dma_start3A_71] : memref<10000x128xf32, #tpu.memory_space<hbm>> -> memref<624x128xf32, #tpu.memory_space<hbm>>
          %dma_start3A_73 = arith.constant 0 : i32
          %dma_start3A_74 = tpu.memref_slice %arg13[%mul3A_70, %dma_start3A_73] : memref<10008x128xf32, #tpu.memory_space<vmem_shared>> -> memref<624x128xf32, #tpu.memory_space<vmem_shared>>
          tpu.enqueue_dma source(%dma_start3A_74 : memref<624x128xf32, #tpu.memory_space<vmem_shared>>) target(%dma_start3A_72 : memref<624x128xf32, #tpu.memory_space<hbm>>) target_semaphore(%run_scoped3A : memref<!tpu.dma_semaphore, #tpu.memory_space<semaphore_mem>>)
          %dma_wait3A_75 = arith.constant 0 : i32
          %dma_wait3A_76 = tpu.memref_slice %arg6[%add3A, %dma_wait3A_75] : memref<10000x128xf32, #tpu.memory_space<hbm>> -> memref<624x128xf32, #tpu.memory_space<hbm>>
          %dma_wait3A_77 = arith.constant 0 : i32
          %dma_wait3A_78 = tpu.memref_slice %arg13[%mul3A_70, %dma_wait3A_77] : memref<10008x128xf32, #tpu.memory_space<vmem_shared>> -> memref<624x128xf32, #tpu.memory_space<vmem_shared>>
          tpu.wait_dma2 semaphore(%run_scoped3A : memref<!tpu.dma_semaphore, #tpu.memory_space<semaphore_mem>>) src(%dma_wait3A_78 : memref<624x128xf32, #tpu.memory_space<vmem_shared>>) dst(%dma_wait3A_76 : memref<624x128xf32, #tpu.memory_space<hbm>>)
          tpu.yield
        }) : () -> ()
      } else {
      }
      %eq3A_63 = arith.constant 15 : i32
      %eq3A_64 = arith.cmpi eq, %arg1, %eq3A_63 : i32
      %convert_element_type3A_65 = arith.extui %eq3A_64 : i1 to i32
      %cond3A_66 = arith.constant 0 : i32
      %cond3A_67 = arith.constant 0 : i32
      %cond3A_68 = arith.cmpi ne, %convert_element_type3A_65, %cond3A_67 : i32
      scf.if %cond3A_68 {
        %add3A = arith.constant 9360 : i32
        %add3A_69 = arith.addi %cond3A_66, %add3A : i32
        "tpu.region"() ({
          %run_scoped3A = tpu.sem_alloc : memref<!tpu.dma_semaphore, #tpu.memory_space<semaphore_mem>>
          %dma_start3A_70 = arith.constant 0 : i32
          %dma_start3A_71 = tpu.memref_slice %arg6[%add3A_69, %dma_start3A_70] : memref<10000x128xf32, #tpu.memory_space<hbm>> -> memref<640x128xf32, #tpu.memory_space<hbm>>
          %dma_start3A_72 = arith.constant 9360 : i32
          %dma_start3A_73 = arith.constant 0 : i32
          %dma_start3A_74 = tpu.memref_slice %arg13[%dma_start3A_72, %dma_start3A_73] : memref<10008x128xf32, #tpu.memory_space<vmem_shared>> -> memref<640x128xf32, #tpu.memory_space<vmem_shared>>
          tpu.enqueue_dma source(%dma_start3A_74 : memref<640x128xf32, #tpu.memory_space<vmem_shared>>) target(%dma_start3A_71 : memref<640x128xf32, #tpu.memory_space<hbm>>) target_semaphore(%run_scoped3A : memref<!tpu.dma_semaphore, #tpu.memory_space<semaphore_mem>>)
          %dma_wait3A_75 = arith.constant 0 : i32
          %dma_wait3A_76 = tpu.memref_slice %arg6[%add3A_69, %dma_wait3A_75] : memref<10000x128xf32, #tpu.memory_space<hbm>> -> memref<640x128xf32, #tpu.memory_space<hbm>>
          %dma_wait3A_77 = arith.constant 9360 : i32
          %dma_wait3A_78 = arith.constant 0 : i32
          %dma_wait3A_79 = tpu.memref_slice %arg13[%dma_wait3A_77, %dma_wait3A_78] : memref<10008x128xf32, #tpu.memory_space<vmem_shared>> -> memref<640x128xf32, #tpu.memory_space<vmem_shared>>
          tpu.wait_dma2 semaphore(%run_scoped3A : memref<!tpu.dma_semaphore, #tpu.memory_space<semaphore_mem>>) src(%dma_wait3A_79 : memref<640x128xf32, #tpu.memory_space<vmem_shared>>) dst(%dma_wait3A_76 : memref<640x128xf32, #tpu.memory_space<hbm>>)
          tpu.yield
        }) : () -> ()
      } else {
      }
    } else {
    }
    return
  }
}

#map = affine_map<(d0, d1) -> (0, 0)>
#map1 = affine_map<(d0, d1) -> (0, 0, 0)>
module attributes {stable_mosaic.version = 14 : i64} {
  func.func @degk(%arg0: i32, %arg1: i32, %arg2: memref<1280x256xi32, #tpu.memory_space<hbm>>, %arg3: memref<2x16x80000xf32, #tpu.memory_space<hbm>>, %arg4: memref<256xi32, #tpu.memory_space<vmem>>, %arg5: memref<256xi32, #tpu.memory_space<vmem>>, %arg6: memref<80128xf32, #tpu.memory_space<vmem>>, %arg7: memref<!tpu.dma_semaphore, #tpu.memory_space<semaphore_mem>>, %arg8: memref<!tpu.dma_semaphore, #tpu.memory_space<semaphore_mem>>) attributes {dimension_semantics = [#tpu.dimension_semantics<core_parallel>, #tpu.dimension_semantics<subcore_parallel>], iteration_bounds = array<i64: 2, 16>, scalar_prefetch = 0 : i64, scratch_operands = 5 : i64, tpu.core_type = #tpu.core_type<sc_vector_subcore>, window_params = [{transform_indices = #map}, {transform_indices = #map1}]} {
    %mul3A = arith.constant 5000 : i32
    %mul3A_0 = arith.muli %arg0, %mul3A : i32
    %while3A = arith.constant 0 : i32
    %while3A_1 = arith.constant 0 : i32
    %while3A_2 = arith.constant 626 : i32
    %while3A_3 = arith.subi %while3A_2, %while3A_1 : i32
    %while3A_4 = arith.addi %while3A_1, %while3A_3 : i32
    %while3A_5 = arith.constant 1 : i32
    %while3A_6 = arith.divsi %while3A_3, %while3A_5 : i32
    %while3A_7 = arith.muli %while3A_6, %while3A_5 : i32
    %while3A_8 = arith.addi %while3A_1, %while3A_7 : i32
    %while3A_9 = arith.constant 1 : i32
    scf.for %while3A_30 = %while3A_1 to %while3A_8 step %while3A_9  : i32 {
      %broadcast_in_dim3A_31 = arith.constant 0.000000e+00 : f32
      %broadcast_in_dim3A_32 = vector.broadcast %broadcast_in_dim3A_31 : f32 to vector<16xf32>
      %mul3A_33 = arith.constant 128 : i32
      %mul3A_34 = arith.muli %while3A_30, %mul3A_33 : i32
      %add3A = arith.constant 0 : i32
      %add3A_35 = arith.addi %mul3A_34, %add3A : i32
      %swap3A = arith.index_cast %add3A_35 : i32 to index
      %swap3A_36 = tpu.vector_load %arg6[%swap3A] {strides = array<i32>} : memref<80128xf32, #tpu.memory_space<vmem>>, vector<16xf32>,
      tpu.vector_store %arg6[%swap3A], %broadcast_in_dim3A_32 {strides = array<i32>} : memref<80128xf32, #tpu.memory_space<vmem>>, vector<16xf32>,
      %broadcast_in_dim3A_37 = arith.constant 0.000000e+00 : f32
      %broadcast_in_dim3A_38 = vector.broadcast %broadcast_in_dim3A_37 : f32 to vector<16xf32>
      %mul3A_39 = arith.constant 128 : i32
      %mul3A_40 = arith.muli %while3A_30, %mul3A_39 : i32
      %add3A_41 = arith.constant 16 : i32
      %add3A_42 = arith.addi %mul3A_40, %add3A_41 : i32
      %swap3A_43 = arith.index_cast %add3A_42 : i32 to index
      %swap3A_44 = tpu.vector_load %arg6[%swap3A_43] {strides = array<i32>} : memref<80128xf32, #tpu.memory_space<vmem>>, vector<16xf32>,
      tpu.vector_store %arg6[%swap3A_43], %broadcast_in_dim3A_38 {strides = array<i32>} : memref<80128xf32, #tpu.memory_space<vmem>>, vector<16xf32>,
      %broadcast_in_dim3A_45 = arith.constant 0.000000e+00 : f32
      %broadcast_in_dim3A_46 = vector.broadcast %broadcast_in_dim3A_45 : f32 to vector<16xf32>
      %mul3A_47 = arith.constant 128 : i32
      %mul3A_48 = arith.muli %while3A_30, %mul3A_47 : i32
      %add3A_49 = arith.constant 32 : i32
      %add3A_50 = arith.addi %mul3A_48, %add3A_49 : i32
      %swap3A_51 = arith.index_cast %add3A_50 : i32 to index
      %swap3A_52 = tpu.vector_load %arg6[%swap3A_51] {strides = array<i32>} : memref<80128xf32, #tpu.memory_space<vmem>>, vector<16xf32>,
      tpu.vector_store %arg6[%swap3A_51], %broadcast_in_dim3A_46 {strides = array<i32>} : memref<80128xf32, #tpu.memory_space<vmem>>, vector<16xf32>,
      %broadcast_in_dim3A_53 = arith.constant 0.000000e+00 : f32
      %broadcast_in_dim3A_54 = vector.broadcast %broadcast_in_dim3A_53 : f32 to vector<16xf32>
      %mul3A_55 = arith.constant 128 : i32
      %mul3A_56 = arith.muli %while3A_30, %mul3A_55 : i32
      %add3A_57 = arith.constant 48 : i32
      %add3A_58 = arith.addi %mul3A_56, %add3A_57 : i32
      %swap3A_59 = arith.index_cast %add3A_58 : i32 to index
      %swap3A_60 = tpu.vector_load %arg6[%swap3A_59] {strides = array<i32>} : memref<80128xf32, #tpu.memory_space<vmem>>, vector<16xf32>,
      tpu.vector_store %arg6[%swap3A_59], %broadcast_in_dim3A_54 {strides = array<i32>} : memref<80128xf32, #tpu.memory_space<vmem>>, vector<16xf32>,
      %broadcast_in_dim3A_61 = arith.constant 0.000000e+00 : f32
      %broadcast_in_dim3A_62 = vector.broadcast %broadcast_in_dim3A_61 : f32 to vector<16xf32>
      %mul3A_63 = arith.constant 128 : i32
      %mul3A_64 = arith.muli %while3A_30, %mul3A_63 : i32
      %add3A_65 = arith.constant 64 : i32
      %add3A_66 = arith.addi %mul3A_64, %add3A_65 : i32
      %swap3A_67 = arith.index_cast %add3A_66 : i32 to index
      %swap3A_68 = tpu.vector_load %arg6[%swap3A_67] {strides = array<i32>} : memref<80128xf32, #tpu.memory_space<vmem>>, vector<16xf32>,
      tpu.vector_store %arg6[%swap3A_67], %broadcast_in_dim3A_62 {strides = array<i32>} : memref<80128xf32, #tpu.memory_space<vmem>>, vector<16xf32>,
      %broadcast_in_dim3A_69 = arith.constant 0.000000e+00 : f32
      %broadcast_in_dim3A_70 = vector.broadcast %broadcast_in_dim3A_69 : f32 to vector<16xf32>
      %mul3A_71 = arith.constant 128 : i32
      %mul3A_72 = arith.muli %while3A_30, %mul3A_71 : i32
      %add3A_73 = arith.constant 80 : i32
      %add3A_74 = arith.addi %mul3A_72, %add3A_73 : i32
      %swap3A_75 = arith.index_cast %add3A_74 : i32 to index
      %swap3A_76 = tpu.vector_load %arg6[%swap3A_75] {strides = array<i32>} : memref<80128xf32, #tpu.memory_space<vmem>>, vector<16xf32>,
      tpu.vector_store %arg6[%swap3A_75], %broadcast_in_dim3A_70 {strides = array<i32>} : memref<80128xf32, #tpu.memory_space<vmem>>, vector<16xf32>,
      %broadcast_in_dim3A_77 = arith.constant 0.000000e+00 : f32
      %broadcast_in_dim3A_78 = vector.broadcast %broadcast_in_dim3A_77 : f32 to vector<16xf32>
      %mul3A_79 = arith.constant 128 : i32
      %mul3A_80 = arith.muli %while3A_30, %mul3A_79 : i32
      %add3A_81 = arith.constant 96 : i32
      %add3A_82 = arith.addi %mul3A_80, %add3A_81 : i32
      %swap3A_83 = arith.index_cast %add3A_82 : i32 to index
      %swap3A_84 = tpu.vector_load %arg6[%swap3A_83] {strides = array<i32>} : memref<80128xf32, #tpu.memory_space<vmem>>, vector<16xf32>,
      tpu.vector_store %arg6[%swap3A_83], %broadcast_in_dim3A_78 {strides = array<i32>} : memref<80128xf32, #tpu.memory_space<vmem>>, vector<16xf32>,
      %broadcast_in_dim3A_85 = arith.constant 0.000000e+00 : f32
      %broadcast_in_dim3A_86 = vector.broadcast %broadcast_in_dim3A_85 : f32 to vector<16xf32>
      %mul3A_87 = arith.constant 128 : i32
      %mul3A_88 = arith.muli %while3A_30, %mul3A_87 : i32
      %add3A_89 = arith.constant 112 : i32
      %add3A_90 = arith.addi %mul3A_88, %add3A_89 : i32
      %swap3A_91 = arith.index_cast %add3A_90 : i32 to index
      %swap3A_92 = tpu.vector_load %arg6[%swap3A_91] {strides = array<i32>} : memref<80128xf32, #tpu.memory_space<vmem>>, vector<16xf32>,
      tpu.vector_store %arg6[%swap3A_91], %broadcast_in_dim3A_86 {strides = array<i32>} : memref<80128xf32, #tpu.memory_space<vmem>>, vector<16xf32>,
    }
    %while3A_10 = arith.constant 1 : i32
    scf.for %while3A_30 = %while3A_8 to %while3A_4 step %while3A_10  : i32 {
      %broadcast_in_dim3A_31 = arith.constant 0.000000e+00 : f32
      %broadcast_in_dim3A_32 = vector.broadcast %broadcast_in_dim3A_31 : f32 to vector<16xf32>
      %mul3A_33 = arith.constant 128 : i32
      %mul3A_34 = arith.muli %while3A_30, %mul3A_33 : i32
      %add3A = arith.constant 0 : i32
      %add3A_35 = arith.addi %mul3A_34, %add3A : i32
      %swap3A = arith.index_cast %add3A_35 : i32 to index
      %swap3A_36 = tpu.vector_load %arg6[%swap3A] {strides = array<i32>} : memref<80128xf32, #tpu.memory_space<vmem>>, vector<16xf32>,
      tpu.vector_store %arg6[%swap3A], %broadcast_in_dim3A_32 {strides = array<i32>} : memref<80128xf32, #tpu.memory_space<vmem>>, vector<16xf32>,
      %broadcast_in_dim3A_37 = arith.constant 0.000000e+00 : f32
      %broadcast_in_dim3A_38 = vector.broadcast %broadcast_in_dim3A_37 : f32 to vector<16xf32>
      %mul3A_39 = arith.constant 128 : i32
      %mul3A_40 = arith.muli %while3A_30, %mul3A_39 : i32
      %add3A_41 = arith.constant 16 : i32
      %add3A_42 = arith.addi %mul3A_40, %add3A_41 : i32
      %swap3A_43 = arith.index_cast %add3A_42 : i32 to index
      %swap3A_44 = tpu.vector_load %arg6[%swap3A_43] {strides = array<i32>} : memref<80128xf32, #tpu.memory_space<vmem>>, vector<16xf32>,
      tpu.vector_store %arg6[%swap3A_43], %broadcast_in_dim3A_38 {strides = array<i32>} : memref<80128xf32, #tpu.memory_space<vmem>>, vector<16xf32>,
      %broadcast_in_dim3A_45 = arith.constant 0.000000e+00 : f32
      %broadcast_in_dim3A_46 = vector.broadcast %broadcast_in_dim3A_45 : f32 to vector<16xf32>
      %mul3A_47 = arith.constant 128 : i32
      %mul3A_48 = arith.muli %while3A_30, %mul3A_47 : i32
      %add3A_49 = arith.constant 32 : i32
      %add3A_50 = arith.addi %mul3A_48, %add3A_49 : i32
      %swap3A_51 = arith.index_cast %add3A_50 : i32 to index
      %swap3A_52 = tpu.vector_load %arg6[%swap3A_51] {strides = array<i32>} : memref<80128xf32, #tpu.memory_space<vmem>>, vector<16xf32>,
      tpu.vector_store %arg6[%swap3A_51], %broadcast_in_dim3A_46 {strides = array<i32>} : memref<80128xf32, #tpu.memory_space<vmem>>, vector<16xf32>,
      %broadcast_in_dim3A_53 = arith.constant 0.000000e+00 : f32
      %broadcast_in_dim3A_54 = vector.broadcast %broadcast_in_dim3A_53 : f32 to vector<16xf32>
      %mul3A_55 = arith.constant 128 : i32
      %mul3A_56 = arith.muli %while3A_30, %mul3A_55 : i32
      %add3A_57 = arith.constant 48 : i32
      %add3A_58 = arith.addi %mul3A_56, %add3A_57 : i32
      %swap3A_59 = arith.index_cast %add3A_58 : i32 to index
      %swap3A_60 = tpu.vector_load %arg6[%swap3A_59] {strides = array<i32>} : memref<80128xf32, #tpu.memory_space<vmem>>, vector<16xf32>,
      tpu.vector_store %arg6[%swap3A_59], %broadcast_in_dim3A_54 {strides = array<i32>} : memref<80128xf32, #tpu.memory_space<vmem>>, vector<16xf32>,
      %broadcast_in_dim3A_61 = arith.constant 0.000000e+00 : f32
      %broadcast_in_dim3A_62 = vector.broadcast %broadcast_in_dim3A_61 : f32 to vector<16xf32>
      %mul3A_63 = arith.constant 128 : i32
      %mul3A_64 = arith.muli %while3A_30, %mul3A_63 : i32
      %add3A_65 = arith.constant 64 : i32
      %add3A_66 = arith.addi %mul3A_64, %add3A_65 : i32
      %swap3A_67 = arith.index_cast %add3A_66 : i32 to index
      %swap3A_68 = tpu.vector_load %arg6[%swap3A_67] {strides = array<i32>} : memref<80128xf32, #tpu.memory_space<vmem>>, vector<16xf32>,
      tpu.vector_store %arg6[%swap3A_67], %broadcast_in_dim3A_62 {strides = array<i32>} : memref<80128xf32, #tpu.memory_space<vmem>>, vector<16xf32>,
      %broadcast_in_dim3A_69 = arith.constant 0.000000e+00 : f32
      %broadcast_in_dim3A_70 = vector.broadcast %broadcast_in_dim3A_69 : f32 to vector<16xf32>
      %mul3A_71 = arith.constant 128 : i32
      %mul3A_72 = arith.muli %while3A_30, %mul3A_71 : i32
      %add3A_73 = arith.constant 80 : i32
      %add3A_74 = arith.addi %mul3A_72, %add3A_73 : i32
      %swap3A_75 = arith.index_cast %add3A_74 : i32 to index
      %swap3A_76 = tpu.vector_load %arg6[%swap3A_75] {strides = array<i32>} : memref<80128xf32, #tpu.memory_space<vmem>>, vector<16xf32>,
      tpu.vector_store %arg6[%swap3A_75], %broadcast_in_dim3A_70 {strides = array<i32>} : memref<80128xf32, #tpu.memory_space<vmem>>, vector<16xf32>,
      %broadcast_in_dim3A_77 = arith.constant 0.000000e+00 : f32
      %broadcast_in_dim3A_78 = vector.broadcast %broadcast_in_dim3A_77 : f32 to vector<16xf32>
      %mul3A_79 = arith.constant 128 : i32
      %mul3A_80 = arith.muli %while3A_30, %mul3A_79 : i32
      %add3A_81 = arith.constant 96 : i32
      %add3A_82 = arith.addi %mul3A_80, %add3A_81 : i32
      %swap3A_83 = arith.index_cast %add3A_82 : i32 to index
      %swap3A_84 = tpu.vector_load %arg6[%swap3A_83] {strides = array<i32>} : memref<80128xf32, #tpu.memory_space<vmem>>, vector<16xf32>,
      tpu.vector_store %arg6[%swap3A_83], %broadcast_in_dim3A_78 {strides = array<i32>} : memref<80128xf32, #tpu.memory_space<vmem>>, vector<16xf32>,
      %broadcast_in_dim3A_85 = arith.constant 0.000000e+00 : f32
      %broadcast_in_dim3A_86 = vector.broadcast %broadcast_in_dim3A_85 : f32 to vector<16xf32>
      %mul3A_87 = arith.constant 128 : i32
      %mul3A_88 = arith.muli %while3A_30, %mul3A_87 : i32
      %add3A_89 = arith.constant 112 : i32
      %add3A_90 = arith.addi %mul3A_88, %add3A_89 : i32
      %swap3A_91 = arith.index_cast %add3A_90 : i32 to index
      %swap3A_92 = tpu.vector_load %arg6[%swap3A_91] {strides = array<i32>} : memref<80128xf32, #tpu.memory_space<vmem>>, vector<16xf32>,
      tpu.vector_store %arg6[%swap3A_91], %broadcast_in_dim3A_86 {strides = array<i32>} : memref<80128xf32, #tpu.memory_space<vmem>>, vector<16xf32>,
    }
    %mul3A_11 = arith.constant 80 : i32
    %mul3A_12 = arith.muli %arg1, %mul3A_11 : i32
    %iota3A = tpu.iota {dimensions = array<i32: 0>} : vector<16xi32>
    %broadcast_in_dim3A = arith.constant 1.000000e+00 : f32
    %broadcast_in_dim3A_13 = vector.broadcast %broadcast_in_dim3A : f32 to vector<16xf32>
    %dma_start3A = arith.constant 0 : i32
    %dma_start3A_14 = tpu.memref_slice %arg2[%mul3A_12, %dma_start3A] : memref<1280x256xi32, #tpu.memory_space<hbm>> -> memref<1x256xi32, #tpu.memory_space<hbm>>
    %dma_start3A_15 = tpu.memref_squeeze %dma_start3A_14 : memref<1x256xi32, #tpu.memory_space<hbm>> -> memref<256xi32, #tpu.memory_space<hbm>>
    %dma_start3A_16 = arith.constant 0 : i32
    %dma_start3A_17 = tpu.memref_slice %arg2[%mul3A_12, %dma_start3A_16] : memref<1280x256xi32, #tpu.memory_space<hbm>> -> memref<1x256xi32, #tpu.memory_space<hbm>>
    %dma_start3A_18 = tpu.memref_squeeze %dma_start3A_17 : memref<1x256xi32, #tpu.memory_space<hbm>> -> memref<256xi32, #tpu.memory_space<hbm>>
    tpu.enqueue_dma source(%dma_start3A_18 : memref<256xi32, #tpu.memory_space<hbm>>) target(%arg4 : memref<256xi32, #tpu.memory_space<vmem>>) target_semaphore(%arg7 : memref<!tpu.dma_semaphore, #tpu.memory_space<semaphore_mem>>)
    %while3A_19 = arith.constant 0 : i32
    %while3A_20 = arith.constant 0 : i32
    %while3A_21 = arith.constant 40 : i32
    %while3A_22 = arith.subi %while3A_21, %while3A_20 : i32
    %while3A_23 = arith.addi %while3A_20, %while3A_22 : i32
    %while3A_24 = arith.constant 1 : i32
    %while3A_25 = arith.divsi %while3A_22, %while3A_24 : i32
    %while3A_26 = arith.muli %while3A_25, %while3A_24 : i32
    %while3A_27 = arith.addi %while3A_20, %while3A_26 : i32
    %while3A_28 = arith.constant 1 : i32
    scf.for %while3A_30 = %while3A_20 to %while3A_27 step %while3A_28  : i32 {
      %mul3A_31 = arith.constant 2 : i32
      %mul3A_32 = arith.muli %mul3A_31, %while3A_30 : i32
      %add3A = arith.constant 0 : i32
      %add3A_33 = arith.addi %mul3A_32, %add3A : i32
      %dma_wait3A = arith.constant 0 : i32
      %dma_wait3A_34 = tpu.memref_slice %arg2[%mul3A_12, %dma_wait3A] : memref<1280x256xi32, #tpu.memory_space<hbm>> -> memref<1x256xi32, #tpu.memory_space<hbm>>
      %dma_wait3A_35 = tpu.memref_squeeze %dma_wait3A_34 : memref<1x256xi32, #tpu.memory_space<hbm>> -> memref<256xi32, #tpu.memory_space<hbm>>
      %dma_wait3A_36 = arith.constant 0 : i32
      %dma_wait3A_37 = tpu.memref_slice %arg2[%mul3A_12, %dma_wait3A_36] : memref<1280x256xi32, #tpu.memory_space<hbm>> -> memref<1x256xi32, #tpu.memory_space<hbm>>
      %dma_wait3A_38 = tpu.memref_squeeze %dma_wait3A_37 : memref<1x256xi32, #tpu.memory_space<hbm>> -> memref<256xi32, #tpu.memory_space<hbm>>
      tpu.wait_dma2 semaphore(%arg7 : memref<!tpu.dma_semaphore, #tpu.memory_space<semaphore_mem>>) src(%dma_wait3A_38 : memref<256xi32, #tpu.memory_space<hbm>>) dst(%arg4 : memref<256xi32, #tpu.memory_space<vmem>>)
      %get3A = arith.constant 128 : index
      %get3A_39 = tpu.vector_load %arg4[%get3A] {strides = array<i32>} : memref<256xi32, #tpu.memory_space<vmem>>, vector<16xi32>,
      %sub3A = vector.broadcast %mul3A_0 : i32 to vector<16xi32>
      %sub3A_40 = arith.subi %get3A_39, %sub3A : vector<16xi32>
      %ge3A = arith.constant 0 : i32
      %ge3A_41 = vector.broadcast %ge3A : i32 to vector<16xi32>
      %ge3A_42 = arith.cmpi sge, %sub3A_40, %ge3A_41 : vector<16xi32>
      %lt3A = arith.constant 5000 : i32
      %lt3A_43 = vector.broadcast %lt3A : i32 to vector<16xi32>
      %lt3A_44 = arith.cmpi slt, %sub3A_40, %lt3A_43 : vector<16xi32>
      %and3A = arith.andi %ge3A_42, %lt3A_44 : vector<16xi1>
      %and3A_45 = arith.constant 7 : i32
      %and3A_46 = vector.broadcast %and3A_45 : i32 to vector<16xi32>
      %and3A_47 = arith.andi %iota3A, %and3A_46 : vector<16xi32>
      %add3A_48 = arith.constant 5000 : i32
      %add3A_49 = vector.broadcast %add3A_48 : i32 to vector<16xi32>
      %add3A_50 = arith.addi %add3A_49, %and3A_47 : vector<16xi32>
      %select_n3A = arith.select %and3A, %sub3A_40, %add3A_50 : vector<16xi1>, vector<16xi32>
      %mul3A_51 = arith.constant 16 : i32
      %mul3A_52 = vector.broadcast %mul3A_51 : i32 to vector<16xi32>
      %mul3A_53 = arith.muli %select_n3A, %mul3A_52 : vector<16xi32>
      %add3A_54 = arith.addi %mul3A_53, %iota3A : vector<16xi32>
      tpu.vector_store_idx %arg6[%add3A_54], %broadcast_in_dim3A_13 {add = true} : memref<80128xf32, #tpu.memory_space<vmem>>[vector<16xi32>], vector<16xf32>,
      %get3A_55 = arith.constant 144 : index
      %get3A_56 = tpu.vector_load %arg4[%get3A_55] {strides = array<i32>} : memref<256xi32, #tpu.memory_space<vmem>>, vector<16xi32>,
      %sub3A_57 = vector.broadcast %mul3A_0 : i32 to vector<16xi32>
      %sub3A_58 = arith.subi %get3A_56, %sub3A_57 : vector<16xi32>
      %ge3A_59 = arith.constant 0 : i32
      %ge3A_60 = vector.broadcast %ge3A_59 : i32 to vector<16xi32>
      %ge3A_61 = arith.cmpi sge, %sub3A_58, %ge3A_60 : vector<16xi32>
      %lt3A_62 = arith.constant 5000 : i32
      %lt3A_63 = vector.broadcast %lt3A_62 : i32 to vector<16xi32>
      %lt3A_64 = arith.cmpi slt, %sub3A_58, %lt3A_63 : vector<16xi32>
      %and3A_65 = arith.andi %ge3A_61, %lt3A_64 : vector<16xi1>
      %and3A_66 = arith.constant 7 : i32
      %and3A_67 = vector.broadcast %and3A_66 : i32 to vector<16xi32>
      %and3A_68 = arith.andi %iota3A, %and3A_67 : vector<16xi32>
      %add3A_69 = arith.constant 5000 : i32
      %add3A_70 = vector.broadcast %add3A_69 : i32 to vector<16xi32>
      %add3A_71 = arith.addi %add3A_70, %and3A_68 : vector<16xi32>
      %select_n3A_72 = arith.select %and3A_65, %sub3A_58, %add3A_71 : vector<16xi1>, vector<16xi32>
      %mul3A_73 = arith.constant 16 : i32
      %mul3A_74 = vector.broadcast %mul3A_73 : i32 to vector<16xi32>
      %mul3A_75 = arith.muli %select_n3A_72, %mul3A_74 : vector<16xi32>
      %add3A_76 = arith.addi %mul3A_75, %iota3A : vector<16xi32>
      tpu.vector_store_idx %arg6[%add3A_76], %broadcast_in_dim3A_13 {add = true} : memref<80128xf32, #tpu.memory_space<vmem>>[vector<16xi32>], vector<16xf32>,
      %get3A_77 = arith.constant 160 : index
      %get3A_78 = tpu.vector_load %arg4[%get3A_77] {strides = array<i32>} : memref<256xi32, #tpu.memory_space<vmem>>, vector<16xi32>,
      %sub3A_79 = vector.broadcast %mul3A_0 : i32 to vector<16xi32>
      %sub3A_80 = arith.subi %get3A_78, %sub3A_79 : vector<16xi32>
      %ge3A_81 = arith.constant 0 : i32
      %ge3A_82 = vector.broadcast %ge3A_81 : i32 to vector<16xi32>
      %ge3A_83 = arith.cmpi sge, %sub3A_80, %ge3A_82 : vector<16xi32>
      %lt3A_84 = arith.constant 5000 : i32
      %lt3A_85 = vector.broadcast %lt3A_84 : i32 to vector<16xi32>
      %lt3A_86 = arith.cmpi slt, %sub3A_80, %lt3A_85 : vector<16xi32>
      %and3A_87 = arith.andi %ge3A_83, %lt3A_86 : vector<16xi1>
      %and3A_88 = arith.constant 7 : i32
      %and3A_89 = vector.broadcast %and3A_88 : i32 to vector<16xi32>
      %and3A_90 = arith.andi %iota3A, %and3A_89 : vector<16xi32>
      %add3A_91 = arith.constant 5000 : i32
      %add3A_92 = vector.broadcast %add3A_91 : i32 to vector<16xi32>
      %add3A_93 = arith.addi %add3A_92, %and3A_90 : vector<16xi32>
      %select_n3A_94 = arith.select %and3A_87, %sub3A_80, %add3A_93 : vector<16xi1>, vector<16xi32>
      %mul3A_95 = arith.constant 16 : i32
      %mul3A_96 = vector.broadcast %mul3A_95 : i32 to vector<16xi32>
      %mul3A_97 = arith.muli %select_n3A_94, %mul3A_96 : vector<16xi32>
      %add3A_98 = arith.addi %mul3A_97, %iota3A : vector<16xi32>
      tpu.vector_store_idx %arg6[%add3A_98], %broadcast_in_dim3A_13 {add = true} : memref<80128xf32, #tpu.memory_space<vmem>>[vector<16xi32>], vector<16xf32>,
      %get3A_99 = arith.constant 176 : index
      %get3A_100 = tpu.vector_load %arg4[%get3A_99] {strides = array<i32>} : memref<256xi32, #tpu.memory_space<vmem>>, vector<16xi32>,
      %sub3A_101 = vector.broadcast %mul3A_0 : i32 to vector<16xi32>
      %sub3A_102 = arith.subi %get3A_100, %sub3A_101 : vector<16xi32>
      %ge3A_103 = arith.constant 0 : i32
      %ge3A_104 = vector.broadcast %ge3A_103 : i32 to vector<16xi32>
      %ge3A_105 = arith.cmpi sge, %sub3A_102, %ge3A_104 : vector<16xi32>
      %lt3A_106 = arith.constant 5000 : i32
      %lt3A_107 = vector.broadcast %lt3A_106 : i32 to vector<16xi32>
      %lt3A_108 = arith.cmpi slt, %sub3A_102, %lt3A_107 : vector<16xi32>
      %and3A_109 = arith.andi %ge3A_105, %lt3A_108 : vector<16xi1>
      %and3A_110 = arith.constant 7 : i32
      %and3A_111 = vector.broadcast %and3A_110 : i32 to vector<16xi32>
      %and3A_112 = arith.andi %iota3A, %and3A_111 : vector<16xi32>
      %add3A_113 = arith.constant 5000 : i32
      %add3A_114 = vector.broadcast %add3A_113 : i32 to vector<16xi32>
      %add3A_115 = arith.addi %add3A_114, %and3A_112 : vector<16xi32>
      %select_n3A_116 = arith.select %and3A_109, %sub3A_102, %add3A_115 : vector<16xi1>, vector<16xi32>
      %mul3A_117 = arith.constant 16 : i32
      %mul3A_118 = vector.broadcast %mul3A_117 : i32 to vector<16xi32>
      %mul3A_119 = arith.muli %select_n3A_116, %mul3A_118 : vector<16xi32>
      %add3A_120 = arith.addi %mul3A_119, %iota3A : vector<16xi32>
      tpu.vector_store_idx %arg6[%add3A_120], %broadcast_in_dim3A_13 {add = true} : memref<80128xf32, #tpu.memory_space<vmem>>[vector<16xi32>], vector<16xf32>,
      %get3A_121 = arith.constant 192 : index
      %get3A_122 = tpu.vector_load %arg4[%get3A_121] {strides = array<i32>} : memref<256xi32, #tpu.memory_space<vmem>>, vector<16xi32>,
      %sub3A_123 = vector.broadcast %mul3A_0 : i32 to vector<16xi32>
      %sub3A_124 = arith.subi %get3A_122, %sub3A_123 : vector<16xi32>
      %ge3A_125 = arith.constant 0 : i32
      %ge3A_126 = vector.broadcast %ge3A_125 : i32 to vector<16xi32>
      %ge3A_127 = arith.cmpi sge, %sub3A_124, %ge3A_126 : vector<16xi32>
      %lt3A_128 = arith.constant 5000 : i32
      %lt3A_129 = vector.broadcast %lt3A_128 : i32 to vector<16xi32>
      %lt3A_130 = arith.cmpi slt, %sub3A_124, %lt3A_129 : vector<16xi32>
      %and3A_131 = arith.andi %ge3A_127, %lt3A_130 : vector<16xi1>
      %and3A_132 = arith.constant 7 : i32
      %and3A_133 = vector.broadcast %and3A_132 : i32 to vector<16xi32>
      %and3A_134 = arith.andi %iota3A, %and3A_133 : vector<16xi32>
      %add3A_135 = arith.constant 5000 : i32
      %add3A_136 = vector.broadcast %add3A_135 : i32 to vector<16xi32>
      %add3A_137 = arith.addi %add3A_136, %and3A_134 : vector<16xi32>
      %select_n3A_138 = arith.select %and3A_131, %sub3A_124, %add3A_137 : vector<16xi1>, vector<16xi32>
      %mul3A_139 = arith.constant 16 : i32
      %mul3A_140 = vector.broadcast %mul3A_139 : i32 to vector<16xi32>
      %mul3A_141 = arith.muli %select_n3A_138, %mul3A_140 : vector<16xi32>
      %add3A_142 = arith.addi %mul3A_141, %iota3A : vector<16xi32>
      tpu.vector_store_idx %arg6[%add3A_142], %broadcast_in_dim3A_13 {add = true} : memref<80128xf32, #tpu.memory_space<vmem>>[vector<16xi32>], vector<16xf32>,
      %get3A_143 = arith.constant 208 : index
      %get3A_144 = tpu.vector_load %arg4[%get3A_143] {strides = array<i32>} : memref<256xi32, #tpu.memory_space<vmem>>, vector<16xi32>,
      %sub3A_145 = vector.broadcast %mul3A_0 : i32 to vector<16xi32>
      %sub3A_146 = arith.subi %get3A_144, %sub3A_145 : vector<16xi32>
      %ge3A_147 = arith.constant 0 : i32
      %ge3A_148 = vector.broadcast %ge3A_147 : i32 to vector<16xi32>
      %ge3A_149 = arith.cmpi sge, %sub3A_146, %ge3A_148 : vector<16xi32>
      %lt3A_150 = arith.constant 5000 : i32
      %lt3A_151 = vector.broadcast %lt3A_150 : i32 to vector<16xi32>
      %lt3A_152 = arith.cmpi slt, %sub3A_146, %lt3A_151 : vector<16xi32>
      %and3A_153 = arith.andi %ge3A_149, %lt3A_152 : vector<16xi1>
      %and3A_154 = arith.constant 7 : i32
      %and3A_155 = vector.broadcast %and3A_154 : i32 to vector<16xi32>
      %and3A_156 = arith.andi %iota3A, %and3A_155 : vector<16xi32>
      %add3A_157 = arith.constant 5000 : i32
      %add3A_158 = vector.broadcast %add3A_157 : i32 to vector<16xi32>
      %add3A_159 = arith.addi %add3A_158, %and3A_156 : vector<16xi32>
      %select_n3A_160 = arith.select %and3A_153, %sub3A_146, %add3A_159 : vector<16xi1>, vector<16xi32>
      %mul3A_161 = arith.constant 16 : i32
      %mul3A_162 = vector.broadcast %mul3A_161 : i32 to vector<16xi32>
      %mul3A_163 = arith.muli %select_n3A_160, %mul3A_162 : vector<16xi32>
      %add3A_164 = arith.addi %mul3A_163, %iota3A : vector<16xi32>
      tpu.vector_store_idx %arg6[%add3A_164], %broadcast_in_dim3A_13 {add = true} : memref<80128xf32, #tpu.memory_space<vmem>>[vector<16xi32>], vector<16xf32>,
      %get3A_165 = arith.constant 224 : index
      %get3A_166 = tpu.vector_load %arg4[%get3A_165] {strides = array<i32>} : memref<256xi32, #tpu.memory_space<vmem>>, vector<16xi32>,
      %sub3A_167 = vector.broadcast %mul3A_0 : i32 to vector<16xi32>
      %sub3A_168 = arith.subi %get3A_166, %sub3A_167 : vector<16xi32>
      %ge3A_169 = arith.constant 0 : i32
      %ge3A_170 = vector.broadcast %ge3A_169 : i32 to vector<16xi32>
      %ge3A_171 = arith.cmpi sge, %sub3A_168, %ge3A_170 : vector<16xi32>
      %lt3A_172 = arith.constant 5000 : i32
      %lt3A_173 = vector.broadcast %lt3A_172 : i32 to vector<16xi32>
      %lt3A_174 = arith.cmpi slt, %sub3A_168, %lt3A_173 : vector<16xi32>
      %and3A_175 = arith.andi %ge3A_171, %lt3A_174 : vector<16xi1>
      %and3A_176 = arith.constant 7 : i32
      %and3A_177 = vector.broadcast %and3A_176 : i32 to vector<16xi32>
      %and3A_178 = arith.andi %iota3A, %and3A_177 : vector<16xi32>
      %add3A_179 = arith.constant 5000 : i32
      %add3A_180 = vector.broadcast %add3A_179 : i32 to vector<16xi32>
      %add3A_181 = arith.addi %add3A_180, %and3A_178 : vector<16xi32>
      %select_n3A_182 = arith.select %and3A_175, %sub3A_168, %add3A_181 : vector<16xi1>, vector<16xi32>
      %mul3A_183 = arith.constant 16 : i32
      %mul3A_184 = vector.broadcast %mul3A_183 : i32 to vector<16xi32>
      %mul3A_185 = arith.muli %select_n3A_182, %mul3A_184 : vector<16xi32>
      %add3A_186 = arith.addi %mul3A_185, %iota3A : vector<16xi32>
      tpu.vector_store_idx %arg6[%add3A_186], %broadcast_in_dim3A_13 {add = true} : memref<80128xf32, #tpu.memory_space<vmem>>[vector<16xi32>], vector<16xf32>,
      %get3A_187 = arith.constant 240 : index
      %get3A_188 = tpu.vector_load %arg4[%get3A_187] {strides = array<i32>} : memref<256xi32, #tpu.memory_space<vmem>>, vector<16xi32>,
      %sub3A_189 = vector.broadcast %mul3A_0 : i32 to vector<16xi32>
      %sub3A_190 = arith.subi %get3A_188, %sub3A_189 : vector<16xi32>
      %ge3A_191 = arith.constant 0 : i32
      %ge3A_192 = vector.broadcast %ge3A_191 : i32 to vector<16xi32>
      %ge3A_193 = arith.cmpi sge, %sub3A_190, %ge3A_192 : vector<16xi32>
      %lt3A_194 = arith.constant 5000 : i32
      %lt3A_195 = vector.broadcast %lt3A_194 : i32 to vector<16xi32>
      %lt3A_196 = arith.cmpi slt, %sub3A_190, %lt3A_195 : vector<16xi32>
      %and3A_197 = arith.andi %ge3A_193, %lt3A_196 : vector<16xi1>
      %and3A_198 = arith.constant 7 : i32
      %and3A_199 = vector.broadcast %and3A_198 : i32 to vector<16xi32>
      %and3A_200 = arith.andi %iota3A, %and3A_199 : vector<16xi32>
      %add3A_201 = arith.constant 5000 : i32
      %add3A_202 = vector.broadcast %add3A_201 : i32 to vector<16xi32>
      %add3A_203 = arith.addi %add3A_202, %and3A_200 : vector<16xi32>
      %select_n3A_204 = arith.select %and3A_197, %sub3A_190, %add3A_203 : vector<16xi1>, vector<16xi32>
      %mul3A_205 = arith.constant 16 : i32
      %mul3A_206 = vector.broadcast %mul3A_205 : i32 to vector<16xi32>
      %mul3A_207 = arith.muli %select_n3A_204, %mul3A_206 : vector<16xi32>
      %add3A_208 = arith.addi %mul3A_207, %iota3A : vector<16xi32>
      tpu.vector_store_idx %arg6[%add3A_208], %broadcast_in_dim3A_13 {add = true} : memref<80128xf32, #tpu.memory_space<vmem>>[vector<16xi32>], vector<16xf32>,
      %add3A_209 = arith.addi %mul3A_12, %add3A_33 : i32
      %add3A_210 = arith.constant 1 : i32
      %add3A_211 = arith.addi %add3A_209, %add3A_210 : i32
      %dma_start3A_212 = arith.constant 0 : i32
      %dma_start3A_213 = tpu.memref_slice %arg2[%add3A_211, %dma_start3A_212] : memref<1280x256xi32, #tpu.memory_space<hbm>> -> memref<1x256xi32, #tpu.memory_space<hbm>>
      %dma_start3A_214 = tpu.memref_squeeze %dma_start3A_213 : memref<1x256xi32, #tpu.memory_space<hbm>> -> memref<256xi32, #tpu.memory_space<hbm>>
      %dma_start3A_215 = arith.constant 0 : i32
      %dma_start3A_216 = tpu.memref_slice %arg2[%add3A_211, %dma_start3A_215] : memref<1280x256xi32, #tpu.memory_space<hbm>> -> memref<1x256xi32, #tpu.memory_space<hbm>>
      %dma_start3A_217 = tpu.memref_squeeze %dma_start3A_216 : memref<1x256xi32, #tpu.memory_space<hbm>> -> memref<256xi32, #tpu.memory_space<hbm>>
      tpu.enqueue_dma source(%dma_start3A_217 : memref<256xi32, #tpu.memory_space<hbm>>) target(%arg5 : memref<256xi32, #tpu.memory_space<vmem>>) target_semaphore(%arg8 : memref<!tpu.dma_semaphore, #tpu.memory_space<semaphore_mem>>)
      %mul3A_218 = arith.constant 2 : i32
      %mul3A_219 = arith.muli %mul3A_218, %while3A_30 : i32
      %add3A_220 = arith.constant 1 : i32
      %add3A_221 = arith.addi %mul3A_219, %add3A_220 : i32
      %dma_wait3A_222 = arith.constant 0 : i32
      %dma_wait3A_223 = tpu.memref_slice %arg2[%mul3A_12, %dma_wait3A_222] : memref<1280x256xi32, #tpu.memory_space<hbm>> -> memref<1x256xi32, #tpu.memory_space<hbm>>
      %dma_wait3A_224 = tpu.memref_squeeze %dma_wait3A_223 : memref<1x256xi32, #tpu.memory_space<hbm>> -> memref<256xi32, #tpu.memory_space<hbm>>
      %dma_wait3A_225 = arith.constant 0 : i32
      %dma_wait3A_226 = tpu.memref_slice %arg2[%mul3A_12, %dma_wait3A_225] : memref<1280x256xi32, #tpu.memory_space<hbm>> -> memref<1x256xi32, #tpu.memory_space<hbm>>
      %dma_wait3A_227 = tpu.memref_squeeze %dma_wait3A_226 : memref<1x256xi32, #tpu.memory_space<hbm>> -> memref<256xi32, #tpu.memory_space<hbm>>
      tpu.wait_dma2 semaphore(%arg8 : memref<!tpu.dma_semaphore, #tpu.memory_space<semaphore_mem>>) src(%dma_wait3A_227 : memref<256xi32, #tpu.memory_space<hbm>>) dst(%arg5 : memref<256xi32, #tpu.memory_space<vmem>>)
      %get3A_228 = arith.constant 128 : index
      %get3A_229 = tpu.vector_load %arg5[%get3A_228] {strides = array<i32>} : memref<256xi32, #tpu.memory_space<vmem>>, vector<16xi32>,
      %sub3A_230 = vector.broadcast %mul3A_0 : i32 to vector<16xi32>
      %sub3A_231 = arith.subi %get3A_229, %sub3A_230 : vector<16xi32>
      %ge3A_232 = arith.constant 0 : i32
      %ge3A_233 = vector.broadcast %ge3A_232 : i32 to vector<16xi32>
      %ge3A_234 = arith.cmpi sge, %sub3A_231, %ge3A_233 : vector<16xi32>
      %lt3A_235 = arith.constant 5000 : i32
      %lt3A_236 = vector.broadcast %lt3A_235 : i32 to vector<16xi32>
      %lt3A_237 = arith.cmpi slt, %sub3A_231, %lt3A_236 : vector<16xi32>
      %and3A_238 = arith.andi %ge3A_234, %lt3A_237 : vector<16xi1>
      %and3A_239 = arith.constant 7 : i32
      %and3A_240 = vector.broadcast %and3A_239 : i32 to vector<16xi32>
      %and3A_241 = arith.andi %iota3A, %and3A_240 : vector<16xi32>
      %add3A_242 = arith.constant 5000 : i32
      %add3A_243 = vector.broadcast %add3A_242 : i32 to vector<16xi32>
      %add3A_244 = arith.addi %add3A_243, %and3A_241 : vector<16xi32>
      %select_n3A_245 = arith.select %and3A_238, %sub3A_231, %add3A_244 : vector<16xi1>, vector<16xi32>
      %mul3A_246 = arith.constant 16 : i32
      %mul3A_247 = vector.broadcast %mul3A_246 : i32 to vector<16xi32>
      %mul3A_248 = arith.muli %select_n3A_245, %mul3A_247 : vector<16xi32>
      %add3A_249 = arith.addi %mul3A_248, %iota3A : vector<16xi32>
      tpu.vector_store_idx %arg6[%add3A_249], %broadcast_in_dim3A_13 {add = true} : memref<80128xf32, #tpu.memory_space<vmem>>[vector<16xi32>], vector<16xf32>,
      %get3A_250 = arith.constant 144 : index
      %get3A_251 = tpu.vector_load %arg5[%get3A_250] {strides = array<i32>} : memref<256xi32, #tpu.memory_space<vmem>>, vector<16xi32>,
      %sub3A_252 = vector.broadcast %mul3A_0 : i32 to vector<16xi32>
      %sub3A_253 = arith.subi %get3A_251, %sub3A_252 : vector<16xi32>
      %ge3A_254 = arith.constant 0 : i32
      %ge3A_255 = vector.broadcast %ge3A_254 : i32 to vector<16xi32>
      %ge3A_256 = arith.cmpi sge, %sub3A_253, %ge3A_255 : vector<16xi32>
      %lt3A_257 = arith.constant 5000 : i32
      %lt3A_258 = vector.broadcast %lt3A_257 : i32 to vector<16xi32>
      %lt3A_259 = arith.cmpi slt, %sub3A_253, %lt3A_258 : vector<16xi32>
      %and3A_260 = arith.andi %ge3A_256, %lt3A_259 : vector<16xi1>
      %and3A_261 = arith.constant 7 : i32
      %and3A_262 = vector.broadcast %and3A_261 : i32 to vector<16xi32>
      %and3A_263 = arith.andi %iota3A, %and3A_262 : vector<16xi32>
      %add3A_264 = arith.constant 5000 : i32
      %add3A_265 = vector.broadcast %add3A_264 : i32 to vector<16xi32>
      %add3A_266 = arith.addi %add3A_265, %and3A_263 : vector<16xi32>
      %select_n3A_267 = arith.select %and3A_260, %sub3A_253, %add3A_266 : vector<16xi1>, vector<16xi32>
      %mul3A_268 = arith.constant 16 : i32
      %mul3A_269 = vector.broadcast %mul3A_268 : i32 to vector<16xi32>
      %mul3A_270 = arith.muli %select_n3A_267, %mul3A_269 : vector<16xi32>
      %add3A_271 = arith.addi %mul3A_270, %iota3A : vector<16xi32>
      tpu.vector_store_idx %arg6[%add3A_271], %broadcast_in_dim3A_13 {add = true} : memref<80128xf32, #tpu.memory_space<vmem>>[vector<16xi32>], vector<16xf32>,
      %get3A_272 = arith.constant 160 : index
      %get3A_273 = tpu.vector_load %arg5[%get3A_272] {strides = array<i32>} : memref<256xi32, #tpu.memory_space<vmem>>, vector<16xi32>,
      %sub3A_274 = vector.broadcast %mul3A_0 : i32 to vector<16xi32>
      %sub3A_275 = arith.subi %get3A_273, %sub3A_274 : vector<16xi32>
      %ge3A_276 = arith.constant 0 : i32
      %ge3A_277 = vector.broadcast %ge3A_276 : i32 to vector<16xi32>
      %ge3A_278 = arith.cmpi sge, %sub3A_275, %ge3A_277 : vector<16xi32>
      %lt3A_279 = arith.constant 5000 : i32
      %lt3A_280 = vector.broadcast %lt3A_279 : i32 to vector<16xi32>
      %lt3A_281 = arith.cmpi slt, %sub3A_275, %lt3A_280 : vector<16xi32>
      %and3A_282 = arith.andi %ge3A_278, %lt3A_281 : vector<16xi1>
      %and3A_283 = arith.constant 7 : i32
      %and3A_284 = vector.broadcast %and3A_283 : i32 to vector<16xi32>
      %and3A_285 = arith.andi %iota3A, %and3A_284 : vector<16xi32>
      %add3A_286 = arith.constant 5000 : i32
      %add3A_287 = vector.broadcast %add3A_286 : i32 to vector<16xi32>
      %add3A_288 = arith.addi %add3A_287, %and3A_285 : vector<16xi32>
      %select_n3A_289 = arith.select %and3A_282, %sub3A_275, %add3A_288 : vector<16xi1>, vector<16xi32>
      %mul3A_290 = arith.constant 16 : i32
      %mul3A_291 = vector.broadcast %mul3A_290 : i32 to vector<16xi32>
      %mul3A_292 = arith.muli %select_n3A_289, %mul3A_291 : vector<16xi32>
      %add3A_293 = arith.addi %mul3A_292, %iota3A : vector<16xi32>
      tpu.vector_store_idx %arg6[%add3A_293], %broadcast_in_dim3A_13 {add = true} : memref<80128xf32, #tpu.memory_space<vmem>>[vector<16xi32>], vector<16xf32>,
      %get3A_294 = arith.constant 176 : index
      %get3A_295 = tpu.vector_load %arg5[%get3A_294] {strides = array<i32>} : memref<256xi32, #tpu.memory_space<vmem>>, vector<16xi32>,
      %sub3A_296 = vector.broadcast %mul3A_0 : i32 to vector<16xi32>
      %sub3A_297 = arith.subi %get3A_295, %sub3A_296 : vector<16xi32>
      %ge3A_298 = arith.constant 0 : i32
      %ge3A_299 = vector.broadcast %ge3A_298 : i32 to vector<16xi32>
      %ge3A_300 = arith.cmpi sge, %sub3A_297, %ge3A_299 : vector<16xi32>
      %lt3A_301 = arith.constant 5000 : i32
      %lt3A_302 = vector.broadcast %lt3A_301 : i32 to vector<16xi32>
      %lt3A_303 = arith.cmpi slt, %sub3A_297, %lt3A_302 : vector<16xi32>
      %and3A_304 = arith.andi %ge3A_300, %lt3A_303 : vector<16xi1>
      %and3A_305 = arith.constant 7 : i32
      %and3A_306 = vector.broadcast %and3A_305 : i32 to vector<16xi32>
      %and3A_307 = arith.andi %iota3A, %and3A_306 : vector<16xi32>
      %add3A_308 = arith.constant 5000 : i32
      %add3A_309 = vector.broadcast %add3A_308 : i32 to vector<16xi32>
      %add3A_310 = arith.addi %add3A_309, %and3A_307 : vector<16xi32>
      %select_n3A_311 = arith.select %and3A_304, %sub3A_297, %add3A_310 : vector<16xi1>, vector<16xi32>
      %mul3A_312 = arith.constant 16 : i32
      %mul3A_313 = vector.broadcast %mul3A_312 : i32 to vector<16xi32>
      %mul3A_314 = arith.muli %select_n3A_311, %mul3A_313 : vector<16xi32>
      %add3A_315 = arith.addi %mul3A_314, %iota3A : vector<16xi32>
      tpu.vector_store_idx %arg6[%add3A_315], %broadcast_in_dim3A_13 {add = true} : memref<80128xf32, #tpu.memory_space<vmem>>[vector<16xi32>], vector<16xf32>,
      %get3A_316 = arith.constant 192 : index
      %get3A_317 = tpu.vector_load %arg5[%get3A_316] {strides = array<i32>} : memref<256xi32, #tpu.memory_space<vmem>>, vector<16xi32>,
      %sub3A_318 = vector.broadcast %mul3A_0 : i32 to vector<16xi32>
      %sub3A_319 = arith.subi %get3A_317, %sub3A_318 : vector<16xi32>
      %ge3A_320 = arith.constant 0 : i32
      %ge3A_321 = vector.broadcast %ge3A_320 : i32 to vector<16xi32>
      %ge3A_322 = arith.cmpi sge, %sub3A_319, %ge3A_321 : vector<16xi32>
      %lt3A_323 = arith.constant 5000 : i32
      %lt3A_324 = vector.broadcast %lt3A_323 : i32 to vector<16xi32>
      %lt3A_325 = arith.cmpi slt, %sub3A_319, %lt3A_324 : vector<16xi32>
      %and3A_326 = arith.andi %ge3A_322, %lt3A_325 : vector<16xi1>
      %and3A_327 = arith.constant 7 : i32
      %and3A_328 = vector.broadcast %and3A_327 : i32 to vector<16xi32>
      %and3A_329 = arith.andi %iota3A, %and3A_328 : vector<16xi32>
      %add3A_330 = arith.constant 5000 : i32
      %add3A_331 = vector.broadcast %add3A_330 : i32 to vector<16xi32>
      %add3A_332 = arith.addi %add3A_331, %and3A_329 : vector<16xi32>
      %select_n3A_333 = arith.select %and3A_326, %sub3A_319, %add3A_332 : vector<16xi1>, vector<16xi32>
      %mul3A_334 = arith.constant 16 : i32
      %mul3A_335 = vector.broadcast %mul3A_334 : i32 to vector<16xi32>
      %mul3A_336 = arith.muli %select_n3A_333, %mul3A_335 : vector<16xi32>
      %add3A_337 = arith.addi %mul3A_336, %iota3A : vector<16xi32>
      tpu.vector_store_idx %arg6[%add3A_337], %broadcast_in_dim3A_13 {add = true} : memref<80128xf32, #tpu.memory_space<vmem>>[vector<16xi32>], vector<16xf32>,
      %get3A_338 = arith.constant 208 : index
      %get3A_339 = tpu.vector_load %arg5[%get3A_338] {strides = array<i32>} : memref<256xi32, #tpu.memory_space<vmem>>, vector<16xi32>,
      %sub3A_340 = vector.broadcast %mul3A_0 : i32 to vector<16xi32>
      %sub3A_341 = arith.subi %get3A_339, %sub3A_340 : vector<16xi32>
      %ge3A_342 = arith.constant 0 : i32
      %ge3A_343 = vector.broadcast %ge3A_342 : i32 to vector<16xi32>
      %ge3A_344 = arith.cmpi sge, %sub3A_341, %ge3A_343 : vector<16xi32>
      %lt3A_345 = arith.constant 5000 : i32
      %lt3A_346 = vector.broadcast %lt3A_345 : i32 to vector<16xi32>
      %lt3A_347 = arith.cmpi slt, %sub3A_341, %lt3A_346 : vector<16xi32>
      %and3A_348 = arith.andi %ge3A_344, %lt3A_347 : vector<16xi1>
      %and3A_349 = arith.constant 7 : i32
      %and3A_350 = vector.broadcast %and3A_349 : i32 to vector<16xi32>
      %and3A_351 = arith.andi %iota3A, %and3A_350 : vector<16xi32>
      %add3A_352 = arith.constant 5000 : i32
      %add3A_353 = vector.broadcast %add3A_352 : i32 to vector<16xi32>
      %add3A_354 = arith.addi %add3A_353, %and3A_351 : vector<16xi32>
      %select_n3A_355 = arith.select %and3A_348, %sub3A_341, %add3A_354 : vector<16xi1>, vector<16xi32>
      %mul3A_356 = arith.constant 16 : i32
      %mul3A_357 = vector.broadcast %mul3A_356 : i32 to vector<16xi32>
      %mul3A_358 = arith.muli %select_n3A_355, %mul3A_357 : vector<16xi32>
      %add3A_359 = arith.addi %mul3A_358, %iota3A : vector<16xi32>
      tpu.vector_store_idx %arg6[%add3A_359], %broadcast_in_dim3A_13 {add = true} : memref<80128xf32, #tpu.memory_space<vmem>>[vector<16xi32>], vector<16xf32>,
      %get3A_360 = arith.constant 224 : index
      %get3A_361 = tpu.vector_load %arg5[%get3A_360] {strides = array<i32>} : memref<256xi32, #tpu.memory_space<vmem>>, vector<16xi32>,
      %sub3A_362 = vector.broadcast %mul3A_0 : i32 to vector<16xi32>
      %sub3A_363 = arith.subi %get3A_361, %sub3A_362 : vector<16xi32>
      %ge3A_364 = arith.constant 0 : i32
      %ge3A_365 = vector.broadcast %ge3A_364 : i32 to vector<16xi32>
      %ge3A_366 = arith.cmpi sge, %sub3A_363, %ge3A_365 : vector<16xi32>
      %lt3A_367 = arith.constant 5000 : i32
      %lt3A_368 = vector.broadcast %lt3A_367 : i32 to vector<16xi32>
      %lt3A_369 = arith.cmpi slt, %sub3A_363, %lt3A_368 : vector<16xi32>
      %and3A_370 = arith.andi %ge3A_366, %lt3A_369 : vector<16xi1>
      %and3A_371 = arith.constant 7 : i32
      %and3A_372 = vector.broadcast %and3A_371 : i32 to vector<16xi32>
      %and3A_373 = arith.andi %iota3A, %and3A_372 : vector<16xi32>
      %add3A_374 = arith.constant 5000 : i32
      %add3A_375 = vector.broadcast %add3A_374 : i32 to vector<16xi32>
      %add3A_376 = arith.addi %add3A_375, %and3A_373 : vector<16xi32>
      %select_n3A_377 = arith.select %and3A_370, %sub3A_363, %add3A_376 : vector<16xi1>, vector<16xi32>
      %mul3A_378 = arith.constant 16 : i32
      %mul3A_379 = vector.broadcast %mul3A_378 : i32 to vector<16xi32>
      %mul3A_380 = arith.muli %select_n3A_377, %mul3A_379 : vector<16xi32>
      %add3A_381 = arith.addi %mul3A_380, %iota3A : vector<16xi32>
      tpu.vector_store_idx %arg6[%add3A_381], %broadcast_in_dim3A_13 {add = true} : memref<80128xf32, #tpu.memory_space<vmem>>[vector<16xi32>], vector<16xf32>,
      %get3A_382 = arith.constant 240 : index
      %get3A_383 = tpu.vector_load %arg5[%get3A_382] {strides = array<i32>} : memref<256xi32, #tpu.memory_space<vmem>>, vector<16xi32>,
      %sub3A_384 = vector.broadcast %mul3A_0 : i32 to vector<16xi32>
      %sub3A_385 = arith.subi %get3A_383, %sub3A_384 : vector<16xi32>
      %ge3A_386 = arith.constant 0 : i32
      %ge3A_387 = vector.broadcast %ge3A_386 : i32 to vector<16xi32>
      %ge3A_388 = arith.cmpi sge, %sub3A_385, %ge3A_387 : vector<16xi32>
      %lt3A_389 = arith.constant 5000 : i32
      %lt3A_390 = vector.broadcast %lt3A_389 : i32 to vector<16xi32>
      %lt3A_391 = arith.cmpi slt, %sub3A_385, %lt3A_390 : vector<16xi32>
      %and3A_392 = arith.andi %ge3A_388, %lt3A_391 : vector<16xi1>
      %and3A_393 = arith.constant 7 : i32
      %and3A_394 = vector.broadcast %and3A_393 : i32 to vector<16xi32>
      %and3A_395 = arith.andi %iota3A, %and3A_394 : vector<16xi32>
      %add3A_396 = arith.constant 5000 : i32
      %add3A_397 = vector.broadcast %add3A_396 : i32 to vector<16xi32>
      %add3A_398 = arith.addi %add3A_397, %and3A_395 : vector<16xi32>
      %select_n3A_399 = arith.select %and3A_392, %sub3A_385, %add3A_398 : vector<16xi1>, vector<16xi32>
      %mul3A_400 = arith.constant 16 : i32
      %mul3A_401 = vector.broadcast %mul3A_400 : i32 to vector<16xi32>
      %mul3A_402 = arith.muli %select_n3A_399, %mul3A_401 : vector<16xi32>
      %add3A_403 = arith.addi %mul3A_402, %iota3A : vector<16xi32>
      tpu.vector_store_idx %arg6[%add3A_403], %broadcast_in_dim3A_13 {add = true} : memref<80128xf32, #tpu.memory_space<vmem>>[vector<16xi32>], vector<16xf32>,
      %lt3A_404 = arith.constant 39 : i32
      %lt3A_405 = arith.cmpi slt, %while3A_30, %lt3A_404 : i32
      %convert_element_type3A = arith.extui %lt3A_405 : i1 to i32
      %cond3A = arith.constant 0 : i32
      %cond3A_406 = arith.cmpi ne, %convert_element_type3A, %cond3A : i32
      scf.if %cond3A_406 {
        %add3A_407 = arith.addi %mul3A_12, %add3A_221 : i32
        %add3A_408 = arith.constant 1 : i32
        %add3A_409 = arith.addi %add3A_407, %add3A_408 : i32
        %dma_start3A_410 = arith.constant 0 : i32
        %dma_start3A_411 = tpu.memref_slice %arg2[%add3A_409, %dma_start3A_410] : memref<1280x256xi32, #tpu.memory_space<hbm>> -> memref<1x256xi32, #tpu.memory_space<hbm>>
        %dma_start3A_412 = tpu.memref_squeeze %dma_start3A_411 : memref<1x256xi32, #tpu.memory_space<hbm>> -> memref<256xi32, #tpu.memory_space<hbm>>
        %dma_start3A_413 = arith.constant 0 : i32
        %dma_start3A_414 = tpu.memref_slice %arg2[%add3A_409, %dma_start3A_413] : memref<1280x256xi32, #tpu.memory_space<hbm>> -> memref<1x256xi32, #tpu.memory_space<hbm>>
        %dma_start3A_415 = tpu.memref_squeeze %dma_start3A_414 : memref<1x256xi32, #tpu.memory_space<hbm>> -> memref<256xi32, #tpu.memory_space<hbm>>
        tpu.enqueue_dma source(%dma_start3A_415 : memref<256xi32, #tpu.memory_space<hbm>>) target(%arg4 : memref<256xi32, #tpu.memory_space<vmem>>) target_semaphore(%arg7 : memref<!tpu.dma_semaphore, #tpu.memory_space<semaphore_mem>>)
      } else {
      }
    }
    %while3A_29 = arith.constant 1 : i32
    scf.for %while3A_30 = %while3A_27 to %while3A_23 step %while3A_29  : i32 {
      %mul3A_31 = arith.constant 2 : i32
      %mul3A_32 = arith.muli %mul3A_31, %while3A_30 : i32
      %add3A = arith.constant 0 : i32
      %add3A_33 = arith.addi %mul3A_32, %add3A : i32
      %dma_wait3A = arith.constant 0 : i32
      %dma_wait3A_34 = tpu.memref_slice %arg2[%mul3A_12, %dma_wait3A] : memref<1280x256xi32, #tpu.memory_space<hbm>> -> memref<1x256xi32, #tpu.memory_space<hbm>>
      %dma_wait3A_35 = tpu.memref_squeeze %dma_wait3A_34 : memref<1x256xi32, #tpu.memory_space<hbm>> -> memref<256xi32, #tpu.memory_space<hbm>>
      %dma_wait3A_36 = arith.constant 0 : i32
      %dma_wait3A_37 = tpu.memref_slice %arg2[%mul3A_12, %dma_wait3A_36] : memref<1280x256xi32, #tpu.memory_space<hbm>> -> memref<1x256xi32, #tpu.memory_space<hbm>>
      %dma_wait3A_38 = tpu.memref_squeeze %dma_wait3A_37 : memref<1x256xi32, #tpu.memory_space<hbm>> -> memref<256xi32, #tpu.memory_space<hbm>>
      tpu.wait_dma2 semaphore(%arg7 : memref<!tpu.dma_semaphore, #tpu.memory_space<semaphore_mem>>) src(%dma_wait3A_38 : memref<256xi32, #tpu.memory_space<hbm>>) dst(%arg4 : memref<256xi32, #tpu.memory_space<vmem>>)
      %get3A = arith.constant 128 : index
      %get3A_39 = tpu.vector_load %arg4[%get3A] {strides = array<i32>} : memref<256xi32, #tpu.memory_space<vmem>>, vector<16xi32>,
      %sub3A = vector.broadcast %mul3A_0 : i32 to vector<16xi32>
      %sub3A_40 = arith.subi %get3A_39, %sub3A : vector<16xi32>
      %ge3A = arith.constant 0 : i32
      %ge3A_41 = vector.broadcast %ge3A : i32 to vector<16xi32>
      %ge3A_42 = arith.cmpi sge, %sub3A_40, %ge3A_41 : vector<16xi32>
      %lt3A = arith.constant 5000 : i32
      %lt3A_43 = vector.broadcast %lt3A : i32 to vector<16xi32>
      %lt3A_44 = arith.cmpi slt, %sub3A_40, %lt3A_43 : vector<16xi32>
      %and3A = arith.andi %ge3A_42, %lt3A_44 : vector<16xi1>
      %and3A_45 = arith.constant 7 : i32
      %and3A_46 = vector.broadcast %and3A_45 : i32 to vector<16xi32>
      %and3A_47 = arith.andi %iota3A, %and3A_46 : vector<16xi32>
      %add3A_48 = arith.constant 5000 : i32
      %add3A_49 = vector.broadcast %add3A_48 : i32 to vector<16xi32>
      %add3A_50 = arith.addi %add3A_49, %and3A_47 : vector<16xi32>
      %select_n3A = arith.select %and3A, %sub3A_40, %add3A_50 : vector<16xi1>, vector<16xi32>
      %mul3A_51 = arith.constant 16 : i32
      %mul3A_52 = vector.broadcast %mul3A_51 : i32 to vector<16xi32>
      %mul3A_53 = arith.muli %select_n3A, %mul3A_52 : vector<16xi32>
      %add3A_54 = arith.addi %mul3A_53, %iota3A : vector<16xi32>
      tpu.vector_store_idx %arg6[%add3A_54], %broadcast_in_dim3A_13 {add = true} : memref<80128xf32, #tpu.memory_space<vmem>>[vector<16xi32>], vector<16xf32>,
      %get3A_55 = arith.constant 144 : index
      %get3A_56 = tpu.vector_load %arg4[%get3A_55] {strides = array<i32>} : memref<256xi32, #tpu.memory_space<vmem>>, vector<16xi32>,
      %sub3A_57 = vector.broadcast %mul3A_0 : i32 to vector<16xi32>
      %sub3A_58 = arith.subi %get3A_56, %sub3A_57 : vector<16xi32>
      %ge3A_59 = arith.constant 0 : i32
      %ge3A_60 = vector.broadcast %ge3A_59 : i32 to vector<16xi32>
      %ge3A_61 = arith.cmpi sge, %sub3A_58, %ge3A_60 : vector<16xi32>
      %lt3A_62 = arith.constant 5000 : i32
      %lt3A_63 = vector.broadcast %lt3A_62 : i32 to vector<16xi32>
      %lt3A_64 = arith.cmpi slt, %sub3A_58, %lt3A_63 : vector<16xi32>
      %and3A_65 = arith.andi %ge3A_61, %lt3A_64 : vector<16xi1>
      %and3A_66 = arith.constant 7 : i32
      %and3A_67 = vector.broadcast %and3A_66 : i32 to vector<16xi32>
      %and3A_68 = arith.andi %iota3A, %and3A_67 : vector<16xi32>
      %add3A_69 = arith.constant 5000 : i32
      %add3A_70 = vector.broadcast %add3A_69 : i32 to vector<16xi32>
      %add3A_71 = arith.addi %add3A_70, %and3A_68 : vector<16xi32>
      %select_n3A_72 = arith.select %and3A_65, %sub3A_58, %add3A_71 : vector<16xi1>, vector<16xi32>
      %mul3A_73 = arith.constant 16 : i32
      %mul3A_74 = vector.broadcast %mul3A_73 : i32 to vector<16xi32>
      %mul3A_75 = arith.muli %select_n3A_72, %mul3A_74 : vector<16xi32>
      %add3A_76 = arith.addi %mul3A_75, %iota3A : vector<16xi32>
      tpu.vector_store_idx %arg6[%add3A_76], %broadcast_in_dim3A_13 {add = true} : memref<80128xf32, #tpu.memory_space<vmem>>[vector<16xi32>], vector<16xf32>,
      %get3A_77 = arith.constant 160 : index
      %get3A_78 = tpu.vector_load %arg4[%get3A_77] {strides = array<i32>} : memref<256xi32, #tpu.memory_space<vmem>>, vector<16xi32>,
      %sub3A_79 = vector.broadcast %mul3A_0 : i32 to vector<16xi32>
      %sub3A_80 = arith.subi %get3A_78, %sub3A_79 : vector<16xi32>
      %ge3A_81 = arith.constant 0 : i32
      %ge3A_82 = vector.broadcast %ge3A_81 : i32 to vector<16xi32>
      %ge3A_83 = arith.cmpi sge, %sub3A_80, %ge3A_82 : vector<16xi32>
      %lt3A_84 = arith.constant 5000 : i32
      %lt3A_85 = vector.broadcast %lt3A_84 : i32 to vector<16xi32>
      %lt3A_86 = arith.cmpi slt, %sub3A_80, %lt3A_85 : vector<16xi32>
      %and3A_87 = arith.andi %ge3A_83, %lt3A_86 : vector<16xi1>
      %and3A_88 = arith.constant 7 : i32
      %and3A_89 = vector.broadcast %and3A_88 : i32 to vector<16xi32>
      %and3A_90 = arith.andi %iota3A, %and3A_89 : vector<16xi32>
      %add3A_91 = arith.constant 5000 : i32
      %add3A_92 = vector.broadcast %add3A_91 : i32 to vector<16xi32>
      %add3A_93 = arith.addi %add3A_92, %and3A_90 : vector<16xi32>
      %select_n3A_94 = arith.select %and3A_87, %sub3A_80, %add3A_93 : vector<16xi1>, vector<16xi32>
      %mul3A_95 = arith.constant 16 : i32
      %mul3A_96 = vector.broadcast %mul3A_95 : i32 to vector<16xi32>
      %mul3A_97 = arith.muli %select_n3A_94, %mul3A_96 : vector<16xi32>
      %add3A_98 = arith.addi %mul3A_97, %iota3A : vector<16xi32>
      tpu.vector_store_idx %arg6[%add3A_98], %broadcast_in_dim3A_13 {add = true} : memref<80128xf32, #tpu.memory_space<vmem>>[vector<16xi32>], vector<16xf32>,
      %get3A_99 = arith.constant 176 : index
      %get3A_100 = tpu.vector_load %arg4[%get3A_99] {strides = array<i32>} : memref<256xi32, #tpu.memory_space<vmem>>, vector<16xi32>,
      %sub3A_101 = vector.broadcast %mul3A_0 : i32 to vector<16xi32>
      %sub3A_102 = arith.subi %get3A_100, %sub3A_101 : vector<16xi32>
      %ge3A_103 = arith.constant 0 : i32
      %ge3A_104 = vector.broadcast %ge3A_103 : i32 to vector<16xi32>
      %ge3A_105 = arith.cmpi sge, %sub3A_102, %ge3A_104 : vector<16xi32>
      %lt3A_106 = arith.constant 5000 : i32
      %lt3A_107 = vector.broadcast %lt3A_106 : i32 to vector<16xi32>
      %lt3A_108 = arith.cmpi slt, %sub3A_102, %lt3A_107 : vector<16xi32>
      %and3A_109 = arith.andi %ge3A_105, %lt3A_108 : vector<16xi1>
      %and3A_110 = arith.constant 7 : i32
      %and3A_111 = vector.broadcast %and3A_110 : i32 to vector<16xi32>
      %and3A_112 = arith.andi %iota3A, %and3A_111 : vector<16xi32>
      %add3A_113 = arith.constant 5000 : i32
      %add3A_114 = vector.broadcast %add3A_113 : i32 to vector<16xi32>
      %add3A_115 = arith.addi %add3A_114, %and3A_112 : vector<16xi32>
      %select_n3A_116 = arith.select %and3A_109, %sub3A_102, %add3A_115 : vector<16xi1>, vector<16xi32>
      %mul3A_117 = arith.constant 16 : i32
      %mul3A_118 = vector.broadcast %mul3A_117 : i32 to vector<16xi32>
      %mul3A_119 = arith.muli %select_n3A_116, %mul3A_118 : vector<16xi32>
      %add3A_120 = arith.addi %mul3A_119, %iota3A : vector<16xi32>
      tpu.vector_store_idx %arg6[%add3A_120], %broadcast_in_dim3A_13 {add = true} : memref<80128xf32, #tpu.memory_space<vmem>>[vector<16xi32>], vector<16xf32>,
      %get3A_121 = arith.constant 192 : index
      %get3A_122 = tpu.vector_load %arg4[%get3A_121] {strides = array<i32>} : memref<256xi32, #tpu.memory_space<vmem>>, vector<16xi32>,
      %sub3A_123 = vector.broadcast %mul3A_0 : i32 to vector<16xi32>
      %sub3A_124 = arith.subi %get3A_122, %sub3A_123 : vector<16xi32>
      %ge3A_125 = arith.constant 0 : i32
      %ge3A_126 = vector.broadcast %ge3A_125 : i32 to vector<16xi32>
      %ge3A_127 = arith.cmpi sge, %sub3A_124, %ge3A_126 : vector<16xi32>
      %lt3A_128 = arith.constant 5000 : i32
      %lt3A_129 = vector.broadcast %lt3A_128 : i32 to vector<16xi32>
      %lt3A_130 = arith.cmpi slt, %sub3A_124, %lt3A_129 : vector<16xi32>
      %and3A_131 = arith.andi %ge3A_127, %lt3A_130 : vector<16xi1>
      %and3A_132 = arith.constant 7 : i32
      %and3A_133 = vector.broadcast %and3A_132 : i32 to vector<16xi32>
      %and3A_134 = arith.andi %iota3A, %and3A_133 : vector<16xi32>
      %add3A_135 = arith.constant 5000 : i32
      %add3A_136 = vector.broadcast %add3A_135 : i32 to vector<16xi32>
      %add3A_137 = arith.addi %add3A_136, %and3A_134 : vector<16xi32>
      %select_n3A_138 = arith.select %and3A_131, %sub3A_124, %add3A_137 : vector<16xi1>, vector<16xi32>
      %mul3A_139 = arith.constant 16 : i32
      %mul3A_140 = vector.broadcast %mul3A_139 : i32 to vector<16xi32>
      %mul3A_141 = arith.muli %select_n3A_138, %mul3A_140 : vector<16xi32>
      %add3A_142 = arith.addi %mul3A_141, %iota3A : vector<16xi32>
      tpu.vector_store_idx %arg6[%add3A_142], %broadcast_in_dim3A_13 {add = true} : memref<80128xf32, #tpu.memory_space<vmem>>[vector<16xi32>], vector<16xf32>,
      %get3A_143 = arith.constant 208 : index
      %get3A_144 = tpu.vector_load %arg4[%get3A_143] {strides = array<i32>} : memref<256xi32, #tpu.memory_space<vmem>>, vector<16xi32>,
      %sub3A_145 = vector.broadcast %mul3A_0 : i32 to vector<16xi32>
      %sub3A_146 = arith.subi %get3A_144, %sub3A_145 : vector<16xi32>
      %ge3A_147 = arith.constant 0 : i32
      %ge3A_148 = vector.broadcast %ge3A_147 : i32 to vector<16xi32>
      %ge3A_149 = arith.cmpi sge, %sub3A_146, %ge3A_148 : vector<16xi32>
      %lt3A_150 = arith.constant 5000 : i32
      %lt3A_151 = vector.broadcast %lt3A_150 : i32 to vector<16xi32>
      %lt3A_152 = arith.cmpi slt, %sub3A_146, %lt3A_151 : vector<16xi32>
      %and3A_153 = arith.andi %ge3A_149, %lt3A_152 : vector<16xi1>
      %and3A_154 = arith.constant 7 : i32
      %and3A_155 = vector.broadcast %and3A_154 : i32 to vector<16xi32>
      %and3A_156 = arith.andi %iota3A, %and3A_155 : vector<16xi32>
      %add3A_157 = arith.constant 5000 : i32
      %add3A_158 = vector.broadcast %add3A_157 : i32 to vector<16xi32>
      %add3A_159 = arith.addi %add3A_158, %and3A_156 : vector<16xi32>
      %select_n3A_160 = arith.select %and3A_153, %sub3A_146, %add3A_159 : vector<16xi1>, vector<16xi32>
      %mul3A_161 = arith.constant 16 : i32
      %mul3A_162 = vector.broadcast %mul3A_161 : i32 to vector<16xi32>
      %mul3A_163 = arith.muli %select_n3A_160, %mul3A_162 : vector<16xi32>
      %add3A_164 = arith.addi %mul3A_163, %iota3A : vector<16xi32>
      tpu.vector_store_idx %arg6[%add3A_164], %broadcast_in_dim3A_13 {add = true} : memref<80128xf32, #tpu.memory_space<vmem>>[vector<16xi32>], vector<16xf32>,
      %get3A_165 = arith.constant 224 : index
      %get3A_166 = tpu.vector_load %arg4[%get3A_165] {strides = array<i32>} : memref<256xi32, #tpu.memory_space<vmem>>, vector<16xi32>,
      %sub3A_167 = vector.broadcast %mul3A_0 : i32 to vector<16xi32>
      %sub3A_168 = arith.subi %get3A_166, %sub3A_167 : vector<16xi32>
      %ge3A_169 = arith.constant 0 : i32
      %ge3A_170 = vector.broadcast %ge3A_169 : i32 to vector<16xi32>
      %ge3A_171 = arith.cmpi sge, %sub3A_168, %ge3A_170 : vector<16xi32>
      %lt3A_172 = arith.constant 5000 : i32
      %lt3A_173 = vector.broadcast %lt3A_172 : i32 to vector<16xi32>
      %lt3A_174 = arith.cmpi slt, %sub3A_168, %lt3A_173 : vector<16xi32>
      %and3A_175 = arith.andi %ge3A_171, %lt3A_174 : vector<16xi1>
      %and3A_176 = arith.constant 7 : i32
      %and3A_177 = vector.broadcast %and3A_176 : i32 to vector<16xi32>
      %and3A_178 = arith.andi %iota3A, %and3A_177 : vector<16xi32>
      %add3A_179 = arith.constant 5000 : i32
      %add3A_180 = vector.broadcast %add3A_179 : i32 to vector<16xi32>
      %add3A_181 = arith.addi %add3A_180, %and3A_178 : vector<16xi32>
      %select_n3A_182 = arith.select %and3A_175, %sub3A_168, %add3A_181 : vector<16xi1>, vector<16xi32>
      %mul3A_183 = arith.constant 16 : i32
      %mul3A_184 = vector.broadcast %mul3A_183 : i32 to vector<16xi32>
      %mul3A_185 = arith.muli %select_n3A_182, %mul3A_184 : vector<16xi32>
      %add3A_186 = arith.addi %mul3A_185, %iota3A : vector<16xi32>
      tpu.vector_store_idx %arg6[%add3A_186], %broadcast_in_dim3A_13 {add = true} : memref<80128xf32, #tpu.memory_space<vmem>>[vector<16xi32>], vector<16xf32>,
      %get3A_187 = arith.constant 240 : index
      %get3A_188 = tpu.vector_load %arg4[%get3A_187] {strides = array<i32>} : memref<256xi32, #tpu.memory_space<vmem>>, vector<16xi32>,
      %sub3A_189 = vector.broadcast %mul3A_0 : i32 to vector<16xi32>
      %sub3A_190 = arith.subi %get3A_188, %sub3A_189 : vector<16xi32>
      %ge3A_191 = arith.constant 0 : i32
      %ge3A_192 = vector.broadcast %ge3A_191 : i32 to vector<16xi32>
      %ge3A_193 = arith.cmpi sge, %sub3A_190, %ge3A_192 : vector<16xi32>
      %lt3A_194 = arith.constant 5000 : i32
      %lt3A_195 = vector.broadcast %lt3A_194 : i32 to vector<16xi32>
      %lt3A_196 = arith.cmpi slt, %sub3A_190, %lt3A_195 : vector<16xi32>
      %and3A_197 = arith.andi %ge3A_193, %lt3A_196 : vector<16xi1>
      %and3A_198 = arith.constant 7 : i32
      %and3A_199 = vector.broadcast %and3A_198 : i32 to vector<16xi32>
      %and3A_200 = arith.andi %iota3A, %and3A_199 : vector<16xi32>
      %add3A_201 = arith.constant 5000 : i32
      %add3A_202 = vector.broadcast %add3A_201 : i32 to vector<16xi32>
      %add3A_203 = arith.addi %add3A_202, %and3A_200 : vector<16xi32>
      %select_n3A_204 = arith.select %and3A_197, %sub3A_190, %add3A_203 : vector<16xi1>, vector<16xi32>
      %mul3A_205 = arith.constant 16 : i32
      %mul3A_206 = vector.broadcast %mul3A_205 : i32 to vector<16xi32>
      %mul3A_207 = arith.muli %select_n3A_204, %mul3A_206 : vector<16xi32>
      %add3A_208 = arith.addi %mul3A_207, %iota3A : vector<16xi32>
      tpu.vector_store_idx %arg6[%add3A_208], %broadcast_in_dim3A_13 {add = true} : memref<80128xf32, #tpu.memory_space<vmem>>[vector<16xi32>], vector<16xf32>,
      %add3A_209 = arith.addi %mul3A_12, %add3A_33 : i32
      %add3A_210 = arith.constant 1 : i32
      %add3A_211 = arith.addi %add3A_209, %add3A_210 : i32
      %dma_start3A_212 = arith.constant 0 : i32
      %dma_start3A_213 = tpu.memref_slice %arg2[%add3A_211, %dma_start3A_212] : memref<1280x256xi32, #tpu.memory_space<hbm>> -> memref<1x256xi32, #tpu.memory_space<hbm>>
      %dma_start3A_214 = tpu.memref_squeeze %dma_start3A_213 : memref<1x256xi32, #tpu.memory_space<hbm>> -> memref<256xi32, #tpu.memory_space<hbm>>
      %dma_start3A_215 = arith.constant 0 : i32
      %dma_start3A_216 = tpu.memref_slice %arg2[%add3A_211, %dma_start3A_215] : memref<1280x256xi32, #tpu.memory_space<hbm>> -> memref<1x256xi32, #tpu.memory_space<hbm>>
      %dma_start3A_217 = tpu.memref_squeeze %dma_start3A_216 : memref<1x256xi32, #tpu.memory_space<hbm>> -> memref<256xi32, #tpu.memory_space<hbm>>
      tpu.enqueue_dma source(%dma_start3A_217 : memref<256xi32, #tpu.memory_space<hbm>>) target(%arg5 : memref<256xi32, #tpu.memory_space<vmem>>) target_semaphore(%arg8 : memref<!tpu.dma_semaphore, #tpu.memory_space<semaphore_mem>>)
      %mul3A_218 = arith.constant 2 : i32
      %mul3A_219 = arith.muli %mul3A_218, %while3A_30 : i32
      %add3A_220 = arith.constant 1 : i32
      %add3A_221 = arith.addi %mul3A_219, %add3A_220 : i32
      %dma_wait3A_222 = arith.constant 0 : i32
      %dma_wait3A_223 = tpu.memref_slice %arg2[%mul3A_12, %dma_wait3A_222] : memref<1280x256xi32, #tpu.memory_space<hbm>> -> memref<1x256xi32, #tpu.memory_space<hbm>>
      %dma_wait3A_224 = tpu.memref_squeeze %dma_wait3A_223 : memref<1x256xi32, #tpu.memory_space<hbm>> -> memref<256xi32, #tpu.memory_space<hbm>>
      %dma_wait3A_225 = arith.constant 0 : i32
      %dma_wait3A_226 = tpu.memref_slice %arg2[%mul3A_12, %dma_wait3A_225] : memref<1280x256xi32, #tpu.memory_space<hbm>> -> memref<1x256xi32, #tpu.memory_space<hbm>>
      %dma_wait3A_227 = tpu.memref_squeeze %dma_wait3A_226 : memref<1x256xi32, #tpu.memory_space<hbm>> -> memref<256xi32, #tpu.memory_space<hbm>>
      tpu.wait_dma2 semaphore(%arg8 : memref<!tpu.dma_semaphore, #tpu.memory_space<semaphore_mem>>) src(%dma_wait3A_227 : memref<256xi32, #tpu.memory_space<hbm>>) dst(%arg5 : memref<256xi32, #tpu.memory_space<vmem>>)
      %get3A_228 = arith.constant 128 : index
      %get3A_229 = tpu.vector_load %arg5[%get3A_228] {strides = array<i32>} : memref<256xi32, #tpu.memory_space<vmem>>, vector<16xi32>,
      %sub3A_230 = vector.broadcast %mul3A_0 : i32 to vector<16xi32>
      %sub3A_231 = arith.subi %get3A_229, %sub3A_230 : vector<16xi32>
      %ge3A_232 = arith.constant 0 : i32
      %ge3A_233 = vector.broadcast %ge3A_232 : i32 to vector<16xi32>
      %ge3A_234 = arith.cmpi sge, %sub3A_231, %ge3A_233 : vector<16xi32>
      %lt3A_235 = arith.constant 5000 : i32
      %lt3A_236 = vector.broadcast %lt3A_235 : i32 to vector<16xi32>
      %lt3A_237 = arith.cmpi slt, %sub3A_231, %lt3A_236 : vector<16xi32>
      %and3A_238 = arith.andi %ge3A_234, %lt3A_237 : vector<16xi1>
      %and3A_239 = arith.constant 7 : i32
      %and3A_240 = vector.broadcast %and3A_239 : i32 to vector<16xi32>
      %and3A_241 = arith.andi %iota3A, %and3A_240 : vector<16xi32>
      %add3A_242 = arith.constant 5000 : i32
      %add3A_243 = vector.broadcast %add3A_242 : i32 to vector<16xi32>
      %add3A_244 = arith.addi %add3A_243, %and3A_241 : vector<16xi32>
      %select_n3A_245 = arith.select %and3A_238, %sub3A_231, %add3A_244 : vector<16xi1>, vector<16xi32>
      %mul3A_246 = arith.constant 16 : i32
      %mul3A_247 = vector.broadcast %mul3A_246 : i32 to vector<16xi32>
      %mul3A_248 = arith.muli %select_n3A_245, %mul3A_247 : vector<16xi32>
      %add3A_249 = arith.addi %mul3A_248, %iota3A : vector<16xi32>
      tpu.vector_store_idx %arg6[%add3A_249], %broadcast_in_dim3A_13 {add = true} : memref<80128xf32, #tpu.memory_space<vmem>>[vector<16xi32>], vector<16xf32>,
      %get3A_250 = arith.constant 144 : index
      %get3A_251 = tpu.vector_load %arg5[%get3A_250] {strides = array<i32>} : memref<256xi32, #tpu.memory_space<vmem>>, vector<16xi32>,
      %sub3A_252 = vector.broadcast %mul3A_0 : i32 to vector<16xi32>
      %sub3A_253 = arith.subi %get3A_251, %sub3A_252 : vector<16xi32>
      %ge3A_254 = arith.constant 0 : i32
      %ge3A_255 = vector.broadcast %ge3A_254 : i32 to vector<16xi32>
      %ge3A_256 = arith.cmpi sge, %sub3A_253, %ge3A_255 : vector<16xi32>
      %lt3A_257 = arith.constant 5000 : i32
      %lt3A_258 = vector.broadcast %lt3A_257 : i32 to vector<16xi32>
      %lt3A_259 = arith.cmpi slt, %sub3A_253, %lt3A_258 : vector<16xi32>
      %and3A_260 = arith.andi %ge3A_256, %lt3A_259 : vector<16xi1>
      %and3A_261 = arith.constant 7 : i32
      %and3A_262 = vector.broadcast %and3A_261 : i32 to vector<16xi32>
      %and3A_263 = arith.andi %iota3A, %and3A_262 : vector<16xi32>
      %add3A_264 = arith.constant 5000 : i32
      %add3A_265 = vector.broadcast %add3A_264 : i32 to vector<16xi32>
      %add3A_266 = arith.addi %add3A_265, %and3A_263 : vector<16xi32>
      %select_n3A_267 = arith.select %and3A_260, %sub3A_253, %add3A_266 : vector<16xi1>, vector<16xi32>
      %mul3A_268 = arith.constant 16 : i32
      %mul3A_269 = vector.broadcast %mul3A_268 : i32 to vector<16xi32>
      %mul3A_270 = arith.muli %select_n3A_267, %mul3A_269 : vector<16xi32>
      %add3A_271 = arith.addi %mul3A_270, %iota3A : vector<16xi32>
      tpu.vector_store_idx %arg6[%add3A_271], %broadcast_in_dim3A_13 {add = true} : memref<80128xf32, #tpu.memory_space<vmem>>[vector<16xi32>], vector<16xf32>,
      %get3A_272 = arith.constant 160 : index
      %get3A_273 = tpu.vector_load %arg5[%get3A_272] {strides = array<i32>} : memref<256xi32, #tpu.memory_space<vmem>>, vector<16xi32>,
      %sub3A_274 = vector.broadcast %mul3A_0 : i32 to vector<16xi32>
      %sub3A_275 = arith.subi %get3A_273, %sub3A_274 : vector<16xi32>
      %ge3A_276 = arith.constant 0 : i32
      %ge3A_277 = vector.broadcast %ge3A_276 : i32 to vector<16xi32>
      %ge3A_278 = arith.cmpi sge, %sub3A_275, %ge3A_277 : vector<16xi32>
      %lt3A_279 = arith.constant 5000 : i32
      %lt3A_280 = vector.broadcast %lt3A_279 : i32 to vector<16xi32>
      %lt3A_281 = arith.cmpi slt, %sub3A_275, %lt3A_280 : vector<16xi32>
      %and3A_282 = arith.andi %ge3A_278, %lt3A_281 : vector<16xi1>
      %and3A_283 = arith.constant 7 : i32
      %and3A_284 = vector.broadcast %and3A_283 : i32 to vector<16xi32>
      %and3A_285 = arith.andi %iota3A, %and3A_284 : vector<16xi32>
      %add3A_286 = arith.constant 5000 : i32
      %add3A_287 = vector.broadcast %add3A_286 : i32 to vector<16xi32>
      %add3A_288 = arith.addi %add3A_287, %and3A_285 : vector<16xi32>
      %select_n3A_289 = arith.select %and3A_282, %sub3A_275, %add3A_288 : vector<16xi1>, vector<16xi32>
      %mul3A_290 = arith.constant 16 : i32
      %mul3A_291 = vector.broadcast %mul3A_290 : i32 to vector<16xi32>
      %mul3A_292 = arith.muli %select_n3A_289, %mul3A_291 : vector<16xi32>
      %add3A_293 = arith.addi %mul3A_292, %iota3A : vector<16xi32>
      tpu.vector_store_idx %arg6[%add3A_293], %broadcast_in_dim3A_13 {add = true} : memref<80128xf32, #tpu.memory_space<vmem>>[vector<16xi32>], vector<16xf32>,
      %get3A_294 = arith.constant 176 : index
      %get3A_295 = tpu.vector_load %arg5[%get3A_294] {strides = array<i32>} : memref<256xi32, #tpu.memory_space<vmem>>, vector<16xi32>,
      %sub3A_296 = vector.broadcast %mul3A_0 : i32 to vector<16xi32>
      %sub3A_297 = arith.subi %get3A_295, %sub3A_296 : vector<16xi32>
      %ge3A_298 = arith.constant 0 : i32
      %ge3A_299 = vector.broadcast %ge3A_298 : i32 to vector<16xi32>
      %ge3A_300 = arith.cmpi sge, %sub3A_297, %ge3A_299 : vector<16xi32>
      %lt3A_301 = arith.constant 5000 : i32
      %lt3A_302 = vector.broadcast %lt3A_301 : i32 to vector<16xi32>
      %lt3A_303 = arith.cmpi slt, %sub3A_297, %lt3A_302 : vector<16xi32>
      %and3A_304 = arith.andi %ge3A_300, %lt3A_303 : vector<16xi1>
      %and3A_305 = arith.constant 7 : i32
      %and3A_306 = vector.broadcast %and3A_305 : i32 to vector<16xi32>
      %and3A_307 = arith.andi %iota3A, %and3A_306 : vector<16xi32>
      %add3A_308 = arith.constant 5000 : i32
      %add3A_309 = vector.broadcast %add3A_308 : i32 to vector<16xi32>
      %add3A_310 = arith.addi %add3A_309, %and3A_307 : vector<16xi32>
      %select_n3A_311 = arith.select %and3A_304, %sub3A_297, %add3A_310 : vector<16xi1>, vector<16xi32>
      %mul3A_312 = arith.constant 16 : i32
      %mul3A_313 = vector.broadcast %mul3A_312 : i32 to vector<16xi32>
      %mul3A_314 = arith.muli %select_n3A_311, %mul3A_313 : vector<16xi32>
      %add3A_315 = arith.addi %mul3A_314, %iota3A : vector<16xi32>
      tpu.vector_store_idx %arg6[%add3A_315], %broadcast_in_dim3A_13 {add = true} : memref<80128xf32, #tpu.memory_space<vmem>>[vector<16xi32>], vector<16xf32>,
      %get3A_316 = arith.constant 192 : index
      %get3A_317 = tpu.vector_load %arg5[%get3A_316] {strides = array<i32>} : memref<256xi32, #tpu.memory_space<vmem>>, vector<16xi32>,
      %sub3A_318 = vector.broadcast %mul3A_0 : i32 to vector<16xi32>
      %sub3A_319 = arith.subi %get3A_317, %sub3A_318 : vector<16xi32>
      %ge3A_320 = arith.constant 0 : i32
      %ge3A_321 = vector.broadcast %ge3A_320 : i32 to vector<16xi32>
      %ge3A_322 = arith.cmpi sge, %sub3A_319, %ge3A_321 : vector<16xi32>
      %lt3A_323 = arith.constant 5000 : i32
      %lt3A_324 = vector.broadcast %lt3A_323 : i32 to vector<16xi32>
      %lt3A_325 = arith.cmpi slt, %sub3A_319, %lt3A_324 : vector<16xi32>
      %and3A_326 = arith.andi %ge3A_322, %lt3A_325 : vector<16xi1>
      %and3A_327 = arith.constant 7 : i32
      %and3A_328 = vector.broadcast %and3A_327 : i32 to vector<16xi32>
      %and3A_329 = arith.andi %iota3A, %and3A_328 : vector<16xi32>
      %add3A_330 = arith.constant 5000 : i32
      %add3A_331 = vector.broadcast %add3A_330 : i32 to vector<16xi32>
      %add3A_332 = arith.addi %add3A_331, %and3A_329 : vector<16xi32>
      %select_n3A_333 = arith.select %and3A_326, %sub3A_319, %add3A_332 : vector<16xi1>, vector<16xi32>
      %mul3A_334 = arith.constant 16 : i32
      %mul3A_335 = vector.broadcast %mul3A_334 : i32 to vector<16xi32>
      %mul3A_336 = arith.muli %select_n3A_333, %mul3A_335 : vector<16xi32>
      %add3A_337 = arith.addi %mul3A_336, %iota3A : vector<16xi32>
      tpu.vector_store_idx %arg6[%add3A_337], %broadcast_in_dim3A_13 {add = true} : memref<80128xf32, #tpu.memory_space<vmem>>[vector<16xi32>], vector<16xf32>,
      %get3A_338 = arith.constant 208 : index
      %get3A_339 = tpu.vector_load %arg5[%get3A_338] {strides = array<i32>} : memref<256xi32, #tpu.memory_space<vmem>>, vector<16xi32>,
      %sub3A_340 = vector.broadcast %mul3A_0 : i32 to vector<16xi32>
      %sub3A_341 = arith.subi %get3A_339, %sub3A_340 : vector<16xi32>
      %ge3A_342 = arith.constant 0 : i32
      %ge3A_343 = vector.broadcast %ge3A_342 : i32 to vector<16xi32>
      %ge3A_344 = arith.cmpi sge, %sub3A_341, %ge3A_343 : vector<16xi32>
      %lt3A_345 = arith.constant 5000 : i32
      %lt3A_346 = vector.broadcast %lt3A_345 : i32 to vector<16xi32>
      %lt3A_347 = arith.cmpi slt, %sub3A_341, %lt3A_346 : vector<16xi32>
      %and3A_348 = arith.andi %ge3A_344, %lt3A_347 : vector<16xi1>
      %and3A_349 = arith.constant 7 : i32
      %and3A_350 = vector.broadcast %and3A_349 : i32 to vector<16xi32>
      %and3A_351 = arith.andi %iota3A, %and3A_350 : vector<16xi32>
      %add3A_352 = arith.constant 5000 : i32
      %add3A_353 = vector.broadcast %add3A_352 : i32 to vector<16xi32>
      %add3A_354 = arith.addi %add3A_353, %and3A_351 : vector<16xi32>
      %select_n3A_355 = arith.select %and3A_348, %sub3A_341, %add3A_354 : vector<16xi1>, vector<16xi32>
      %mul3A_356 = arith.constant 16 : i32
      %mul3A_357 = vector.broadcast %mul3A_356 : i32 to vector<16xi32>
      %mul3A_358 = arith.muli %select_n3A_355, %mul3A_357 : vector<16xi32>
      %add3A_359 = arith.addi %mul3A_358, %iota3A : vector<16xi32>
      tpu.vector_store_idx %arg6[%add3A_359], %broadcast_in_dim3A_13 {add = true} : memref<80128xf32, #tpu.memory_space<vmem>>[vector<16xi32>], vector<16xf32>,
      %get3A_360 = arith.constant 224 : index
      %get3A_361 = tpu.vector_load %arg5[%get3A_360] {strides = array<i32>} : memref<256xi32, #tpu.memory_space<vmem>>, vector<16xi32>,
      %sub3A_362 = vector.broadcast %mul3A_0 : i32 to vector<16xi32>
      %sub3A_363 = arith.subi %get3A_361, %sub3A_362 : vector<16xi32>
      %ge3A_364 = arith.constant 0 : i32
      %ge3A_365 = vector.broadcast %ge3A_364 : i32 to vector<16xi32>
      %ge3A_366 = arith.cmpi sge, %sub3A_363, %ge3A_365 : vector<16xi32>
      %lt3A_367 = arith.constant 5000 : i32
      %lt3A_368 = vector.broadcast %lt3A_367 : i32 to vector<16xi32>
      %lt3A_369 = arith.cmpi slt, %sub3A_363, %lt3A_368 : vector<16xi32>
      %and3A_370 = arith.andi %ge3A_366, %lt3A_369 : vector<16xi1>
      %and3A_371 = arith.constant 7 : i32
      %and3A_372 = vector.broadcast %and3A_371 : i32 to vector<16xi32>
      %and3A_373 = arith.andi %iota3A, %and3A_372 : vector<16xi32>
      %add3A_374 = arith.constant 5000 : i32
      %add3A_375 = vector.broadcast %add3A_374 : i32 to vector<16xi32>
      %add3A_376 = arith.addi %add3A_375, %and3A_373 : vector<16xi32>
      %select_n3A_377 = arith.select %and3A_370, %sub3A_363, %add3A_376 : vector<16xi1>, vector<16xi32>
      %mul3A_378 = arith.constant 16 : i32
      %mul3A_379 = vector.broadcast %mul3A_378 : i32 to vector<16xi32>
      %mul3A_380 = arith.muli %select_n3A_377, %mul3A_379 : vector<16xi32>
      %add3A_381 = arith.addi %mul3A_380, %iota3A : vector<16xi32>
      tpu.vector_store_idx %arg6[%add3A_381], %broadcast_in_dim3A_13 {add = true} : memref<80128xf32, #tpu.memory_space<vmem>>[vector<16xi32>], vector<16xf32>,
      %get3A_382 = arith.constant 240 : index
      %get3A_383 = tpu.vector_load %arg5[%get3A_382] {strides = array<i32>} : memref<256xi32, #tpu.memory_space<vmem>>, vector<16xi32>,
      %sub3A_384 = vector.broadcast %mul3A_0 : i32 to vector<16xi32>
      %sub3A_385 = arith.subi %get3A_383, %sub3A_384 : vector<16xi32>
      %ge3A_386 = arith.constant 0 : i32
      %ge3A_387 = vector.broadcast %ge3A_386 : i32 to vector<16xi32>
      %ge3A_388 = arith.cmpi sge, %sub3A_385, %ge3A_387 : vector<16xi32>
      %lt3A_389 = arith.constant 5000 : i32
      %lt3A_390 = vector.broadcast %lt3A_389 : i32 to vector<16xi32>
      %lt3A_391 = arith.cmpi slt, %sub3A_385, %lt3A_390 : vector<16xi32>
      %and3A_392 = arith.andi %ge3A_388, %lt3A_391 : vector<16xi1>
      %and3A_393 = arith.constant 7 : i32
      %and3A_394 = vector.broadcast %and3A_393 : i32 to vector<16xi32>
      %and3A_395 = arith.andi %iota3A, %and3A_394 : vector<16xi32>
      %add3A_396 = arith.constant 5000 : i32
      %add3A_397 = vector.broadcast %add3A_396 : i32 to vector<16xi32>
      %add3A_398 = arith.addi %add3A_397, %and3A_395 : vector<16xi32>
      %select_n3A_399 = arith.select %and3A_392, %sub3A_385, %add3A_398 : vector<16xi1>, vector<16xi32>
      %mul3A_400 = arith.constant 16 : i32
      %mul3A_401 = vector.broadcast %mul3A_400 : i32 to vector<16xi32>
      %mul3A_402 = arith.muli %select_n3A_399, %mul3A_401 : vector<16xi32>
      %add3A_403 = arith.addi %mul3A_402, %iota3A : vector<16xi32>
      tpu.vector_store_idx %arg6[%add3A_403], %broadcast_in_dim3A_13 {add = true} : memref<80128xf32, #tpu.memory_space<vmem>>[vector<16xi32>], vector<16xf32>,
      %lt3A_404 = arith.constant 39 : i32
      %lt3A_405 = arith.cmpi slt, %while3A_30, %lt3A_404 : i32
      %convert_element_type3A = arith.extui %lt3A_405 : i1 to i32
      %cond3A = arith.constant 0 : i32
      %cond3A_406 = arith.cmpi ne, %convert_element_type3A, %cond3A : i32
      scf.if %cond3A_406 {
        %add3A_407 = arith.addi %mul3A_12, %add3A_221 : i32
        %add3A_408 = arith.constant 1 : i32
        %add3A_409 = arith.addi %add3A_407, %add3A_408 : i32
        %dma_start3A_410 = arith.constant 0 : i32
        %dma_start3A_411 = tpu.memref_slice %arg2[%add3A_409, %dma_start3A_410] : memref<1280x256xi32, #tpu.memory_space<hbm>> -> memref<1x256xi32, #tpu.memory_space<hbm>>
        %dma_start3A_412 = tpu.memref_squeeze %dma_start3A_411 : memref<1x256xi32, #tpu.memory_space<hbm>> -> memref<256xi32, #tpu.memory_space<hbm>>
        %dma_start3A_413 = arith.constant 0 : i32
        %dma_start3A_414 = tpu.memref_slice %arg2[%add3A_409, %dma_start3A_413] : memref<1280x256xi32, #tpu.memory_space<hbm>> -> memref<1x256xi32, #tpu.memory_space<hbm>>
        %dma_start3A_415 = tpu.memref_squeeze %dma_start3A_414 : memref<1x256xi32, #tpu.memory_space<hbm>> -> memref<256xi32, #tpu.memory_space<hbm>>
        tpu.enqueue_dma source(%dma_start3A_415 : memref<256xi32, #tpu.memory_space<hbm>>) target(%arg4 : memref<256xi32, #tpu.memory_space<vmem>>) target_semaphore(%arg7 : memref<!tpu.dma_semaphore, #tpu.memory_space<semaphore_mem>>)
      } else {
      }
    }
    "tpu.region"() ({
      %run_scoped3A = tpu.sem_alloc : memref<!tpu.dma_semaphore, #tpu.memory_space<semaphore_mem>>
      %dma_start3A_30 = arith.constant 0 : i32
      %dma_start3A_31 = tpu.memref_slice %arg6[%dma_start3A_30] : memref<80128xf32, #tpu.memory_space<vmem>> -> memref<80000xf32, #tpu.memory_space<vmem>>
      %dma_start3A_32 = arith.constant 0 : i32
      %dma_start3A_33 = tpu.memref_slice %arg3[%arg0, %arg1, %dma_start3A_32] : memref<2x16x80000xf32, #tpu.memory_space<hbm>> -> memref<1x1x80000xf32, #tpu.memory_space<hbm>>
      %dma_start3A_34 = tpu.memref_squeeze %dma_start3A_33 : memref<1x1x80000xf32, #tpu.memory_space<hbm>> -> memref<80000xf32, #tpu.memory_space<hbm>>
      %dma_start3A_35 = arith.constant 0 : i32
      %dma_start3A_36 = tpu.memref_slice %arg3[%arg0, %arg1, %dma_start3A_35] : memref<2x16x80000xf32, #tpu.memory_space<hbm>> -> memref<1x1x80000xf32, #tpu.memory_space<hbm>>
      %dma_start3A_37 = tpu.memref_squeeze %dma_start3A_36 : memref<1x1x80000xf32, #tpu.memory_space<hbm>> -> memref<80000xf32, #tpu.memory_space<hbm>>
      %dma_start3A_38 = arith.constant 0 : i32
      %dma_start3A_39 = tpu.memref_slice %arg6[%dma_start3A_38] : memref<80128xf32, #tpu.memory_space<vmem>> -> memref<80000xf32, #tpu.memory_space<vmem>>
      tpu.enqueue_dma source(%dma_start3A_39 : memref<80000xf32, #tpu.memory_space<vmem>>) target(%dma_start3A_37 : memref<80000xf32, #tpu.memory_space<hbm>>) target_semaphore(%run_scoped3A : memref<!tpu.dma_semaphore, #tpu.memory_space<semaphore_mem>>)
      %dma_wait3A = arith.constant 0 : i32
      %dma_wait3A_40 = tpu.memref_slice %arg6[%dma_wait3A] : memref<80128xf32, #tpu.memory_space<vmem>> -> memref<80000xf32, #tpu.memory_space<vmem>>
      %dma_wait3A_41 = arith.constant 0 : i32
      %dma_wait3A_42 = tpu.memref_slice %arg3[%arg0, %arg1, %dma_wait3A_41] : memref<2x16x80000xf32, #tpu.memory_space<hbm>> -> memref<1x1x80000xf32, #tpu.memory_space<hbm>>
      %dma_wait3A_43 = tpu.memref_squeeze %dma_wait3A_42 : memref<1x1x80000xf32, #tpu.memory_space<hbm>> -> memref<80000xf32, #tpu.memory_space<hbm>>
      %dma_wait3A_44 = arith.constant 0 : i32
      %dma_wait3A_45 = tpu.memref_slice %arg3[%arg0, %arg1, %dma_wait3A_44] : memref<2x16x80000xf32, #tpu.memory_space<hbm>> -> memref<1x1x80000xf32, #tpu.memory_space<hbm>>
      %dma_wait3A_46 = tpu.memref_squeeze %dma_wait3A_45 : memref<1x1x80000xf32, #tpu.memory_space<hbm>> -> memref<80000xf32, #tpu.memory_space<hbm>>
      %dma_wait3A_47 = arith.constant 0 : i32
      %dma_wait3A_48 = tpu.memref_slice %arg6[%dma_wait3A_47] : memref<80128xf32, #tpu.memory_space<vmem>> -> memref<80000xf32, #tpu.memory_space<vmem>>
      tpu.wait_dma2 semaphore(%run_scoped3A : memref<!tpu.dma_semaphore, #tpu.memory_space<semaphore_mem>>) src(%dma_wait3A_48 : memref<80000xf32, #tpu.memory_space<vmem>>) dst(%dma_wait3A_46 : memref<80000xf32, #tpu.memory_space<hbm>>)
      tpu.yield
    }) : () -> ()
    return
  }
}

#map = affine_map<(d0, d1) -> (0, 0)>
module attributes {stable_mosaic.version = 14 : i64} {
  func.func @seg_sum(%arg0: i32, %arg1: i32, %arg2: memref<10000x128xf32, #tpu.memory_space<hbm>>, %arg3: memref<10000x128xf32, #tpu.memory_space<hbm>>, %arg4: memref<1280x256xi32, #tpu.memory_space<hbm>>, %arg5: memref<10000x128xf32, #tpu.memory_space<hbm>>, %arg6: memref<10000x128xf32, #tpu.memory_space<hbm>>, %arg7: memref<256xi32, #tpu.memory_space<vmem>>, %arg8: memref<256xi32, #tpu.memory_space<vmem>>, %arg9: memref<128xi32, #tpu.memory_space<vmem>>, %arg10: memref<128xi32, #tpu.memory_space<vmem>>, %arg11: memref<128x128xf32, #tpu.memory_space<vmem>>, %arg12: memref<128x128xf32, #tpu.memory_space<vmem>>, %arg13: memref<10008x128xf32, #tpu.memory_space<vmem_shared>>, %arg14: memref<!tpu.dma_semaphore, #tpu.memory_space<semaphore_mem>>, %arg15: memref<!tpu.dma_semaphore, #tpu.memory_space<semaphore_mem>>, %arg16: memref<!tpu.dma_semaphore, #tpu.memory_space<semaphore_mem>>, %arg17: memref<!tpu.dma_semaphore, #tpu.memory_space<semaphore_mem>>, %arg18: memref<!tpu.dma_semaphore, #tpu.memory_space<semaphore_mem>>, %arg19: memref<!tpu.dma_semaphore, #tpu.memory_space<semaphore_mem>>) attributes {dimension_semantics = [#tpu.dimension_semantics<core_parallel>, #tpu.dimension_semantics<subcore_parallel>], iteration_bounds = array<i64: 2, 16>, scalar_prefetch = 0 : i64, scratch_operands = 13 : i64, tpu.core_type = #tpu.core_type<sc_vector_subcore>, window_params = [{transform_indices = #map}, {transform_indices = #map}, {transform_indices = #map}, {transform_indices = #map}, {transform_indices = #map}]} {
    %while3A = arith.constant 0 : i32
    %while3A_0 = arith.constant 0 : i32
    %while3A_1 = arith.constant 64 : i32
    %while3A_2 = arith.subi %while3A_1, %while3A_0 : i32
    %while3A_3 = arith.addi %while3A_0, %while3A_2 : i32
    %while3A_4 = arith.constant 1 : i32
    %while3A_5 = arith.divsi %while3A_2, %while3A_4 : i32
    %while3A_6 = arith.muli %while3A_5, %while3A_4 : i32
    %while3A_7 = arith.addi %while3A_0, %while3A_6 : i32
    %while3A_8 = arith.constant 1 : i32
    scf.for %while3A_57 = %while3A_0 to %while3A_7 step %while3A_8  : i32 {
      %broadcast_in_dim3A = arith.constant 0.000000e+00 : f32
      %broadcast_in_dim3A_58 = vector.broadcast %broadcast_in_dim3A : f32 to vector<16xf32>
      %swap3A = arith.index_cast %while3A_57 : i32 to index
      %swap3A_59 = arith.constant 0 : index
      %swap3A_60 = tpu.vector_load %arg11[%swap3A, %swap3A_59] {strides = array<i32>} : memref<128x128xf32, #tpu.memory_space<vmem>>, vector<1x16xf32>,
      %swap3A_61 = vector.shape_cast %swap3A_60 : vector<1x16xf32> to vector<16xf32>
      %swap3A_62 = vector.shape_cast %broadcast_in_dim3A_58 : vector<16xf32> to vector<1x16xf32>
      tpu.vector_store %arg11[%swap3A, %swap3A_59], %swap3A_62 {strides = array<i32>} : memref<128x128xf32, #tpu.memory_space<vmem>>, vector<1x16xf32>,
      %broadcast_in_dim3A_63 = arith.constant 0.000000e+00 : f32
      %broadcast_in_dim3A_64 = vector.broadcast %broadcast_in_dim3A_63 : f32 to vector<16xf32>
      %swap3A_65 = arith.index_cast %while3A_57 : i32 to index
      %swap3A_66 = arith.constant 16 : index
      %swap3A_67 = tpu.vector_load %arg11[%swap3A_65, %swap3A_66] {strides = array<i32>} : memref<128x128xf32, #tpu.memory_space<vmem>>, vector<1x16xf32>,
      %swap3A_68 = vector.shape_cast %swap3A_67 : vector<1x16xf32> to vector<16xf32>
      %swap3A_69 = vector.shape_cast %broadcast_in_dim3A_64 : vector<16xf32> to vector<1x16xf32>
      tpu.vector_store %arg11[%swap3A_65, %swap3A_66], %swap3A_69 {strides = array<i32>} : memref<128x128xf32, #tpu.memory_space<vmem>>, vector<1x16xf32>,
      %broadcast_in_dim3A_70 = arith.constant 0.000000e+00 : f32
      %broadcast_in_dim3A_71 = vector.broadcast %broadcast_in_dim3A_70 : f32 to vector<16xf32>
      %swap3A_72 = arith.index_cast %while3A_57 : i32 to index
      %swap3A_73 = arith.constant 32 : index
      %swap3A_74 = tpu.vector_load %arg11[%swap3A_72, %swap3A_73] {strides = array<i32>} : memref<128x128xf32, #tpu.memory_space<vmem>>, vector<1x16xf32>,
      %swap3A_75 = vector.shape_cast %swap3A_74 : vector<1x16xf32> to vector<16xf32>
      %swap3A_76 = vector.shape_cast %broadcast_in_dim3A_71 : vector<16xf32> to vector<1x16xf32>
      tpu.vector_store %arg11[%swap3A_72, %swap3A_73], %swap3A_76 {strides = array<i32>} : memref<128x128xf32, #tpu.memory_space<vmem>>, vector<1x16xf32>,
      %broadcast_in_dim3A_77 = arith.constant 0.000000e+00 : f32
      %broadcast_in_dim3A_78 = vector.broadcast %broadcast_in_dim3A_77 : f32 to vector<16xf32>
      %swap3A_79 = arith.index_cast %while3A_57 : i32 to index
      %swap3A_80 = arith.constant 48 : index
      %swap3A_81 = tpu.vector_load %arg11[%swap3A_79, %swap3A_80] {strides = array<i32>} : memref<128x128xf32, #tpu.memory_space<vmem>>, vector<1x16xf32>,
      %swap3A_82 = vector.shape_cast %swap3A_81 : vector<1x16xf32> to vector<16xf32>
      %swap3A_83 = vector.shape_cast %broadcast_in_dim3A_78 : vector<16xf32> to vector<1x16xf32>
      tpu.vector_store %arg11[%swap3A_79, %swap3A_80], %swap3A_83 {strides = array<i32>} : memref<128x128xf32, #tpu.memory_space<vmem>>, vector<1x16xf32>,
      %broadcast_in_dim3A_84 = arith.constant 0.000000e+00 : f32
      %broadcast_in_dim3A_85 = vector.broadcast %broadcast_in_dim3A_84 : f32 to vector<16xf32>
      %swap3A_86 = arith.index_cast %while3A_57 : i32 to index
      %swap3A_87 = arith.constant 64 : index
      %swap3A_88 = tpu.vector_load %arg11[%swap3A_86, %swap3A_87] {strides = array<i32>} : memref<128x128xf32, #tpu.memory_space<vmem>>, vector<1x16xf32>,
      %swap3A_89 = vector.shape_cast %swap3A_88 : vector<1x16xf32> to vector<16xf32>
      %swap3A_90 = vector.shape_cast %broadcast_in_dim3A_85 : vector<16xf32> to vector<1x16xf32>
      tpu.vector_store %arg11[%swap3A_86, %swap3A_87], %swap3A_90 {strides = array<i32>} : memref<128x128xf32, #tpu.memory_space<vmem>>, vector<1x16xf32>,
      %broadcast_in_dim3A_91 = arith.constant 0.000000e+00 : f32
      %broadcast_in_dim3A_92 = vector.broadcast %broadcast_in_dim3A_91 : f32 to vector<16xf32>
      %swap3A_93 = arith.index_cast %while3A_57 : i32 to index
      %swap3A_94 = arith.constant 80 : index
      %swap3A_95 = tpu.vector_load %arg11[%swap3A_93, %swap3A_94] {strides = array<i32>} : memref<128x128xf32, #tpu.memory_space<vmem>>, vector<1x16xf32>,
      %swap3A_96 = vector.shape_cast %swap3A_95 : vector<1x16xf32> to vector<16xf32>
      %swap3A_97 = vector.shape_cast %broadcast_in_dim3A_92 : vector<16xf32> to vector<1x16xf32>
      tpu.vector_store %arg11[%swap3A_93, %swap3A_94], %swap3A_97 {strides = array<i32>} : memref<128x128xf32, #tpu.memory_space<vmem>>, vector<1x16xf32>,
      %broadcast_in_dim3A_98 = arith.constant 0.000000e+00 : f32
      %broadcast_in_dim3A_99 = vector.broadcast %broadcast_in_dim3A_98 : f32 to vector<16xf32>
      %swap3A_100 = arith.index_cast %while3A_57 : i32 to index
      %swap3A_101 = arith.constant 96 : index
      %swap3A_102 = tpu.vector_load %arg11[%swap3A_100, %swap3A_101] {strides = array<i32>} : memref<128x128xf32, #tpu.memory_space<vmem>>, vector<1x16xf32>,
      %swap3A_103 = vector.shape_cast %swap3A_102 : vector<1x16xf32> to vector<16xf32>
      %swap3A_104 = vector.shape_cast %broadcast_in_dim3A_99 : vector<16xf32> to vector<1x16xf32>
      tpu.vector_store %arg11[%swap3A_100, %swap3A_101], %swap3A_104 {strides = array<i32>} : memref<128x128xf32, #tpu.memory_space<vmem>>, vector<1x16xf32>,
      %broadcast_in_dim3A_105 = arith.constant 0.000000e+00 : f32
      %broadcast_in_dim3A_106 = vector.broadcast %broadcast_in_dim3A_105 : f32 to vector<16xf32>
      %swap3A_107 = arith.index_cast %while3A_57 : i32 to index
      %swap3A_108 = arith.constant 112 : index
      %swap3A_109 = tpu.vector_load %arg11[%swap3A_107, %swap3A_108] {strides = array<i32>} : memref<128x128xf32, #tpu.memory_space<vmem>>, vector<1x16xf32>,
      %swap3A_110 = vector.shape_cast %swap3A_109 : vector<1x16xf32> to vector<16xf32>
      %swap3A_111 = vector.shape_cast %broadcast_in_dim3A_106 : vector<16xf32> to vector<1x16xf32>
      tpu.vector_store %arg11[%swap3A_107, %swap3A_108], %swap3A_111 {strides = array<i32>} : memref<128x128xf32, #tpu.memory_space<vmem>>, vector<1x16xf32>,
    }
    %while3A_9 = arith.constant 1 : i32
    scf.for %while3A_57 = %while3A_7 to %while3A_3 step %while3A_9  : i32 {
      %broadcast_in_dim3A = arith.constant 0.000000e+00 : f32
      %broadcast_in_dim3A_58 = vector.broadcast %broadcast_in_dim3A : f32 to vector<16xf32>
      %swap3A = arith.index_cast %while3A_57 : i32 to index
      %swap3A_59 = arith.constant 0 : index
      %swap3A_60 = tpu.vector_load %arg11[%swap3A, %swap3A_59] {strides = array<i32>} : memref<128x128xf32, #tpu.memory_space<vmem>>, vector<1x16xf32>,
      %swap3A_61 = vector.shape_cast %swap3A_60 : vector<1x16xf32> to vector<16xf32>
      %swap3A_62 = vector.shape_cast %broadcast_in_dim3A_58 : vector<16xf32> to vector<1x16xf32>
      tpu.vector_store %arg11[%swap3A, %swap3A_59], %swap3A_62 {strides = array<i32>} : memref<128x128xf32, #tpu.memory_space<vmem>>, vector<1x16xf32>,
      %broadcast_in_dim3A_63 = arith.constant 0.000000e+00 : f32
      %broadcast_in_dim3A_64 = vector.broadcast %broadcast_in_dim3A_63 : f32 to vector<16xf32>
      %swap3A_65 = arith.index_cast %while3A_57 : i32 to index
      %swap3A_66 = arith.constant 16 : index
      %swap3A_67 = tpu.vector_load %arg11[%swap3A_65, %swap3A_66] {strides = array<i32>} : memref<128x128xf32, #tpu.memory_space<vmem>>, vector<1x16xf32>,
      %swap3A_68 = vector.shape_cast %swap3A_67 : vector<1x16xf32> to vector<16xf32>
      %swap3A_69 = vector.shape_cast %broadcast_in_dim3A_64 : vector<16xf32> to vector<1x16xf32>
      tpu.vector_store %arg11[%swap3A_65, %swap3A_66], %swap3A_69 {strides = array<i32>} : memref<128x128xf32, #tpu.memory_space<vmem>>, vector<1x16xf32>,
      %broadcast_in_dim3A_70 = arith.constant 0.000000e+00 : f32
      %broadcast_in_dim3A_71 = vector.broadcast %broadcast_in_dim3A_70 : f32 to vector<16xf32>
      %swap3A_72 = arith.index_cast %while3A_57 : i32 to index
      %swap3A_73 = arith.constant 32 : index
      %swap3A_74 = tpu.vector_load %arg11[%swap3A_72, %swap3A_73] {strides = array<i32>} : memref<128x128xf32, #tpu.memory_space<vmem>>, vector<1x16xf32>,
      %swap3A_75 = vector.shape_cast %swap3A_74 : vector<1x16xf32> to vector<16xf32>
      %swap3A_76 = vector.shape_cast %broadcast_in_dim3A_71 : vector<16xf32> to vector<1x16xf32>
      tpu.vector_store %arg11[%swap3A_72, %swap3A_73], %swap3A_76 {strides = array<i32>} : memref<128x128xf32, #tpu.memory_space<vmem>>, vector<1x16xf32>,
      %broadcast_in_dim3A_77 = arith.constant 0.000000e+00 : f32
      %broadcast_in_dim3A_78 = vector.broadcast %broadcast_in_dim3A_77 : f32 to vector<16xf32>
      %swap3A_79 = arith.index_cast %while3A_57 : i32 to index
      %swap3A_80 = arith.constant 48 : index
      %swap3A_81 = tpu.vector_load %arg11[%swap3A_79, %swap3A_80] {strides = array<i32>} : memref<128x128xf32, #tpu.memory_space<vmem>>, vector<1x16xf32>,
      %swap3A_82 = vector.shape_cast %swap3A_81 : vector<1x16xf32> to vector<16xf32>
      %swap3A_83 = vector.shape_cast %broadcast_in_dim3A_78 : vector<16xf32> to vector<1x16xf32>
      tpu.vector_store %arg11[%swap3A_79, %swap3A_80], %swap3A_83 {strides = array<i32>} : memref<128x128xf32, #tpu.memory_space<vmem>>, vector<1x16xf32>,
      %broadcast_in_dim3A_84 = arith.constant 0.000000e+00 : f32
      %broadcast_in_dim3A_85 = vector.broadcast %broadcast_in_dim3A_84 : f32 to vector<16xf32>
      %swap3A_86 = arith.index_cast %while3A_57 : i32 to index
      %swap3A_87 = arith.constant 64 : index
      %swap3A_88 = tpu.vector_load %arg11[%swap3A_86, %swap3A_87] {strides = array<i32>} : memref<128x128xf32, #tpu.memory_space<vmem>>, vector<1x16xf32>,
      %swap3A_89 = vector.shape_cast %swap3A_88 : vector<1x16xf32> to vector<16xf32>
      %swap3A_90 = vector.shape_cast %broadcast_in_dim3A_85 : vector<16xf32> to vector<1x16xf32>
      tpu.vector_store %arg11[%swap3A_86, %swap3A_87], %swap3A_90 {strides = array<i32>} : memref<128x128xf32, #tpu.memory_space<vmem>>, vector<1x16xf32>,
      %broadcast_in_dim3A_91 = arith.constant 0.000000e+00 : f32
      %broadcast_in_dim3A_92 = vector.broadcast %broadcast_in_dim3A_91 : f32 to vector<16xf32>
      %swap3A_93 = arith.index_cast %while3A_57 : i32 to index
      %swap3A_94 = arith.constant 80 : index
      %swap3A_95 = tpu.vector_load %arg11[%swap3A_93, %swap3A_94] {strides = array<i32>} : memref<128x128xf32, #tpu.memory_space<vmem>>, vector<1x16xf32>,
      %swap3A_96 = vector.shape_cast %swap3A_95 : vector<1x16xf32> to vector<16xf32>
      %swap3A_97 = vector.shape_cast %broadcast_in_dim3A_92 : vector<16xf32> to vector<1x16xf32>
      tpu.vector_store %arg11[%swap3A_93, %swap3A_94], %swap3A_97 {strides = array<i32>} : memref<128x128xf32, #tpu.memory_space<vmem>>, vector<1x16xf32>,
      %broadcast_in_dim3A_98 = arith.constant 0.000000e+00 : f32
      %broadcast_in_dim3A_99 = vector.broadcast %broadcast_in_dim3A_98 : f32 to vector<16xf32>
      %swap3A_100 = arith.index_cast %while3A_57 : i32 to index
      %swap3A_101 = arith.constant 96 : index
      %swap3A_102 = tpu.vector_load %arg11[%swap3A_100, %swap3A_101] {strides = array<i32>} : memref<128x128xf32, #tpu.memory_space<vmem>>, vector<1x16xf32>,
      %swap3A_103 = vector.shape_cast %swap3A_102 : vector<1x16xf32> to vector<16xf32>
      %swap3A_104 = vector.shape_cast %broadcast_in_dim3A_99 : vector<16xf32> to vector<1x16xf32>
      tpu.vector_store %arg11[%swap3A_100, %swap3A_101], %swap3A_104 {strides = array<i32>} : memref<128x128xf32, #tpu.memory_space<vmem>>, vector<1x16xf32>,
      %broadcast_in_dim3A_105 = arith.constant 0.000000e+00 : f32
      %broadcast_in_dim3A_106 = vector.broadcast %broadcast_in_dim3A_105 : f32 to vector<16xf32>
      %swap3A_107 = arith.index_cast %while3A_57 : i32 to index
      %swap3A_108 = arith.constant 112 : index
      %swap3A_109 = tpu.vector_load %arg11[%swap3A_107, %swap3A_108] {strides = array<i32>} : memref<128x128xf32, #tpu.memory_space<vmem>>, vector<1x16xf32>,
      %swap3A_110 = vector.shape_cast %swap3A_109 : vector<1x16xf32> to vector<16xf32>
      %swap3A_111 = vector.shape_cast %broadcast_in_dim3A_106 : vector<16xf32> to vector<1x16xf32>
      tpu.vector_store %arg11[%swap3A_107, %swap3A_108], %swap3A_111 {strides = array<i32>} : memref<128x128xf32, #tpu.memory_space<vmem>>, vector<1x16xf32>,
    }
    %lt3A = arith.constant 15 : i32
    %lt3A_10 = arith.cmpi slt, %arg1, %lt3A : i32
    %convert_element_type3A = arith.extui %lt3A_10 : i1 to i32
    %cond3A = arith.constant 0 : i32
    %cond3A_11 = arith.cmpi ne, %convert_element_type3A, %cond3A : i32
    scf.if %cond3A_11 {
      %mul3A_57 = arith.constant 624 : i32
      %mul3A_58 = arith.muli %arg1, %mul3A_57 : i32
      %add3A = arith.constant 0 : i32
      %add3A_59 = arith.addi %mul3A_58, %add3A : i32
      "tpu.region"() ({
        %run_scoped3A = tpu.sem_alloc : memref<!tpu.dma_semaphore, #tpu.memory_space<semaphore_mem>>
        %dma_start3A_78 = arith.constant 0 : i32
        %dma_start3A_79 = arith.constant 0 : i32
        %dma_start3A_80 = tpu.memref_slice %arg11[%dma_start3A_78, %dma_start3A_79] : memref<128x128xf32, #tpu.memory_space<vmem>> -> memref<64x128xf32, #tpu.memory_space<vmem>>
        %dma_start3A_81 = arith.constant 0 : i32
        %dma_start3A_82 = tpu.memref_slice %arg13[%add3A_59, %dma_start3A_81] : memref<10008x128xf32, #tpu.memory_space<vmem_shared>> -> memref<64x128xf32, #tpu.memory_space<vmem_shared>>
        %dma_start3A_83 = arith.constant 0 : i32
        %dma_start3A_84 = tpu.memref_slice %arg13[%add3A_59, %dma_start3A_83] : memref<10008x128xf32, #tpu.memory_space<vmem_shared>> -> memref<64x128xf32, #tpu.memory_space<vmem_shared>>
        %dma_start3A_85 = arith.constant 0 : i32
        %dma_start3A_86 = arith.constant 0 : i32
        %dma_start3A_87 = tpu.memref_slice %arg11[%dma_start3A_85, %dma_start3A_86] : memref<128x128xf32, #tpu.memory_space<vmem>> -> memref<64x128xf32, #tpu.memory_space<vmem>>
        tpu.enqueue_dma source(%dma_start3A_87 : memref<64x128xf32, #tpu.memory_space<vmem>>) target(%dma_start3A_84 : memref<64x128xf32, #tpu.memory_space<vmem_shared>>) target_semaphore(%run_scoped3A : memref<!tpu.dma_semaphore, #tpu.memory_space<semaphore_mem>>)
        %dma_wait3A_88 = arith.constant 0 : i32
        %dma_wait3A_89 = arith.constant 0 : i32
        %dma_wait3A_90 = tpu.memref_slice %arg11[%dma_wait3A_88, %dma_wait3A_89] : memref<128x128xf32, #tpu.memory_space<vmem>> -> memref<64x128xf32, #tpu.memory_space<vmem>>
        %dma_wait3A_91 = arith.constant 0 : i32
        %dma_wait3A_92 = tpu.memref_slice %arg13[%add3A_59, %dma_wait3A_91] : memref<10008x128xf32, #tpu.memory_space<vmem_shared>> -> memref<64x128xf32, #tpu.memory_space<vmem_shared>>
        %dma_wait3A_93 = arith.constant 0 : i32
        %dma_wait3A_94 = tpu.memref_slice %arg13[%add3A_59, %dma_wait3A_93] : memref<10008x128xf32, #tpu.memory_space<vmem_shared>> -> memref<64x128xf32, #tpu.memory_space<vmem_shared>>
        %dma_wait3A_95 = arith.constant 0 : i32
        %dma_wait3A_96 = arith.constant 0 : i32
        %dma_wait3A_97 = tpu.memref_slice %arg11[%dma_wait3A_95, %dma_wait3A_96] : memref<128x128xf32, #tpu.memory_space<vmem>> -> memref<64x128xf32, #tpu.memory_space<vmem>>
        tpu.wait_dma2 semaphore(%run_scoped3A : memref<!tpu.dma_semaphore, #tpu.memory_space<semaphore_mem>>) src(%dma_wait3A_97 : memref<64x128xf32, #tpu.memory_space<vmem>>) dst(%dma_wait3A_94 : memref<64x128xf32, #tpu.memory_space<vmem_shared>>)
        tpu.yield
      }) : () -> ()
      %add3A_60 = arith.constant 64 : i32
      %add3A_61 = arith.addi %mul3A_58, %add3A_60 : i32
      "tpu.region"() ({
        %run_scoped3A = tpu.sem_alloc : memref<!tpu.dma_semaphore, #tpu.memory_space<semaphore_mem>>
        %dma_start3A_78 = arith.constant 0 : i32
        %dma_start3A_79 = arith.constant 0 : i32
        %dma_start3A_80 = tpu.memref_slice %arg11[%dma_start3A_78, %dma_start3A_79] : memref<128x128xf32, #tpu.memory_space<vmem>> -> memref<64x128xf32, #tpu.memory_space<vmem>>
        %dma_start3A_81 = arith.constant 0 : i32
        %dma_start3A_82 = tpu.memref_slice %arg13[%add3A_61, %dma_start3A_81] : memref<10008x128xf32, #tpu.memory_space<vmem_shared>> -> memref<64x128xf32, #tpu.memory_space<vmem_shared>>
        %dma_start3A_83 = arith.constant 0 : i32
        %dma_start3A_84 = tpu.memref_slice %arg13[%add3A_61, %dma_start3A_83] : memref<10008x128xf32, #tpu.memory_space<vmem_shared>> -> memref<64x128xf32, #tpu.memory_space<vmem_shared>>
        %dma_start3A_85 = arith.constant 0 : i32
        %dma_start3A_86 = arith.constant 0 : i32
        %dma_start3A_87 = tpu.memref_slice %arg11[%dma_start3A_85, %dma_start3A_86] : memref<128x128xf32, #tpu.memory_space<vmem>> -> memref<64x128xf32, #tpu.memory_space<vmem>>
        tpu.enqueue_dma source(%dma_start3A_87 : memref<64x128xf32, #tpu.memory_space<vmem>>) target(%dma_start3A_84 : memref<64x128xf32, #tpu.memory_space<vmem_shared>>) target_semaphore(%run_scoped3A : memref<!tpu.dma_semaphore, #tpu.memory_space<semaphore_mem>>)
        %dma_wait3A_88 = arith.constant 0 : i32
        %dma_wait3A_89 = arith.constant 0 : i32
        %dma_wait3A_90 = tpu.memref_slice %arg11[%dma_wait3A_88, %dma_wait3A_89] : memref<128x128xf32, #tpu.memory_space<vmem>> -> memref<64x128xf32, #tpu.memory_space<vmem>>
        %dma_wait3A_91 = arith.constant 0 : i32
        %dma_wait3A_92 = tpu.memref_slice %arg13[%add3A_61, %dma_wait3A_91] : memref<10008x128xf32, #tpu.memory_space<vmem_shared>> -> memref<64x128xf32, #tpu.memory_space<vmem_shared>>
        %dma_wait3A_93 = arith.constant 0 : i32
        %dma_wait3A_94 = tpu.memref_slice %arg13[%add3A_61, %dma_wait3A_93] : memref<10008x128xf32, #tpu.memory_space<vmem_shared>> -> memref<64x128xf32, #tpu.memory_space<vmem_shared>>
        %dma_wait3A_95 = arith.constant 0 : i32
        %dma_wait3A_96 = arith.constant 0 : i32
        %dma_wait3A_97 = tpu.memref_slice %arg11[%dma_wait3A_95, %dma_wait3A_96] : memref<128x128xf32, #tpu.memory_space<vmem>> -> memref<64x128xf32, #tpu.memory_space<vmem>>
        tpu.wait_dma2 semaphore(%run_scoped3A : memref<!tpu.dma_semaphore, #tpu.memory_space<semaphore_mem>>) src(%dma_wait3A_97 : memref<64x128xf32, #tpu.memory_space<vmem>>) dst(%dma_wait3A_94 : memref<64x128xf32, #tpu.memory_space<vmem_shared>>)
        tpu.yield
      }) : () -> ()
      %add3A_62 = arith.constant 128 : i32
      %add3A_63 = arith.addi %mul3A_58, %add3A_62 : i32
      "tpu.region"() ({
        %run_scoped3A = tpu.sem_alloc : memref<!tpu.dma_semaphore, #tpu.memory_space<semaphore_mem>>
        %dma_start3A_78 = arith.constant 0 : i32
        %dma_start3A_79 = arith.constant 0 : i32
        %dma_start3A_80 = tpu.memref_slice %arg11[%dma_start3A_78, %dma_start3A_79] : memref<128x128xf32, #tpu.memory_space<vmem>> -> memref<64x128xf32, #tpu.memory_space<vmem>>
        %dma_start3A_81 = arith.constant 0 : i32
        %dma_start3A_82 = tpu.memref_slice %arg13[%add3A_63, %dma_start3A_81] : memref<10008x128xf32, #tpu.memory_space<vmem_shared>> -> memref<64x128xf32, #tpu.memory_space<vmem_shared>>
        %dma_start3A_83 = arith.constant 0 : i32
        %dma_start3A_84 = tpu.memref_slice %arg13[%add3A_63, %dma_start3A_83] : memref<10008x128xf32, #tpu.memory_space<vmem_shared>> -> memref<64x128xf32, #tpu.memory_space<vmem_shared>>
        %dma_start3A_85 = arith.constant 0 : i32
        %dma_start3A_86 = arith.constant 0 : i32
        %dma_start3A_87 = tpu.memref_slice %arg11[%dma_start3A_85, %dma_start3A_86] : memref<128x128xf32, #tpu.memory_space<vmem>> -> memref<64x128xf32, #tpu.memory_space<vmem>>
        tpu.enqueue_dma source(%dma_start3A_87 : memref<64x128xf32, #tpu.memory_space<vmem>>) target(%dma_start3A_84 : memref<64x128xf32, #tpu.memory_space<vmem_shared>>) target_semaphore(%run_scoped3A : memref<!tpu.dma_semaphore, #tpu.memory_space<semaphore_mem>>)
        %dma_wait3A_88 = arith.constant 0 : i32
        %dma_wait3A_89 = arith.constant 0 : i32
        %dma_wait3A_90 = tpu.memref_slice %arg11[%dma_wait3A_88, %dma_wait3A_89] : memref<128x128xf32, #tpu.memory_space<vmem>> -> memref<64x128xf32, #tpu.memory_space<vmem>>
        %dma_wait3A_91 = arith.constant 0 : i32
        %dma_wait3A_92 = tpu.memref_slice %arg13[%add3A_63, %dma_wait3A_91] : memref<10008x128xf32, #tpu.memory_space<vmem_shared>> -> memref<64x128xf32, #tpu.memory_space<vmem_shared>>
        %dma_wait3A_93 = arith.constant 0 : i32
        %dma_wait3A_94 = tpu.memref_slice %arg13[%add3A_63, %dma_wait3A_93] : memref<10008x128xf32, #tpu.memory_space<vmem_shared>> -> memref<64x128xf32, #tpu.memory_space<vmem_shared>>
        %dma_wait3A_95 = arith.constant 0 : i32
        %dma_wait3A_96 = arith.constant 0 : i32
        %dma_wait3A_97 = tpu.memref_slice %arg11[%dma_wait3A_95, %dma_wait3A_96] : memref<128x128xf32, #tpu.memory_space<vmem>> -> memref<64x128xf32, #tpu.memory_space<vmem>>
        tpu.wait_dma2 semaphore(%run_scoped3A : memref<!tpu.dma_semaphore, #tpu.memory_space<semaphore_mem>>) src(%dma_wait3A_97 : memref<64x128xf32, #tpu.memory_space<vmem>>) dst(%dma_wait3A_94 : memref<64x128xf32, #tpu.memory_space<vmem_shared>>)
        tpu.yield
      }) : () -> ()
      %add3A_64 = arith.constant 192 : i32
      %add3A_65 = arith.addi %mul3A_58, %add3A_64 : i32
      "tpu.region"() ({
        %run_scoped3A = tpu.sem_alloc : memref<!tpu.dma_semaphore, #tpu.memory_space<semaphore_mem>>
        %dma_start3A_78 = arith.constant 0 : i32
        %dma_start3A_79 = arith.constant 0 : i32
        %dma_start3A_80 = tpu.memref_slice %arg11[%dma_start3A_78, %dma_start3A_79] : memref<128x128xf32, #tpu.memory_space<vmem>> -> memref<64x128xf32, #tpu.memory_space<vmem>>
        %dma_start3A_81 = arith.constant 0 : i32
        %dma_start3A_82 = tpu.memref_slice %arg13[%add3A_65, %dma_start3A_81] : memref<10008x128xf32, #tpu.memory_space<vmem_shared>> -> memref<64x128xf32, #tpu.memory_space<vmem_shared>>
        %dma_start3A_83 = arith.constant 0 : i32
        %dma_start3A_84 = tpu.memref_slice %arg13[%add3A_65, %dma_start3A_83] : memref<10008x128xf32, #tpu.memory_space<vmem_shared>> -> memref<64x128xf32, #tpu.memory_space<vmem_shared>>
        %dma_start3A_85 = arith.constant 0 : i32
        %dma_start3A_86 = arith.constant 0 : i32
        %dma_start3A_87 = tpu.memref_slice %arg11[%dma_start3A_85, %dma_start3A_86] : memref<128x128xf32, #tpu.memory_space<vmem>> -> memref<64x128xf32, #tpu.memory_space<vmem>>
        tpu.enqueue_dma source(%dma_start3A_87 : memref<64x128xf32, #tpu.memory_space<vmem>>) target(%dma_start3A_84 : memref<64x128xf32, #tpu.memory_space<vmem_shared>>) target_semaphore(%run_scoped3A : memref<!tpu.dma_semaphore, #tpu.memory_space<semaphore_mem>>)
        %dma_wait3A_88 = arith.constant 0 : i32
        %dma_wait3A_89 = arith.constant 0 : i32
        %dma_wait3A_90 = tpu.memref_slice %arg11[%dma_wait3A_88, %dma_wait3A_89] : memref<128x128xf32, #tpu.memory_space<vmem>> -> memref<64x128xf32, #tpu.memory_space<vmem>>
        %dma_wait3A_91 = arith.constant 0 : i32
        %dma_wait3A_92 = tpu.memref_slice %arg13[%add3A_65, %dma_wait3A_91] : memref<10008x128xf32, #tpu.memory_space<vmem_shared>> -> memref<64x128xf32, #tpu.memory_space<vmem_shared>>
        %dma_wait3A_93 = arith.constant 0 : i32
        %dma_wait3A_94 = tpu.memref_slice %arg13[%add3A_65, %dma_wait3A_93] : memref<10008x128xf32, #tpu.memory_space<vmem_shared>> -> memref<64x128xf32, #tpu.memory_space<vmem_shared>>
        %dma_wait3A_95 = arith.constant 0 : i32
        %dma_wait3A_96 = arith.constant 0 : i32
        %dma_wait3A_97 = tpu.memref_slice %arg11[%dma_wait3A_95, %dma_wait3A_96] : memref<128x128xf32, #tpu.memory_space<vmem>> -> memref<64x128xf32, #tpu.memory_space<vmem>>
        tpu.wait_dma2 semaphore(%run_scoped3A : memref<!tpu.dma_semaphore, #tpu.memory_space<semaphore_mem>>) src(%dma_wait3A_97 : memref<64x128xf32, #tpu.memory_space<vmem>>) dst(%dma_wait3A_94 : memref<64x128xf32, #tpu.memory_space<vmem_shared>>)
        tpu.yield
      }) : () -> ()
      %add3A_66 = arith.constant 256 : i32
      %add3A_67 = arith.addi %mul3A_58, %add3A_66 : i32
      "tpu.region"() ({
        %run_scoped3A = tpu.sem_alloc : memref<!tpu.dma_semaphore, #tpu.memory_space<semaphore_mem>>
        %dma_start3A_78 = arith.constant 0 : i32
        %dma_start3A_79 = arith.constant 0 : i32
        %dma_start3A_80 = tpu.memref_slice %arg11[%dma_start3A_78, %dma_start3A_79] : memref<128x128xf32, #tpu.memory_space<vmem>> -> memref<64x128xf32, #tpu.memory_space<vmem>>
        %dma_start3A_81 = arith.constant 0 : i32
        %dma_start3A_82 = tpu.memref_slice %arg13[%add3A_67, %dma_start3A_81] : memref<10008x128xf32, #tpu.memory_space<vmem_shared>> -> memref<64x128xf32, #tpu.memory_space<vmem_shared>>
        %dma_start3A_83 = arith.constant 0 : i32
        %dma_start3A_84 = tpu.memref_slice %arg13[%add3A_67, %dma_start3A_83] : memref<10008x128xf32, #tpu.memory_space<vmem_shared>> -> memref<64x128xf32, #tpu.memory_space<vmem_shared>>
        %dma_start3A_85 = arith.constant 0 : i32
        %dma_start3A_86 = arith.constant 0 : i32
        %dma_start3A_87 = tpu.memref_slice %arg11[%dma_start3A_85, %dma_start3A_86] : memref<128x128xf32, #tpu.memory_space<vmem>> -> memref<64x128xf32, #tpu.memory_space<vmem>>
        tpu.enqueue_dma source(%dma_start3A_87 : memref<64x128xf32, #tpu.memory_space<vmem>>) target(%dma_start3A_84 : memref<64x128xf32, #tpu.memory_space<vmem_shared>>) target_semaphore(%run_scoped3A : memref<!tpu.dma_semaphore, #tpu.memory_space<semaphore_mem>>)
        %dma_wait3A_88 = arith.constant 0 : i32
        %dma_wait3A_89 = arith.constant 0 : i32
        %dma_wait3A_90 = tpu.memref_slice %arg11[%dma_wait3A_88, %dma_wait3A_89] : memref<128x128xf32, #tpu.memory_space<vmem>> -> memref<64x128xf32, #tpu.memory_space<vmem>>
        %dma_wait3A_91 = arith.constant 0 : i32
        %dma_wait3A_92 = tpu.memref_slice %arg13[%add3A_67, %dma_wait3A_91] : memref<10008x128xf32, #tpu.memory_space<vmem_shared>> -> memref<64x128xf32, #tpu.memory_space<vmem_shared>>
        %dma_wait3A_93 = arith.constant 0 : i32
        %dma_wait3A_94 = tpu.memref_slice %arg13[%add3A_67, %dma_wait3A_93] : memref<10008x128xf32, #tpu.memory_space<vmem_shared>> -> memref<64x128xf32, #tpu.memory_space<vmem_shared>>
        %dma_wait3A_95 = arith.constant 0 : i32
        %dma_wait3A_96 = arith.constant 0 : i32
        %dma_wait3A_97 = tpu.memref_slice %arg11[%dma_wait3A_95, %dma_wait3A_96] : memref<128x128xf32, #tpu.memory_space<vmem>> -> memref<64x128xf32, #tpu.memory_space<vmem>>
        tpu.wait_dma2 semaphore(%run_scoped3A : memref<!tpu.dma_semaphore, #tpu.memory_space<semaphore_mem>>) src(%dma_wait3A_97 : memref<64x128xf32, #tpu.memory_space<vmem>>) dst(%dma_wait3A_94 : memref<64x128xf32, #tpu.memory_space<vmem_shared>>)
        tpu.yield
      }) : () -> ()
      %add3A_68 = arith.constant 320 : i32
      %add3A_69 = arith.addi %mul3A_58, %add3A_68 : i32
      "tpu.region"() ({
        %run_scoped3A = tpu.sem_alloc : memref<!tpu.dma_semaphore, #tpu.memory_space<semaphore_mem>>
        %dma_start3A_78 = arith.constant 0 : i32
        %dma_start3A_79 = arith.constant 0 : i32
        %dma_start3A_80 = tpu.memref_slice %arg11[%dma_start3A_78, %dma_start3A_79] : memref<128x128xf32, #tpu.memory_space<vmem>> -> memref<64x128xf32, #tpu.memory_space<vmem>>
        %dma_start3A_81 = arith.constant 0 : i32
        %dma_start3A_82 = tpu.memref_slice %arg13[%add3A_69, %dma_start3A_81] : memref<10008x128xf32, #tpu.memory_space<vmem_shared>> -> memref<64x128xf32, #tpu.memory_space<vmem_shared>>
        %dma_start3A_83 = arith.constant 0 : i32
        %dma_start3A_84 = tpu.memref_slice %arg13[%add3A_69, %dma_start3A_83] : memref<10008x128xf32, #tpu.memory_space<vmem_shared>> -> memref<64x128xf32, #tpu.memory_space<vmem_shared>>
        %dma_start3A_85 = arith.constant 0 : i32
        %dma_start3A_86 = arith.constant 0 : i32
        %dma_start3A_87 = tpu.memref_slice %arg11[%dma_start3A_85, %dma_start3A_86] : memref<128x128xf32, #tpu.memory_space<vmem>> -> memref<64x128xf32, #tpu.memory_space<vmem>>
        tpu.enqueue_dma source(%dma_start3A_87 : memref<64x128xf32, #tpu.memory_space<vmem>>) target(%dma_start3A_84 : memref<64x128xf32, #tpu.memory_space<vmem_shared>>) target_semaphore(%run_scoped3A : memref<!tpu.dma_semaphore, #tpu.memory_space<semaphore_mem>>)
        %dma_wait3A_88 = arith.constant 0 : i32
        %dma_wait3A_89 = arith.constant 0 : i32
        %dma_wait3A_90 = tpu.memref_slice %arg11[%dma_wait3A_88, %dma_wait3A_89] : memref<128x128xf32, #tpu.memory_space<vmem>> -> memref<64x128xf32, #tpu.memory_space<vmem>>
        %dma_wait3A_91 = arith.constant 0 : i32
        %dma_wait3A_92 = tpu.memref_slice %arg13[%add3A_69, %dma_wait3A_91] : memref<10008x128xf32, #tpu.memory_space<vmem_shared>> -> memref<64x128xf32, #tpu.memory_space<vmem_shared>>
        %dma_wait3A_93 = arith.constant 0 : i32
        %dma_wait3A_94 = tpu.memref_slice %arg13[%add3A_69, %dma_wait3A_93] : memref<10008x128xf32, #tpu.memory_space<vmem_shared>> -> memref<64x128xf32, #tpu.memory_space<vmem_shared>>
        %dma_wait3A_95 = arith.constant 0 : i32
        %dma_wait3A_96 = arith.constant 0 : i32
        %dma_wait3A_97 = tpu.memref_slice %arg11[%dma_wait3A_95, %dma_wait3A_96] : memref<128x128xf32, #tpu.memory_space<vmem>> -> memref<64x128xf32, #tpu.memory_space<vmem>>
        tpu.wait_dma2 semaphore(%run_scoped3A : memref<!tpu.dma_semaphore, #tpu.memory_space<semaphore_mem>>) src(%dma_wait3A_97 : memref<64x128xf32, #tpu.memory_space<vmem>>) dst(%dma_wait3A_94 : memref<64x128xf32, #tpu.memory_space<vmem_shared>>)
        tpu.yield
      }) : () -> ()
      %add3A_70 = arith.constant 384 : i32
      %add3A_71 = arith.addi %mul3A_58, %add3A_70 : i32
      "tpu.region"() ({
        %run_scoped3A = tpu.sem_alloc : memref<!tpu.dma_semaphore, #tpu.memory_space<semaphore_mem>>
        %dma_start3A_78 = arith.constant 0 : i32
        %dma_start3A_79 = arith.constant 0 : i32
        %dma_start3A_80 = tpu.memref_slice %arg11[%dma_start3A_78, %dma_start3A_79] : memref<128x128xf32, #tpu.memory_space<vmem>> -> memref<64x128xf32, #tpu.memory_space<vmem>>
        %dma_start3A_81 = arith.constant 0 : i32
        %dma_start3A_82 = tpu.memref_slice %arg13[%add3A_71, %dma_start3A_81] : memref<10008x128xf32, #tpu.memory_space<vmem_shared>> -> memref<64x128xf32, #tpu.memory_space<vmem_shared>>
        %dma_start3A_83 = arith.constant 0 : i32
        %dma_start3A_84 = tpu.memref_slice %arg13[%add3A_71, %dma_start3A_83] : memref<10008x128xf32, #tpu.memory_space<vmem_shared>> -> memref<64x128xf32, #tpu.memory_space<vmem_shared>>
        %dma_start3A_85 = arith.constant 0 : i32
        %dma_start3A_86 = arith.constant 0 : i32
        %dma_start3A_87 = tpu.memref_slice %arg11[%dma_start3A_85, %dma_start3A_86] : memref<128x128xf32, #tpu.memory_space<vmem>> -> memref<64x128xf32, #tpu.memory_space<vmem>>
        tpu.enqueue_dma source(%dma_start3A_87 : memref<64x128xf32, #tpu.memory_space<vmem>>) target(%dma_start3A_84 : memref<64x128xf32, #tpu.memory_space<vmem_shared>>) target_semaphore(%run_scoped3A : memref<!tpu.dma_semaphore, #tpu.memory_space<semaphore_mem>>)
        %dma_wait3A_88 = arith.constant 0 : i32
        %dma_wait3A_89 = arith.constant 0 : i32
        %dma_wait3A_90 = tpu.memref_slice %arg11[%dma_wait3A_88, %dma_wait3A_89] : memref<128x128xf32, #tpu.memory_space<vmem>> -> memref<64x128xf32, #tpu.memory_space<vmem>>
        %dma_wait3A_91 = arith.constant 0 : i32
        %dma_wait3A_92 = tpu.memref_slice %arg13[%add3A_71, %dma_wait3A_91] : memref<10008x128xf32, #tpu.memory_space<vmem_shared>> -> memref<64x128xf32, #tpu.memory_space<vmem_shared>>
        %dma_wait3A_93 = arith.constant 0 : i32
        %dma_wait3A_94 = tpu.memref_slice %arg13[%add3A_71, %dma_wait3A_93] : memref<10008x128xf32, #tpu.memory_space<vmem_shared>> -> memref<64x128xf32, #tpu.memory_space<vmem_shared>>
        %dma_wait3A_95 = arith.constant 0 : i32
        %dma_wait3A_96 = arith.constant 0 : i32
        %dma_wait3A_97 = tpu.memref_slice %arg11[%dma_wait3A_95, %dma_wait3A_96] : memref<128x128xf32, #tpu.memory_space<vmem>> -> memref<64x128xf32, #tpu.memory_space<vmem>>
        tpu.wait_dma2 semaphore(%run_scoped3A : memref<!tpu.dma_semaphore, #tpu.memory_space<semaphore_mem>>) src(%dma_wait3A_97 : memref<64x128xf32, #tpu.memory_space<vmem>>) dst(%dma_wait3A_94 : memref<64x128xf32, #tpu.memory_space<vmem_shared>>)
        tpu.yield
      }) : () -> ()
      %add3A_72 = arith.constant 448 : i32
      %add3A_73 = arith.addi %mul3A_58, %add3A_72 : i32
      "tpu.region"() ({
        %run_scoped3A = tpu.sem_alloc : memref<!tpu.dma_semaphore, #tpu.memory_space<semaphore_mem>>
        %dma_start3A_78 = arith.constant 0 : i32
        %dma_start3A_79 = arith.constant 0 : i32
        %dma_start3A_80 = tpu.memref_slice %arg11[%dma_start3A_78, %dma_start3A_79] : memref<128x128xf32, #tpu.memory_space<vmem>> -> memref<64x128xf32, #tpu.memory_space<vmem>>
        %dma_start3A_81 = arith.constant 0 : i32
        %dma_start3A_82 = tpu.memref_slice %arg13[%add3A_73, %dma_start3A_81] : memref<10008x128xf32, #tpu.memory_space<vmem_shared>> -> memref<64x128xf32, #tpu.memory_space<vmem_shared>>
        %dma_start3A_83 = arith.constant 0 : i32
        %dma_start3A_84 = tpu.memref_slice %arg13[%add3A_73, %dma_start3A_83] : memref<10008x128xf32, #tpu.memory_space<vmem_shared>> -> memref<64x128xf32, #tpu.memory_space<vmem_shared>>
        %dma_start3A_85 = arith.constant 0 : i32
        %dma_start3A_86 = arith.constant 0 : i32
        %dma_start3A_87 = tpu.memref_slice %arg11[%dma_start3A_85, %dma_start3A_86] : memref<128x128xf32, #tpu.memory_space<vmem>> -> memref<64x128xf32, #tpu.memory_space<vmem>>
        tpu.enqueue_dma source(%dma_start3A_87 : memref<64x128xf32, #tpu.memory_space<vmem>>) target(%dma_start3A_84 : memref<64x128xf32, #tpu.memory_space<vmem_shared>>) target_semaphore(%run_scoped3A : memref<!tpu.dma_semaphore, #tpu.memory_space<semaphore_mem>>)
        %dma_wait3A_88 = arith.constant 0 : i32
        %dma_wait3A_89 = arith.constant 0 : i32
        %dma_wait3A_90 = tpu.memref_slice %arg11[%dma_wait3A_88, %dma_wait3A_89] : memref<128x128xf32, #tpu.memory_space<vmem>> -> memref<64x128xf32, #tpu.memory_space<vmem>>
        %dma_wait3A_91 = arith.constant 0 : i32
        %dma_wait3A_92 = tpu.memref_slice %arg13[%add3A_73, %dma_wait3A_91] : memref<10008x128xf32, #tpu.memory_space<vmem_shared>> -> memref<64x128xf32, #tpu.memory_space<vmem_shared>>
        %dma_wait3A_93 = arith.constant 0 : i32
        %dma_wait3A_94 = tpu.memref_slice %arg13[%add3A_73, %dma_wait3A_93] : memref<10008x128xf32, #tpu.memory_space<vmem_shared>> -> memref<64x128xf32, #tpu.memory_space<vmem_shared>>
        %dma_wait3A_95 = arith.constant 0 : i32
        %dma_wait3A_96 = arith.constant 0 : i32
        %dma_wait3A_97 = tpu.memref_slice %arg11[%dma_wait3A_95, %dma_wait3A_96] : memref<128x128xf32, #tpu.memory_space<vmem>> -> memref<64x128xf32, #tpu.memory_space<vmem>>
        tpu.wait_dma2 semaphore(%run_scoped3A : memref<!tpu.dma_semaphore, #tpu.memory_space<semaphore_mem>>) src(%dma_wait3A_97 : memref<64x128xf32, #tpu.memory_space<vmem>>) dst(%dma_wait3A_94 : memref<64x128xf32, #tpu.memory_space<vmem_shared>>)
        tpu.yield
      }) : () -> ()
      %add3A_74 = arith.constant 512 : i32
      %add3A_75 = arith.addi %mul3A_58, %add3A_74 : i32
      "tpu.region"() ({
        %run_scoped3A = tpu.sem_alloc : memref<!tpu.dma_semaphore, #tpu.memory_space<semaphore_mem>>
        %dma_start3A_78 = arith.constant 0 : i32
        %dma_start3A_79 = arith.constant 0 : i32
        %dma_start3A_80 = tpu.memref_slice %arg11[%dma_start3A_78, %dma_start3A_79] : memref<128x128xf32, #tpu.memory_space<vmem>> -> memref<64x128xf32, #tpu.memory_space<vmem>>
        %dma_start3A_81 = arith.constant 0 : i32
        %dma_start3A_82 = tpu.memref_slice %arg13[%add3A_75, %dma_start3A_81] : memref<10008x128xf32, #tpu.memory_space<vmem_shared>> -> memref<64x128xf32, #tpu.memory_space<vmem_shared>>
        %dma_start3A_83 = arith.constant 0 : i32
        %dma_start3A_84 = tpu.memref_slice %arg13[%add3A_75, %dma_start3A_83] : memref<10008x128xf32, #tpu.memory_space<vmem_shared>> -> memref<64x128xf32, #tpu.memory_space<vmem_shared>>
        %dma_start3A_85 = arith.constant 0 : i32
        %dma_start3A_86 = arith.constant 0 : i32
        %dma_start3A_87 = tpu.memref_slice %arg11[%dma_start3A_85, %dma_start3A_86] : memref<128x128xf32, #tpu.memory_space<vmem>> -> memref<64x128xf32, #tpu.memory_space<vmem>>
        tpu.enqueue_dma source(%dma_start3A_87 : memref<64x128xf32, #tpu.memory_space<vmem>>) target(%dma_start3A_84 : memref<64x128xf32, #tpu.memory_space<vmem_shared>>) target_semaphore(%run_scoped3A : memref<!tpu.dma_semaphore, #tpu.memory_space<semaphore_mem>>)
        %dma_wait3A_88 = arith.constant 0 : i32
        %dma_wait3A_89 = arith.constant 0 : i32
        %dma_wait3A_90 = tpu.memref_slice %arg11[%dma_wait3A_88, %dma_wait3A_89] : memref<128x128xf32, #tpu.memory_space<vmem>> -> memref<64x128xf32, #tpu.memory_space<vmem>>
        %dma_wait3A_91 = arith.constant 0 : i32
        %dma_wait3A_92 = tpu.memref_slice %arg13[%add3A_75, %dma_wait3A_91] : memref<10008x128xf32, #tpu.memory_space<vmem_shared>> -> memref<64x128xf32, #tpu.memory_space<vmem_shared>>
        %dma_wait3A_93 = arith.constant 0 : i32
        %dma_wait3A_94 = tpu.memref_slice %arg13[%add3A_75, %dma_wait3A_93] : memref<10008x128xf32, #tpu.memory_space<vmem_shared>> -> memref<64x128xf32, #tpu.memory_space<vmem_shared>>
        %dma_wait3A_95 = arith.constant 0 : i32
        %dma_wait3A_96 = arith.constant 0 : i32
        %dma_wait3A_97 = tpu.memref_slice %arg11[%dma_wait3A_95, %dma_wait3A_96] : memref<128x128xf32, #tpu.memory_space<vmem>> -> memref<64x128xf32, #tpu.memory_space<vmem>>
        tpu.wait_dma2 semaphore(%run_scoped3A : memref<!tpu.dma_semaphore, #tpu.memory_space<semaphore_mem>>) src(%dma_wait3A_97 : memref<64x128xf32, #tpu.memory_space<vmem>>) dst(%dma_wait3A_94 : memref<64x128xf32, #tpu.memory_space<vmem_shared>>)
        tpu.yield
      }) : () -> ()
      %add3A_76 = arith.constant 576 : i32
      %add3A_77 = arith.addi %mul3A_58, %add3A_76 : i32
      "tpu.region"() ({
        %run_scoped3A = tpu.sem_alloc : memref<!tpu.dma_semaphore, #tpu.memory_space<semaphore_mem>>
        %dma_start3A_78 = arith.constant 0 : i32
        %dma_start3A_79 = arith.constant 0 : i32
        %dma_start3A_80 = tpu.memref_slice %arg11[%dma_start3A_78, %dma_start3A_79] : memref<128x128xf32, #tpu.memory_space<vmem>> -> memref<48x128xf32, #tpu.memory_space<vmem>>
        %dma_start3A_81 = arith.constant 0 : i32
        %dma_start3A_82 = tpu.memref_slice %arg13[%add3A_77, %dma_start3A_81] : memref<10008x128xf32, #tpu.memory_space<vmem_shared>> -> memref<48x128xf32, #tpu.memory_space<vmem_shared>>
        %dma_start3A_83 = arith.constant 0 : i32
        %dma_start3A_84 = tpu.memref_slice %arg13[%add3A_77, %dma_start3A_83] : memref<10008x128xf32, #tpu.memory_space<vmem_shared>> -> memref<48x128xf32, #tpu.memory_space<vmem_shared>>
        %dma_start3A_85 = arith.constant 0 : i32
        %dma_start3A_86 = arith.constant 0 : i32
        %dma_start3A_87 = tpu.memref_slice %arg11[%dma_start3A_85, %dma_start3A_86] : memref<128x128xf32, #tpu.memory_space<vmem>> -> memref<48x128xf32, #tpu.memory_space<vmem>>
        tpu.enqueue_dma source(%dma_start3A_87 : memref<48x128xf32, #tpu.memory_space<vmem>>) target(%dma_start3A_84 : memref<48x128xf32, #tpu.memory_space<vmem_shared>>) target_semaphore(%run_scoped3A : memref<!tpu.dma_semaphore, #tpu.memory_space<semaphore_mem>>)
        %dma_wait3A_88 = arith.constant 0 : i32
        %dma_wait3A_89 = arith.constant 0 : i32
        %dma_wait3A_90 = tpu.memref_slice %arg11[%dma_wait3A_88, %dma_wait3A_89] : memref<128x128xf32, #tpu.memory_space<vmem>> -> memref<48x128xf32, #tpu.memory_space<vmem>>
        %dma_wait3A_91 = arith.constant 0 : i32
        %dma_wait3A_92 = tpu.memref_slice %arg13[%add3A_77, %dma_wait3A_91] : memref<10008x128xf32, #tpu.memory_space<vmem_shared>> -> memref<48x128xf32, #tpu.memory_space<vmem_shared>>
        %dma_wait3A_93 = arith.constant 0 : i32
        %dma_wait3A_94 = tpu.memref_slice %arg13[%add3A_77, %dma_wait3A_93] : memref<10008x128xf32, #tpu.memory_space<vmem_shared>> -> memref<48x128xf32, #tpu.memory_space<vmem_shared>>
        %dma_wait3A_95 = arith.constant 0 : i32
        %dma_wait3A_96 = arith.constant 0 : i32
        %dma_wait3A_97 = tpu.memref_slice %arg11[%dma_wait3A_95, %dma_wait3A_96] : memref<128x128xf32, #tpu.memory_space<vmem>> -> memref<48x128xf32, #tpu.memory_space<vmem>>
        tpu.wait_dma2 semaphore(%run_scoped3A : memref<!tpu.dma_semaphore, #tpu.memory_space<semaphore_mem>>) src(%dma_wait3A_97 : memref<48x128xf32, #tpu.memory_space<vmem>>) dst(%dma_wait3A_94 : memref<48x128xf32, #tpu.memory_space<vmem_shared>>)
        tpu.yield
      }) : () -> ()
    } else {
    }
    %eq3A = arith.constant 15 : i32
    %eq3A_12 = arith.cmpi eq, %arg1, %eq3A : i32
    %convert_element_type3A_13 = arith.extui %eq3A_12 : i1 to i32
    %cond3A_14 = arith.constant 0 : i32
    %cond3A_15 = arith.cmpi ne, %convert_element_type3A_13, %cond3A_14 : i32
    scf.if %cond3A_15 {
      "tpu.region"() ({
        %run_scoped3A = tpu.sem_alloc : memref<!tpu.dma_semaphore, #tpu.memory_space<semaphore_mem>>
        %dma_start3A_57 = arith.constant 0 : i32
        %dma_start3A_58 = arith.constant 0 : i32
        %dma_start3A_59 = tpu.memref_slice %arg11[%dma_start3A_57, %dma_start3A_58] : memref<128x128xf32, #tpu.memory_space<vmem>> -> memref<64x128xf32, #tpu.memory_space<vmem>>
        %dma_start3A_60 = arith.constant 9360 : i32
        %dma_start3A_61 = arith.constant 0 : i32
        %dma_start3A_62 = tpu.memref_slice %arg13[%dma_start3A_60, %dma_start3A_61] : memref<10008x128xf32, #tpu.memory_space<vmem_shared>> -> memref<64x128xf32, #tpu.memory_space<vmem_shared>>
        %dma_start3A_63 = arith.constant 9360 : i32
        %dma_start3A_64 = arith.constant 0 : i32
        %dma_start3A_65 = tpu.memref_slice %arg13[%dma_start3A_63, %dma_start3A_64] : memref<10008x128xf32, #tpu.memory_space<vmem_shared>> -> memref<64x128xf32, #tpu.memory_space<vmem_shared>>
        %dma_start3A_66 = arith.constant 0 : i32
        %dma_start3A_67 = arith.constant 0 : i32
        %dma_start3A_68 = tpu.memref_slice %arg11[%dma_start3A_66, %dma_start3A_67] : memref<128x128xf32, #tpu.memory_space<vmem>> -> memref<64x128xf32, #tpu.memory_space<vmem>>
        tpu.enqueue_dma source(%dma_start3A_68 : memref<64x128xf32, #tpu.memory_space<vmem>>) target(%dma_start3A_65 : memref<64x128xf32, #tpu.memory_space<vmem_shared>>) target_semaphore(%run_scoped3A : memref<!tpu.dma_semaphore, #tpu.memory_space<semaphore_mem>>)
        %dma_wait3A_69 = arith.constant 0 : i32
        %dma_wait3A_70 = arith.constant 0 : i32
        %dma_wait3A_71 = tpu.memref_slice %arg11[%dma_wait3A_69, %dma_wait3A_70] : memref<128x128xf32, #tpu.memory_space<vmem>> -> memref<64x128xf32, #tpu.memory_space<vmem>>
        %dma_wait3A_72 = arith.constant 9360 : i32
        %dma_wait3A_73 = arith.constant 0 : i32
        %dma_wait3A_74 = tpu.memref_slice %arg13[%dma_wait3A_72, %dma_wait3A_73] : memref<10008x128xf32, #tpu.memory_space<vmem_shared>> -> memref<64x128xf32, #tpu.memory_space<vmem_shared>>
        %dma_wait3A_75 = arith.constant 9360 : i32
        %dma_wait3A_76 = arith.constant 0 : i32
        %dma_wait3A_77 = tpu.memref_slice %arg13[%dma_wait3A_75, %dma_wait3A_76] : memref<10008x128xf32, #tpu.memory_space<vmem_shared>> -> memref<64x128xf32, #tpu.memory_space<vmem_shared>>
        %dma_wait3A_78 = arith.constant 0 : i32
        %dma_wait3A_79 = arith.constant 0 : i32
        %dma_wait3A_80 = tpu.memref_slice %arg11[%dma_wait3A_78, %dma_wait3A_79] : memref<128x128xf32, #tpu.memory_space<vmem>> -> memref<64x128xf32, #tpu.memory_space<vmem>>
        tpu.wait_dma2 semaphore(%run_scoped3A : memref<!tpu.dma_semaphore, #tpu.memory_space<semaphore_mem>>) src(%dma_wait3A_80 : memref<64x128xf32, #tpu.memory_space<vmem>>) dst(%dma_wait3A_77 : memref<64x128xf32, #tpu.memory_space<vmem_shared>>)
        tpu.yield
      }) : () -> ()
      "tpu.region"() ({
        %run_scoped3A = tpu.sem_alloc : memref<!tpu.dma_semaphore, #tpu.memory_space<semaphore_mem>>
        %dma_start3A_57 = arith.constant 0 : i32
        %dma_start3A_58 = arith.constant 0 : i32
        %dma_start3A_59 = tpu.memref_slice %arg11[%dma_start3A_57, %dma_start3A_58] : memref<128x128xf32, #tpu.memory_space<vmem>> -> memref<64x128xf32, #tpu.memory_space<vmem>>
        %dma_start3A_60 = arith.constant 9424 : i32
        %dma_start3A_61 = arith.constant 0 : i32
        %dma_start3A_62 = tpu.memref_slice %arg13[%dma_start3A_60, %dma_start3A_61] : memref<10008x128xf32, #tpu.memory_space<vmem_shared>> -> memref<64x128xf32, #tpu.memory_space<vmem_shared>>
        %dma_start3A_63 = arith.constant 9424 : i32
        %dma_start3A_64 = arith.constant 0 : i32
        %dma_start3A_65 = tpu.memref_slice %arg13[%dma_start3A_63, %dma_start3A_64] : memref<10008x128xf32, #tpu.memory_space<vmem_shared>> -> memref<64x128xf32, #tpu.memory_space<vmem_shared>>
        %dma_start3A_66 = arith.constant 0 : i32
        %dma_start3A_67 = arith.constant 0 : i32
        %dma_start3A_68 = tpu.memref_slice %arg11[%dma_start3A_66, %dma_start3A_67] : memref<128x128xf32, #tpu.memory_space<vmem>> -> memref<64x128xf32, #tpu.memory_space<vmem>>
        tpu.enqueue_dma source(%dma_start3A_68 : memref<64x128xf32, #tpu.memory_space<vmem>>) target(%dma_start3A_65 : memref<64x128xf32, #tpu.memory_space<vmem_shared>>) target_semaphore(%run_scoped3A : memref<!tpu.dma_semaphore, #tpu.memory_space<semaphore_mem>>)
        %dma_wait3A_69 = arith.constant 0 : i32
        %dma_wait3A_70 = arith.constant 0 : i32
        %dma_wait3A_71 = tpu.memref_slice %arg11[%dma_wait3A_69, %dma_wait3A_70] : memref<128x128xf32, #tpu.memory_space<vmem>> -> memref<64x128xf32, #tpu.memory_space<vmem>>
        %dma_wait3A_72 = arith.constant 9424 : i32
        %dma_wait3A_73 = arith.constant 0 : i32
        %dma_wait3A_74 = tpu.memref_slice %arg13[%dma_wait3A_72, %dma_wait3A_73] : memref<10008x128xf32, #tpu.memory_space<vmem_shared>> -> memref<64x128xf32, #tpu.memory_space<vmem_shared>>
        %dma_wait3A_75 = arith.constant 9424 : i32
        %dma_wait3A_76 = arith.constant 0 : i32
        %dma_wait3A_77 = tpu.memref_slice %arg13[%dma_wait3A_75, %dma_wait3A_76] : memref<10008x128xf32, #tpu.memory_space<vmem_shared>> -> memref<64x128xf32, #tpu.memory_space<vmem_shared>>
        %dma_wait3A_78 = arith.constant 0 : i32
        %dma_wait3A_79 = arith.constant 0 : i32
        %dma_wait3A_80 = tpu.memref_slice %arg11[%dma_wait3A_78, %dma_wait3A_79] : memref<128x128xf32, #tpu.memory_space<vmem>> -> memref<64x128xf32, #tpu.memory_space<vmem>>
        tpu.wait_dma2 semaphore(%run_scoped3A : memref<!tpu.dma_semaphore, #tpu.memory_space<semaphore_mem>>) src(%dma_wait3A_80 : memref<64x128xf32, #tpu.memory_space<vmem>>) dst(%dma_wait3A_77 : memref<64x128xf32, #tpu.memory_space<vmem_shared>>)
        tpu.yield
      }) : () -> ()
      "tpu.region"() ({
        %run_scoped3A = tpu.sem_alloc : memref<!tpu.dma_semaphore, #tpu.memory_space<semaphore_mem>>
        %dma_start3A_57 = arith.constant 0 : i32
        %dma_start3A_58 = arith.constant 0 : i32
        %dma_start3A_59 = tpu.memref_slice %arg11[%dma_start3A_57, %dma_start3A_58] : memref<128x128xf32, #tpu.memory_space<vmem>> -> memref<64x128xf32, #tpu.memory_space<vmem>>
        %dma_start3A_60 = arith.constant 9488 : i32
        %dma_start3A_61 = arith.constant 0 : i32
        %dma_start3A_62 = tpu.memref_slice %arg13[%dma_start3A_60, %dma_start3A_61] : memref<10008x128xf32, #tpu.memory_space<vmem_shared>> -> memref<64x128xf32, #tpu.memory_space<vmem_shared>>
        %dma_start3A_63 = arith.constant 9488 : i32
        %dma_start3A_64 = arith.constant 0 : i32
        %dma_start3A_65 = tpu.memref_slice %arg13[%dma_start3A_63, %dma_start3A_64] : memref<10008x128xf32, #tpu.memory_space<vmem_shared>> -> memref<64x128xf32, #tpu.memory_space<vmem_shared>>
        %dma_start3A_66 = arith.constant 0 : i32
        %dma_start3A_67 = arith.constant 0 : i32
        %dma_start3A_68 = tpu.memref_slice %arg11[%dma_start3A_66, %dma_start3A_67] : memref<128x128xf32, #tpu.memory_space<vmem>> -> memref<64x128xf32, #tpu.memory_space<vmem>>
        tpu.enqueue_dma source(%dma_start3A_68 : memref<64x128xf32, #tpu.memory_space<vmem>>) target(%dma_start3A_65 : memref<64x128xf32, #tpu.memory_space<vmem_shared>>) target_semaphore(%run_scoped3A : memref<!tpu.dma_semaphore, #tpu.memory_space<semaphore_mem>>)
        %dma_wait3A_69 = arith.constant 0 : i32
        %dma_wait3A_70 = arith.constant 0 : i32
        %dma_wait3A_71 = tpu.memref_slice %arg11[%dma_wait3A_69, %dma_wait3A_70] : memref<128x128xf32, #tpu.memory_space<vmem>> -> memref<64x128xf32, #tpu.memory_space<vmem>>
        %dma_wait3A_72 = arith.constant 9488 : i32
        %dma_wait3A_73 = arith.constant 0 : i32
        %dma_wait3A_74 = tpu.memref_slice %arg13[%dma_wait3A_72, %dma_wait3A_73] : memref<10008x128xf32, #tpu.memory_space<vmem_shared>> -> memref<64x128xf32, #tpu.memory_space<vmem_shared>>
        %dma_wait3A_75 = arith.constant 9488 : i32
        %dma_wait3A_76 = arith.constant 0 : i32
        %dma_wait3A_77 = tpu.memref_slice %arg13[%dma_wait3A_75, %dma_wait3A_76] : memref<10008x128xf32, #tpu.memory_space<vmem_shared>> -> memref<64x128xf32, #tpu.memory_space<vmem_shared>>
        %dma_wait3A_78 = arith.constant 0 : i32
        %dma_wait3A_79 = arith.constant 0 : i32
        %dma_wait3A_80 = tpu.memref_slice %arg11[%dma_wait3A_78, %dma_wait3A_79] : memref<128x128xf32, #tpu.memory_space<vmem>> -> memref<64x128xf32, #tpu.memory_space<vmem>>
        tpu.wait_dma2 semaphore(%run_scoped3A : memref<!tpu.dma_semaphore, #tpu.memory_space<semaphore_mem>>) src(%dma_wait3A_80 : memref<64x128xf32, #tpu.memory_space<vmem>>) dst(%dma_wait3A_77 : memref<64x128xf32, #tpu.memory_space<vmem_shared>>)
        tpu.yield
      }) : () -> ()
      "tpu.region"() ({
        %run_scoped3A = tpu.sem_alloc : memref<!tpu.dma_semaphore, #tpu.memory_space<semaphore_mem>>
        %dma_start3A_57 = arith.constant 0 : i32
        %dma_start3A_58 = arith.constant 0 : i32
        %dma_start3A_59 = tpu.memref_slice %arg11[%dma_start3A_57, %dma_start3A_58] : memref<128x128xf32, #tpu.memory_space<vmem>> -> memref<64x128xf32, #tpu.memory_space<vmem>>
        %dma_start3A_60 = arith.constant 9552 : i32
        %dma_start3A_61 = arith.constant 0 : i32
        %dma_start3A_62 = tpu.memref_slice %arg13[%dma_start3A_60, %dma_start3A_61] : memref<10008x128xf32, #tpu.memory_space<vmem_shared>> -> memref<64x128xf32, #tpu.memory_space<vmem_shared>>
        %dma_start3A_63 = arith.constant 9552 : i32
        %dma_start3A_64 = arith.constant 0 : i32
        %dma_start3A_65 = tpu.memref_slice %arg13[%dma_start3A_63, %dma_start3A_64] : memref<10008x128xf32, #tpu.memory_space<vmem_shared>> -> memref<64x128xf32, #tpu.memory_space<vmem_shared>>
        %dma_start3A_66 = arith.constant 0 : i32
        %dma_start3A_67 = arith.constant 0 : i32
        %dma_start3A_68 = tpu.memref_slice %arg11[%dma_start3A_66, %dma_start3A_67] : memref<128x128xf32, #tpu.memory_space<vmem>> -> memref<64x128xf32, #tpu.memory_space<vmem>>
        tpu.enqueue_dma source(%dma_start3A_68 : memref<64x128xf32, #tpu.memory_space<vmem>>) target(%dma_start3A_65 : memref<64x128xf32, #tpu.memory_space<vmem_shared>>) target_semaphore(%run_scoped3A : memref<!tpu.dma_semaphore, #tpu.memory_space<semaphore_mem>>)
        %dma_wait3A_69 = arith.constant 0 : i32
        %dma_wait3A_70 = arith.constant 0 : i32
        %dma_wait3A_71 = tpu.memref_slice %arg11[%dma_wait3A_69, %dma_wait3A_70] : memref<128x128xf32, #tpu.memory_space<vmem>> -> memref<64x128xf32, #tpu.memory_space<vmem>>
        %dma_wait3A_72 = arith.constant 9552 : i32
        %dma_wait3A_73 = arith.constant 0 : i32
        %dma_wait3A_74 = tpu.memref_slice %arg13[%dma_wait3A_72, %dma_wait3A_73] : memref<10008x128xf32, #tpu.memory_space<vmem_shared>> -> memref<64x128xf32, #tpu.memory_space<vmem_shared>>
        %dma_wait3A_75 = arith.constant 9552 : i32
        %dma_wait3A_76 = arith.constant 0 : i32
        %dma_wait3A_77 = tpu.memref_slice %arg13[%dma_wait3A_75, %dma_wait3A_76] : memref<10008x128xf32, #tpu.memory_space<vmem_shared>> -> memref<64x128xf32, #tpu.memory_space<vmem_shared>>
        %dma_wait3A_78 = arith.constant 0 : i32
        %dma_wait3A_79 = arith.constant 0 : i32
        %dma_wait3A_80 = tpu.memref_slice %arg11[%dma_wait3A_78, %dma_wait3A_79] : memref<128x128xf32, #tpu.memory_space<vmem>> -> memref<64x128xf32, #tpu.memory_space<vmem>>
        tpu.wait_dma2 semaphore(%run_scoped3A : memref<!tpu.dma_semaphore, #tpu.memory_space<semaphore_mem>>) src(%dma_wait3A_80 : memref<64x128xf32, #tpu.memory_space<vmem>>) dst(%dma_wait3A_77 : memref<64x128xf32, #tpu.memory_space<vmem_shared>>)
        tpu.yield
      }) : () -> ()
      "tpu.region"() ({
        %run_scoped3A = tpu.sem_alloc : memref<!tpu.dma_semaphore, #tpu.memory_space<semaphore_mem>>
        %dma_start3A_57 = arith.constant 0 : i32
        %dma_start3A_58 = arith.constant 0 : i32
        %dma_start3A_59 = tpu.memref_slice %arg11[%dma_start3A_57, %dma_start3A_58] : memref<128x128xf32, #tpu.memory_space<vmem>> -> memref<64x128xf32, #tpu.memory_space<vmem>>
        %dma_start3A_60 = arith.constant 9616 : i32
        %dma_start3A_61 = arith.constant 0 : i32
        %dma_start3A_62 = tpu.memref_slice %arg13[%dma_start3A_60, %dma_start3A_61] : memref<10008x128xf32, #tpu.memory_space<vmem_shared>> -> memref<64x128xf32, #tpu.memory_space<vmem_shared>>
        %dma_start3A_63 = arith.constant 9616 : i32
        %dma_start3A_64 = arith.constant 0 : i32
        %dma_start3A_65 = tpu.memref_slice %arg13[%dma_start3A_63, %dma_start3A_64] : memref<10008x128xf32, #tpu.memory_space<vmem_shared>> -> memref<64x128xf32, #tpu.memory_space<vmem_shared>>
        %dma_start3A_66 = arith.constant 0 : i32
        %dma_start3A_67 = arith.constant 0 : i32
        %dma_start3A_68 = tpu.memref_slice %arg11[%dma_start3A_66, %dma_start3A_67] : memref<128x128xf32, #tpu.memory_space<vmem>> -> memref<64x128xf32, #tpu.memory_space<vmem>>
        tpu.enqueue_dma source(%dma_start3A_68 : memref<64x128xf32, #tpu.memory_space<vmem>>) target(%dma_start3A_65 : memref<64x128xf32, #tpu.memory_space<vmem_shared>>) target_semaphore(%run_scoped3A : memref<!tpu.dma_semaphore, #tpu.memory_space<semaphore_mem>>)
        %dma_wait3A_69 = arith.constant 0 : i32
        %dma_wait3A_70 = arith.constant 0 : i32
        %dma_wait3A_71 = tpu.memref_slice %arg11[%dma_wait3A_69, %dma_wait3A_70] : memref<128x128xf32, #tpu.memory_space<vmem>> -> memref<64x128xf32, #tpu.memory_space<vmem>>
        %dma_wait3A_72 = arith.constant 9616 : i32
        %dma_wait3A_73 = arith.constant 0 : i32
        %dma_wait3A_74 = tpu.memref_slice %arg13[%dma_wait3A_72, %dma_wait3A_73] : memref<10008x128xf32, #tpu.memory_space<vmem_shared>> -> memref<64x128xf32, #tpu.memory_space<vmem_shared>>
        %dma_wait3A_75 = arith.constant 9616 : i32
        %dma_wait3A_76 = arith.constant 0 : i32
        %dma_wait3A_77 = tpu.memref_slice %arg13[%dma_wait3A_75, %dma_wait3A_76] : memref<10008x128xf32, #tpu.memory_space<vmem_shared>> -> memref<64x128xf32, #tpu.memory_space<vmem_shared>>
        %dma_wait3A_78 = arith.constant 0 : i32
        %dma_wait3A_79 = arith.constant 0 : i32
        %dma_wait3A_80 = tpu.memref_slice %arg11[%dma_wait3A_78, %dma_wait3A_79] : memref<128x128xf32, #tpu.memory_space<vmem>> -> memref<64x128xf32, #tpu.memory_space<vmem>>
        tpu.wait_dma2 semaphore(%run_scoped3A : memref<!tpu.dma_semaphore, #tpu.memory_space<semaphore_mem>>) src(%dma_wait3A_80 : memref<64x128xf32, #tpu.memory_space<vmem>>) dst(%dma_wait3A_77 : memref<64x128xf32, #tpu.memory_space<vmem_shared>>)
        tpu.yield
      }) : () -> ()
      "tpu.region"() ({
        %run_scoped3A = tpu.sem_alloc : memref<!tpu.dma_semaphore, #tpu.memory_space<semaphore_mem>>
        %dma_start3A_57 = arith.constant 0 : i32
        %dma_start3A_58 = arith.constant 0 : i32
        %dma_start3A_59 = tpu.memref_slice %arg11[%dma_start3A_57, %dma_start3A_58] : memref<128x128xf32, #tpu.memory_space<vmem>> -> memref<64x128xf32, #tpu.memory_space<vmem>>
        %dma_start3A_60 = arith.constant 9680 : i32
        %dma_start3A_61 = arith.constant 0 : i32
        %dma_start3A_62 = tpu.memref_slice %arg13[%dma_start3A_60, %dma_start3A_61] : memref<10008x128xf32, #tpu.memory_space<vmem_shared>> -> memref<64x128xf32, #tpu.memory_space<vmem_shared>>
        %dma_start3A_63 = arith.constant 9680 : i32
        %dma_start3A_64 = arith.constant 0 : i32
        %dma_start3A_65 = tpu.memref_slice %arg13[%dma_start3A_63, %dma_start3A_64] : memref<10008x128xf32, #tpu.memory_space<vmem_shared>> -> memref<64x128xf32, #tpu.memory_space<vmem_shared>>
        %dma_start3A_66 = arith.constant 0 : i32
        %dma_start3A_67 = arith.constant 0 : i32
        %dma_start3A_68 = tpu.memref_slice %arg11[%dma_start3A_66, %dma_start3A_67] : memref<128x128xf32, #tpu.memory_space<vmem>> -> memref<64x128xf32, #tpu.memory_space<vmem>>
        tpu.enqueue_dma source(%dma_start3A_68 : memref<64x128xf32, #tpu.memory_space<vmem>>) target(%dma_start3A_65 : memref<64x128xf32, #tpu.memory_space<vmem_shared>>) target_semaphore(%run_scoped3A : memref<!tpu.dma_semaphore, #tpu.memory_space<semaphore_mem>>)
        %dma_wait3A_69 = arith.constant 0 : i32
        %dma_wait3A_70 = arith.constant 0 : i32
        %dma_wait3A_71 = tpu.memref_slice %arg11[%dma_wait3A_69, %dma_wait3A_70] : memref<128x128xf32, #tpu.memory_space<vmem>> -> memref<64x128xf32, #tpu.memory_space<vmem>>
        %dma_wait3A_72 = arith.constant 9680 : i32
        %dma_wait3A_73 = arith.constant 0 : i32
        %dma_wait3A_74 = tpu.memref_slice %arg13[%dma_wait3A_72, %dma_wait3A_73] : memref<10008x128xf32, #tpu.memory_space<vmem_shared>> -> memref<64x128xf32, #tpu.memory_space<vmem_shared>>
        %dma_wait3A_75 = arith.constant 9680 : i32
        %dma_wait3A_76 = arith.constant 0 : i32
        %dma_wait3A_77 = tpu.memref_slice %arg13[%dma_wait3A_75, %dma_wait3A_76] : memref<10008x128xf32, #tpu.memory_space<vmem_shared>> -> memref<64x128xf32, #tpu.memory_space<vmem_shared>>
        %dma_wait3A_78 = arith.constant 0 : i32
        %dma_wait3A_79 = arith.constant 0 : i32
        %dma_wait3A_80 = tpu.memref_slice %arg11[%dma_wait3A_78, %dma_wait3A_79] : memref<128x128xf32, #tpu.memory_space<vmem>> -> memref<64x128xf32, #tpu.memory_space<vmem>>
        tpu.wait_dma2 semaphore(%run_scoped3A : memref<!tpu.dma_semaphore, #tpu.memory_space<semaphore_mem>>) src(%dma_wait3A_80 : memref<64x128xf32, #tpu.memory_space<vmem>>) dst(%dma_wait3A_77 : memref<64x128xf32, #tpu.memory_space<vmem_shared>>)
        tpu.yield
      }) : () -> ()
      "tpu.region"() ({
        %run_scoped3A = tpu.sem_alloc : memref<!tpu.dma_semaphore, #tpu.memory_space<semaphore_mem>>
        %dma_start3A_57 = arith.constant 0 : i32
        %dma_start3A_58 = arith.constant 0 : i32
        %dma_start3A_59 = tpu.memref_slice %arg11[%dma_start3A_57, %dma_start3A_58] : memref<128x128xf32, #tpu.memory_space<vmem>> -> memref<64x128xf32, #tpu.memory_space<vmem>>
        %dma_start3A_60 = arith.constant 9744 : i32
        %dma_start3A_61 = arith.constant 0 : i32
        %dma_start3A_62 = tpu.memref_slice %arg13[%dma_start3A_60, %dma_start3A_61] : memref<10008x128xf32, #tpu.memory_space<vmem_shared>> -> memref<64x128xf32, #tpu.memory_space<vmem_shared>>
        %dma_start3A_63 = arith.constant 9744 : i32
        %dma_start3A_64 = arith.constant 0 : i32
        %dma_start3A_65 = tpu.memref_slice %arg13[%dma_start3A_63, %dma_start3A_64] : memref<10008x128xf32, #tpu.memory_space<vmem_shared>> -> memref<64x128xf32, #tpu.memory_space<vmem_shared>>
        %dma_start3A_66 = arith.constant 0 : i32
        %dma_start3A_67 = arith.constant 0 : i32
        %dma_start3A_68 = tpu.memref_slice %arg11[%dma_start3A_66, %dma_start3A_67] : memref<128x128xf32, #tpu.memory_space<vmem>> -> memref<64x128xf32, #tpu.memory_space<vmem>>
        tpu.enqueue_dma source(%dma_start3A_68 : memref<64x128xf32, #tpu.memory_space<vmem>>) target(%dma_start3A_65 : memref<64x128xf32, #tpu.memory_space<vmem_shared>>) target_semaphore(%run_scoped3A : memref<!tpu.dma_semaphore, #tpu.memory_space<semaphore_mem>>)
        %dma_wait3A_69 = arith.constant 0 : i32
        %dma_wait3A_70 = arith.constant 0 : i32
        %dma_wait3A_71 = tpu.memref_slice %arg11[%dma_wait3A_69, %dma_wait3A_70] : memref<128x128xf32, #tpu.memory_space<vmem>> -> memref<64x128xf32, #tpu.memory_space<vmem>>
        %dma_wait3A_72 = arith.constant 9744 : i32
        %dma_wait3A_73 = arith.constant 0 : i32
        %dma_wait3A_74 = tpu.memref_slice %arg13[%dma_wait3A_72, %dma_wait3A_73] : memref<10008x128xf32, #tpu.memory_space<vmem_shared>> -> memref<64x128xf32, #tpu.memory_space<vmem_shared>>
        %dma_wait3A_75 = arith.constant 9744 : i32
        %dma_wait3A_76 = arith.constant 0 : i32
        %dma_wait3A_77 = tpu.memref_slice %arg13[%dma_wait3A_75, %dma_wait3A_76] : memref<10008x128xf32, #tpu.memory_space<vmem_shared>> -> memref<64x128xf32, #tpu.memory_space<vmem_shared>>
        %dma_wait3A_78 = arith.constant 0 : i32
        %dma_wait3A_79 = arith.constant 0 : i32
        %dma_wait3A_80 = tpu.memref_slice %arg11[%dma_wait3A_78, %dma_wait3A_79] : memref<128x128xf32, #tpu.memory_space<vmem>> -> memref<64x128xf32, #tpu.memory_space<vmem>>
        tpu.wait_dma2 semaphore(%run_scoped3A : memref<!tpu.dma_semaphore, #tpu.memory_space<semaphore_mem>>) src(%dma_wait3A_80 : memref<64x128xf32, #tpu.memory_space<vmem>>) dst(%dma_wait3A_77 : memref<64x128xf32, #tpu.memory_space<vmem_shared>>)
        tpu.yield
      }) : () -> ()
      "tpu.region"() ({
        %run_scoped3A = tpu.sem_alloc : memref<!tpu.dma_semaphore, #tpu.memory_space<semaphore_mem>>
        %dma_start3A_57 = arith.constant 0 : i32
        %dma_start3A_58 = arith.constant 0 : i32
        %dma_start3A_59 = tpu.memref_slice %arg11[%dma_start3A_57, %dma_start3A_58] : memref<128x128xf32, #tpu.memory_space<vmem>> -> memref<64x128xf32, #tpu.memory_space<vmem>>
        %dma_start3A_60 = arith.constant 9808 : i32
        %dma_start3A_61 = arith.constant 0 : i32
        %dma_start3A_62 = tpu.memref_slice %arg13[%dma_start3A_60, %dma_start3A_61] : memref<10008x128xf32, #tpu.memory_space<vmem_shared>> -> memref<64x128xf32, #tpu.memory_space<vmem_shared>>
        %dma_start3A_63 = arith.constant 9808 : i32
        %dma_start3A_64 = arith.constant 0 : i32
        %dma_start3A_65 = tpu.memref_slice %arg13[%dma_start3A_63, %dma_start3A_64] : memref<10008x128xf32, #tpu.memory_space<vmem_shared>> -> memref<64x128xf32, #tpu.memory_space<vmem_shared>>
        %dma_start3A_66 = arith.constant 0 : i32
        %dma_start3A_67 = arith.constant 0 : i32
        %dma_start3A_68 = tpu.memref_slice %arg11[%dma_start3A_66, %dma_start3A_67] : memref<128x128xf32, #tpu.memory_space<vmem>> -> memref<64x128xf32, #tpu.memory_space<vmem>>
        tpu.enqueue_dma source(%dma_start3A_68 : memref<64x128xf32, #tpu.memory_space<vmem>>) target(%dma_start3A_65 : memref<64x128xf32, #tpu.memory_space<vmem_shared>>) target_semaphore(%run_scoped3A : memref<!tpu.dma_semaphore, #tpu.memory_space<semaphore_mem>>)
        %dma_wait3A_69 = arith.constant 0 : i32
        %dma_wait3A_70 = arith.constant 0 : i32
        %dma_wait3A_71 = tpu.memref_slice %arg11[%dma_wait3A_69, %dma_wait3A_70] : memref<128x128xf32, #tpu.memory_space<vmem>> -> memref<64x128xf32, #tpu.memory_space<vmem>>
        %dma_wait3A_72 = arith.constant 9808 : i32
        %dma_wait3A_73 = arith.constant 0 : i32
        %dma_wait3A_74 = tpu.memref_slice %arg13[%dma_wait3A_72, %dma_wait3A_73] : memref<10008x128xf32, #tpu.memory_space<vmem_shared>> -> memref<64x128xf32, #tpu.memory_space<vmem_shared>>
        %dma_wait3A_75 = arith.constant 9808 : i32
        %dma_wait3A_76 = arith.constant 0 : i32
        %dma_wait3A_77 = tpu.memref_slice %arg13[%dma_wait3A_75, %dma_wait3A_76] : memref<10008x128xf32, #tpu.memory_space<vmem_shared>> -> memref<64x128xf32, #tpu.memory_space<vmem_shared>>
        %dma_wait3A_78 = arith.constant 0 : i32
        %dma_wait3A_79 = arith.constant 0 : i32
        %dma_wait3A_80 = tpu.memref_slice %arg11[%dma_wait3A_78, %dma_wait3A_79] : memref<128x128xf32, #tpu.memory_space<vmem>> -> memref<64x128xf32, #tpu.memory_space<vmem>>
        tpu.wait_dma2 semaphore(%run_scoped3A : memref<!tpu.dma_semaphore, #tpu.memory_space<semaphore_mem>>) src(%dma_wait3A_80 : memref<64x128xf32, #tpu.memory_space<vmem>>) dst(%dma_wait3A_77 : memref<64x128xf32, #tpu.memory_space<vmem_shared>>)
        tpu.yield
      }) : () -> ()
      "tpu.region"() ({
        %run_scoped3A = tpu.sem_alloc : memref<!tpu.dma_semaphore, #tpu.memory_space<semaphore_mem>>
        %dma_start3A_57 = arith.constant 0 : i32
        %dma_start3A_58 = arith.constant 0 : i32
        %dma_start3A_59 = tpu.memref_slice %arg11[%dma_start3A_57, %dma_start3A_58] : memref<128x128xf32, #tpu.memory_space<vmem>> -> memref<64x128xf32, #tpu.memory_space<vmem>>
        %dma_start3A_60 = arith.constant 9872 : i32
        %dma_start3A_61 = arith.constant 0 : i32
        %dma_start3A_62 = tpu.memref_slice %arg13[%dma_start3A_60, %dma_start3A_61] : memref<10008x128xf32, #tpu.memory_space<vmem_shared>> -> memref<64x128xf32, #tpu.memory_space<vmem_shared>>
        %dma_start3A_63 = arith.constant 9872 : i32
        %dma_start3A_64 = arith.constant 0 : i32
        %dma_start3A_65 = tpu.memref_slice %arg13[%dma_start3A_63, %dma_start3A_64] : memref<10008x128xf32, #tpu.memory_space<vmem_shared>> -> memref<64x128xf32, #tpu.memory_space<vmem_shared>>
        %dma_start3A_66 = arith.constant 0 : i32
        %dma_start3A_67 = arith.constant 0 : i32
        %dma_start3A_68 = tpu.memref_slice %arg11[%dma_start3A_66, %dma_start3A_67] : memref<128x128xf32, #tpu.memory_space<vmem>> -> memref<64x128xf32, #tpu.memory_space<vmem>>
        tpu.enqueue_dma source(%dma_start3A_68 : memref<64x128xf32, #tpu.memory_space<vmem>>) target(%dma_start3A_65 : memref<64x128xf32, #tpu.memory_space<vmem_shared>>) target_semaphore(%run_scoped3A : memref<!tpu.dma_semaphore, #tpu.memory_space<semaphore_mem>>)
        %dma_wait3A_69 = arith.constant 0 : i32
        %dma_wait3A_70 = arith.constant 0 : i32
        %dma_wait3A_71 = tpu.memref_slice %arg11[%dma_wait3A_69, %dma_wait3A_70] : memref<128x128xf32, #tpu.memory_space<vmem>> -> memref<64x128xf32, #tpu.memory_space<vmem>>
        %dma_wait3A_72 = arith.constant 9872 : i32
        %dma_wait3A_73 = arith.constant 0 : i32
        %dma_wait3A_74 = tpu.memref_slice %arg13[%dma_wait3A_72, %dma_wait3A_73] : memref<10008x128xf32, #tpu.memory_space<vmem_shared>> -> memref<64x128xf32, #tpu.memory_space<vmem_shared>>
        %dma_wait3A_75 = arith.constant 9872 : i32
        %dma_wait3A_76 = arith.constant 0 : i32
        %dma_wait3A_77 = tpu.memref_slice %arg13[%dma_wait3A_75, %dma_wait3A_76] : memref<10008x128xf32, #tpu.memory_space<vmem_shared>> -> memref<64x128xf32, #tpu.memory_space<vmem_shared>>
        %dma_wait3A_78 = arith.constant 0 : i32
        %dma_wait3A_79 = arith.constant 0 : i32
        %dma_wait3A_80 = tpu.memref_slice %arg11[%dma_wait3A_78, %dma_wait3A_79] : memref<128x128xf32, #tpu.memory_space<vmem>> -> memref<64x128xf32, #tpu.memory_space<vmem>>
        tpu.wait_dma2 semaphore(%run_scoped3A : memref<!tpu.dma_semaphore, #tpu.memory_space<semaphore_mem>>) src(%dma_wait3A_80 : memref<64x128xf32, #tpu.memory_space<vmem>>) dst(%dma_wait3A_77 : memref<64x128xf32, #tpu.memory_space<vmem_shared>>)
        tpu.yield
      }) : () -> ()
      "tpu.region"() ({
        %run_scoped3A = tpu.sem_alloc : memref<!tpu.dma_semaphore, #tpu.memory_space<semaphore_mem>>
        %dma_start3A_57 = arith.constant 0 : i32
        %dma_start3A_58 = arith.constant 0 : i32
        %dma_start3A_59 = tpu.memref_slice %arg11[%dma_start3A_57, %dma_start3A_58] : memref<128x128xf32, #tpu.memory_space<vmem>> -> memref<64x128xf32, #tpu.memory_space<vmem>>
        %dma_start3A_60 = arith.constant 9936 : i32
        %dma_start3A_61 = arith.constant 0 : i32
        %dma_start3A_62 = tpu.memref_slice %arg13[%dma_start3A_60, %dma_start3A_61] : memref<10008x128xf32, #tpu.memory_space<vmem_shared>> -> memref<64x128xf32, #tpu.memory_space<vmem_shared>>
        %dma_start3A_63 = arith.constant 9936 : i32
        %dma_start3A_64 = arith.constant 0 : i32
        %dma_start3A_65 = tpu.memref_slice %arg13[%dma_start3A_63, %dma_start3A_64] : memref<10008x128xf32, #tpu.memory_space<vmem_shared>> -> memref<64x128xf32, #tpu.memory_space<vmem_shared>>
        %dma_start3A_66 = arith.constant 0 : i32
        %dma_start3A_67 = arith.constant 0 : i32
        %dma_start3A_68 = tpu.memref_slice %arg11[%dma_start3A_66, %dma_start3A_67] : memref<128x128xf32, #tpu.memory_space<vmem>> -> memref<64x128xf32, #tpu.memory_space<vmem>>
        tpu.enqueue_dma source(%dma_start3A_68 : memref<64x128xf32, #tpu.memory_space<vmem>>) target(%dma_start3A_65 : memref<64x128xf32, #tpu.memory_space<vmem_shared>>) target_semaphore(%run_scoped3A : memref<!tpu.dma_semaphore, #tpu.memory_space<semaphore_mem>>)
        %dma_wait3A_69 = arith.constant 0 : i32
        %dma_wait3A_70 = arith.constant 0 : i32
        %dma_wait3A_71 = tpu.memref_slice %arg11[%dma_wait3A_69, %dma_wait3A_70] : memref<128x128xf32, #tpu.memory_space<vmem>> -> memref<64x128xf32, #tpu.memory_space<vmem>>
        %dma_wait3A_72 = arith.constant 9936 : i32
        %dma_wait3A_73 = arith.constant 0 : i32
        %dma_wait3A_74 = tpu.memref_slice %arg13[%dma_wait3A_72, %dma_wait3A_73] : memref<10008x128xf32, #tpu.memory_space<vmem_shared>> -> memref<64x128xf32, #tpu.memory_space<vmem_shared>>
        %dma_wait3A_75 = arith.constant 9936 : i32
        %dma_wait3A_76 = arith.constant 0 : i32
        %dma_wait3A_77 = tpu.memref_slice %arg13[%dma_wait3A_75, %dma_wait3A_76] : memref<10008x128xf32, #tpu.memory_space<vmem_shared>> -> memref<64x128xf32, #tpu.memory_space<vmem_shared>>
        %dma_wait3A_78 = arith.constant 0 : i32
        %dma_wait3A_79 = arith.constant 0 : i32
        %dma_wait3A_80 = tpu.memref_slice %arg11[%dma_wait3A_78, %dma_wait3A_79] : memref<128x128xf32, #tpu.memory_space<vmem>> -> memref<64x128xf32, #tpu.memory_space<vmem>>
        tpu.wait_dma2 semaphore(%run_scoped3A : memref<!tpu.dma_semaphore, #tpu.memory_space<semaphore_mem>>) src(%dma_wait3A_80 : memref<64x128xf32, #tpu.memory_space<vmem>>) dst(%dma_wait3A_77 : memref<64x128xf32, #tpu.memory_space<vmem_shared>>)
        tpu.yield
      }) : () -> ()
      "tpu.region"() ({
        %run_scoped3A = tpu.sem_alloc : memref<!tpu.dma_semaphore, #tpu.memory_space<semaphore_mem>>
        %dma_start3A_57 = arith.constant 0 : i32
        %dma_start3A_58 = arith.constant 0 : i32
        %dma_start3A_59 = tpu.memref_slice %arg11[%dma_start3A_57, %dma_start3A_58] : memref<128x128xf32, #tpu.memory_space<vmem>> -> memref<8x128xf32, #tpu.memory_space<vmem>>
        %dma_start3A_60 = arith.constant 10000 : i32
        %dma_start3A_61 = arith.constant 0 : i32
        %dma_start3A_62 = tpu.memref_slice %arg13[%dma_start3A_60, %dma_start3A_61] : memref<10008x128xf32, #tpu.memory_space<vmem_shared>> -> memref<8x128xf32, #tpu.memory_space<vmem_shared>>
        %dma_start3A_63 = arith.constant 10000 : i32
        %dma_start3A_64 = arith.constant 0 : i32
        %dma_start3A_65 = tpu.memref_slice %arg13[%dma_start3A_63, %dma_start3A_64] : memref<10008x128xf32, #tpu.memory_space<vmem_shared>> -> memref<8x128xf32, #tpu.memory_space<vmem_shared>>
        %dma_start3A_66 = arith.constant 0 : i32
        %dma_start3A_67 = arith.constant 0 : i32
        %dma_start3A_68 = tpu.memref_slice %arg11[%dma_start3A_66, %dma_start3A_67] : memref<128x128xf32, #tpu.memory_space<vmem>> -> memref<8x128xf32, #tpu.memory_space<vmem>>
        tpu.enqueue_dma source(%dma_start3A_68 : memref<8x128xf32, #tpu.memory_space<vmem>>) target(%dma_start3A_65 : memref<8x128xf32, #tpu.memory_space<vmem_shared>>) target_semaphore(%run_scoped3A : memref<!tpu.dma_semaphore, #tpu.memory_space<semaphore_mem>>)
        %dma_wait3A_69 = arith.constant 0 : i32
        %dma_wait3A_70 = arith.constant 0 : i32
        %dma_wait3A_71 = tpu.memref_slice %arg11[%dma_wait3A_69, %dma_wait3A_70] : memref<128x128xf32, #tpu.memory_space<vmem>> -> memref<8x128xf32, #tpu.memory_space<vmem>>
        %dma_wait3A_72 = arith.constant 10000 : i32
        %dma_wait3A_73 = arith.constant 0 : i32
        %dma_wait3A_74 = tpu.memref_slice %arg13[%dma_wait3A_72, %dma_wait3A_73] : memref<10008x128xf32, #tpu.memory_space<vmem_shared>> -> memref<8x128xf32, #tpu.memory_space<vmem_shared>>
        %dma_wait3A_75 = arith.constant 10000 : i32
        %dma_wait3A_76 = arith.constant 0 : i32
        %dma_wait3A_77 = tpu.memref_slice %arg13[%dma_wait3A_75, %dma_wait3A_76] : memref<10008x128xf32, #tpu.memory_space<vmem_shared>> -> memref<8x128xf32, #tpu.memory_space<vmem_shared>>
        %dma_wait3A_78 = arith.constant 0 : i32
        %dma_wait3A_79 = arith.constant 0 : i32
        %dma_wait3A_80 = tpu.memref_slice %arg11[%dma_wait3A_78, %dma_wait3A_79] : memref<128x128xf32, #tpu.memory_space<vmem>> -> memref<8x128xf32, #tpu.memory_space<vmem>>
        tpu.wait_dma2 semaphore(%run_scoped3A : memref<!tpu.dma_semaphore, #tpu.memory_space<semaphore_mem>>) src(%dma_wait3A_80 : memref<8x128xf32, #tpu.memory_space<vmem>>) dst(%dma_wait3A_77 : memref<8x128xf32, #tpu.memory_space<vmem_shared>>)
        tpu.yield
      }) : () -> ()
    } else {
    }
    %barrier3A = arith.constant 0 : index
    tpu.barrier barrier_id(%barrier3A)
    %mul3A = arith.constant 80 : i32
    %mul3A_16 = arith.muli %arg1, %mul3A : i32
    %dma_start3A = arith.constant 0 : i32
    %dma_start3A_17 = tpu.memref_slice %arg4[%mul3A_16, %dma_start3A] : memref<1280x256xi32, #tpu.memory_space<hbm>> -> memref<1x256xi32, #tpu.memory_space<hbm>>
    %dma_start3A_18 = tpu.memref_squeeze %dma_start3A_17 : memref<1x256xi32, #tpu.memory_space<hbm>> -> memref<256xi32, #tpu.memory_space<hbm>>
    %dma_start3A_19 = arith.constant 0 : i32
    %dma_start3A_20 = tpu.memref_slice %arg4[%mul3A_16, %dma_start3A_19] : memref<1280x256xi32, #tpu.memory_space<hbm>> -> memref<1x256xi32, #tpu.memory_space<hbm>>
    %dma_start3A_21 = tpu.memref_squeeze %dma_start3A_20 : memref<1x256xi32, #tpu.memory_space<hbm>> -> memref<256xi32, #tpu.memory_space<hbm>>
    tpu.enqueue_dma source(%dma_start3A_21 : memref<256xi32, #tpu.memory_space<hbm>>) target(%arg7 : memref<256xi32, #tpu.memory_space<vmem>>) target_semaphore(%arg14 : memref<!tpu.dma_semaphore, #tpu.memory_space<semaphore_mem>>)
    %while3A_22 = arith.constant 0 : i32
    %while3A_23 = arith.constant 0 : i32
    %while3A_24 = arith.constant 40 : i32
    %while3A_25 = arith.subi %while3A_24, %while3A_23 : i32
    %while3A_26 = arith.addi %while3A_23, %while3A_25 : i32
    %while3A_27 = arith.constant 1 : i32
    %while3A_28 = arith.divsi %while3A_25, %while3A_27 : i32
    %while3A_29 = arith.muli %while3A_28, %while3A_27 : i32
    %while3A_30 = arith.addi %while3A_23, %while3A_29 : i32
    %while3A_31 = arith.constant 1 : i32
    scf.for %while3A_57 = %while3A_23 to %while3A_30 step %while3A_31  : i32 {
      %mul3A_58 = arith.constant 2 : i32
      %mul3A_59 = arith.muli %mul3A_58, %while3A_57 : i32
      %add3A = arith.constant 0 : i32
      %add3A_60 = arith.addi %mul3A_59, %add3A : i32
      %gt3A = arith.constant 0 : i32
      %gt3A_61 = arith.cmpi sgt, %while3A_57, %gt3A : i32
      %convert_element_type3A_62 = arith.extui %gt3A_61 : i1 to i32
      %cond3A_63 = arith.constant 0 : i32
      %cond3A_64 = arith.cmpi ne, %convert_element_type3A_62, %cond3A_63 : i32
      scf.if %cond3A_64 {
        %dma_wait3A_227 = arith.constant 0 : i32
        %dma_wait3A_228 = arith.constant 0 : i32
        %dma_wait3A_229 = tpu.memref_slice %arg13[%dma_wait3A_227, %dma_wait3A_228] : memref<10008x128xf32, #tpu.memory_space<vmem_shared>> -> memref<10008x128xf32, #tpu.memory_space<vmem_shared>>
        tpu.wait_indirect_dma semaphore(%arg18 : memref<!tpu.dma_semaphore, #tpu.memory_space<semaphore_mem>>) src(%arg11 : memref<128x128xf32, #tpu.memory_space<vmem>>) dst(%dma_wait3A_229 : memref<10008x128xf32, #tpu.memory_space<vmem_shared>>)
      } else {
      }
      %dma_wait3A_65 = arith.constant 0 : i32
      %dma_wait3A_66 = tpu.memref_slice %arg4[%mul3A_16, %dma_wait3A_65] : memref<1280x256xi32, #tpu.memory_space<hbm>> -> memref<1x256xi32, #tpu.memory_space<hbm>>
      %dma_wait3A_67 = tpu.memref_squeeze %dma_wait3A_66 : memref<1x256xi32, #tpu.memory_space<hbm>> -> memref<256xi32, #tpu.memory_space<hbm>>
      %dma_wait3A_68 = arith.constant 0 : i32
      %dma_wait3A_69 = tpu.memref_slice %arg4[%mul3A_16, %dma_wait3A_68] : memref<1280x256xi32, #tpu.memory_space<hbm>> -> memref<1x256xi32, #tpu.memory_space<hbm>>
      %dma_wait3A_70 = tpu.memref_squeeze %dma_wait3A_69 : memref<1x256xi32, #tpu.memory_space<hbm>> -> memref<256xi32, #tpu.memory_space<hbm>>
      tpu.wait_dma2 semaphore(%arg14 : memref<!tpu.dma_semaphore, #tpu.memory_space<semaphore_mem>>) src(%dma_wait3A_70 : memref<256xi32, #tpu.memory_space<hbm>>) dst(%arg7 : memref<256xi32, #tpu.memory_space<vmem>>)
      %get3A = arith.constant 128 : index
      %get3A_71 = tpu.vector_load %arg7[%get3A] {strides = array<i32>} : memref<256xi32, #tpu.memory_space<vmem>>, vector<16xi32>,
      %swap3A = arith.constant 0 : index
      %swap3A_72 = tpu.vector_load %arg9[%swap3A] {strides = array<i32>} : memref<128xi32, #tpu.memory_space<vmem>>, vector<16xi32>,
      %swap3A_73 = vector.shape_cast %swap3A_72 : vector<16xi32> to vector<16xi32>
      %swap3A_74 = vector.shape_cast %get3A_71 : vector<16xi32> to vector<16xi32>
      tpu.vector_store %arg9[%swap3A], %swap3A_74 {strides = array<i32>} : memref<128xi32, #tpu.memory_space<vmem>>, vector<16xi32>,
      %get3A_75 = arith.constant 144 : index
      %get3A_76 = tpu.vector_load %arg7[%get3A_75] {strides = array<i32>} : memref<256xi32, #tpu.memory_space<vmem>>, vector<16xi32>,
      %swap3A_77 = arith.constant 16 : index
      %swap3A_78 = tpu.vector_load %arg9[%swap3A_77] {strides = array<i32>} : memref<128xi32, #tpu.memory_space<vmem>>, vector<16xi32>,
      %swap3A_79 = vector.shape_cast %swap3A_78 : vector<16xi32> to vector<16xi32>
      %swap3A_80 = vector.shape_cast %get3A_76 : vector<16xi32> to vector<16xi32>
      tpu.vector_store %arg9[%swap3A_77], %swap3A_80 {strides = array<i32>} : memref<128xi32, #tpu.memory_space<vmem>>, vector<16xi32>,
      %get3A_81 = arith.constant 160 : index
      %get3A_82 = tpu.vector_load %arg7[%get3A_81] {strides = array<i32>} : memref<256xi32, #tpu.memory_space<vmem>>, vector<16xi32>,
      %swap3A_83 = arith.constant 32 : index
      %swap3A_84 = tpu.vector_load %arg9[%swap3A_83] {strides = array<i32>} : memref<128xi32, #tpu.memory_space<vmem>>, vector<16xi32>,
      %swap3A_85 = vector.shape_cast %swap3A_84 : vector<16xi32> to vector<16xi32>
      %swap3A_86 = vector.shape_cast %get3A_82 : vector<16xi32> to vector<16xi32>
      tpu.vector_store %arg9[%swap3A_83], %swap3A_86 {strides = array<i32>} : memref<128xi32, #tpu.memory_space<vmem>>, vector<16xi32>,
      %get3A_87 = arith.constant 176 : index
      %get3A_88 = tpu.vector_load %arg7[%get3A_87] {strides = array<i32>} : memref<256xi32, #tpu.memory_space<vmem>>, vector<16xi32>,
      %swap3A_89 = arith.constant 48 : index
      %swap3A_90 = tpu.vector_load %arg9[%swap3A_89] {strides = array<i32>} : memref<128xi32, #tpu.memory_space<vmem>>, vector<16xi32>,
      %swap3A_91 = vector.shape_cast %swap3A_90 : vector<16xi32> to vector<16xi32>
      %swap3A_92 = vector.shape_cast %get3A_88 : vector<16xi32> to vector<16xi32>
      tpu.vector_store %arg9[%swap3A_89], %swap3A_92 {strides = array<i32>} : memref<128xi32, #tpu.memory_space<vmem>>, vector<16xi32>,
      %get3A_93 = arith.constant 192 : index
      %get3A_94 = tpu.vector_load %arg7[%get3A_93] {strides = array<i32>} : memref<256xi32, #tpu.memory_space<vmem>>, vector<16xi32>,
      %swap3A_95 = arith.constant 64 : index
      %swap3A_96 = tpu.vector_load %arg9[%swap3A_95] {strides = array<i32>} : memref<128xi32, #tpu.memory_space<vmem>>, vector<16xi32>,
      %swap3A_97 = vector.shape_cast %swap3A_96 : vector<16xi32> to vector<16xi32>
      %swap3A_98 = vector.shape_cast %get3A_94 : vector<16xi32> to vector<16xi32>
      tpu.vector_store %arg9[%swap3A_95], %swap3A_98 {strides = array<i32>} : memref<128xi32, #tpu.memory_space<vmem>>, vector<16xi32>,
      %get3A_99 = arith.constant 208 : index
      %get3A_100 = tpu.vector_load %arg7[%get3A_99] {strides = array<i32>} : memref<256xi32, #tpu.memory_space<vmem>>, vector<16xi32>,
      %swap3A_101 = arith.constant 80 : index
      %swap3A_102 = tpu.vector_load %arg9[%swap3A_101] {strides = array<i32>} : memref<128xi32, #tpu.memory_space<vmem>>, vector<16xi32>,
      %swap3A_103 = vector.shape_cast %swap3A_102 : vector<16xi32> to vector<16xi32>
      %swap3A_104 = vector.shape_cast %get3A_100 : vector<16xi32> to vector<16xi32>
      tpu.vector_store %arg9[%swap3A_101], %swap3A_104 {strides = array<i32>} : memref<128xi32, #tpu.memory_space<vmem>>, vector<16xi32>,
      %get3A_105 = arith.constant 224 : index
      %get3A_106 = tpu.vector_load %arg7[%get3A_105] {strides = array<i32>} : memref<256xi32, #tpu.memory_space<vmem>>, vector<16xi32>,
      %swap3A_107 = arith.constant 96 : index
      %swap3A_108 = tpu.vector_load %arg9[%swap3A_107] {strides = array<i32>} : memref<128xi32, #tpu.memory_space<vmem>>, vector<16xi32>,
      %swap3A_109 = vector.shape_cast %swap3A_108 : vector<16xi32> to vector<16xi32>
      %swap3A_110 = vector.shape_cast %get3A_106 : vector<16xi32> to vector<16xi32>
      tpu.vector_store %arg9[%swap3A_107], %swap3A_110 {strides = array<i32>} : memref<128xi32, #tpu.memory_space<vmem>>, vector<16xi32>,
      %get3A_111 = arith.constant 240 : index
      %get3A_112 = tpu.vector_load %arg7[%get3A_111] {strides = array<i32>} : memref<256xi32, #tpu.memory_space<vmem>>, vector<16xi32>,
      %swap3A_113 = arith.constant 112 : index
      %swap3A_114 = tpu.vector_load %arg9[%swap3A_113] {strides = array<i32>} : memref<128xi32, #tpu.memory_space<vmem>>, vector<16xi32>,
      %swap3A_115 = vector.shape_cast %swap3A_114 : vector<16xi32> to vector<16xi32>
      %swap3A_116 = vector.shape_cast %get3A_112 : vector<16xi32> to vector<16xi32>
      tpu.vector_store %arg9[%swap3A_113], %swap3A_116 {strides = array<i32>} : memref<128xi32, #tpu.memory_space<vmem>>, vector<16xi32>,
      %eq3A_117 = arith.constant 0 : i32
      %eq3A_118 = arith.cmpi eq, %arg0, %eq3A_117 : i32
      %convert_element_type3A_119 = arith.extui %eq3A_118 : i1 to i32
      %cond3A_120 = arith.constant 0 : i32
      %cond3A_121 = arith.cmpi ne, %convert_element_type3A_119, %cond3A_120 : i32
      scf.if %cond3A_121 {
        %dma_start3A_227 = arith.constant 0 : i32
        %dma_start3A_228 = tpu.memref_slice %arg7[%dma_start3A_227] : memref<256xi32, #tpu.memory_space<vmem>> -> memref<128xi32, #tpu.memory_space<vmem>>
        %dma_start3A_229 = arith.constant 0 : i32
        %dma_start3A_230 = arith.constant 0 : i32
        %dma_start3A_231 = tpu.memref_slice %arg2[%dma_start3A_229, %dma_start3A_230] : memref<10000x128xf32, #tpu.memory_space<hbm>> -> memref<10000x128xf32, #tpu.memory_space<hbm>>
        tpu.enqueue_indirect_dma source(%dma_start3A_231 : memref<10000x128xf32, #tpu.memory_space<hbm>>) target(%arg11 : memref<128x128xf32, #tpu.memory_space<vmem>>) offsets(%dma_start3A_228 : memref<128xi32, #tpu.memory_space<vmem>>) semaphore(%arg16 : memref<!tpu.dma_semaphore, #tpu.memory_space<semaphore_mem>>)
      } else {
      }
      %eq3A_122 = arith.constant 1 : i32
      %eq3A_123 = arith.cmpi eq, %arg0, %eq3A_122 : i32
      %convert_element_type3A_124 = arith.extui %eq3A_123 : i1 to i32
      %cond3A_125 = arith.constant 0 : i32
      %cond3A_126 = arith.cmpi ne, %convert_element_type3A_124, %cond3A_125 : i32
      scf.if %cond3A_126 {
        %dma_start3A_227 = arith.constant 0 : i32
        %dma_start3A_228 = tpu.memref_slice %arg7[%dma_start3A_227] : memref<256xi32, #tpu.memory_space<vmem>> -> memref<128xi32, #tpu.memory_space<vmem>>
        %dma_start3A_229 = arith.constant 0 : i32
        %dma_start3A_230 = arith.constant 0 : i32
        %dma_start3A_231 = tpu.memref_slice %arg3[%dma_start3A_229, %dma_start3A_230] : memref<10000x128xf32, #tpu.memory_space<hbm>> -> memref<10000x128xf32, #tpu.memory_space<hbm>>
        tpu.enqueue_indirect_dma source(%dma_start3A_231 : memref<10000x128xf32, #tpu.memory_space<hbm>>) target(%arg11 : memref<128x128xf32, #tpu.memory_space<vmem>>) offsets(%dma_start3A_228 : memref<128xi32, #tpu.memory_space<vmem>>) semaphore(%arg16 : memref<!tpu.dma_semaphore, #tpu.memory_space<semaphore_mem>>)
      } else {
      }
      %gt3A_127 = arith.constant 0 : i32
      %gt3A_128 = arith.cmpi sgt, %while3A_57, %gt3A_127 : i32
      %convert_element_type3A_129 = arith.extui %gt3A_128 : i1 to i32
      %cond3A_130 = arith.constant 0 : i32
      %cond3A_131 = arith.cmpi ne, %convert_element_type3A_129, %cond3A_130 : i32
      scf.if %cond3A_131 {
        %dma_wait3A_227 = arith.constant 0 : i32
        %dma_wait3A_228 = tpu.memref_slice %arg8[%dma_wait3A_227] : memref<256xi32, #tpu.memory_space<vmem>> -> memref<128xi32, #tpu.memory_space<vmem>>
        %dma_wait3A_229 = arith.constant 0 : i32
        %dma_wait3A_230 = arith.constant 0 : i32
        %dma_wait3A_231 = tpu.memref_slice %arg2[%dma_wait3A_229, %dma_wait3A_230] : memref<10000x128xf32, #tpu.memory_space<hbm>> -> memref<10000x128xf32, #tpu.memory_space<hbm>>
        tpu.wait_indirect_dma semaphore(%arg17 : memref<!tpu.dma_semaphore, #tpu.memory_space<semaphore_mem>>) src(%dma_wait3A_231 : memref<10000x128xf32, #tpu.memory_space<hbm>>) dst(%arg12 : memref<128x128xf32, #tpu.memory_space<vmem>>)
        %dma_start3A_232 = arith.constant 0 : i32
        %dma_start3A_233 = arith.constant 0 : i32
        %dma_start3A_234 = tpu.memref_slice %arg13[%dma_start3A_232, %dma_start3A_233] : memref<10008x128xf32, #tpu.memory_space<vmem_shared>> -> memref<10008x128xf32, #tpu.memory_space<vmem_shared>>
        tpu.enqueue_indirect_dma source(%arg12 : memref<128x128xf32, #tpu.memory_space<vmem>>) target(%dma_start3A_234 : memref<10008x128xf32, #tpu.memory_space<vmem_shared>>) offsets(%arg10 : memref<128xi32, #tpu.memory_space<vmem>>) semaphore(%arg19 : memref<!tpu.dma_semaphore, #tpu.memory_space<semaphore_mem>>) {add = true}
      } else {
      }
      %add3A_132 = arith.addi %mul3A_16, %add3A_60 : i32
      %add3A_133 = arith.constant 1 : i32
      %add3A_134 = arith.addi %add3A_132, %add3A_133 : i32
      %dma_start3A_135 = arith.constant 0 : i32
      %dma_start3A_136 = tpu.memref_slice %arg4[%add3A_134, %dma_start3A_135] : memref<1280x256xi32, #tpu.memory_space<hbm>> -> memref<1x256xi32, #tpu.memory_space<hbm>>
      %dma_start3A_137 = tpu.memref_squeeze %dma_start3A_136 : memref<1x256xi32, #tpu.memory_space<hbm>> -> memref<256xi32, #tpu.memory_space<hbm>>
      %dma_start3A_138 = arith.constant 0 : i32
      %dma_start3A_139 = tpu.memref_slice %arg4[%add3A_134, %dma_start3A_138] : memref<1280x256xi32, #tpu.memory_space<hbm>> -> memref<1x256xi32, #tpu.memory_space<hbm>>
      %dma_start3A_140 = tpu.memref_squeeze %dma_start3A_139 : memref<1x256xi32, #tpu.memory_space<hbm>> -> memref<256xi32, #tpu.memory_space<hbm>>
      tpu.enqueue_dma source(%dma_start3A_140 : memref<256xi32, #tpu.memory_space<hbm>>) target(%arg8 : memref<256xi32, #tpu.memory_space<vmem>>) target_semaphore(%arg15 : memref<!tpu.dma_semaphore, #tpu.memory_space<semaphore_mem>>)
      %mul3A_141 = arith.constant 2 : i32
      %mul3A_142 = arith.muli %mul3A_141, %while3A_57 : i32
      %add3A_143 = arith.constant 1 : i32
      %add3A_144 = arith.addi %mul3A_142, %add3A_143 : i32
      %gt3A_145 = arith.constant 0 : i32
      %gt3A_146 = arith.cmpi sgt, %while3A_57, %gt3A_145 : i32
      %convert_element_type3A_147 = arith.extui %gt3A_146 : i1 to i32
      %cond3A_148 = arith.constant 0 : i32
      %cond3A_149 = arith.cmpi ne, %convert_element_type3A_147, %cond3A_148 : i32
      scf.if %cond3A_149 {
        %dma_wait3A_227 = arith.constant 0 : i32
        %dma_wait3A_228 = arith.constant 0 : i32
        %dma_wait3A_229 = tpu.memref_slice %arg13[%dma_wait3A_227, %dma_wait3A_228] : memref<10008x128xf32, #tpu.memory_space<vmem_shared>> -> memref<10008x128xf32, #tpu.memory_space<vmem_shared>>
        tpu.wait_indirect_dma semaphore(%arg19 : memref<!tpu.dma_semaphore, #tpu.memory_space<semaphore_mem>>) src(%arg12 : memref<128x128xf32, #tpu.memory_space<vmem>>) dst(%dma_wait3A_229 : memref<10008x128xf32, #tpu.memory_space<vmem_shared>>)
      } else {
      }
      %dma_wait3A_150 = arith.constant 0 : i32
      %dma_wait3A_151 = tpu.memref_slice %arg4[%mul3A_16, %dma_wait3A_150] : memref<1280x256xi32, #tpu.memory_space<hbm>> -> memref<1x256xi32, #tpu.memory_space<hbm>>
      %dma_wait3A_152 = tpu.memref_squeeze %dma_wait3A_151 : memref<1x256xi32, #tpu.memory_space<hbm>> -> memref<256xi32, #tpu.memory_space<hbm>>
      %dma_wait3A_153 = arith.constant 0 : i32
      %dma_wait3A_154 = tpu.memref_slice %arg4[%mul3A_16, %dma_wait3A_153] : memref<1280x256xi32, #tpu.memory_space<hbm>> -> memref<1x256xi32, #tpu.memory_space<hbm>>
      %dma_wait3A_155 = tpu.memref_squeeze %dma_wait3A_154 : memref<1x256xi32, #tpu.memory_space<hbm>> -> memref<256xi32, #tpu.memory_space<hbm>>
      tpu.wait_dma2 semaphore(%arg15 : memref<!tpu.dma_semaphore, #tpu.memory_space<semaphore_mem>>) src(%dma_wait3A_155 : memref<256xi32, #tpu.memory_space<hbm>>) dst(%arg8 : memref<256xi32, #tpu.memory_space<vmem>>)
      %get3A_156 = arith.constant 128 : index
      %get3A_157 = tpu.vector_load %arg8[%get3A_156] {strides = array<i32>} : memref<256xi32, #tpu.memory_space<vmem>>, vector<16xi32>,
      %swap3A_158 = arith.constant 0 : index
      %swap3A_159 = tpu.vector_load %arg10[%swap3A_158] {strides = array<i32>} : memref<128xi32, #tpu.memory_space<vmem>>, vector<16xi32>,
      %swap3A_160 = vector.shape_cast %swap3A_159 : vector<16xi32> to vector<16xi32>
      %swap3A_161 = vector.shape_cast %get3A_157 : vector<16xi32> to vector<16xi32>
      tpu.vector_store %arg10[%swap3A_158], %swap3A_161 {strides = array<i32>} : memref<128xi32, #tpu.memory_space<vmem>>, vector<16xi32>,
      %get3A_162 = arith.constant 144 : index
      %get3A_163 = tpu.vector_load %arg8[%get3A_162] {strides = array<i32>} : memref<256xi32, #tpu.memory_space<vmem>>, vector<16xi32>,
      %swap3A_164 = arith.constant 16 : index
      %swap3A_165 = tpu.vector_load %arg10[%swap3A_164] {strides = array<i32>} : memref<128xi32, #tpu.memory_space<vmem>>, vector<16xi32>,
      %swap3A_166 = vector.shape_cast %swap3A_165 : vector<16xi32> to vector<16xi32>
      %swap3A_167 = vector.shape_cast %get3A_163 : vector<16xi32> to vector<16xi32>
      tpu.vector_store %arg10[%swap3A_164], %swap3A_167 {strides = array<i32>} : memref<128xi32, #tpu.memory_space<vmem>>, vector<16xi32>,
      %get3A_168 = arith.constant 160 : index
      %get3A_169 = tpu.vector_load %arg8[%get3A_168] {strides = array<i32>} : memref<256xi32, #tpu.memory_space<vmem>>, vector<16xi32>,
      %swap3A_170 = arith.constant 32 : index
      %swap3A_171 = tpu.vector_load %arg10[%swap3A_170] {strides = array<i32>} : memref<128xi32, #tpu.memory_space<vmem>>, vector<16xi32>,
      %swap3A_172 = vector.shape_cast %swap3A_171 : vector<16xi32> to vector<16xi32>
      %swap3A_173 = vector.shape_cast %get3A_169 : vector<16xi32> to vector<16xi32>
      tpu.vector_store %arg10[%swap3A_170], %swap3A_173 {strides = array<i32>} : memref<128xi32, #tpu.memory_space<vmem>>, vector<16xi32>,
      %get3A_174 = arith.constant 176 : index
      %get3A_175 = tpu.vector_load %arg8[%get3A_174] {strides = array<i32>} : memref<256xi32, #tpu.memory_space<vmem>>, vector<16xi32>,
      %swap3A_176 = arith.constant 48 : index
      %swap3A_177 = tpu.vector_load %arg10[%swap3A_176] {strides = array<i32>} : memref<128xi32, #tpu.memory_space<vmem>>, vector<16xi32>,
      %swap3A_178 = vector.shape_cast %swap3A_177 : vector<16xi32> to vector<16xi32>
      %swap3A_179 = vector.shape_cast %get3A_175 : vector<16xi32> to vector<16xi32>
      tpu.vector_store %arg10[%swap3A_176], %swap3A_179 {strides = array<i32>} : memref<128xi32, #tpu.memory_space<vmem>>, vector<16xi32>,
      %get3A_180 = arith.constant 192 : index
      %get3A_181 = tpu.vector_load %arg8[%get3A_180] {strides = array<i32>} : memref<256xi32, #tpu.memory_space<vmem>>, vector<16xi32>,
      %swap3A_182 = arith.constant 64 : index
      %swap3A_183 = tpu.vector_load %arg10[%swap3A_182] {strides = array<i32>} : memref<128xi32, #tpu.memory_space<vmem>>, vector<16xi32>,
      %swap3A_184 = vector.shape_cast %swap3A_183 : vector<16xi32> to vector<16xi32>
      %swap3A_185 = vector.shape_cast %get3A_181 : vector<16xi32> to vector<16xi32>
      tpu.vector_store %arg10[%swap3A_182], %swap3A_185 {strides = array<i32>} : memref<128xi32, #tpu.memory_space<vmem>>, vector<16xi32>,
      %get3A_186 = arith.constant 208 : index
      %get3A_187 = tpu.vector_load %arg8[%get3A_186] {strides = array<i32>} : memref<256xi32, #tpu.memory_space<vmem>>, vector<16xi32>,
      %swap3A_188 = arith.constant 80 : index
      %swap3A_189 = tpu.vector_load %arg10[%swap3A_188] {strides = array<i32>} : memref<128xi32, #tpu.memory_space<vmem>>, vector<16xi32>,
      %swap3A_190 = vector.shape_cast %swap3A_189 : vector<16xi32> to vector<16xi32>
      %swap3A_191 = vector.shape_cast %get3A_187 : vector<16xi32> to vector<16xi32>
      tpu.vector_store %arg10[%swap3A_188], %swap3A_191 {strides = array<i32>} : memref<128xi32, #tpu.memory_space<vmem>>, vector<16xi32>,
      %get3A_192 = arith.constant 224 : index
      %get3A_193 = tpu.vector_load %arg8[%get3A_192] {strides = array<i32>} : memref<256xi32, #tpu.memory_space<vmem>>, vector<16xi32>,
      %swap3A_194 = arith.constant 96 : index
      %swap3A_195 = tpu.vector_load %arg10[%swap3A_194] {strides = array<i32>} : memref<128xi32, #tpu.memory_space<vmem>>, vector<16xi32>,
      %swap3A_196 = vector.shape_cast %swap3A_195 : vector<16xi32> to vector<16xi32>
      %swap3A_197 = vector.shape_cast %get3A_193 : vector<16xi32> to vector<16xi32>
      tpu.vector_store %arg10[%swap3A_194], %swap3A_197 {strides = array<i32>} : memref<128xi32, #tpu.memory_space<vmem>>, vector<16xi32>,
      %get3A_198 = arith.constant 240 : index
      %get3A_199 = tpu.vector_load %arg8[%get3A_198] {strides = array<i32>} : memref<256xi32, #tpu.memory_space<vmem>>, vector<16xi32>,
      %swap3A_200 = arith.constant 112 : index
      %swap3A_201 = tpu.vector_load %arg10[%swap3A_200] {strides = array<i32>} : memref<128xi32, #tpu.memory_space<vmem>>, vector<16xi32>,
      %swap3A_202 = vector.shape_cast %swap3A_201 : vector<16xi32> to vector<16xi32>
      %swap3A_203 = vector.shape_cast %get3A_199 : vector<16xi32> to vector<16xi32>
      tpu.vector_store %arg10[%swap3A_200], %swap3A_203 {strides = array<i32>} : memref<128xi32, #tpu.memory_space<vmem>>, vector<16xi32>,
      %eq3A_204 = arith.constant 0 : i32
      %eq3A_205 = arith.cmpi eq, %arg0, %eq3A_204 : i32
      %convert_element_type3A_206 = arith.extui %eq3A_205 : i1 to i32
      %cond3A_207 = arith.constant 0 : i32
      %cond3A_208 = arith.cmpi ne, %convert_element_type3A_206, %cond3A_207 : i32
      scf.if %cond3A_208 {
        %dma_start3A_227 = arith.constant 0 : i32
        %dma_start3A_228 = tpu.memref_slice %arg8[%dma_start3A_227] : memref<256xi32, #tpu.memory_space<vmem>> -> memref<128xi32, #tpu.memory_space<vmem>>
        %dma_start3A_229 = arith.constant 0 : i32
        %dma_start3A_230 = arith.constant 0 : i32
        %dma_start3A_231 = tpu.memref_slice %arg2[%dma_start3A_229, %dma_start3A_230] : memref<10000x128xf32, #tpu.memory_space<hbm>> -> memref<10000x128xf32, #tpu.memory_space<hbm>>
        tpu.enqueue_indirect_dma source(%dma_start3A_231 : memref<10000x128xf32, #tpu.memory_space<hbm>>) target(%arg12 : memref<128x128xf32, #tpu.memory_space<vmem>>) offsets(%dma_start3A_228 : memref<128xi32, #tpu.memory_space<vmem>>) semaphore(%arg17 : memref<!tpu.dma_semaphore, #tpu.memory_space<semaphore_mem>>)
      } else {
      }
      %eq3A_209 = arith.constant 1 : i32
      %eq3A_210 = arith.cmpi eq, %arg0, %eq3A_209 : i32
      %convert_element_type3A_211 = arith.extui %eq3A_210 : i1 to i32
      %cond3A_212 = arith.constant 0 : i32
      %cond3A_213 = arith.cmpi ne, %convert_element_type3A_211, %cond3A_212 : i32
      scf.if %cond3A_213 {
        %dma_start3A_227 = arith.constant 0 : i32
        %dma_start3A_228 = tpu.memref_slice %arg8[%dma_start3A_227] : memref<256xi32, #tpu.memory_space<vmem>> -> memref<128xi32, #tpu.memory_space<vmem>>
        %dma_start3A_229 = arith.constant 0 : i32
        %dma_start3A_230 = arith.constant 0 : i32
        %dma_start3A_231 = tpu.memref_slice %arg3[%dma_start3A_229, %dma_start3A_230] : memref<10000x128xf32, #tpu.memory_space<hbm>> -> memref<10000x128xf32, #tpu.memory_space<hbm>>
        tpu.enqueue_indirect_dma source(%dma_start3A_231 : memref<10000x128xf32, #tpu.memory_space<hbm>>) target(%arg12 : memref<128x128xf32, #tpu.memory_space<vmem>>) offsets(%dma_start3A_228 : memref<128xi32, #tpu.memory_space<vmem>>) semaphore(%arg17 : memref<!tpu.dma_semaphore, #tpu.memory_space<semaphore_mem>>)
      } else {
      }
      %dma_wait3A_214 = arith.constant 0 : i32
      %dma_wait3A_215 = tpu.memref_slice %arg7[%dma_wait3A_214] : memref<256xi32, #tpu.memory_space<vmem>> -> memref<128xi32, #tpu.memory_space<vmem>>
      %dma_wait3A_216 = arith.constant 0 : i32
      %dma_wait3A_217 = arith.constant 0 : i32
      %dma_wait3A_218 = tpu.memref_slice %arg2[%dma_wait3A_216, %dma_wait3A_217] : memref<10000x128xf32, #tpu.memory_space<hbm>> -> memref<10000x128xf32, #tpu.memory_space<hbm>>
      tpu.wait_indirect_dma semaphore(%arg16 : memref<!tpu.dma_semaphore, #tpu.memory_space<semaphore_mem>>) src(%dma_wait3A_218 : memref<10000x128xf32, #tpu.memory_space<hbm>>) dst(%arg11 : memref<128x128xf32, #tpu.memory_space<vmem>>)
      %dma_start3A_219 = arith.constant 0 : i32
      %dma_start3A_220 = arith.constant 0 : i32
      %dma_start3A_221 = tpu.memref_slice %arg13[%dma_start3A_219, %dma_start3A_220] : memref<10008x128xf32, #tpu.memory_space<vmem_shared>> -> memref<10008x128xf32, #tpu.memory_space<vmem_shared>>
      tpu.enqueue_indirect_dma source(%arg11 : memref<128x128xf32, #tpu.memory_space<vmem>>) target(%dma_start3A_221 : memref<10008x128xf32, #tpu.memory_space<vmem_shared>>) offsets(%arg9 : memref<128xi32, #tpu.memory_space<vmem>>) semaphore(%arg18 : memref<!tpu.dma_semaphore, #tpu.memory_space<semaphore_mem>>) {add = true}
      %lt3A_222 = arith.constant 39 : i32
      %lt3A_223 = arith.cmpi slt, %while3A_57, %lt3A_222 : i32
      %convert_element_type3A_224 = arith.extui %lt3A_223 : i1 to i32
      %cond3A_225 = arith.constant 0 : i32
      %cond3A_226 = arith.cmpi ne, %convert_element_type3A_224, %cond3A_225 : i32
      scf.if %cond3A_226 {
        %add3A_227 = arith.addi %mul3A_16, %add3A_144 : i32
        %add3A_228 = arith.constant 1 : i32
        %add3A_229 = arith.addi %add3A_227, %add3A_228 : i32
        %dma_start3A_230 = arith.constant 0 : i32
        %dma_start3A_231 = tpu.memref_slice %arg4[%add3A_229, %dma_start3A_230] : memref<1280x256xi32, #tpu.memory_space<hbm>> -> memref<1x256xi32, #tpu.memory_space<hbm>>
        %dma_start3A_232 = tpu.memref_squeeze %dma_start3A_231 : memref<1x256xi32, #tpu.memory_space<hbm>> -> memref<256xi32, #tpu.memory_space<hbm>>
        %dma_start3A_233 = arith.constant 0 : i32
        %dma_start3A_234 = tpu.memref_slice %arg4[%add3A_229, %dma_start3A_233] : memref<1280x256xi32, #tpu.memory_space<hbm>> -> memref<1x256xi32, #tpu.memory_space<hbm>>
        %dma_start3A_235 = tpu.memref_squeeze %dma_start3A_234 : memref<1x256xi32, #tpu.memory_space<hbm>> -> memref<256xi32, #tpu.memory_space<hbm>>
        tpu.enqueue_dma source(%dma_start3A_235 : memref<256xi32, #tpu.memory_space<hbm>>) target(%arg7 : memref<256xi32, #tpu.memory_space<vmem>>) target_semaphore(%arg14 : memref<!tpu.dma_semaphore, #tpu.memory_space<semaphore_mem>>)
      } else {
      }
    }
    %while3A_32 = arith.constant 1 : i32
    scf.for %while3A_57 = %while3A_30 to %while3A_26 step %while3A_32  : i32 {
      %mul3A_58 = arith.constant 2 : i32
      %mul3A_59 = arith.muli %mul3A_58, %while3A_57 : i32
      %add3A = arith.constant 0 : i32
      %add3A_60 = arith.addi %mul3A_59, %add3A : i32
      %gt3A = arith.constant 0 : i32
      %gt3A_61 = arith.cmpi sgt, %while3A_57, %gt3A : i32
      %convert_element_type3A_62 = arith.extui %gt3A_61 : i1 to i32
      %cond3A_63 = arith.constant 0 : i32
      %cond3A_64 = arith.cmpi ne, %convert_element_type3A_62, %cond3A_63 : i32
      scf.if %cond3A_64 {
        %dma_wait3A_227 = arith.constant 0 : i32
        %dma_wait3A_228 = arith.constant 0 : i32
        %dma_wait3A_229 = tpu.memref_slice %arg13[%dma_wait3A_227, %dma_wait3A_228] : memref<10008x128xf32, #tpu.memory_space<vmem_shared>> -> memref<10008x128xf32, #tpu.memory_space<vmem_shared>>
        tpu.wait_indirect_dma semaphore(%arg18 : memref<!tpu.dma_semaphore, #tpu.memory_space<semaphore_mem>>) src(%arg11 : memref<128x128xf32, #tpu.memory_space<vmem>>) dst(%dma_wait3A_229 : memref<10008x128xf32, #tpu.memory_space<vmem_shared>>)
      } else {
      }
      %dma_wait3A_65 = arith.constant 0 : i32
      %dma_wait3A_66 = tpu.memref_slice %arg4[%mul3A_16, %dma_wait3A_65] : memref<1280x256xi32, #tpu.memory_space<hbm>> -> memref<1x256xi32, #tpu.memory_space<hbm>>
      %dma_wait3A_67 = tpu.memref_squeeze %dma_wait3A_66 : memref<1x256xi32, #tpu.memory_space<hbm>> -> memref<256xi32, #tpu.memory_space<hbm>>
      %dma_wait3A_68 = arith.constant 0 : i32
      %dma_wait3A_69 = tpu.memref_slice %arg4[%mul3A_16, %dma_wait3A_68] : memref<1280x256xi32, #tpu.memory_space<hbm>> -> memref<1x256xi32, #tpu.memory_space<hbm>>
      %dma_wait3A_70 = tpu.memref_squeeze %dma_wait3A_69 : memref<1x256xi32, #tpu.memory_space<hbm>> -> memref<256xi32, #tpu.memory_space<hbm>>
      tpu.wait_dma2 semaphore(%arg14 : memref<!tpu.dma_semaphore, #tpu.memory_space<semaphore_mem>>) src(%dma_wait3A_70 : memref<256xi32, #tpu.memory_space<hbm>>) dst(%arg7 : memref<256xi32, #tpu.memory_space<vmem>>)
      %get3A = arith.constant 128 : index
      %get3A_71 = tpu.vector_load %arg7[%get3A] {strides = array<i32>} : memref<256xi32, #tpu.memory_space<vmem>>, vector<16xi32>,
      %swap3A = arith.constant 0 : index
      %swap3A_72 = tpu.vector_load %arg9[%swap3A] {strides = array<i32>} : memref<128xi32, #tpu.memory_space<vmem>>, vector<16xi32>,
      %swap3A_73 = vector.shape_cast %swap3A_72 : vector<16xi32> to vector<16xi32>
      %swap3A_74 = vector.shape_cast %get3A_71 : vector<16xi32> to vector<16xi32>
      tpu.vector_store %arg9[%swap3A], %swap3A_74 {strides = array<i32>} : memref<128xi32, #tpu.memory_space<vmem>>, vector<16xi32>,
      %get3A_75 = arith.constant 144 : index
      %get3A_76 = tpu.vector_load %arg7[%get3A_75] {strides = array<i32>} : memref<256xi32, #tpu.memory_space<vmem>>, vector<16xi32>,
      %swap3A_77 = arith.constant 16 : index
      %swap3A_78 = tpu.vector_load %arg9[%swap3A_77] {strides = array<i32>} : memref<128xi32, #tpu.memory_space<vmem>>, vector<16xi32>,
      %swap3A_79 = vector.shape_cast %swap3A_78 : vector<16xi32> to vector<16xi32>
      %swap3A_80 = vector.shape_cast %get3A_76 : vector<16xi32> to vector<16xi32>
      tpu.vector_store %arg9[%swap3A_77], %swap3A_80 {strides = array<i32>} : memref<128xi32, #tpu.memory_space<vmem>>, vector<16xi32>,
      %get3A_81 = arith.constant 160 : index
      %get3A_82 = tpu.vector_load %arg7[%get3A_81] {strides = array<i32>} : memref<256xi32, #tpu.memory_space<vmem>>, vector<16xi32>,
      %swap3A_83 = arith.constant 32 : index
      %swap3A_84 = tpu.vector_load %arg9[%swap3A_83] {strides = array<i32>} : memref<128xi32, #tpu.memory_space<vmem>>, vector<16xi32>,
      %swap3A_85 = vector.shape_cast %swap3A_84 : vector<16xi32> to vector<16xi32>
      %swap3A_86 = vector.shape_cast %get3A_82 : vector<16xi32> to vector<16xi32>
      tpu.vector_store %arg9[%swap3A_83], %swap3A_86 {strides = array<i32>} : memref<128xi32, #tpu.memory_space<vmem>>, vector<16xi32>,
      %get3A_87 = arith.constant 176 : index
      %get3A_88 = tpu.vector_load %arg7[%get3A_87] {strides = array<i32>} : memref<256xi32, #tpu.memory_space<vmem>>, vector<16xi32>,
      %swap3A_89 = arith.constant 48 : index
      %swap3A_90 = tpu.vector_load %arg9[%swap3A_89] {strides = array<i32>} : memref<128xi32, #tpu.memory_space<vmem>>, vector<16xi32>,
      %swap3A_91 = vector.shape_cast %swap3A_90 : vector<16xi32> to vector<16xi32>
      %swap3A_92 = vector.shape_cast %get3A_88 : vector<16xi32> to vector<16xi32>
      tpu.vector_store %arg9[%swap3A_89], %swap3A_92 {strides = array<i32>} : memref<128xi32, #tpu.memory_space<vmem>>, vector<16xi32>,
      %get3A_93 = arith.constant 192 : index
      %get3A_94 = tpu.vector_load %arg7[%get3A_93] {strides = array<i32>} : memref<256xi32, #tpu.memory_space<vmem>>, vector<16xi32>,
      %swap3A_95 = arith.constant 64 : index
      %swap3A_96 = tpu.vector_load %arg9[%swap3A_95] {strides = array<i32>} : memref<128xi32, #tpu.memory_space<vmem>>, vector<16xi32>,
      %swap3A_97 = vector.shape_cast %swap3A_96 : vector<16xi32> to vector<16xi32>
      %swap3A_98 = vector.shape_cast %get3A_94 : vector<16xi32> to vector<16xi32>
      tpu.vector_store %arg9[%swap3A_95], %swap3A_98 {strides = array<i32>} : memref<128xi32, #tpu.memory_space<vmem>>, vector<16xi32>,
      %get3A_99 = arith.constant 208 : index
      %get3A_100 = tpu.vector_load %arg7[%get3A_99] {strides = array<i32>} : memref<256xi32, #tpu.memory_space<vmem>>, vector<16xi32>,
      %swap3A_101 = arith.constant 80 : index
      %swap3A_102 = tpu.vector_load %arg9[%swap3A_101] {strides = array<i32>} : memref<128xi32, #tpu.memory_space<vmem>>, vector<16xi32>,
      %swap3A_103 = vector.shape_cast %swap3A_102 : vector<16xi32> to vector<16xi32>
      %swap3A_104 = vector.shape_cast %get3A_100 : vector<16xi32> to vector<16xi32>
      tpu.vector_store %arg9[%swap3A_101], %swap3A_104 {strides = array<i32>} : memref<128xi32, #tpu.memory_space<vmem>>, vector<16xi32>,
      %get3A_105 = arith.constant 224 : index
      %get3A_106 = tpu.vector_load %arg7[%get3A_105] {strides = array<i32>} : memref<256xi32, #tpu.memory_space<vmem>>, vector<16xi32>,
      %swap3A_107 = arith.constant 96 : index
      %swap3A_108 = tpu.vector_load %arg9[%swap3A_107] {strides = array<i32>} : memref<128xi32, #tpu.memory_space<vmem>>, vector<16xi32>,
      %swap3A_109 = vector.shape_cast %swap3A_108 : vector<16xi32> to vector<16xi32>
      %swap3A_110 = vector.shape_cast %get3A_106 : vector<16xi32> to vector<16xi32>
      tpu.vector_store %arg9[%swap3A_107], %swap3A_110 {strides = array<i32>} : memref<128xi32, #tpu.memory_space<vmem>>, vector<16xi32>,
      %get3A_111 = arith.constant 240 : index
      %get3A_112 = tpu.vector_load %arg7[%get3A_111] {strides = array<i32>} : memref<256xi32, #tpu.memory_space<vmem>>, vector<16xi32>,
      %swap3A_113 = arith.constant 112 : index
      %swap3A_114 = tpu.vector_load %arg9[%swap3A_113] {strides = array<i32>} : memref<128xi32, #tpu.memory_space<vmem>>, vector<16xi32>,
      %swap3A_115 = vector.shape_cast %swap3A_114 : vector<16xi32> to vector<16xi32>
      %swap3A_116 = vector.shape_cast %get3A_112 : vector<16xi32> to vector<16xi32>
      tpu.vector_store %arg9[%swap3A_113], %swap3A_116 {strides = array<i32>} : memref<128xi32, #tpu.memory_space<vmem>>, vector<16xi32>,
      %eq3A_117 = arith.constant 0 : i32
      %eq3A_118 = arith.cmpi eq, %arg0, %eq3A_117 : i32
      %convert_element_type3A_119 = arith.extui %eq3A_118 : i1 to i32
      %cond3A_120 = arith.constant 0 : i32
      %cond3A_121 = arith.cmpi ne, %convert_element_type3A_119, %cond3A_120 : i32
      scf.if %cond3A_121 {
        %dma_start3A_227 = arith.constant 0 : i32
        %dma_start3A_228 = tpu.memref_slice %arg7[%dma_start3A_227] : memref<256xi32, #tpu.memory_space<vmem>> -> memref<128xi32, #tpu.memory_space<vmem>>
        %dma_start3A_229 = arith.constant 0 : i32
        %dma_start3A_230 = arith.constant 0 : i32
        %dma_start3A_231 = tpu.memref_slice %arg2[%dma_start3A_229, %dma_start3A_230] : memref<10000x128xf32, #tpu.memory_space<hbm>> -> memref<10000x128xf32, #tpu.memory_space<hbm>>
        tpu.enqueue_indirect_dma source(%dma_start3A_231 : memref<10000x128xf32, #tpu.memory_space<hbm>>) target(%arg11 : memref<128x128xf32, #tpu.memory_space<vmem>>) offsets(%dma_start3A_228 : memref<128xi32, #tpu.memory_space<vmem>>) semaphore(%arg16 : memref<!tpu.dma_semaphore, #tpu.memory_space<semaphore_mem>>)
      } else {
      }
      %eq3A_122 = arith.constant 1 : i32
      %eq3A_123 = arith.cmpi eq, %arg0, %eq3A_122 : i32
      %convert_element_type3A_124 = arith.extui %eq3A_123 : i1 to i32
      %cond3A_125 = arith.constant 0 : i32
      %cond3A_126 = arith.cmpi ne, %convert_element_type3A_124, %cond3A_125 : i32
      scf.if %cond3A_126 {
        %dma_start3A_227 = arith.constant 0 : i32
        %dma_start3A_228 = tpu.memref_slice %arg7[%dma_start3A_227] : memref<256xi32, #tpu.memory_space<vmem>> -> memref<128xi32, #tpu.memory_space<vmem>>
        %dma_start3A_229 = arith.constant 0 : i32
        %dma_start3A_230 = arith.constant 0 : i32
        %dma_start3A_231 = tpu.memref_slice %arg3[%dma_start3A_229, %dma_start3A_230] : memref<10000x128xf32, #tpu.memory_space<hbm>> -> memref<10000x128xf32, #tpu.memory_space<hbm>>
        tpu.enqueue_indirect_dma source(%dma_start3A_231 : memref<10000x128xf32, #tpu.memory_space<hbm>>) target(%arg11 : memref<128x128xf32, #tpu.memory_space<vmem>>) offsets(%dma_start3A_228 : memref<128xi32, #tpu.memory_space<vmem>>) semaphore(%arg16 : memref<!tpu.dma_semaphore, #tpu.memory_space<semaphore_mem>>)
      } else {
      }
      %gt3A_127 = arith.constant 0 : i32
      %gt3A_128 = arith.cmpi sgt, %while3A_57, %gt3A_127 : i32
      %convert_element_type3A_129 = arith.extui %gt3A_128 : i1 to i32
      %cond3A_130 = arith.constant 0 : i32
      %cond3A_131 = arith.cmpi ne, %convert_element_type3A_129, %cond3A_130 : i32
      scf.if %cond3A_131 {
        %dma_wait3A_227 = arith.constant 0 : i32
        %dma_wait3A_228 = tpu.memref_slice %arg8[%dma_wait3A_227] : memref<256xi32, #tpu.memory_space<vmem>> -> memref<128xi32, #tpu.memory_space<vmem>>
        %dma_wait3A_229 = arith.constant 0 : i32
        %dma_wait3A_230 = arith.constant 0 : i32
        %dma_wait3A_231 = tpu.memref_slice %arg2[%dma_wait3A_229, %dma_wait3A_230] : memref<10000x128xf32, #tpu.memory_space<hbm>> -> memref<10000x128xf32, #tpu.memory_space<hbm>>
        tpu.wait_indirect_dma semaphore(%arg17 : memref<!tpu.dma_semaphore, #tpu.memory_space<semaphore_mem>>) src(%dma_wait3A_231 : memref<10000x128xf32, #tpu.memory_space<hbm>>) dst(%arg12 : memref<128x128xf32, #tpu.memory_space<vmem>>)
        %dma_start3A_232 = arith.constant 0 : i32
        %dma_start3A_233 = arith.constant 0 : i32
        %dma_start3A_234 = tpu.memref_slice %arg13[%dma_start3A_232, %dma_start3A_233] : memref<10008x128xf32, #tpu.memory_space<vmem_shared>> -> memref<10008x128xf32, #tpu.memory_space<vmem_shared>>
        tpu.enqueue_indirect_dma source(%arg12 : memref<128x128xf32, #tpu.memory_space<vmem>>) target(%dma_start3A_234 : memref<10008x128xf32, #tpu.memory_space<vmem_shared>>) offsets(%arg10 : memref<128xi32, #tpu.memory_space<vmem>>) semaphore(%arg19 : memref<!tpu.dma_semaphore, #tpu.memory_space<semaphore_mem>>) {add = true}
      } else {
      }
      %add3A_132 = arith.addi %mul3A_16, %add3A_60 : i32
      %add3A_133 = arith.constant 1 : i32
      %add3A_134 = arith.addi %add3A_132, %add3A_133 : i32
      %dma_start3A_135 = arith.constant 0 : i32
      %dma_start3A_136 = tpu.memref_slice %arg4[%add3A_134, %dma_start3A_135] : memref<1280x256xi32, #tpu.memory_space<hbm>> -> memref<1x256xi32, #tpu.memory_space<hbm>>
      %dma_start3A_137 = tpu.memref_squeeze %dma_start3A_136 : memref<1x256xi32, #tpu.memory_space<hbm>> -> memref<256xi32, #tpu.memory_space<hbm>>
      %dma_start3A_138 = arith.constant 0 : i32
      %dma_start3A_139 = tpu.memref_slice %arg4[%add3A_134, %dma_start3A_138] : memref<1280x256xi32, #tpu.memory_space<hbm>> -> memref<1x256xi32, #tpu.memory_space<hbm>>
      %dma_start3A_140 = tpu.memref_squeeze %dma_start3A_139 : memref<1x256xi32, #tpu.memory_space<hbm>> -> memref<256xi32, #tpu.memory_space<hbm>>
      tpu.enqueue_dma source(%dma_start3A_140 : memref<256xi32, #tpu.memory_space<hbm>>) target(%arg8 : memref<256xi32, #tpu.memory_space<vmem>>) target_semaphore(%arg15 : memref<!tpu.dma_semaphore, #tpu.memory_space<semaphore_mem>>)
      %mul3A_141 = arith.constant 2 : i32
      %mul3A_142 = arith.muli %mul3A_141, %while3A_57 : i32
      %add3A_143 = arith.constant 1 : i32
      %add3A_144 = arith.addi %mul3A_142, %add3A_143 : i32
      %gt3A_145 = arith.constant 0 : i32
      %gt3A_146 = arith.cmpi sgt, %while3A_57, %gt3A_145 : i32
      %convert_element_type3A_147 = arith.extui %gt3A_146 : i1 to i32
      %cond3A_148 = arith.constant 0 : i32
      %cond3A_149 = arith.cmpi ne, %convert_element_type3A_147, %cond3A_148 : i32
      scf.if %cond3A_149 {
        %dma_wait3A_227 = arith.constant 0 : i32
        %dma_wait3A_228 = arith.constant 0 : i32
        %dma_wait3A_229 = tpu.memref_slice %arg13[%dma_wait3A_227, %dma_wait3A_228] : memref<10008x128xf32, #tpu.memory_space<vmem_shared>> -> memref<10008x128xf32, #tpu.memory_space<vmem_shared>>
        tpu.wait_indirect_dma semaphore(%arg19 : memref<!tpu.dma_semaphore, #tpu.memory_space<semaphore_mem>>) src(%arg12 : memref<128x128xf32, #tpu.memory_space<vmem>>) dst(%dma_wait3A_229 : memref<10008x128xf32, #tpu.memory_space<vmem_shared>>)
      } else {
      }
      %dma_wait3A_150 = arith.constant 0 : i32
      %dma_wait3A_151 = tpu.memref_slice %arg4[%mul3A_16, %dma_wait3A_150] : memref<1280x256xi32, #tpu.memory_space<hbm>> -> memref<1x256xi32, #tpu.memory_space<hbm>>
      %dma_wait3A_152 = tpu.memref_squeeze %dma_wait3A_151 : memref<1x256xi32, #tpu.memory_space<hbm>> -> memref<256xi32, #tpu.memory_space<hbm>>
      %dma_wait3A_153 = arith.constant 0 : i32
      %dma_wait3A_154 = tpu.memref_slice %arg4[%mul3A_16, %dma_wait3A_153] : memref<1280x256xi32, #tpu.memory_space<hbm>> -> memref<1x256xi32, #tpu.memory_space<hbm>>
      %dma_wait3A_155 = tpu.memref_squeeze %dma_wait3A_154 : memref<1x256xi32, #tpu.memory_space<hbm>> -> memref<256xi32, #tpu.memory_space<hbm>>
      tpu.wait_dma2 semaphore(%arg15 : memref<!tpu.dma_semaphore, #tpu.memory_space<semaphore_mem>>) src(%dma_wait3A_155 : memref<256xi32, #tpu.memory_space<hbm>>) dst(%arg8 : memref<256xi32, #tpu.memory_space<vmem>>)
      %get3A_156 = arith.constant 128 : index
      %get3A_157 = tpu.vector_load %arg8[%get3A_156] {strides = array<i32>} : memref<256xi32, #tpu.memory_space<vmem>>, vector<16xi32>,
      %swap3A_158 = arith.constant 0 : index
      %swap3A_159 = tpu.vector_load %arg10[%swap3A_158] {strides = array<i32>} : memref<128xi32, #tpu.memory_space<vmem>>, vector<16xi32>,
      %swap3A_160 = vector.shape_cast %swap3A_159 : vector<16xi32> to vector<16xi32>
      %swap3A_161 = vector.shape_cast %get3A_157 : vector<16xi32> to vector<16xi32>
      tpu.vector_store %arg10[%swap3A_158], %swap3A_161 {strides = array<i32>} : memref<128xi32, #tpu.memory_space<vmem>>, vector<16xi32>,
      %get3A_162 = arith.constant 144 : index
      %get3A_163 = tpu.vector_load %arg8[%get3A_162] {strides = array<i32>} : memref<256xi32, #tpu.memory_space<vmem>>, vector<16xi32>,
      %swap3A_164 = arith.constant 16 : index
      %swap3A_165 = tpu.vector_load %arg10[%swap3A_164] {strides = array<i32>} : memref<128xi32, #tpu.memory_space<vmem>>, vector<16xi32>,
      %swap3A_166 = vector.shape_cast %swap3A_165 : vector<16xi32> to vector<16xi32>
      %swap3A_167 = vector.shape_cast %get3A_163 : vector<16xi32> to vector<16xi32>
      tpu.vector_store %arg10[%swap3A_164], %swap3A_167 {strides = array<i32>} : memref<128xi32, #tpu.memory_space<vmem>>, vector<16xi32>,
      %get3A_168 = arith.constant 160 : index
      %get3A_169 = tpu.vector_load %arg8[%get3A_168] {strides = array<i32>} : memref<256xi32, #tpu.memory_space<vmem>>, vector<16xi32>,
      %swap3A_170 = arith.constant 32 : index
      %swap3A_171 = tpu.vector_load %arg10[%swap3A_170] {strides = array<i32>} : memref<128xi32, #tpu.memory_space<vmem>>, vector<16xi32>,
      %swap3A_172 = vector.shape_cast %swap3A_171 : vector<16xi32> to vector<16xi32>
      %swap3A_173 = vector.shape_cast %get3A_169 : vector<16xi32> to vector<16xi32>
      tpu.vector_store %arg10[%swap3A_170], %swap3A_173 {strides = array<i32>} : memref<128xi32, #tpu.memory_space<vmem>>, vector<16xi32>,
      %get3A_174 = arith.constant 176 : index
      %get3A_175 = tpu.vector_load %arg8[%get3A_174] {strides = array<i32>} : memref<256xi32, #tpu.memory_space<vmem>>, vector<16xi32>,
      %swap3A_176 = arith.constant 48 : index
      %swap3A_177 = tpu.vector_load %arg10[%swap3A_176] {strides = array<i32>} : memref<128xi32, #tpu.memory_space<vmem>>, vector<16xi32>,
      %swap3A_178 = vector.shape_cast %swap3A_177 : vector<16xi32> to vector<16xi32>
      %swap3A_179 = vector.shape_cast %get3A_175 : vector<16xi32> to vector<16xi32>
      tpu.vector_store %arg10[%swap3A_176], %swap3A_179 {strides = array<i32>} : memref<128xi32, #tpu.memory_space<vmem>>, vector<16xi32>,
      %get3A_180 = arith.constant 192 : index
      %get3A_181 = tpu.vector_load %arg8[%get3A_180] {strides = array<i32>} : memref<256xi32, #tpu.memory_space<vmem>>, vector<16xi32>,
      %swap3A_182 = arith.constant 64 : index
      %swap3A_183 = tpu.vector_load %arg10[%swap3A_182] {strides = array<i32>} : memref<128xi32, #tpu.memory_space<vmem>>, vector<16xi32>,
      %swap3A_184 = vector.shape_cast %swap3A_183 : vector<16xi32> to vector<16xi32>
      %swap3A_185 = vector.shape_cast %get3A_181 : vector<16xi32> to vector<16xi32>
      tpu.vector_store %arg10[%swap3A_182], %swap3A_185 {strides = array<i32>} : memref<128xi32, #tpu.memory_space<vmem>>, vector<16xi32>,
      %get3A_186 = arith.constant 208 : index
      %get3A_187 = tpu.vector_load %arg8[%get3A_186] {strides = array<i32>} : memref<256xi32, #tpu.memory_space<vmem>>, vector<16xi32>,
      %swap3A_188 = arith.constant 80 : index
      %swap3A_189 = tpu.vector_load %arg10[%swap3A_188] {strides = array<i32>} : memref<128xi32, #tpu.memory_space<vmem>>, vector<16xi32>,
      %swap3A_190 = vector.shape_cast %swap3A_189 : vector<16xi32> to vector<16xi32>
      %swap3A_191 = vector.shape_cast %get3A_187 : vector<16xi32> to vector<16xi32>
      tpu.vector_store %arg10[%swap3A_188], %swap3A_191 {strides = array<i32>} : memref<128xi32, #tpu.memory_space<vmem>>, vector<16xi32>,
      %get3A_192 = arith.constant 224 : index
      %get3A_193 = tpu.vector_load %arg8[%get3A_192] {strides = array<i32>} : memref<256xi32, #tpu.memory_space<vmem>>, vector<16xi32>,
      %swap3A_194 = arith.constant 96 : index
      %swap3A_195 = tpu.vector_load %arg10[%swap3A_194] {strides = array<i32>} : memref<128xi32, #tpu.memory_space<vmem>>, vector<16xi32>,
      %swap3A_196 = vector.shape_cast %swap3A_195 : vector<16xi32> to vector<16xi32>
      %swap3A_197 = vector.shape_cast %get3A_193 : vector<16xi32> to vector<16xi32>
      tpu.vector_store %arg10[%swap3A_194], %swap3A_197 {strides = array<i32>} : memref<128xi32, #tpu.memory_space<vmem>>, vector<16xi32>,
      %get3A_198 = arith.constant 240 : index
      %get3A_199 = tpu.vector_load %arg8[%get3A_198] {strides = array<i32>} : memref<256xi32, #tpu.memory_space<vmem>>, vector<16xi32>,
      %swap3A_200 = arith.constant 112 : index
      %swap3A_201 = tpu.vector_load %arg10[%swap3A_200] {strides = array<i32>} : memref<128xi32, #tpu.memory_space<vmem>>, vector<16xi32>,
      %swap3A_202 = vector.shape_cast %swap3A_201 : vector<16xi32> to vector<16xi32>
      %swap3A_203 = vector.shape_cast %get3A_199 : vector<16xi32> to vector<16xi32>
      tpu.vector_store %arg10[%swap3A_200], %swap3A_203 {strides = array<i32>} : memref<128xi32, #tpu.memory_space<vmem>>, vector<16xi32>,
      %eq3A_204 = arith.constant 0 : i32
      %eq3A_205 = arith.cmpi eq, %arg0, %eq3A_204 : i32
      %convert_element_type3A_206 = arith.extui %eq3A_205 : i1 to i32
      %cond3A_207 = arith.constant 0 : i32
      %cond3A_208 = arith.cmpi ne, %convert_element_type3A_206, %cond3A_207 : i32
      scf.if %cond3A_208 {
        %dma_start3A_227 = arith.constant 0 : i32
        %dma_start3A_228 = tpu.memref_slice %arg8[%dma_start3A_227] : memref<256xi32, #tpu.memory_space<vmem>> -> memref<128xi32, #tpu.memory_space<vmem>>
        %dma_start3A_229 = arith.constant 0 : i32
        %dma_start3A_230 = arith.constant 0 : i32
        %dma_start3A_231 = tpu.memref_slice %arg2[%dma_start3A_229, %dma_start3A_230] : memref<10000x128xf32, #tpu.memory_space<hbm>> -> memref<10000x128xf32, #tpu.memory_space<hbm>>
        tpu.enqueue_indirect_dma source(%dma_start3A_231 : memref<10000x128xf32, #tpu.memory_space<hbm>>) target(%arg12 : memref<128x128xf32, #tpu.memory_space<vmem>>) offsets(%dma_start3A_228 : memref<128xi32, #tpu.memory_space<vmem>>) semaphore(%arg17 : memref<!tpu.dma_semaphore, #tpu.memory_space<semaphore_mem>>)
      } else {
      }
      %eq3A_209 = arith.constant 1 : i32
      %eq3A_210 = arith.cmpi eq, %arg0, %eq3A_209 : i32
      %convert_element_type3A_211 = arith.extui %eq3A_210 : i1 to i32
      %cond3A_212 = arith.constant 0 : i32
      %cond3A_213 = arith.cmpi ne, %convert_element_type3A_211, %cond3A_212 : i32
      scf.if %cond3A_213 {
        %dma_start3A_227 = arith.constant 0 : i32
        %dma_start3A_228 = tpu.memref_slice %arg8[%dma_start3A_227] : memref<256xi32, #tpu.memory_space<vmem>> -> memref<128xi32, #tpu.memory_space<vmem>>
        %dma_start3A_229 = arith.constant 0 : i32
        %dma_start3A_230 = arith.constant 0 : i32
        %dma_start3A_231 = tpu.memref_slice %arg3[%dma_start3A_229, %dma_start3A_230] : memref<10000x128xf32, #tpu.memory_space<hbm>> -> memref<10000x128xf32, #tpu.memory_space<hbm>>
        tpu.enqueue_indirect_dma source(%dma_start3A_231 : memref<10000x128xf32, #tpu.memory_space<hbm>>) target(%arg12 : memref<128x128xf32, #tpu.memory_space<vmem>>) offsets(%dma_start3A_228 : memref<128xi32, #tpu.memory_space<vmem>>) semaphore(%arg17 : memref<!tpu.dma_semaphore, #tpu.memory_space<semaphore_mem>>)
      } else {
      }
      %dma_wait3A_214 = arith.constant 0 : i32
      %dma_wait3A_215 = tpu.memref_slice %arg7[%dma_wait3A_214] : memref<256xi32, #tpu.memory_space<vmem>> -> memref<128xi32, #tpu.memory_space<vmem>>
      %dma_wait3A_216 = arith.constant 0 : i32
      %dma_wait3A_217 = arith.constant 0 : i32
      %dma_wait3A_218 = tpu.memref_slice %arg2[%dma_wait3A_216, %dma_wait3A_217] : memref<10000x128xf32, #tpu.memory_space<hbm>> -> memref<10000x128xf32, #tpu.memory_space<hbm>>
      tpu.wait_indirect_dma semaphore(%arg16 : memref<!tpu.dma_semaphore, #tpu.memory_space<semaphore_mem>>) src(%dma_wait3A_218 : memref<10000x128xf32, #tpu.memory_space<hbm>>) dst(%arg11 : memref<128x128xf32, #tpu.memory_space<vmem>>)
      %dma_start3A_219 = arith.constant 0 : i32
      %dma_start3A_220 = arith.constant 0 : i32
      %dma_start3A_221 = tpu.memref_slice %arg13[%dma_start3A_219, %dma_start3A_220] : memref<10008x128xf32, #tpu.memory_space<vmem_shared>> -> memref<10008x128xf32, #tpu.memory_space<vmem_shared>>
      tpu.enqueue_indirect_dma source(%arg11 : memref<128x128xf32, #tpu.memory_space<vmem>>) target(%dma_start3A_221 : memref<10008x128xf32, #tpu.memory_space<vmem_shared>>) offsets(%arg9 : memref<128xi32, #tpu.memory_space<vmem>>) semaphore(%arg18 : memref<!tpu.dma_semaphore, #tpu.memory_space<semaphore_mem>>) {add = true}
      %lt3A_222 = arith.constant 39 : i32
      %lt3A_223 = arith.cmpi slt, %while3A_57, %lt3A_222 : i32
      %convert_element_type3A_224 = arith.extui %lt3A_223 : i1 to i32
      %cond3A_225 = arith.constant 0 : i32
      %cond3A_226 = arith.cmpi ne, %convert_element_type3A_224, %cond3A_225 : i32
      scf.if %cond3A_226 {
        %add3A_227 = arith.addi %mul3A_16, %add3A_144 : i32
        %add3A_228 = arith.constant 1 : i32
        %add3A_229 = arith.addi %add3A_227, %add3A_228 : i32
        %dma_start3A_230 = arith.constant 0 : i32
        %dma_start3A_231 = tpu.memref_slice %arg4[%add3A_229, %dma_start3A_230] : memref<1280x256xi32, #tpu.memory_space<hbm>> -> memref<1x256xi32, #tpu.memory_space<hbm>>
        %dma_start3A_232 = tpu.memref_squeeze %dma_start3A_231 : memref<1x256xi32, #tpu.memory_space<hbm>> -> memref<256xi32, #tpu.memory_space<hbm>>
        %dma_start3A_233 = arith.constant 0 : i32
        %dma_start3A_234 = tpu.memref_slice %arg4[%add3A_229, %dma_start3A_233] : memref<1280x256xi32, #tpu.memory_space<hbm>> -> memref<1x256xi32, #tpu.memory_space<hbm>>
        %dma_start3A_235 = tpu.memref_squeeze %dma_start3A_234 : memref<1x256xi32, #tpu.memory_space<hbm>> -> memref<256xi32, #tpu.memory_space<hbm>>
        tpu.enqueue_dma source(%dma_start3A_235 : memref<256xi32, #tpu.memory_space<hbm>>) target(%arg7 : memref<256xi32, #tpu.memory_space<vmem>>) target_semaphore(%arg14 : memref<!tpu.dma_semaphore, #tpu.memory_space<semaphore_mem>>)
      } else {
      }
    }
    %dma_wait3A = arith.constant 0 : i32
    %dma_wait3A_33 = tpu.memref_slice %arg8[%dma_wait3A] : memref<256xi32, #tpu.memory_space<vmem>> -> memref<128xi32, #tpu.memory_space<vmem>>
    %dma_wait3A_34 = arith.constant 0 : i32
    %dma_wait3A_35 = arith.constant 0 : i32
    %dma_wait3A_36 = tpu.memref_slice %arg2[%dma_wait3A_34, %dma_wait3A_35] : memref<10000x128xf32, #tpu.memory_space<hbm>> -> memref<10000x128xf32, #tpu.memory_space<hbm>>
    tpu.wait_indirect_dma semaphore(%arg17 : memref<!tpu.dma_semaphore, #tpu.memory_space<semaphore_mem>>) src(%dma_wait3A_36 : memref<10000x128xf32, #tpu.memory_space<hbm>>) dst(%arg12 : memref<128x128xf32, #tpu.memory_space<vmem>>)
    %dma_start3A_37 = arith.constant 0 : i32
    %dma_start3A_38 = arith.constant 0 : i32
    %dma_start3A_39 = tpu.memref_slice %arg13[%dma_start3A_37, %dma_start3A_38] : memref<10008x128xf32, #tpu.memory_space<vmem_shared>> -> memref<10008x128xf32, #tpu.memory_space<vmem_shared>>
    tpu.enqueue_indirect_dma source(%arg12 : memref<128x128xf32, #tpu.memory_space<vmem>>) target(%dma_start3A_39 : memref<10008x128xf32, #tpu.memory_space<vmem_shared>>) offsets(%arg10 : memref<128xi32, #tpu.memory_space<vmem>>) semaphore(%arg19 : memref<!tpu.dma_semaphore, #tpu.memory_space<semaphore_mem>>) {add = true}
    %dma_wait3A_40 = arith.constant 0 : i32
    %dma_wait3A_41 = arith.constant 0 : i32
    %dma_wait3A_42 = tpu.memref_slice %arg13[%dma_wait3A_40, %dma_wait3A_41] : memref<10008x128xf32, #tpu.memory_space<vmem_shared>> -> memref<10008x128xf32, #tpu.memory_space<vmem_shared>>
    tpu.wait_indirect_dma semaphore(%arg18 : memref<!tpu.dma_semaphore, #tpu.memory_space<semaphore_mem>>) src(%arg11 : memref<128x128xf32, #tpu.memory_space<vmem>>) dst(%dma_wait3A_42 : memref<10008x128xf32, #tpu.memory_space<vmem_shared>>)
    %dma_wait3A_43 = arith.constant 0 : i32
    %dma_wait3A_44 = arith.constant 0 : i32
    %dma_wait3A_45 = tpu.memref_slice %arg13[%dma_wait3A_43, %dma_wait3A_44] : memref<10008x128xf32, #tpu.memory_space<vmem_shared>> -> memref<10008x128xf32, #tpu.memory_space<vmem_shared>>
    tpu.wait_indirect_dma semaphore(%arg19 : memref<!tpu.dma_semaphore, #tpu.memory_space<semaphore_mem>>) src(%arg12 : memref<128x128xf32, #tpu.memory_space<vmem>>) dst(%dma_wait3A_45 : memref<10008x128xf32, #tpu.memory_space<vmem_shared>>)
    %barrier3A_46 = arith.constant 0 : index
    tpu.barrier barrier_id(%barrier3A_46)
    %eq3A_47 = arith.constant 0 : i32
    %eq3A_48 = arith.cmpi eq, %arg0, %eq3A_47 : i32
    %convert_element_type3A_49 = arith.extui %eq3A_48 : i1 to i32
    %cond3A_50 = arith.constant 0 : i32
    %cond3A_51 = arith.cmpi ne, %convert_element_type3A_49, %cond3A_50 : i32
    scf.if %cond3A_51 {
      %lt3A_57 = arith.constant 15 : i32
      %lt3A_58 = arith.cmpi slt, %arg1, %lt3A_57 : i32
      %convert_element_type3A_59 = arith.extui %lt3A_58 : i1 to i32
      %cond3A_60 = arith.constant 0 : i32
      %cond3A_61 = arith.constant 0 : i32
      %cond3A_62 = arith.cmpi ne, %convert_element_type3A_59, %cond3A_61 : i32
      scf.if %cond3A_62 {
        %mul3A_69 = arith.constant 624 : i32
        %mul3A_70 = arith.muli %arg1, %mul3A_69 : i32
        %add3A = arith.addi %cond3A_60, %mul3A_70 : i32
        "tpu.region"() ({
          %run_scoped3A = tpu.sem_alloc : memref<!tpu.dma_semaphore, #tpu.memory_space<semaphore_mem>>
          %dma_start3A_71 = arith.constant 0 : i32
          %dma_start3A_72 = tpu.memref_slice %arg5[%add3A, %dma_start3A_71] : memref<10000x128xf32, #tpu.memory_space<hbm>> -> memref<624x128xf32, #tpu.memory_space<hbm>>
          %dma_start3A_73 = arith.constant 0 : i32
          %dma_start3A_74 = tpu.memref_slice %arg13[%mul3A_70, %dma_start3A_73] : memref<10008x128xf32, #tpu.memory_space<vmem_shared>> -> memref<624x128xf32, #tpu.memory_space<vmem_shared>>
          tpu.enqueue_dma source(%dma_start3A_74 : memref<624x128xf32, #tpu.memory_space<vmem_shared>>) target(%dma_start3A_72 : memref<624x128xf32, #tpu.memory_space<hbm>>) target_semaphore(%run_scoped3A : memref<!tpu.dma_semaphore, #tpu.memory_space<semaphore_mem>>)
          %dma_wait3A_75 = arith.constant 0 : i32
          %dma_wait3A_76 = tpu.memref_slice %arg5[%add3A, %dma_wait3A_75] : memref<10000x128xf32, #tpu.memory_space<hbm>> -> memref<624x128xf32, #tpu.memory_space<hbm>>
          %dma_wait3A_77 = arith.constant 0 : i32
          %dma_wait3A_78 = tpu.memref_slice %arg13[%mul3A_70, %dma_wait3A_77] : memref<10008x128xf32, #tpu.memory_space<vmem_shared>> -> memref<624x128xf32, #tpu.memory_space<vmem_shared>>
          tpu.wait_dma2 semaphore(%run_scoped3A : memref<!tpu.dma_semaphore, #tpu.memory_space<semaphore_mem>>) src(%dma_wait3A_78 : memref<624x128xf32, #tpu.memory_space<vmem_shared>>) dst(%dma_wait3A_76 : memref<624x128xf32, #tpu.memory_space<hbm>>)
          tpu.yield
        }) : () -> ()
      } else {
      }
      %eq3A_63 = arith.constant 15 : i32
      %eq3A_64 = arith.cmpi eq, %arg1, %eq3A_63 : i32
      %convert_element_type3A_65 = arith.extui %eq3A_64 : i1 to i32
      %cond3A_66 = arith.constant 0 : i32
      %cond3A_67 = arith.constant 0 : i32
      %cond3A_68 = arith.cmpi ne, %convert_element_type3A_65, %cond3A_67 : i32
      scf.if %cond3A_68 {
        %add3A = arith.constant 9360 : i32
        %add3A_69 = arith.addi %cond3A_66, %add3A : i32
        "tpu.region"() ({
          %run_scoped3A = tpu.sem_alloc : memref<!tpu.dma_semaphore, #tpu.memory_space<semaphore_mem>>
          %dma_start3A_70 = arith.constant 0 : i32
          %dma_start3A_71 = tpu.memref_slice %arg5[%add3A_69, %dma_start3A_70] : memref<10000x128xf32, #tpu.memory_space<hbm>> -> memref<640x128xf32, #tpu.memory_space<hbm>>
          %dma_start3A_72 = arith.constant 9360 : i32
          %dma_start3A_73 = arith.constant 0 : i32
          %dma_start3A_74 = tpu.memref_slice %arg13[%dma_start3A_72, %dma_start3A_73] : memref<10008x128xf32, #tpu.memory_space<vmem_shared>> -> memref<640x128xf32, #tpu.memory_space<vmem_shared>>
          tpu.enqueue_dma source(%dma_start3A_74 : memref<640x128xf32, #tpu.memory_space<vmem_shared>>) target(%dma_start3A_71 : memref<640x128xf32, #tpu.memory_space<hbm>>) target_semaphore(%run_scoped3A : memref<!tpu.dma_semaphore, #tpu.memory_space<semaphore_mem>>)
          %dma_wait3A_75 = arith.constant 0 : i32
          %dma_wait3A_76 = tpu.memref_slice %arg5[%add3A_69, %dma_wait3A_75] : memref<10000x128xf32, #tpu.memory_space<hbm>> -> memref<640x128xf32, #tpu.memory_space<hbm>>
          %dma_wait3A_77 = arith.constant 9360 : i32
          %dma_wait3A_78 = arith.constant 0 : i32
          %dma_wait3A_79 = tpu.memref_slice %arg13[%dma_wait3A_77, %dma_wait3A_78] : memref<10008x128xf32, #tpu.memory_space<vmem_shared>> -> memref<640x128xf32, #tpu.memory_space<vmem_shared>>
          tpu.wait_dma2 semaphore(%run_scoped3A : memref<!tpu.dma_semaphore, #tpu.memory_space<semaphore_mem>>) src(%dma_wait3A_79 : memref<640x128xf32, #tpu.memory_space<vmem_shared>>) dst(%dma_wait3A_76 : memref<640x128xf32, #tpu.memory_space<hbm>>)
          tpu.yield
        }) : () -> ()
      } else {
      }
    } else {
    }
    %eq3A_52 = arith.constant 1 : i32
    %eq3A_53 = arith.cmpi eq, %arg0, %eq3A_52 : i32
    %convert_element_type3A_54 = arith.extui %eq3A_53 : i1 to i32
    %cond3A_55 = arith.constant 0 : i32
    %cond3A_56 = arith.cmpi ne, %convert_element_type3A_54, %cond3A_55 : i32
    scf.if %cond3A_56 {
      %lt3A_57 = arith.constant 15 : i32
      %lt3A_58 = arith.cmpi slt, %arg1, %lt3A_57 : i32
      %convert_element_type3A_59 = arith.extui %lt3A_58 : i1 to i32
      %cond3A_60 = arith.constant 0 : i32
      %cond3A_61 = arith.constant 0 : i32
      %cond3A_62 = arith.cmpi ne, %convert_element_type3A_59, %cond3A_61 : i32
      scf.if %cond3A_62 {
        %mul3A_69 = arith.constant 624 : i32
        %mul3A_70 = arith.muli %arg1, %mul3A_69 : i32
        %add3A = arith.addi %cond3A_60, %mul3A_70 : i32
        "tpu.region"() ({
          %run_scoped3A = tpu.sem_alloc : memref<!tpu.dma_semaphore, #tpu.memory_space<semaphore_mem>>
          %dma_start3A_71 = arith.constant 0 : i32
          %dma_start3A_72 = tpu.memref_slice %arg6[%add3A, %dma_start3A_71] : memref<10000x128xf32, #tpu.memory_space<hbm>> -> memref<624x128xf32, #tpu.memory_space<hbm>>
          %dma_start3A_73 = arith.constant 0 : i32
          %dma_start3A_74 = tpu.memref_slice %arg13[%mul3A_70, %dma_start3A_73] : memref<10008x128xf32, #tpu.memory_space<vmem_shared>> -> memref<624x128xf32, #tpu.memory_space<vmem_shared>>
          tpu.enqueue_dma source(%dma_start3A_74 : memref<624x128xf32, #tpu.memory_space<vmem_shared>>) target(%dma_start3A_72 : memref<624x128xf32, #tpu.memory_space<hbm>>) target_semaphore(%run_scoped3A : memref<!tpu.dma_semaphore, #tpu.memory_space<semaphore_mem>>)
          %dma_wait3A_75 = arith.constant 0 : i32
          %dma_wait3A_76 = tpu.memref_slice %arg6[%add3A, %dma_wait3A_75] : memref<10000x128xf32, #tpu.memory_space<hbm>> -> memref<624x128xf32, #tpu.memory_space<hbm>>
          %dma_wait3A_77 = arith.constant 0 : i32
          %dma_wait3A_78 = tpu.memref_slice %arg13[%mul3A_70, %dma_wait3A_77] : memref<10008x128xf32, #tpu.memory_space<vmem_shared>> -> memref<624x128xf32, #tpu.memory_space<vmem_shared>>
          tpu.wait_dma2 semaphore(%run_scoped3A : memref<!tpu.dma_semaphore, #tpu.memory_space<semaphore_mem>>) src(%dma_wait3A_78 : memref<624x128xf32, #tpu.memory_space<vmem_shared>>) dst(%dma_wait3A_76 : memref<624x128xf32, #tpu.memory_space<hbm>>)
          tpu.yield
        }) : () -> ()
      } else {
      }
      %eq3A_63 = arith.constant 15 : i32
      %eq3A_64 = arith.cmpi eq, %arg1, %eq3A_63 : i32
      %convert_element_type3A_65 = arith.extui %eq3A_64 : i1 to i32
      %cond3A_66 = arith.constant 0 : i32
      %cond3A_67 = arith.constant 0 : i32
      %cond3A_68 = arith.cmpi ne, %convert_element_type3A_65, %cond3A_67 : i32
      scf.if %cond3A_68 {
        %add3A = arith.constant 9360 : i32
        %add3A_69 = arith.addi %cond3A_66, %add3A : i32
        "tpu.region"() ({
          %run_scoped3A = tpu.sem_alloc : memref<!tpu.dma_semaphore, #tpu.memory_space<semaphore_mem>>
          %dma_start3A_70 = arith.constant 0 : i32
          %dma_start3A_71 = tpu.memref_slice %arg6[%add3A_69, %dma_start3A_70] : memref<10000x128xf32, #tpu.memory_space<hbm>> -> memref<640x128xf32, #tpu.memory_space<hbm>>
          %dma_start3A_72 = arith.constant 9360 : i32
          %dma_start3A_73 = arith.constant 0 : i32
          %dma_start3A_74 = tpu.memref_slice %arg13[%dma_start3A_72, %dma_start3A_73] : memref<10008x128xf32, #tpu.memory_space<vmem_shared>> -> memref<640x128xf32, #tpu.memory_space<vmem_shared>>
          tpu.enqueue_dma source(%dma_start3A_74 : memref<640x128xf32, #tpu.memory_space<vmem_shared>>) target(%dma_start3A_71 : memref<640x128xf32, #tpu.memory_space<hbm>>) target_semaphore(%run_scoped3A : memref<!tpu.dma_semaphore, #tpu.memory_space<semaphore_mem>>)
          %dma_wait3A_75 = arith.constant 0 : i32
          %dma_wait3A_76 = tpu.memref_slice %arg6[%add3A_69, %dma_wait3A_75] : memref<10000x128xf32, #tpu.memory_space<hbm>> -> memref<640x128xf32, #tpu.memory_space<hbm>>
          %dma_wait3A_77 = arith.constant 9360 : i32
          %dma_wait3A_78 = arith.constant 0 : i32
          %dma_wait3A_79 = tpu.memref_slice %arg13[%dma_wait3A_77, %dma_wait3A_78] : memref<10008x128xf32, #tpu.memory_space<vmem_shared>> -> memref<640x128xf32, #tpu.memory_space<vmem_shared>>
          tpu.wait_dma2 semaphore(%run_scoped3A : memref<!tpu.dma_semaphore, #tpu.memory_space<semaphore_mem>>) src(%dma_wait3A_79 : memref<640x128xf32, #tpu.memory_space<vmem_shared>>) dst(%dma_wait3A_76 : memref<640x128xf32, #tpu.memory_space<hbm>>)
          tpu.yield
        }) : () -> ()
      } else {
      }
    } else {
    }
    return
  }
}

module attributes {stable_mosaic.version = 14 : i64} {
  func.func @body(%arg0: i32, %arg1: memref<1000x256xf32, #tpu.memory_space<vmem>>, %arg2: memref<1000x128xf32, #tpu.memory_space<vmem>>, %arg3: memref<1000x128xf32, #tpu.memory_space<vmem>>, %arg4: memref<1x16x1000x16xf32, #tpu.memory_space<vmem>>, %arg5: memref<256x256xf32, #tpu.memory_space<vmem>>, %arg6: memref<128x256xf32, #tpu.memory_space<vmem>>, %arg7: memref<128x256xf32, #tpu.memory_space<vmem>>, %arg8: memref<1x256xf32, #tpu.memory_space<vmem>>, %arg9: memref<1000x256xf32, #tpu.memory_space<vmem>>, %arg10: memref<1000x128xf32, #tpu.memory_space<vmem>>, %arg11: memref<1000x128xf32, #tpu.memory_space<vmem>>) attributes {dimension_semantics = [#tpu.dimension_semantics<arbitrary>], iteration_bounds = array<i64: 10>, scalar_prefetch = 0 : i64, scratch_operands = 0 : i64, tpu.core_type = #tpu.core_type<tc>, window_params = [{transform_indices = @transform_0, window_bounds = array<i64: 1000, 256>}, {transform_indices = @transform_1, window_bounds = array<i64: 1000, 128>}, {transform_indices = @transform_2, window_bounds = array<i64: 1000, 128>}, {transform_indices = @transform_3, window_bounds = array<i64: 1, 16, 1000, 16>}, {pipeline_mode = #tpu.pipeline_mode<synchronous>, transform_indices = @transform_4, window_bounds = array<i64: 256, 256>}, {pipeline_mode = #tpu.pipeline_mode<synchronous>, transform_indices = @transform_5, window_bounds = array<i64: 128, 256>}, {pipeline_mode = #tpu.pipeline_mode<synchronous>, transform_indices = @transform_6, window_bounds = array<i64: 128, 256>}, {pipeline_mode = #tpu.pipeline_mode<synchronous>, transform_indices = @transform_7, window_bounds = array<i64: 1, 256>}, {transform_indices = @transform_8, window_bounds = array<i64: 1000, 256>}, {transform_indices = @transform_9, window_bounds = array<i64: 1000, 128>}, {transform_indices = @transform_10, window_bounds = array<i64: 1000, 128>}]} {
    %get3A = arith.constant 0 : index
    %get3A_0 = arith.constant 0 : index
    %get3A_1 = vector.load %arg1[%get3A, %get3A_0] : memref<1000x256xf32, #tpu.memory_space<vmem>>, vector<1000x256xf32>
    %get3A_2 = arith.constant 0 : index
    %get3A_3 = arith.constant 0 : index
    %get3A_4 = arith.constant 0 : index
    %get3A_5 = arith.constant 0 : index
    %get3A_6 = vector.load %arg4[%get3A_2, %get3A_3, %get3A_4, %get3A_5] : memref<1x16x1000x16xf32, #tpu.memory_space<vmem>>, vector<1x16x1000x16xf32>
    %get3A_7 = vector.shape_cast %get3A_6 : vector<1x16x1000x16xf32> to vector<16x1000x16xf32>
    %reduce_sum3A = arith.constant dense<0.000000e+00> : vector<1000xf32>
    %reduce_sum3A_8 = vector.multi_reduction <add>, %get3A_7, %reduce_sum3A [0, 2] : vector<16x1000x16xf32> to vector<1000xf32>
    %broadcast_in_dim3A = vector.shape_cast %reduce_sum3A_8 : vector<1000xf32> to vector<1000x1xf32>
    %max3A = arith.constant 1.000000e+00 : f32
    %max3A_9 = vector.broadcast %max3A : f32 to vector<1000x1xf32>
    %max3A_10 = arith.maximumf %broadcast_in_dim3A, %max3A_9 : vector<1000x1xf32>
    %div3A = arith.constant 1.000000e+00 : f32
    %div3A_11 = vector.broadcast %div3A : f32 to vector<1000x1xf32>
    %div3A_12 = arith.divf %div3A_11, %max3A_10 : vector<1000x1xf32>
    %get3A_13 = arith.constant 0 : index
    %get3A_14 = arith.constant 0 : index
    %get3A_15 = vector.load %arg5[%get3A_13, %get3A_14] : memref<256x256xf32, #tpu.memory_space<vmem>>, vector<256x256xf32>
    %dot_general3A = arith.constant dense<0.000000e+00> : vector<1000x256xf32>
    %dot_general3A_16 = tpu.matmul %get3A_1, %get3A_15, %dot_general3A {dimension_numbers = #tpu.dot_dimension_numbers<[1], [0], [0], [1], [0, 0, 1, 1], [], []>, transpose_lhs_hint = false} : vector<1000x256xf32>, vector<256x256xf32>, vector<1000x256xf32> -> vector<1000x256xf32>
    %get3A_17 = arith.constant 0 : index
    %get3A_18 = arith.constant 0 : index
    %get3A_19 = vector.load %arg2[%get3A_17, %get3A_18] : memref<1000x128xf32, #tpu.memory_space<vmem>>, vector<1000x128xf32>
    %mul3A = vector.broadcast %div3A_12 : vector<1000x1xf32> to vector<1000x128xf32>
    %mul3A_20 = arith.mulf %get3A_19, %mul3A : vector<1000x128xf32>
    %get3A_21 = arith.constant 0 : index
    %get3A_22 = arith.constant 0 : index
    %get3A_23 = vector.load %arg6[%get3A_21, %get3A_22] : memref<128x256xf32, #tpu.memory_space<vmem>>, vector<128x256xf32>
    %dot_general3A_24 = arith.constant dense<0.000000e+00> : vector<1000x256xf32>
    %dot_general3A_25 = tpu.matmul %mul3A_20, %get3A_23, %dot_general3A_24 {dimension_numbers = #tpu.dot_dimension_numbers<[1], [0], [0], [1], [0, 0, 1, 1], [], []>, transpose_lhs_hint = false} : vector<1000x128xf32>, vector<128x256xf32>, vector<1000x256xf32> -> vector<1000x256xf32>
    %add3A = arith.addf %dot_general3A_16, %dot_general3A_25 : vector<1000x256xf32>
    %get3A_26 = arith.constant 0 : index
    %get3A_27 = arith.constant 0 : index
    %get3A_28 = vector.load %arg3[%get3A_26, %get3A_27] : memref<1000x128xf32, #tpu.memory_space<vmem>>, vector<1000x128xf32>
    %mul3A_29 = vector.broadcast %div3A_12 : vector<1000x1xf32> to vector<1000x128xf32>
    %mul3A_30 = arith.mulf %get3A_28, %mul3A_29 : vector<1000x128xf32>
    %get3A_31 = arith.constant 0 : index
    %get3A_32 = arith.constant 0 : index
    %get3A_33 = vector.load %arg7[%get3A_31, %get3A_32] : memref<128x256xf32, #tpu.memory_space<vmem>>, vector<128x256xf32>
    %dot_general3A_34 = arith.constant dense<0.000000e+00> : vector<1000x256xf32>
    %dot_general3A_35 = tpu.matmul %mul3A_30, %get3A_33, %dot_general3A_34 {dimension_numbers = #tpu.dot_dimension_numbers<[1], [0], [0], [1], [0, 0, 1, 1], [], []>, transpose_lhs_hint = false} : vector<1000x128xf32>, vector<128x256xf32>, vector<1000x256xf32> -> vector<1000x256xf32>
    %add3A_36 = arith.addf %add3A, %dot_general3A_35 : vector<1000x256xf32>
    %get3A_37 = arith.constant 0 : index
    %get3A_38 = arith.constant 0 : index
    %get3A_39 = vector.load %arg8[%get3A_37, %get3A_38] : memref<1x256xf32, #tpu.memory_space<vmem>>, vector<1x256xf32>
    %add3A_40 = vector.broadcast %get3A_39 : vector<1x256xf32> to vector<1000x256xf32>
    %add3A_41 = arith.addf %add3A_36, %add3A_40 : vector<1000x256xf32>
    %max3A_42 = arith.constant 0.000000e+00 : f32
    %max3A_43 = vector.broadcast %max3A_42 : f32 to vector<1000x256xf32>
    %max3A_44 = arith.maximumf %add3A_41, %max3A_43 : vector<1000x256xf32>
    %swap3A = arith.constant 0 : index
    %swap3A_45 = arith.constant 0 : index
    %swap3A_46 = vector.load %arg9[%swap3A, %swap3A_45] : memref<1000x256xf32, #tpu.memory_space<vmem>>, vector<1000x256xf32>
    tpu.vector_store %arg9[%swap3A, %swap3A_45], %max3A_44 {strides = array<i32>} : memref<1000x256xf32, #tpu.memory_space<vmem>>, vector<1000x256xf32>,
    %slice3A = vector.extract_strided_slice %max3A_44 {offsets = [0, 0], sizes = [1000, 128], strides = [1, 1]} : vector<1000x256xf32> to vector<1000x128xf32>
    %swap3A_47 = arith.constant 0 : index
    %swap3A_48 = arith.constant 0 : index
    %swap3A_49 = vector.load %arg10[%swap3A_47, %swap3A_48] : memref<1000x128xf32, #tpu.memory_space<vmem>>, vector<1000x128xf32>
    tpu.vector_store %arg10[%swap3A_47, %swap3A_48], %slice3A {strides = array<i32>} : memref<1000x128xf32, #tpu.memory_space<vmem>>, vector<1000x128xf32>,
    %slice3A_50 = vector.extract_strided_slice %max3A_44 {offsets = [0, 128], sizes = [1000, 128], strides = [1, 1]} : vector<1000x256xf32> to vector<1000x128xf32>
    %swap3A_51 = arith.constant 0 : index
    %swap3A_52 = arith.constant 0 : index
    %swap3A_53 = vector.load %arg11[%swap3A_51, %swap3A_52] : memref<1000x128xf32, #tpu.memory_space<vmem>>, vector<1000x128xf32>
    tpu.vector_store %arg11[%swap3A_51, %swap3A_52], %slice3A_50 {strides = array<i32>} : memref<1000x128xf32, #tpu.memory_space<vmem>>, vector<1000x128xf32>,
    return
  }
  func.func @transform_0(%arg0: i32) -> (i32, i32) {
    %c0_i32 = arith.constant 0 : i32
    %c0_i32_0 = arith.constant 0 : i32
    return %arg0, %c0_i32 : i32, i32
  }
  func.func @transform_1(%arg0: i32) -> (i32, i32) {
    %c0_i32 = arith.constant 0 : i32
    %c0_i32_0 = arith.constant 0 : i32
    return %arg0, %c0_i32 : i32, i32
  }
  func.func @transform_2(%arg0: i32) -> (i32, i32) {
    %c0_i32 = arith.constant 0 : i32
    %c0_i32_0 = arith.constant 0 : i32
    return %arg0, %c0_i32 : i32, i32
  }
  func.func @transform_3(%arg0: i32) -> (i32, i32, i32, i32) {
    %jit3A = arith.constant 5 : i64
    %convert_element_type3A = arith.trunci %jit3A : i64 to i32
    %div3A = arith.divsi %arg0, %convert_element_type3A : i32
    %sign3A = arith.constant 0 : i32
    %sign3A_0 = arith.cmpi sgt, %arg0, %sign3A : i32
    %sign3A_1 = arith.extui %sign3A_0 : i1 to i32
    %sign3A_2 = arith.constant 0 : i32
    %sign3A_3 = arith.cmpi slt, %arg0, %sign3A_2 : i32
    %sign3A_4 = arith.extui %sign3A_3 : i1 to i32
    %sign3A_5 = arith.subi %sign3A_1, %sign3A_4 : i32
    %sign3A_6 = arith.constant 0 : i32
    %sign3A_7 = arith.cmpi sgt, %convert_element_type3A, %sign3A_6 : i32
    %sign3A_8 = arith.extui %sign3A_7 : i1 to i32
    %sign3A_9 = arith.constant 0 : i32
    %sign3A_10 = arith.cmpi slt, %convert_element_type3A, %sign3A_9 : i32
    %sign3A_11 = arith.extui %sign3A_10 : i1 to i32
    %sign3A_12 = arith.subi %sign3A_8, %sign3A_11 : i32
    %ne3A = arith.cmpi ne, %sign3A_5, %sign3A_12 : i32
    %rem3A = arith.remsi %arg0, %convert_element_type3A : i32
    %ne3A_13 = arith.constant 0 : i32
    %ne3A_14 = arith.cmpi ne, %rem3A, %ne3A_13 : i32
    %and3A = arith.andi %ne3A, %ne3A_14 : i1
    %sub3A = arith.constant 1 : i32
    %sub3A_15 = arith.subi %div3A, %sub3A : i32
    %select_n3A = arith.select %and3A, %sub3A_15, %div3A : i32
    %jit3A_16 = arith.constant 5 : i64
    %convert_element_type3A_17 = arith.trunci %jit3A_16 : i64 to i32
    %eq3A = arith.constant 0 : i32
    %eq3A_18 = arith.cmpi eq, %convert_element_type3A_17, %eq3A : i32
    %jit3A_19 = arith.constant 1 : i32
    %select_n3A_20 = arith.select %eq3A_18, %jit3A_19, %convert_element_type3A_17 : i32
    %rem3A_21 = arith.remsi %arg0, %select_n3A_20 : i32
    %ne3A_22 = arith.constant 0 : i32
    %ne3A_23 = arith.cmpi ne, %rem3A_21, %ne3A_22 : i32
    %lt3A = arith.constant 0 : i32
    %lt3A_24 = arith.cmpi slt, %rem3A_21, %lt3A : i32
    %lt3A_25 = arith.constant 0 : i32
    %lt3A_26 = arith.cmpi slt, %select_n3A_20, %lt3A_25 : i32
    %ne3A_27 = arith.xori %lt3A_24, %lt3A_26 : i1
    %and3A_28 = arith.andi %ne3A_27, %ne3A_23 : i1
    %add3A = arith.addi %rem3A_21, %select_n3A_20 : i32
    %select_n3A_29 = arith.select %and3A_28, %add3A, %rem3A_21 : i32
    %c0_i32 = arith.constant 0 : i32
    %c0_i32_30 = arith.constant 0 : i32
    %c0_i32_31 = arith.constant 0 : i32
    return %select_n3A, %c0_i32, %select_n3A_29, %c0_i32_30 : i32, i32, i32, i32
  }
  func.func @transform_4(%arg0: i32) -> (i32, i32) {
    %c0_i32 = arith.constant 0 : i32
    %c0_i32_0 = arith.constant 0 : i32
    %c0_i32_1 = arith.constant 0 : i32
    return %c0_i32, %c0_i32_0 : i32, i32
  }
  func.func @transform_5(%arg0: i32) -> (i32, i32) {
    %c0_i32 = arith.constant 0 : i32
    %c0_i32_0 = arith.constant 0 : i32
    %c0_i32_1 = arith.constant 0 : i32
    return %c0_i32, %c0_i32_0 : i32, i32
  }
  func.func @transform_6(%arg0: i32) -> (i32, i32) {
    %c0_i32 = arith.constant 0 : i32
    %c0_i32_0 = arith.constant 0 : i32
    %c0_i32_1 = arith.constant 0 : i32
    return %c0_i32, %c0_i32_0 : i32, i32
  }
  func.func @transform_7(%arg0: i32) -> (i32, i32) {
    %c0_i32 = arith.constant 0 : i32
    %c0_i32_0 = arith.constant 0 : i32
    %c0_i32_1 = arith.constant 0 : i32
    return %c0_i32, %c0_i32_0 : i32, i32
  }
  func.func @transform_8(%arg0: i32) -> (i32, i32) {
    %c0_i32 = arith.constant 0 : i32
    %c0_i32_0 = arith.constant 0 : i32
    return %arg0, %c0_i32 : i32, i32
  }
  func.func @transform_9(%arg0: i32) -> (i32, i32) {
    %c0_i32 = arith.constant 0 : i32
    %c0_i32_0 = arith.constant 0 : i32
    return %arg0, %c0_i32 : i32, i32
  }
  func.func @transform_10(%arg0: i32) -> (i32, i32) {
    %c0_i32 = arith.constant 0 : i32
    %c0_i32_0 = arith.constant 0 : i32
    return %arg0, %c0_i32 : i32, i32
  }
}

module attributes {stable_mosaic.version = 14 : i64} {
  func.func @body(%arg0: i32, %arg1: memref<1000x256xf32, #tpu.memory_space<vmem>>, %arg2: memref<1000x128xf32, #tpu.memory_space<vmem>>, %arg3: memref<1000x128xf32, #tpu.memory_space<vmem>>, %arg4: memref<1x16x1000x16xf32, #tpu.memory_space<vmem>>, %arg5: memref<256x256xf32, #tpu.memory_space<vmem>>, %arg6: memref<128x256xf32, #tpu.memory_space<vmem>>, %arg7: memref<128x256xf32, #tpu.memory_space<vmem>>, %arg8: memref<1x256xf32, #tpu.memory_space<vmem>>, %arg9: memref<1000x256xf32, #tpu.memory_space<vmem>>) attributes {dimension_semantics = [#tpu.dimension_semantics<arbitrary>], iteration_bounds = array<i64: 10>, scalar_prefetch = 0 : i64, scratch_operands = 0 : i64, tpu.core_type = #tpu.core_type<tc>, window_params = [{transform_indices = @transform_0, window_bounds = array<i64: 1000, 256>}, {transform_indices = @transform_1, window_bounds = array<i64: 1000, 128>}, {transform_indices = @transform_2, window_bounds = array<i64: 1000, 128>}, {transform_indices = @transform_3, window_bounds = array<i64: 1, 16, 1000, 16>}, {pipeline_mode = #tpu.pipeline_mode<synchronous>, transform_indices = @transform_4, window_bounds = array<i64: 256, 256>}, {pipeline_mode = #tpu.pipeline_mode<synchronous>, transform_indices = @transform_5, window_bounds = array<i64: 128, 256>}, {pipeline_mode = #tpu.pipeline_mode<synchronous>, transform_indices = @transform_6, window_bounds = array<i64: 128, 256>}, {pipeline_mode = #tpu.pipeline_mode<synchronous>, transform_indices = @transform_7, window_bounds = array<i64: 1, 256>}, {transform_indices = @transform_8, window_bounds = array<i64: 1000, 256>}]} {
    %get3A = arith.constant 0 : index
    %get3A_0 = arith.constant 0 : index
    %get3A_1 = vector.load %arg1[%get3A, %get3A_0] : memref<1000x256xf32, #tpu.memory_space<vmem>>, vector<1000x256xf32>
    %get3A_2 = arith.constant 0 : index
    %get3A_3 = arith.constant 0 : index
    %get3A_4 = arith.constant 0 : index
    %get3A_5 = arith.constant 0 : index
    %get3A_6 = vector.load %arg4[%get3A_2, %get3A_3, %get3A_4, %get3A_5] : memref<1x16x1000x16xf32, #tpu.memory_space<vmem>>, vector<1x16x1000x16xf32>
    %get3A_7 = vector.shape_cast %get3A_6 : vector<1x16x1000x16xf32> to vector<16x1000x16xf32>
    %reduce_sum3A = arith.constant dense<0.000000e+00> : vector<1000xf32>
    %reduce_sum3A_8 = vector.multi_reduction <add>, %get3A_7, %reduce_sum3A [0, 2] : vector<16x1000x16xf32> to vector<1000xf32>
    %broadcast_in_dim3A = vector.shape_cast %reduce_sum3A_8 : vector<1000xf32> to vector<1000x1xf32>
    %max3A = arith.constant 1.000000e+00 : f32
    %max3A_9 = vector.broadcast %max3A : f32 to vector<1000x1xf32>
    %max3A_10 = arith.maximumf %broadcast_in_dim3A, %max3A_9 : vector<1000x1xf32>
    %div3A = arith.constant 1.000000e+00 : f32
    %div3A_11 = vector.broadcast %div3A : f32 to vector<1000x1xf32>
    %div3A_12 = arith.divf %div3A_11, %max3A_10 : vector<1000x1xf32>
    %get3A_13 = arith.constant 0 : index
    %get3A_14 = arith.constant 0 : index
    %get3A_15 = vector.load %arg5[%get3A_13, %get3A_14] : memref<256x256xf32, #tpu.memory_space<vmem>>, vector<256x256xf32>
    %dot_general3A = arith.constant dense<0.000000e+00> : vector<1000x256xf32>
    %dot_general3A_16 = tpu.matmul %get3A_1, %get3A_15, %dot_general3A {dimension_numbers = #tpu.dot_dimension_numbers<[1], [0], [0], [1], [0, 0, 1, 1], [], []>, transpose_lhs_hint = false} : vector<1000x256xf32>, vector<256x256xf32>, vector<1000x256xf32> -> vector<1000x256xf32>
    %get3A_17 = arith.constant 0 : index
    %get3A_18 = arith.constant 0 : index
    %get3A_19 = vector.load %arg2[%get3A_17, %get3A_18] : memref<1000x128xf32, #tpu.memory_space<vmem>>, vector<1000x128xf32>
    %mul3A = vector.broadcast %div3A_12 : vector<1000x1xf32> to vector<1000x128xf32>
    %mul3A_20 = arith.mulf %get3A_19, %mul3A : vector<1000x128xf32>
    %get3A_21 = arith.constant 0 : index
    %get3A_22 = arith.constant 0 : index
    %get3A_23 = vector.load %arg6[%get3A_21, %get3A_22] : memref<128x256xf32, #tpu.memory_space<vmem>>, vector<128x256xf32>
    %dot_general3A_24 = arith.constant dense<0.000000e+00> : vector<1000x256xf32>
    %dot_general3A_25 = tpu.matmul %mul3A_20, %get3A_23, %dot_general3A_24 {dimension_numbers = #tpu.dot_dimension_numbers<[1], [0], [0], [1], [0, 0, 1, 1], [], []>, transpose_lhs_hint = false} : vector<1000x128xf32>, vector<128x256xf32>, vector<1000x256xf32> -> vector<1000x256xf32>
    %add3A = arith.addf %dot_general3A_16, %dot_general3A_25 : vector<1000x256xf32>
    %get3A_26 = arith.constant 0 : index
    %get3A_27 = arith.constant 0 : index
    %get3A_28 = vector.load %arg3[%get3A_26, %get3A_27] : memref<1000x128xf32, #tpu.memory_space<vmem>>, vector<1000x128xf32>
    %mul3A_29 = vector.broadcast %div3A_12 : vector<1000x1xf32> to vector<1000x128xf32>
    %mul3A_30 = arith.mulf %get3A_28, %mul3A_29 : vector<1000x128xf32>
    %get3A_31 = arith.constant 0 : index
    %get3A_32 = arith.constant 0 : index
    %get3A_33 = vector.load %arg7[%get3A_31, %get3A_32] : memref<128x256xf32, #tpu.memory_space<vmem>>, vector<128x256xf32>
    %dot_general3A_34 = arith.constant dense<0.000000e+00> : vector<1000x256xf32>
    %dot_general3A_35 = tpu.matmul %mul3A_30, %get3A_33, %dot_general3A_34 {dimension_numbers = #tpu.dot_dimension_numbers<[1], [0], [0], [1], [0, 0, 1, 1], [], []>, transpose_lhs_hint = false} : vector<1000x128xf32>, vector<128x256xf32>, vector<1000x256xf32> -> vector<1000x256xf32>
    %add3A_36 = arith.addf %add3A, %dot_general3A_35 : vector<1000x256xf32>
    %get3A_37 = arith.constant 0 : index
    %get3A_38 = arith.constant 0 : index
    %get3A_39 = vector.load %arg8[%get3A_37, %get3A_38] : memref<1x256xf32, #tpu.memory_space<vmem>>, vector<1x256xf32>
    %add3A_40 = vector.broadcast %get3A_39 : vector<1x256xf32> to vector<1000x256xf32>
    %add3A_41 = arith.addf %add3A_36, %add3A_40 : vector<1000x256xf32>
    %max3A_42 = arith.constant 0.000000e+00 : f32
    %max3A_43 = vector.broadcast %max3A_42 : f32 to vector<1000x256xf32>
    %max3A_44 = arith.maximumf %add3A_41, %max3A_43 : vector<1000x256xf32>
    %add3A_45 = arith.addf %get3A_1, %max3A_44 : vector<1000x256xf32>
    %swap3A = arith.constant 0 : index
    %swap3A_46 = arith.constant 0 : index
    %swap3A_47 = vector.load %arg9[%swap3A, %swap3A_46] : memref<1000x256xf32, #tpu.memory_space<vmem>>, vector<1000x256xf32>
    tpu.vector_store %arg9[%swap3A, %swap3A_46], %add3A_45 {strides = array<i32>} : memref<1000x256xf32, #tpu.memory_space<vmem>>, vector<1000x256xf32>,
    return
  }
  func.func @transform_0(%arg0: i32) -> (i32, i32) {
    %c0_i32 = arith.constant 0 : i32
    %c0_i32_0 = arith.constant 0 : i32
    return %arg0, %c0_i32 : i32, i32
  }
  func.func @transform_1(%arg0: i32) -> (i32, i32) {
    %c0_i32 = arith.constant 0 : i32
    %c0_i32_0 = arith.constant 0 : i32
    return %arg0, %c0_i32 : i32, i32
  }
  func.func @transform_2(%arg0: i32) -> (i32, i32) {
    %c0_i32 = arith.constant 0 : i32
    %c0_i32_0 = arith.constant 0 : i32
    return %arg0, %c0_i32 : i32, i32
  }
  func.func @transform_3(%arg0: i32) -> (i32, i32, i32, i32) {
    %jit3A = arith.constant 5 : i64
    %convert_element_type3A = arith.trunci %jit3A : i64 to i32
    %div3A = arith.divsi %arg0, %convert_element_type3A : i32
    %sign3A = arith.constant 0 : i32
    %sign3A_0 = arith.cmpi sgt, %arg0, %sign3A : i32
    %sign3A_1 = arith.extui %sign3A_0 : i1 to i32
    %sign3A_2 = arith.constant 0 : i32
    %sign3A_3 = arith.cmpi slt, %arg0, %sign3A_2 : i32
    %sign3A_4 = arith.extui %sign3A_3 : i1 to i32
    %sign3A_5 = arith.subi %sign3A_1, %sign3A_4 : i32
    %sign3A_6 = arith.constant 0 : i32
    %sign3A_7 = arith.cmpi sgt, %convert_element_type3A, %sign3A_6 : i32
    %sign3A_8 = arith.extui %sign3A_7 : i1 to i32
    %sign3A_9 = arith.constant 0 : i32
    %sign3A_10 = arith.cmpi slt, %convert_element_type3A, %sign3A_9 : i32
    %sign3A_11 = arith.extui %sign3A_10 : i1 to i32
    %sign3A_12 = arith.subi %sign3A_8, %sign3A_11 : i32
    %ne3A = arith.cmpi ne, %sign3A_5, %sign3A_12 : i32
    %rem3A = arith.remsi %arg0, %convert_element_type3A : i32
    %ne3A_13 = arith.constant 0 : i32
    %ne3A_14 = arith.cmpi ne, %rem3A, %ne3A_13 : i32
    %and3A = arith.andi %ne3A, %ne3A_14 : i1
    %sub3A = arith.constant 1 : i32
    %sub3A_15 = arith.subi %div3A, %sub3A : i32
    %select_n3A = arith.select %and3A, %sub3A_15, %div3A : i32
    %jit3A_16 = arith.constant 5 : i64
    %convert_element_type3A_17 = arith.trunci %jit3A_16 : i64 to i32
    %eq3A = arith.constant 0 : i32
    %eq3A_18 = arith.cmpi eq, %convert_element_type3A_17, %eq3A : i32
    %jit3A_19 = arith.constant 1 : i32
    %select_n3A_20 = arith.select %eq3A_18, %jit3A_19, %convert_element_type3A_17 : i32
    %rem3A_21 = arith.remsi %arg0, %select_n3A_20 : i32
    %ne3A_22 = arith.constant 0 : i32
    %ne3A_23 = arith.cmpi ne, %rem3A_21, %ne3A_22 : i32
    %lt3A = arith.constant 0 : i32
    %lt3A_24 = arith.cmpi slt, %rem3A_21, %lt3A : i32
    %lt3A_25 = arith.constant 0 : i32
    %lt3A_26 = arith.cmpi slt, %select_n3A_20, %lt3A_25 : i32
    %ne3A_27 = arith.xori %lt3A_24, %lt3A_26 : i1
    %and3A_28 = arith.andi %ne3A_27, %ne3A_23 : i1
    %add3A = arith.addi %rem3A_21, %select_n3A_20 : i32
    %select_n3A_29 = arith.select %and3A_28, %add3A, %rem3A_21 : i32
    %c0_i32 = arith.constant 0 : i32
    %c0_i32_30 = arith.constant 0 : i32
    %c0_i32_31 = arith.constant 0 : i32
    return %select_n3A, %c0_i32, %select_n3A_29, %c0_i32_30 : i32, i32, i32, i32
  }
  func.func @transform_4(%arg0: i32) -> (i32, i32) {
    %c0_i32 = arith.constant 0 : i32
    %c0_i32_0 = arith.constant 0 : i32
    %c0_i32_1 = arith.constant 0 : i32
    return %c0_i32, %c0_i32_0 : i32, i32
  }
  func.func @transform_5(%arg0: i32) -> (i32, i32) {
    %c0_i32 = arith.constant 0 : i32
    %c0_i32_0 = arith.constant 0 : i32
    %c0_i32_1 = arith.constant 0 : i32
    return %c0_i32, %c0_i32_0 : i32, i32
  }
  func.func @transform_6(%arg0: i32) -> (i32, i32) {
    %c0_i32 = arith.constant 0 : i32
    %c0_i32_0 = arith.constant 0 : i32
    %c0_i32_1 = arith.constant 0 : i32
    return %c0_i32, %c0_i32_0 : i32, i32
  }
  func.func @transform_7(%arg0: i32) -> (i32, i32) {
    %c0_i32 = arith.constant 0 : i32
    %c0_i32_0 = arith.constant 0 : i32
    %c0_i32_1 = arith.constant 0 : i32
    return %c0_i32, %c0_i32_0 : i32, i32
  }
  func.func @transform_8(%arg0: i32) -> (i32, i32) {
    %c0_i32 = arith.constant 0 : i32
    %c0_i32_0 = arith.constant 0 : i32
    return %arg0, %c0_i32 : i32, i32
  }
}

</mosaic_0001>

<sc_bundles>
// kernel: kernel.10.cloned.1.call-start
scs
__scs_entry_jumppad:
0x0: {  	(pc) =	sbr.rel $0x88, $3  }
0x1: {  	(tag) =	ssettag $0x0;
	lr =	simm.s32 $0x1  }
0x2: {  	[smem:$0x3F99] =	sst lr;
	_ =	strace $0xD0000000  }
0x3: {  	_ = 	snop  }
0x4: {  	_ = 	snop  }
0x5: {  	_ = 	snop  }
0x6: {  	_ = 	snop  }
0x7: {  	_ = 	snop  }
__scs_overlays_trampoline_lowered:
0x8: {  	[smem:$0x3FA8] =	sst s0  }
0x9: {  	[smem:$0x3FA9] =	sst s1  }
0xa: {  	[smem:$0x3FAA] =	sst s2  }
0xb: {  	[smem:$0x3FAB] =	sst s3  }
0xc: {  	[smem:$0x3FAC] =	sst s4  }
0xd: {  	[smem:$0x3FAD] =	sst s5  }
0xe: {  	[smem:$0x3FAE] =	sst s6  }
0xf: {  	[smem:$0x3FAF] =	sst s7  }
0x10: {  	[smem:$0x3FB0] =	sst s8  }
0x11: {  	[smem:$0x3FB1] =	sst s9;
	s0 =	simm.s32 @!p0 $0x0  }
0x12: {  	s1 =	sld [smem:$0x3F97];
	s0 =	simm.s32 @p0 $0x1  }
0x13: {  	[smem:$0x3FB2] =	sst s0;
	s0 =	simm.s32 @!p1 $0x0  }
0x14: {  	s2 =	sld [smem:$0x3F96];
	s0 =	simm.s32 @p1 $0x1  }
0x15: {  	[smem:$0x3FB3] =	sst s0;
	s0 =	simm.s32 @!p2 $0x0  }
0x16: {  	s3 =	sld [smem:$0x3FDB];
	s0 =	simm.s32 @p2 $0x1  }
0x17: {  	s4 =	simm.s32 $0x1BF5;
	[smem:$0x3FB5] =	sst s0  }
0x18: {  	s0 =	sld [smem:$0x3F98];
	_ =	swait.ge [sflag:s4], $0x0  }
0x19: {  	s7 =	sld [smem:$0x3F99]  }
0x1a: {  	s8 =	sadd.s32 $0xFFFFE003, lr  }
0x1b: {  	s9 =	sadd.s32 $0xFFFFFEF7, lr;
	s5 =	simm.s32 $0xFFFFFFFF;
	p2 =	slt.u32 s8, $0xFFFFF086  }
0x1c: {  	p1 =	slt.u32 s9, $0xF7A;
	s5 =	simm.s32 @!p2 $0x0  }
0x1d: {  	s5 =	simm.s32 @p1 $0x1;
	p0 =	seq.s32 s7, s2  }
0x1e: {  	s7 =	smul.u32 @!p0 $0xF7A, s2;
	p2 =	seq.s32 @!p0 s5, $0x0  }
0x1f: {  	s9 =	smul.u32 $0xF7A, s1;
	s8 =	simm.s32 @!p0 $0x1BF5;
	p2 =	por !p2, p0  }
0x20: {  	[sflag:s8] =	ssyncset.s32 @!p0 $0xFFFFF086;
	s6 =	sadd.s32 @!p0 s3, s7;
	s7 =	simm.s32 @!p0 $0x108  }
0x21: {  	s3 =	sadd.s32 s3, s9;
	s6 =	sadd.s32 @!p0 $0x88, s6;
	s7 =	simm.s32 @p2 $0x1082  }
0x22: {  	[simem:s7], [sflag:s8] =	dma.local @!p0 [hbm:s6], $0xF7A  }
0x23: {  	s9 =	sor.u32 $0xD0000000, s2;
	s6 =	simm.s32 $0x108;
	_ =	swait.ge @!p0 [sflag:s8], $0x0  }
0x24: {  	s3 =	sadd.s32 $0x88, s3;
	s6 =	simm.s32 @!p1 $0x1082;
	[sflag:s4] =	ssyncset.s32 $0xFFFFF086  }
0x25: {  	[simem:s6], [sflag:s4] =	dma.local [hbm:s3], $0xF7A  }
0x26: {  	[smem:$0x3F99] =	sst s1;
	(tag) =	ssettag s2;
	_ =	strace s9  }
0x27: {  	s1 =	sld [smem:$0x3FA9]  }
0x28: {  	s2 =	sld [smem:$0x3FAA]  }
0x29: {  	s4 =	sld [smem:$0x3FAC]  }
0x2a: {  	p0 =	seq.s32 s5, $0x0;
	s5 =	sld [smem:$0x3FAD]  }
0x2b: {  	s6 =	sld [smem:$0x3FAE]  }
0x2c: {  	s7 =	sld [smem:$0x3FAF]  }
0x2d: {  	s3 =	simm.s32 $0x108;
	s8 =	sld [smem:$0x3FB0]  }
0x2e: {  	s3 =	simm.s32 @!p0 $0x1082;
	s9 =	sld [smem:$0x3FB1]  }
0x2f: {  	lr =	sadd.s32 s0, s3;
	s0 =	sld [smem:$0x3FA8]  }
0x30: {  	s3 =	sld [smem:$0x3FAB]  }
0x31: {  	[smem:$0x3FB4] =	sst s10  }
0x32: {  	s10 =	sld [smem:$0x3FB2];
	_ =	sdelay $0x3  }
0x33: {  	p0 =	seq.s32 s10, $0x1;
	s10 =	sld [smem:$0x3FB4];
	_ =	sdelay $0x3  }
0x34: {  	[smem:$0x3FB4] =	sst s10  }
0x35: {  	s10 =	sld [smem:$0x3FB3];
	_ =	sdelay $0x3  }
0x36: {  	p1 =	seq.s32 s10, $0x1;
	s10 =	sld [smem:$0x3FB4];
	_ =	sdelay $0x3  }
0x37: {  	[smem:$0x3FB4] =	sst s10  }
0x38: {  	s10 =	sld [smem:$0x3FB5]  }
0x39: {  	_ = 	snop;
	(pc) =	sbr.ind lr, $3  }
0x3a: {  	_ = 	snop  }
0x3b: {  	_ = 	snop  }
0x3c: {  	p2 =	seq.s32 s10, $0x1;
	s10 =	sld [smem:$0x3FB4]  }
0x3d: {  	_ =	shalt  }
0x3e: {  	_ =	shalt  }
0x3f: {  	_ =	shalt  }
0x40: {  	_ =	shalt  }
0x41: {  	_ =	shalt  }
0x42: {  	_ =	shalt  }
0x43: {  	_ =	shalt  }
0x44: {  	_ =	shalt  }
0x45: {  	_ =	shalt  }
0x46: {  	_ =	shalt  }
0x47: {  	_ =	shalt  }
0x48: {  	_ =	shalt  }
0x49: {  	_ =	shalt  }
0x4a: {  	_ =	shalt  }
0x4b: {  	_ =	shalt  }
0x4c: {  	_ =	shalt  }
0x4d: {  	_ =	shalt  }
0x4e: {  	_ =	shalt  }
0x4f: {  	_ =	shalt  }
0x50: {  	_ =	shalt  }
0x51: {  	_ =	shalt  }
0x52: {  	_ =	shalt  }
0x53: {  	_ =	shalt  }
0x54: {  	_ =	shalt  }
0x55: {  	_ =	shalt  }
0x56: {  	_ =	shalt  }
0x57: {  	_ =	shalt  }
0x58: {  	_ =	shalt  }
0x59: {  	_ =	shalt  }
0x5a: {  	_ =	shalt  }
0x5b: {  	_ =	shalt  }
0x5c: {  	_ =	shalt  }
0x5d: {  	_ =	shalt  }
0x5e: {  	_ =	shalt  }
0x5f: {  	_ =	shalt  }
0x60: {  	_ =	shalt  }
0x61: {  	_ =	shalt  }
0x62: {  	_ =	shalt  }
0x63: {  	_ =	shalt  }
0x64: {  	_ =	shalt  }
0x65: {  	_ =	shalt  }
0x66: {  	_ =	shalt  }
0x67: {  	_ =	shalt  }
0x68: {  	_ =	shalt  }
0x69: {  	_ =	shalt  }
0x6a: {  	_ =	shalt  }
0x6b: {  	_ =	shalt  }
0x6c: {  	_ =	shalt  }
0x6d: {  	_ =	shalt  }
0x6e: {  	_ =	shalt  }
0x6f: {  	_ =	shalt  }
0x70: {  	_ =	shalt  }
0x71: {  	_ =	shalt  }
0x72: {  	_ =	shalt  }
0x73: {  	_ =	shalt  }
0x74: {  	_ =	shalt  }
0x75: {  	_ =	shalt  }
0x76: {  	_ =	shalt  }
0x77: {  	_ =	shalt  }
0x78: {  	_ =	shalt  }
0x79: {  	_ =	shalt  }
0x7a: {  	_ =	shalt  }
0x7b: {  	_ =	shalt  }
0x7c: {  	_ =	shalt  }
0x7d: {  	_ =	shalt  }
0x7e: {  	_ =	shalt  }
0x7f: {  	_ =	shalt  }
0x80: {  	_ =	shalt  }
0x81: {  	_ =	shalt  }
0x82: {  	_ =	shalt  }
0x83: {  	_ =	shalt  }
0x84: {  	_ =	shalt  }
0x85: {  	_ =	shalt  }
0x86: {  	_ =	shalt  }
0x87: {  	_ =	shalt  }
.Lfunc_end0:
.L_simem_size_0:
called_computation.1_lowered:
.L_overlay_start_0:
0x88: {  	s2 =	sld [smem:$0x3FD9]  }
0x89: {  	s3 =	sld [smem:$0x3FFE];
	_ =	sdelay $0x1  }
0x8a: {  	s1 =	srdreg.scid  }
0x8b: {  	s0 =	sand.u32 $0x1, s1  }
0x8c: {  	s17 =	sshll.u32 s0, $0xA;
	s2 =	sadd.s32 s3, s2  }
0x8d: {  	s2 =	sadd.s32 s2, s17  }
0x8e: {  	[smem:$0x3FC0] =	sst s2  }
0x8f: {  	_ = 	snop  }
0x90: {  	s2 =	sld [smem:$0x3FD0];
	(tm) =	ssettm $0x1  }
0x91: {  	s18 =	sld [smem:$0x3FFB];
	_ =	sdelay $0x3  }
0x92: {  	_ =	strace s18  }
0x93: {  	s3 =	sld [smem:$0x3FFC];
	_ =	sdelay $0x3  }
0x94: {  	_ =	strace s3  }
0x95: {  	s3 =	sld [smem:$0x3FFD];
	_ =	sdelay $0x3  }
0x96: {  	_ =	strace s3  }
0x97: {  	_ =	strace $0x8FFFFFFF  }
0x98: {  	s19 =	sld [smem:$0x3FDB];
	_ =	sdelay $0x1  }
0x99: {  	s4 =	simm.s32 $_scs_section_size  }
0x9a: {  	s5 =	simm.s32 $_size__tile_overlayer_lowered;
	s6 =	simm.s32 $_tile_overlayer_lowered  }
0x9b: {  	s22 =	simm.s32 $0x1BFF;
	s21 =	sshll.u32 s6, $0x1;
	s3 =	sadd.s32 s4, s19  }
0x9c: {  	s7 =	simm.s32 $0x0;
	s20 =	sshll.u32 s5, $0x1;
	s5 =	sadd.s32 s21, s3  }
0x9d: {  	[timem:s7], [sflag:s22] =	dma.local [hbm:s5], s20  }
0x9e: {  	_ =	swait.ge [sflag:s22], s20  }
0x9f: {  	s4 =	ssub.s32 $0x0, s20;
	[sflag:s22] =	ssyncset.done $0x0  }
0xa0: {  	[sflag:s22] =	ssyncadd.s32 s4;
	_ =	sdelay $0x1  }
0xa1: {  	s23 =	simm.s32 $0x1B8B  }
0xa2: {  	_ =	swait.ge [sflag:s23], $0x1  }
0xa3: {  	[sflag:s23] =	ssyncset.done $0x0  }
0xa4: {  	s25 =	simm.s32 $0x1B8E;
	s24 =	sld [smem:$0x3FFE];
	[sflag:s23] =	ssyncadd.s32 $0xFFFFFFFF  }
0xa5: {  	s26 =	simm.s32 $execute0_lowered;
	[smem:$0x3FD2] =	sst s25  }
0xa6: {  	s5 =	sshll.u32 s26, $0x1;
	_ =	strace $0x80000046;
	[dreg:$0x1] =	wrdreg $0xFFFFFFFF  }
0xa7: {  	s28 =	simm.s32 $_size_execute0_lowered;
	s3 =	sadd.s32 s3, s5;
	[dreg:$0x0] =	wrdreg $0x0  }
0xa8: {  	s5 =	sshll.u32 s28, $0x1;
	[dreg:$0x2] =	wrdreg s3  }
0xa9: {  	[dreg:$0x3] =	wrdreg s5  }
0xaa: {  	[dreg:$0x4] =	wrdreg $0xC0  }
0xab: {  	_ =	task [dreg:s7], $0x5FFFF  }
0xac: {  	[dreg:$0x1] =	wrdreg $0xFFFFFFFF  }
0xad: {  	[dreg:$0x0] =	wrdreg $0x60  }
0xae: {  	[dreg:$0x2] =	wrdreg s24  }
0xaf: {  	[dreg:$0x3] =	wrdreg s2  }
0xb0: {  	[dreg:$0x4] =	wrdreg $0xA  }
0xb1: {  	_ =	task.clear_ibuf [dreg:s7], $0x5FFFF;
	_ =	strace $0x90000046  }
0xb2: {  	s29 =	simm.s32 $0xA;
	_ =	strace $0x80000048  }
0xb3: {  	_ =	swait.ge [sflag:s29], $0x1  }
0xb4: {  	[sflag:s29] =	ssyncadd.s32 $0xFFFFFFFF  }
0xb5: {  	_ =	strace $0x90000048  }
0xb6: {  	_ =	sfence  }
0xb7: {  	s30 =	sld [smem:$0x0];
	_ =	sdelay $0x2  }
0xb8: {  	s31 =	sshll.u32 s1, $0xD;
	s1 =	sshrl.u32 s1, $0x2  }
0xb9: {  	s3 =	sand.u32 $0x4000, s31;
	s1 =	sadd.s32 s1, s30  }
0xba: {  	s0 =	sor.u32 s3, s0;
	s1 =	sshll.u32 s1, $0x11  }
0xbb: {  	s0 =	sor.u32 s1, s0  }
0xbc: {  	s0 =	sadd.s32 $0x8F2B, s0  }
0xbd: {  	[sflag:s0] =	ssyncadd.remote.s32 $0x1  }
0xbe: {  	_ =	sfence.sel $0xFFFF  }
0xbf: {  	[dreg:$0x0] =	wrdreg $0xFFFFFFFF;
	(pc) =	sbr.abs _section_cstart, $3  }
0xc0: {  	[dreg:$0x1] =	wrdreg $0xFFFFFFFF  }
0xc1: {  	_ =	task.clear_ibuf [dreg:s7], $0x2FFFF;
	_ =	strace $0x9FFFFFFF  }
0xc2: {  	(tm) =	ssettm $0x7FFFFFFF  }
0xc3: {  	_ =	shalt  }
tec
execute0_lowered:
.L_overlay_start_1:
0x0: {  	(tag) =	ssettag $0x1  }
0x1: {  	v0 =	vimm.s32 $0x138FF;
	vm0 =	vcmask $0x300  }
0x2: {  	vm14 =	vcmask $0x704;
	v0 =	vsel vm0, $0x13880, v0  }
0x3: {  	s3 =	rddreg [dreg:$0x0];
	vm15 =	vcmask $0xB08;
	v0 =	vsel vm14, $0x13891, v0  }
0x4: {  	s5 =	rddreg [dreg:$0x1];
	vm4 =	vcmask $0xF0C;
	v0 =	vsel vm15, $0x138A2, v0  }
0x5: {  	s0 =	rddreg [dreg:$0x2];
	s4 =	srdreg.scid;
	vm5 =	vcmask $0x1310;
	s2 =	simm.s32 $0x0;
	v0 =	vsel vm4, $0x138B3, v0  }
0x6: {  	s1 =	stileid.u32;
	vm6 =	vcmask $0x1714;
	s12 =	simm.s32 $0x200;
	s13 =	simm.s32 $0x100;
	v0 =	vsel vm5, $0x138C4, v0  }
0x7: {  	vm7 =	vcmask $0x1B18;
	s14 =	simm.s32 $0x2;
	s15 =	simm.s32 $0x3;
	s11 =	smul.u32 $0xA00, s1;
	v0 =	vsel vm6, $0x138D5, v0  }
0x8: {  	vm8 =	vcmask $0x1F1C;
	s16 =	simm.s32 $0x0;
	s4 =	sand.u32 $0x1, s4;
	s30 =	smul.u32 $0x500, s1;
	v0 =	vsel vm7, $0x138E6, v0  }
0x9: {  	vm9 =	vcmask $0x2320;
	[smem:$0x7FF] =	sst s2;
	s7 =	sshrl.u32 s1, $0x3;
	s6 =	smul.u32 $0x138800, s4;
	v0 =	vsel vm8, $0x138F7, v0  }
0xa: {  	vm10 =	vcmask $0x2724;
	s3 =	sadd.s32 $0x3200, s3;
	s10 =	sshll.u32 s1, $0x7;
	s7 =	smul.u32 $0x9C400, s7;
	v0 =	vsel vm9, $0x13888, v0  }
0xb: {  	vm11 =	vcmask $0x2B28;
	_ =	strace $0x80000047;
	s8 =	ssub.s32 $0x2, s4;
	s31 =	smul.u32 $0x1388, s4;
	v0 =	vsel vm10, $0x13899, v0  }
.Ltmp0:
0xc: {  	vm12 =	vcmask $0x2F2C;
	s29 =	sand.u32 $0x380, s10;
	s6 =	sadd.s32 s6, s7;
	v0 =	vsel vm11, $0x138AA, v0;
	(pc) =	sbr.rel .LBB2_1-.Ltmp0, $4  }
0xd: {  	vm13 =	vcmask $0x3330;
	s10 =	simm.s32 $0x400;
	s9 =	sshrl.u32 s8, $0x1;
	s6 =	sor.u32 s29, s6;
	v1 =	vsel vm12, $0x138BB, v0  }
0xe: {  	v4 =	vimm.f32 $1.000000000e+00;
	vm14 =	vcmask $0x3734;
	s4 =	sadd.s32 s3, s11;
	s8 =	ssub.s32 s8, s9;
	s6 =	sshrl.u32 s6, $0x3;
	v2 =	vsel vm13, $0x138CC, v1  }
0xf: {  	vm15 =	vcmask $0x3B38;
	s7 =	sor.u32 $0x20, s30;
	s9 =	simm.s32 $0x80;
	s5 =	sadd.s32 s5, s6;
	v0 =	vmov s31;
	v3 =	vsel vm14, $0x138DD, v2  }
0x10: {  	s6 =	smax.u32 s8, $0x1;
	s8 =	sor.u32 $0x40, s11;
	s11 =	simm.s32 $0x1;
	v1 =	vimm.f32 $0.0e+00;
	v2 =	vlaneseq.u32;
	v3 =	vsel vm15, $0x138EE, v3  }
.LBB2_6:
0x11: {  	s16 =	sadd.s32 $0x1, s16  }
0x12: {  	p0 =	sne.s32 s16, s6  }
.Ltmp1:
0x13: {  	_ = 	snop;
	(pc) =	sbr.rel @!p0 .LBB2_7-.Ltmp1, $4  }
0x14: {  	[hbm4b:s5+s9] =	stream.strided.scatter [tilespmem:s12], [sflag:$0x3], $0x13880, s10, s9, $0x38;
	[tilespmem:$0x13B00] =	vst v63  }
0x15: {  	_ =	swait.ge [sflag:s15], $0x13880  }
0x16: {  	[sflag:s15] =	ssyncset.done $0x0  }
0x17: {  	[sflag:s15] =	ssyncadd.s32 $0xFFFEC780  }
.LBB2_1:
0x18: {  	s17 =	simm.s32 $0x0;
	s18 =	simm.s32 $0x200  }
.LBB2_2:
0x19: {  	p0 =	sne.s32 s18, $0x4E200;
	[tilespmem:s17+$0x270] =	vst v1  }
0x1a: {  	[tilespmem:s17+$0x200] =	vst v1  }
0x1b: {  	[tilespmem:s17+$0x210] =	vst v1  }
.Ltmp2:
0x1c: {  	[tilespmem:s17+$0x220] =	vst v1;
	(pc) =	sbr.rel @p0 .LBB2_2-.Ltmp2, $4  }
0x1d: {  	[tilespmem:s17+$0x230] =	vst v1  }
0x1e: {  	[tilespmem:s17+$0x240] =	vst v1  }
0x1f: {  	[tilespmem:s17+$0x250] =	vst v1  }
0x20: {  	[tilespmem:s17+$0x260] =	vst v1;
	s17 =	sshra.s32 s18, $0x2;
	s18 =	sadd.s32 $0x200, s18  }
0x21: {  	[tilespmem:s17+$0x270] =	vst v1  }
0x22: {  	[tilespmem:s17+$0x200] =	vst v1  }
0x23: {  	[tilespmem:s17+$0x210] =	vst v1  }
0x24: {  	[tilespmem:s17+$0x220] =	vst v1  }
0x25: {  	[tilespmem:s17+$0x230] =	vst v1  }
0x26: {  	[tilespmem:s17+$0x240] =	vst v1  }
0x27: {  	[tilespmem:s17+$0x250] =	vst v1  }
0x28: {  	[tilespmem:s17+$0x260] =	vst v1;
	s17 =	simm.s32 $0x0;
	s18 =	smov.u32 s8  }
0x29: {  	[tilespmem:s17], [sflag:$0x1] =	stream.strided.gather [hbm4b:s4+s9], $0x100, s10, s9, $0x38;
	[tilespmem:$0x13B00] =	vst v63  }
.LBB2_4:
0x2a: {  	_ =	swait.ge [sflag:s11], $0x100  }
0x2b: {  	[sflag:s11] =	ssyncset.done $0x0  }
0x2c: {  	[sflag:s11] =	ssyncadd.s32 $0xFFFFFF00  }
0x2d: {  	v5 =	vld [tilespmem:$0x80];
	_ =	sdelay $0x4  }
0x2e: {  	v5 =	vsub.s32 v5, v0  }
0x2f: {  	v6 =	vshll.u32 v5, $0x4  }
0x30: {  	vm0 =	vlt.u32 v5, $0x1388;
	v5 =	vor.u32 v2, v6  }
0x31: {  	v5 =	vsel vm0, v5, v3;
	_ =	sdelay $0x4  }
0x32: {  	[tilespmem:v5+s12+$0x0] =	vst.idx.add.f32.msk $0xffff, v4  }
0x33: {  	v5 =	vld [tilespmem:$0x90];
	_ =	sdelay $0x4  }
0x34: {  	v5 =	vsub.s32 v5, v0  }
0x35: {  	v6 =	vshll.u32 v5, $0x4  }
0x36: {  	vm13 =	vlt.u32 v5, $0x1388;
	v5 =	vor.u32 v2, v6  }
0x37: {  	v5 =	vsel vm13, v5, v3;
	_ =	sdelay $0x4  }
0x38: {  	[tilespmem:v5+s12+$0x0] =	vst.idx.add.f32.msk $0xffff, v4  }
0x39: {  	v5 =	vld [tilespmem:$0xA0];
	_ =	sdelay $0x4  }
0x3a: {  	v5 =	vsub.s32 v5, v0  }
0x3b: {  	v6 =	vshll.u32 v5, $0x4  }
0x3c: {  	vm14 =	vlt.u32 v5, $0x1388;
	v5 =	vor.u32 v2, v6  }
0x3d: {  	v5 =	vsel vm14, v5, v3;
	_ =	sdelay $0x4  }
0x3e: {  	[tilespmem:v5+s12+$0x0] =	vst.idx.add.f32.msk $0xffff, v4  }
0x3f: {  	v5 =	vld [tilespmem:$0xB0];
	_ =	sdelay $0x4  }
0x40: {  	v5 =	vsub.s32 v5, v0  }
0x41: {  	v6 =	vshll.u32 v5, $0x4  }
0x42: {  	vm15 =	vlt.u32 v5, $0x1388;
	v5 =	vor.u32 v2, v6  }
0x43: {  	v5 =	vsel vm15, v5, v3;
	_ =	sdelay $0x4  }
0x44: {  	[tilespmem:v5+s12+$0x0] =	vst.idx.add.f32.msk $0xffff, v4  }
0x45: {  	v5 =	vld [tilespmem:$0xC0];
	_ =	sdelay $0x4  }
0x46: {  	v5 =	vsub.s32 v5, v0  }
0x47: {  	v6 =	vshll.u32 v5, $0x4  }
0x48: {  	vm4 =	vlt.u32 v5, $0x1388;
	v5 =	vor.u32 v2, v6  }
0x49: {  	v5 =	vsel vm4, v5, v3;
	_ =	sdelay $0x4  }
0x4a: {  	[tilespmem:v5+s12+$0x0] =	vst.idx.add.f32.msk $0xffff, v4  }
0x4b: {  	v5 =	vld [tilespmem:$0xD0];
	_ =	sdelay $0x4  }
0x4c: {  	v5 =	vsub.s32 v5, v0  }
0x4d: {  	v6 =	vshll.u32 v5, $0x4  }
0x4e: {  	vm5 =	vlt.u32 v5, $0x1388;
	v5 =	vor.u32 v2, v6  }
0x4f: {  	v5 =	vsel vm5, v5, v3;
	_ =	sdelay $0x4  }
0x50: {  	[tilespmem:v5+s12+$0x0] =	vst.idx.add.f32.msk $0xffff, v4  }
0x51: {  	v5 =	vld [tilespmem:$0xE0];
	_ =	sdelay $0x4  }
0x52: {  	v5 =	vsub.s32 v5, v0  }
0x53: {  	v6 =	vshll.u32 v5, $0x4  }
0x54: {  	vm6 =	vlt.u32 v5, $0x1388;
	v5 =	vor.u32 v2, v6  }
0x55: {  	v5 =	vsel vm6, v5, v3;
	_ =	sdelay $0x4  }
0x56: {  	[tilespmem:v5+s12+$0x0] =	vst.idx.add.f32.msk $0xffff, v4  }
0x57: {  	v5 =	vld [tilespmem:$0xF0];
	_ =	sdelay $0x4  }
0x58: {  	v5 =	vsub.s32 v5, v0  }
0x59: {  	v6 =	vshll.u32 v5, $0x4  }
0x5a: {  	vm7 =	vlt.u32 v5, $0x1388;
	v5 =	vor.u32 v2, v6  }
0x5b: {  	v5 =	vsel vm7, v5, v3;
	_ =	sdelay $0x1  }
0x5c: {  	s19 =	sadd.s32 $0xFFFFFFC0, s18;
	s20 =	sand.u32 $0x60, s17  }
0x5d: {  	s19 =	sand.u32 $0x1FF00, s19;
	s20 =	sadd.s32 s20, s3  }
0x5e: {  	s19 =	sadd.s32 s19, s20  }
0x5f: {  	s19 =	sadd.s32 $0x10, s19;
	[tilespmem:v5+s12+$0x0] =	vst.idx.add.f32.msk $0xffff, v4  }
0x60: {  	[tilespmem:s13], [sflag:$0x2] =	stream.strided.gather [hbm4b:s19+s9], $0x100, s10, s9, $0x38;
	[tilespmem:$0x13B00] =	vst v63  }
0x61: {  	_ =	swait.ge [sflag:s14], $0x100  }
0x62: {  	[sflag:s14] =	ssyncset.done $0x0  }
0x63: {  	[sflag:s14] =	ssyncadd.s32 $0xFFFFFF00  }
0x64: {  	v5 =	vld [tilespmem:$0x180];
	_ =	sdelay $0x4  }
0x65: {  	v5 =	vsub.s32 v5, v0  }
0x66: {  	v6 =	vshll.u32 v5, $0x4  }
0x67: {  	vm8 =	vlt.u32 v5, $0x1388;
	v5 =	vor.u32 v2, v6  }
0x68: {  	v5 =	vsel vm8, v5, v3;
	_ =	sdelay $0x4  }
0x69: {  	[tilespmem:v5+s12+$0x0] =	vst.idx.add.f32.msk $0xffff, v4  }
0x6a: {  	v5 =	vld [tilespmem:$0x190];
	_ =	sdelay $0x4  }
0x6b: {  	v5 =	vsub.s32 v5, v0  }
0x6c: {  	v6 =	vshll.u32 v5, $0x4  }
0x6d: {  	vm9 =	vlt.u32 v5, $0x1388;
	v5 =	vor.u32 v2, v6  }
0x6e: {  	v5 =	vsel vm9, v5, v3;
	_ =	sdelay $0x4  }
0x6f: {  	[tilespmem:v5+s12+$0x0] =	vst.idx.add.f32.msk $0xffff, v4  }
0x70: {  	v5 =	vld [tilespmem:$0x1A0];
	_ =	sdelay $0x4  }
0x71: {  	v5 =	vsub.s32 v5, v0  }
0x72: {  	v6 =	vshll.u32 v5, $0x4  }
0x73: {  	vm10 =	vlt.u32 v5, $0x1388;
	v5 =	vor.u32 v2, v6  }
0x74: {  	v5 =	vsel vm10, v5, v3;
	_ =	sdelay $0x4  }
0x75: {  	[tilespmem:v5+s12+$0x0] =	vst.idx.add.f32.msk $0xffff, v4  }
0x76: {  	v5 =	vld [tilespmem:$0x1B0];
	_ =	sdelay $0x4  }
0x77: {  	v5 =	vsub.s32 v5, v0  }
0x78: {  	v6 =	vshll.u32 v5, $0x4  }
0x79: {  	vm11 =	vlt.u32 v5, $0x1388;
	v5 =	vor.u32 v2, v6  }
0x7a: {  	v5 =	vsel vm11, v5, v3;
	_ =	sdelay $0x4  }
0x7b: {  	[tilespmem:v5+s12+$0x0] =	vst.idx.add.f32.msk $0xffff, v4  }
0x7c: {  	v5 =	vld [tilespmem:$0x1C0];
	_ =	sdelay $0x4  }
0x7d: {  	v5 =	vsub.s32 v5, v0  }
0x7e: {  	v6 =	vshll.u32 v5, $0x4  }
0x7f: {  	vm12 =	vlt.u32 v5, $0x1388;
	v5 =	vor.u32 v2, v6  }
0x80: {  	v5 =	vsel vm12, v5, v3;
	_ =	sdelay $0x4  }
0x81: {  	[tilespmem:v5+s12+$0x0] =	vst.idx.add.f32.msk $0xffff, v4  }
0x82: {  	v5 =	vld [tilespmem:$0x1D0];
	_ =	sdelay $0x4  }
0x83: {  	v5 =	vsub.s32 v5, v0  }
0x84: {  	v6 =	vshll.u32 v5, $0x4  }
0x85: {  	vm13 =	vlt.u32 v5, $0x1388;
	v5 =	vor.u32 v2, v6  }
0x86: {  	v5 =	vsel vm13, v5, v3;
	_ =	sdelay $0x4  }
0x87: {  	[tilespmem:v5+s12+$0x0] =	vst.idx.add.f32.msk $0xffff, v4  }
0x88: {  	v5 =	vld [tilespmem:$0x1E0];
	_ =	sdelay $0x4  }
0x89: {  	v5 =	vsub.s32 v5, v0  }
0x8a: {  	v6 =	vshll.u32 v5, $0x4  }
0x8b: {  	vm14 =	vlt.u32 v5, $0x1388;
	v5 =	vor.u32 v2, v6  }
0x8c: {  	v5 =	vsel vm14, v5, v3;
	_ =	sdelay $0x4  }
0x8d: {  	[tilespmem:v5+s12+$0x0] =	vst.idx.add.f32.msk $0xffff, v4  }
0x8e: {  	v5 =	vld [tilespmem:$0x1F0];
	_ =	sdelay $0x4  }
0x8f: {  	v5 =	vsub.s32 v5, v0  }
0x90: {  	v6 =	vshll.u32 v5, $0x4  }
0x91: {  	vm15 =	vlt.u32 v5, $0x1388;
	v5 =	vor.u32 v2, v6  }
0x92: {  	p0 =	seq.s32 s17, $0x4E0;
	v5 =	vsel vm15, v5, v3  }
.Ltmp3:
0x93: {  	_ = 	snop;
	(pc) =	sbr.rel @p0 .LBB2_6-.Ltmp3, $2  }
0x94: {  	_ =	sdelay $0x2  }
0x95: {  	[tilespmem:v5+s12+$0x0] =	vst.idx.add.f32.msk $0xffff, v4  }
.Ltmp4:
0x96: {  	s19 =	sadd.s32 s17, s7;
	(pc) =	sbr.rel .LBB2_4-.Ltmp4, $4  }
0x97: {  	s19 =	sand.u32 $0x60, s19  }
0x98: {  	s20 =	sand.u32 $0xFFFFF00, s18;
	s19 =	sadd.s32 s3, s19  }
0x99: {  	s17 =	sadd.s32 $0x20, s17;
	s18 =	sadd.s32 $0x40, s18;
	s19 =	sadd.s32 s20, s19  }
0x9a: {  	[tilespmem:s2], [sflag:$0x1] =	stream.strided.gather [hbm4b:s19+s9], $0x100, s10, s9, $0x38;
	[tilespmem:$0x13B00] =	vst v63  }
.LBB2_7:
0x9b: {  	_ =	sfence.sel $0x180000  }
0x9c: {  	[bflag:$0x0] =	sbarrier.arrive $0xFFFF  }
0x9d: {  	p0 =	sne.s32 s1, $0x0;
	_ =	strace $0x90000047  }
0x9e: {  	s0 =	sadd.s32 @!p0 $0x100000, s0;
	[bflag:$0x2] =	sbarrier.arrive $0xFFFF  }
0x9f: {  	[sflag:s0] =	ssyncadd.tile.s32 @!p0 $0x1;
	_ =	shalt  }
.Lfunc_end2:
_tile_overlayer_lowered:
.L_overlay_start_2:
0xa0: {  	(tag) =	ssettag $0x2  }
0xa1: {  	s0 =	rddreg [dreg:$0x0];
	s2 =	stileid.u32  }
0xa2: {  	s1 =	rddreg [dreg:$0x1];
	p0 =	sne.s32 s2, $0x0  }
0xa3: {  	s3 =	rddreg [dreg:$0x2];
	[bflag:$0x3] =	sbarrier.arrive $0xFFFF;
	s2 =	simm.s32 @!p0 $0x1C03  }
0xa4: {  	[timem:s3], [sflag:s2] =	dma.local @!p0 [hbm:s0], s1  }
0xa5: {  	s0 =	simm.s32 @!p0 $0x3  }
0xa6: {  	_ =	swait.ge @!p0 [sflag:s0], s1  }
0xa7: {  	s1 =	ssub.s32 @!p0 $0x0, s1;
	[sflag:s0] =	ssyncset.done @!p0 $0x0  }
0xa8: {  	[sflag:s0] =	ssyncadd.s32 @!p0 s1  }
0xa9: {  	[bflag:$0x3] =	sbarrier.arrive $0xFFFF  }
0xaa: {  	_ =	shalt  }

// kernel: kernel.13.cloned.1.call-start
scs
__scs_entry_jumppad:
0x0: {  	(pc) =	sbr.rel $0x88, $3  }
0x1: {  	(tag) =	ssettag $0x0;
	lr =	simm.s32 $0x1  }
0x2: {  	[smem:$0x3F99] =	sst lr;
	_ =	strace $0xD0000000  }
0x3: {  	_ = 	snop  }
0x4: {  	_ = 	snop  }
0x5: {  	_ = 	snop  }
0x6: {  	_ = 	snop  }
0x7: {  	_ = 	snop  }
__scs_overlays_trampoline_lowered:
0x8: {  	[smem:$0x3FA8] =	sst s0  }
0x9: {  	[smem:$0x3FA9] =	sst s1  }
0xa: {  	[smem:$0x3FAA] =	sst s2  }
0xb: {  	[smem:$0x3FAB] =	sst s3  }
0xc: {  	[smem:$0x3FAC] =	sst s4  }
0xd: {  	[smem:$0x3FAD] =	sst s5  }
0xe: {  	[smem:$0x3FAE] =	sst s6  }
0xf: {  	[smem:$0x3FAF] =	sst s7  }
0x10: {  	[smem:$0x3FB0] =	sst s8  }
0x11: {  	[smem:$0x3FB1] =	sst s9;
	s0 =	simm.s32 @!p0 $0x0  }
0x12: {  	s1 =	sld [smem:$0x3F97];
	s0 =	simm.s32 @p0 $0x1  }
0x13: {  	[smem:$0x3FB2] =	sst s0;
	s0 =	simm.s32 @!p1 $0x0  }
0x14: {  	s2 =	sld [smem:$0x3F96];
	s0 =	simm.s32 @p1 $0x1  }
0x15: {  	[smem:$0x3FB3] =	sst s0;
	s0 =	simm.s32 @!p2 $0x0  }
0x16: {  	s3 =	sld [smem:$0x3FDB];
	s0 =	simm.s32 @p2 $0x1  }
0x17: {  	s4 =	simm.s32 $0x1BF5;
	[smem:$0x3FB5] =	sst s0  }
0x18: {  	s0 =	sld [smem:$0x3F98];
	_ =	swait.ge [sflag:s4], $0x0  }
0x19: {  	s7 =	sld [smem:$0x3F99]  }
0x1a: {  	s8 =	sadd.s32 $0xFFFFE003, lr  }
0x1b: {  	s9 =	sadd.s32 $0xFFFFFEF7, lr;
	s5 =	simm.s32 $0xFFFFFFFF;
	p2 =	slt.u32 s8, $0xFFFFF086  }
0x1c: {  	p1 =	slt.u32 s9, $0xF7A;
	s5 =	simm.s32 @!p2 $0x0  }
0x1d: {  	s5 =	simm.s32 @p1 $0x1;
	p0 =	seq.s32 s7, s2  }
0x1e: {  	s7 =	smul.u32 @!p0 $0xF7A, s2;
	p2 =	seq.s32 @!p0 s5, $0x0  }
0x1f: {  	s9 =	smul.u32 $0xF7A, s1;
	s8 =	simm.s32 @!p0 $0x1BF5;
	p2 =	por !p2, p0  }
0x20: {  	[sflag:s8] =	ssyncset.s32 @!p0 $0xFFFFF086;
	s6 =	sadd.s32 @!p0 s3, s7;
	s7 =	simm.s32 @!p0 $0x108  }
0x21: {  	s3 =	sadd.s32 s3, s9;
	s6 =	sadd.s32 @!p0 $0x88, s6;
	s7 =	simm.s32 @p2 $0x1082  }
0x22: {  	[simem:s7], [sflag:s8] =	dma.local @!p0 [hbm:s6], $0xF7A  }
0x23: {  	s9 =	sor.u32 $0xD0000000, s2;
	s6 =	simm.s32 $0x108;
	_ =	swait.ge @!p0 [sflag:s8], $0x0  }
0x24: {  	s3 =	sadd.s32 $0x88, s3;
	s6 =	simm.s32 @!p1 $0x1082;
	[sflag:s4] =	ssyncset.s32 $0xFFFFF086  }
0x25: {  	[simem:s6], [sflag:s4] =	dma.local [hbm:s3], $0xF7A  }
0x26: {  	[smem:$0x3F99] =	sst s1;
	(tag) =	ssettag s2;
	_ =	strace s9  }
0x27: {  	s1 =	sld [smem:$0x3FA9]  }
0x28: {  	s2 =	sld [smem:$0x3FAA]  }
0x29: {  	s4 =	sld [smem:$0x3FAC]  }
0x2a: {  	p0 =	seq.s32 s5, $0x0;
	s5 =	sld [smem:$0x3FAD]  }
0x2b: {  	s6 =	sld [smem:$0x3FAE]  }
0x2c: {  	s7 =	sld [smem:$0x3FAF]  }
0x2d: {  	s3 =	simm.s32 $0x108;
	s8 =	sld [smem:$0x3FB0]  }
0x2e: {  	s3 =	simm.s32 @!p0 $0x1082;
	s9 =	sld [smem:$0x3FB1]  }
0x2f: {  	lr =	sadd.s32 s0, s3;
	s0 =	sld [smem:$0x3FA8]  }
0x30: {  	s3 =	sld [smem:$0x3FAB]  }
0x31: {  	[smem:$0x3FB4] =	sst s10  }
0x32: {  	s10 =	sld [smem:$0x3FB2];
	_ =	sdelay $0x3  }
0x33: {  	p0 =	seq.s32 s10, $0x1;
	s10 =	sld [smem:$0x3FB4];
	_ =	sdelay $0x3  }
0x34: {  	[smem:$0x3FB4] =	sst s10  }
0x35: {  	s10 =	sld [smem:$0x3FB3];
	_ =	sdelay $0x3  }
0x36: {  	p1 =	seq.s32 s10, $0x1;
	s10 =	sld [smem:$0x3FB4];
	_ =	sdelay $0x3  }
0x37: {  	[smem:$0x3FB4] =	sst s10  }
0x38: {  	s10 =	sld [smem:$0x3FB5]  }
0x39: {  	_ = 	snop;
	(pc) =	sbr.ind lr, $3  }
0x3a: {  	_ = 	snop  }
0x3b: {  	_ = 	snop  }
0x3c: {  	p2 =	seq.s32 s10, $0x1;
	s10 =	sld [smem:$0x3FB4]  }
0x3d: {  	_ =	shalt  }
0x3e: {  	_ =	shalt  }
0x3f: {  	_ =	shalt  }
0x40: {  	_ =	shalt  }
0x41: {  	_ =	shalt  }
0x42: {  	_ =	shalt  }
0x43: {  	_ =	shalt  }
0x44: {  	_ =	shalt  }
0x45: {  	_ =	shalt  }
0x46: {  	_ =	shalt  }
0x47: {  	_ =	shalt  }
0x48: {  	_ =	shalt  }
0x49: {  	_ =	shalt  }
0x4a: {  	_ =	shalt  }
0x4b: {  	_ =	shalt  }
0x4c: {  	_ =	shalt  }
0x4d: {  	_ =	shalt  }
0x4e: {  	_ =	shalt  }
0x4f: {  	_ =	shalt  }
0x50: {  	_ =	shalt  }
0x51: {  	_ =	shalt  }
0x52: {  	_ =	shalt  }
0x53: {  	_ =	shalt  }
0x54: {  	_ =	shalt  }
0x55: {  	_ =	shalt  }
0x56: {  	_ =	shalt  }
0x57: {  	_ =	shalt  }
0x58: {  	_ =	shalt  }
0x59: {  	_ =	shalt  }
0x5a: {  	_ =	shalt  }
0x5b: {  	_ =	shalt  }
0x5c: {  	_ =	shalt  }
0x5d: {  	_ =	shalt  }
0x5e: {  	_ =	shalt  }
0x5f: {  	_ =	shalt  }
0x60: {  	_ =	shalt  }
0x61: {  	_ =	shalt  }
0x62: {  	_ =	shalt  }
0x63: {  	_ =	shalt  }
0x64: {  	_ =	shalt  }
0x65: {  	_ =	shalt  }
0x66: {  	_ =	shalt  }
0x67: {  	_ =	shalt  }
0x68: {  	_ =	shalt  }
0x69: {  	_ =	shalt  }
0x6a: {  	_ =	shalt  }
0x6b: {  	_ =	shalt  }
0x6c: {  	_ =	shalt  }
0x6d: {  	_ =	shalt  }
0x6e: {  	_ =	shalt  }
0x6f: {  	_ =	shalt  }
0x70: {  	_ =	shalt  }
0x71: {  	_ =	shalt  }
0x72: {  	_ =	shalt  }
0x73: {  	_ =	shalt  }
0x74: {  	_ =	shalt  }
0x75: {  	_ =	shalt  }
0x76: {  	_ =	shalt  }
0x77: {  	_ =	shalt  }
0x78: {  	_ =	shalt  }
0x79: {  	_ =	shalt  }
0x7a: {  	_ =	shalt  }
0x7b: {  	_ =	shalt  }
0x7c: {  	_ =	shalt  }
0x7d: {  	_ =	shalt  }
0x7e: {  	_ =	shalt  }
0x7f: {  	_ =	shalt  }
0x80: {  	_ =	shalt  }
0x81: {  	_ =	shalt  }
0x82: {  	_ =	shalt  }
0x83: {  	_ =	shalt  }
0x84: {  	_ =	shalt  }
0x85: {  	_ =	shalt  }
0x86: {  	_ =	shalt  }
0x87: {  	_ =	shalt  }
.Lfunc_end0:
.L_simem_size_0:
called_computation.2_lowered:
.L_overlay_start_0:
0x88: {  	s2 =	sld [smem:$0x3FD9]  }
0x89: {  	s3 =	sld [smem:$0x3FFE];
	_ =	sdelay $0x1  }
0x8a: {  	s1 =	srdreg.scid  }
0x8b: {  	s0 =	sand.u32 $0x1, s1  }
0x8c: {  	s16 =	sshll.u32 s0, $0xA;
	s2 =	sadd.s32 s3, s2  }
0x8d: {  	s2 =	sadd.s32 s2, s16  }
0x8e: {  	[smem:$0x3FC0] =	sst s2  }
0x8f: {  	_ = 	snop  }
0x90: {  	(tm) =	ssettm $0x1  }
0x91: {  	s17 =	sld [smem:$0x3FFB];
	_ =	sdelay $0x3  }
0x92: {  	_ =	strace s17  }
0x93: {  	s2 =	sld [smem:$0x3FFC];
	_ =	sdelay $0x3  }
0x94: {  	_ =	strace s2  }
0x95: {  	s2 =	sld [smem:$0x3FFD];
	_ =	sdelay $0x3  }
0x96: {  	_ =	strace s2  }
0x97: {  	_ =	strace $0x8FFFFFFF  }
0x98: {  	s18 =	sld [smem:$0x3FDB];
	_ =	sdelay $0x1  }
0x99: {  	s19 =	simm.s32 $_scs_section_size  }
0x9a: {  	s4 =	simm.s32 $_size__tile_overlayer_lowered;
	s5 =	simm.s32 $_tile_overlayer_lowered  }
0x9b: {  	s22 =	simm.s32 $0x1BFF;
	s21 =	sshll.u32 s5, $0x1;
	s2 =	sadd.s32 s19, s18  }
0x9c: {  	s6 =	simm.s32 $0x0;
	s20 =	sshll.u32 s4, $0x1;
	s4 =	sadd.s32 s21, s2  }
0x9d: {  	[timem:s6], [sflag:s22] =	dma.local [hbm:s4], s20  }
0x9e: {  	_ =	swait.ge [sflag:s22], s20  }
0x9f: {  	s3 =	ssub.s32 $0x0, s20;
	[sflag:s22] =	ssyncset.done $0x0  }
0xa0: {  	[sflag:s22] =	ssyncadd.s32 s3;
	_ =	sdelay $0x1  }
0xa1: {  	s23 =	simm.s32 $0x1B8B  }
0xa2: {  	_ =	swait.ge [sflag:s23], $0x1  }
0xa3: {  	[sflag:s23] =	ssyncset.done $0x0  }
0xa4: {  	s25 =	simm.s32 $0x1B8E;
	s24 =	sld [smem:$0x3FFE];
	[sflag:s23] =	ssyncadd.s32 $0xFFFFFFFF  }
0xa5: {  	s26 =	simm.s32 $execute0_lowered;
	[smem:$0x3FD2] =	sst s25  }
0xa6: {  	s4 =	sshll.u32 s26, $0x1;
	_ =	strace $0x8000004C;
	[dreg:$0x1] =	wrdreg $0xFFFFFFFF  }
0xa7: {  	s28 =	simm.s32 $_size_execute0_lowered;
	s2 =	sadd.s32 s2, s4;
	[dreg:$0x0] =	wrdreg $0x0  }
0xa8: {  	s4 =	sshll.u32 s28, $0x1;
	[dreg:$0x2] =	wrdreg s2  }
0xa9: {  	[dreg:$0x3] =	wrdreg s4  }
0xaa: {  	[dreg:$0x4] =	wrdreg $0xC0  }
0xab: {  	_ =	task [dreg:s6], $0x5FFFF  }
0xac: {  	[dreg:$0x1] =	wrdreg $0xFFFFFFFF  }
0xad: {  	[dreg:$0x0] =	wrdreg $0x60  }
0xae: {  	[dreg:$0x2] =	wrdreg s24  }
0xaf: {  	[dreg:$0x3] =	wrdreg $0x83000  }
0xb0: {  	[dreg:$0x4] =	wrdreg $0x9  }
0xb1: {  	_ =	task.clear_ibuf [dreg:s6], $0x5FFFF;
	_ =	strace $0x9000004C  }
0xb2: {  	s29 =	simm.s32 $0x9;
	_ =	strace $0x8000004E  }
0xb3: {  	_ =	swait.ge [sflag:s29], $0x1  }
0xb4: {  	[sflag:s29] =	ssyncadd.s32 $0xFFFFFFFF  }
0xb5: {  	_ =	strace $0x9000004E  }
0xb6: {  	_ =	sfence  }
0xb7: {  	s30 =	sld [smem:$0x0];
	_ =	sdelay $0x2  }
0xb8: {  	s31 =	sshll.u32 s1, $0xD;
	s1 =	sshrl.u32 s1, $0x2  }
0xb9: {  	s3 =	sand.u32 $0x4000, s31;
	s1 =	sadd.s32 s1, s30  }
0xba: {  	s0 =	sor.u32 s3, s0;
	s1 =	sshll.u32 s1, $0x11  }
0xbb: {  	s0 =	sor.u32 s1, s0  }
0xbc: {  	s0 =	sadd.s32 $0x8F2B, s0  }
0xbd: {  	[sflag:s0] =	ssyncadd.remote.s32 $0x1  }
0xbe: {  	_ =	sfence.sel $0xFFFF  }
0xbf: {  	[dreg:$0x0] =	wrdreg $0xFFFFFFFF;
	(pc) =	sbr.abs _section_cstart, $3  }
0xc0: {  	[dreg:$0x1] =	wrdreg $0xFFFFFFFF  }
0xc1: {  	_ =	task.clear_ibuf [dreg:s6], $0x2FFFF;
	_ =	strace $0x9FFFFFFF  }
0xc2: {  	(tm) =	ssettm $0x7FFFFFFF  }
0xc3: {  	_ =	shalt  }
tec
execute0_lowered:
.L_overlay_start_1:
0x0: {  	(tag) =	ssettag $0x1  }
0x1: {  	s0 =	rddreg [dreg:$0x0]  }
0x2: {  	s2 =	rddreg [dreg:$0x1];
	s10 =	stileid.u32  }
0x3: {  	s3 =	simm.s32 $0x0;
	s1 =	srdreg.scid;
	s5 =	smul.u32 $0x4E000, s10  }
0x4: {  	[smem:$0x7FF] =	sst s3;
	s6 =	smul.u32 $0x2700, s10;
	s1 =	sand.u32 $0x1, s1  }
0x5: {  	s4 =	sadd.s32 $0x3200, s0;
	s17 =	smul.u32 $0xA00, s10;
	s19 =	sadd.s32 $0x126800, s2  }
0x6: {  	s22 =	sadd.s32 $0x7FF00, s0;
	s23 =	smul.u32 $0x500, s10;
	s26 =	sadd.s32 $0x128800, s2  }
0x7: {  	s28 =	sadd.s32 $0x12A800, s2;
	_ =	strace $0x8000004D;
	[dreg:$0xc] =	wrdreg s19  }
0x8: {  	s29 =	sadd.s32 $0x12C800, s2;
	s30 =	sadd.s32 $0x12E800, s2;
	[dreg:$0xf] =	wrdreg s22  }
0x9: {  	s31 =	sadd.s32 $0x130800, s2;
	s7 =	ssub.s32 $0x2, s1;
	[dreg:$0x14] =	wrdreg s26  }
0xa: {  	p0 =	seq.s32 s1, $0x0;
	p4 =	seq.s32 s1, $0x1;
	[dreg:$0x15] =	wrdreg s28  }
0xb: {  	s1 =	simm.s32 $0xD200;
	[dreg:$0x16] =	wrdreg s29;
	s19 =	simm.s32 $0x5  }
0xc: {  	s22 =	simm.s32 $0x0;
	s5 =	sshrl.u32 s5, $0x2;
	s6 =	sadd.s32 s6, s0  }
0xd: {  	s8 =	sshrl.u32 s7, $0x1;
	s20 =	sadd.s32 s4, s17;
	s1 =	simm.s32 @!p0 $0x34400  }
0xe: {  	s25 =	sor.u32 $0x40, s17;
	p0 =	seq.s32 s10, $0xF;
	p2 =	seq.s32 @p4 s10, $0xF  }
0xf: {  	p5 =	seq.s32 @!p4 s10, $0xF;
	s10 =	simm.s32 $0x400;
	s17 =	simm.s32 $0x3  }
0x10: {  	s5 =	sadd.s32 s5, s2;
	s7 =	ssub.s32 s7, s8;
	[dreg:$0xd] =	wrdreg s20  }
0x11: {  	s21 =	sadd.s32 $0x5B600, s6;
	s6 =	sadd.s32 $0x82800, s6;
	[dreg:$0x13] =	wrdreg s25  }
0x12: {  	p1 =	por !p2, !p4;
	p2 =	por p2, !p4;
	[dreg:$0xe] =	wrdreg s21  }
0x13: {  	p3 =	por !p5, p4;
	s9 =	sadd.s32 $0x2000, s5;
	[dreg:$0x10] =	wrdreg s6  }
0x14: {  	p4 =	por p5, p4;
	s11 =	sadd.s32 $0x4000, s5;
	[dreg:$0x3] =	wrdreg s9  }
0x15: {  	s8 =	sadd.s32 $0x138800, s2;
	s12 =	sadd.s32 $0x6000, s5;
	[dreg:$0x4] =	wrdreg s11  }
0x16: {  	s20 =	simm.s32 $0x6;
	s13 =	sadd.s32 $0x8000, s5;
	[dreg:$0x5] =	wrdreg s12  }
0x17: {  	s14 =	sadd.s32 $0xA000, s5;
	s15 =	sadd.s32 $0xC000, s5;
	[dreg:$0x6] =	wrdreg s13  }
0x18: {  	s16 =	sadd.s32 $0xE000, s5;
	s18 =	sadd.s32 $0x12000, s5;
	[dreg:$0x7] =	wrdreg s14  }
0x19: {  	s21 =	sadd.s32 s1, s0;
	s0 =	sadd.s32 $0xA7100, s0;
	[dreg:$0x8] =	wrdreg s15  }
0x1a: {  	s24 =	smax.u32 s7, $0x1;
	s6 =	sadd.s32 $0x134800, s2;
	[dreg:$0x9] =	wrdreg s16  }
0x1b: {  	s7 =	sadd.s32 $0x136800, s2;
	s1 =	simm.s32 $0x4;
	[dreg:$0xb] =	wrdreg s18  }
.Ltmp0:
0x1c: {  	s9 =	sadd.s32 $0x10000, s5;
	[dreg:$0x11] =	wrdreg s0;
	(pc) =	sbr.rel .LBB2_1-.Ltmp0, $4  }
0x1d: {  	s15 =	sadd.s32 $0x124800, s2;
	[dreg:$0x12] =	wrdreg s24;
	s24 =	sor.u32 $0x20, s23  }
0x1e: {  	s0 =	sadd.s32 $0x132800, s2;
	s11 =	simm.s32 $0x1;
	s12 =	simm.s32 $0x300  }
0x1f: {  	s13 =	simm.s32 $0x100;
	s14 =	simm.s32 $0x2;
	s16 =	simm.s32 $0x4300  }
0x20: {  	v0 =	vimm.f32 $0.0e+00;
	s18 =	simm.s32 $0x200;
	[dreg:$0xa] =	wrdreg s9;
	s9 =	simm.s32 $0x80  }
.LBB2_6:
0x21: {  	_ =	swait.ge [sflag:s1], $0x4000  }
0x22: {  	[sflag:s1] =	ssyncset.done $0x0  }
0x23: {  	s23 =	simm.s32 $0x280;
	[sflag:s1] =	ssyncadd.s32 $0xFFFFC000  }
0x24: {  	[spmem:s2] =	stream.indirect.scatter.add.f32 [tilespmem:s16], [sflag:$0x6], $0x80, s23, s9, $0xb8;
	[tilespmem:$0x1BBC0] =	vst v63  }
0x25: {  	_ =	swait.ge [sflag:s19], $0x4000  }
0x26: {  	[sflag:s19] =	ssyncset.done $0x0  }
0x27: {  	[sflag:s19] =	ssyncadd.s32 $0xFFFFC000  }
0x28: {  	_ =	swait.ge [sflag:s20], $0x4000  }
0x29: {  	[sflag:s20] =	ssyncset.done $0x0  }
0x2a: {  	[sflag:s20] =	ssyncadd.s32 $0xFFFFC000  }
0x2b: {  	[bflag:$0x0] =	sbarrier.arrive $0xFFFF  }
0x2c: {  	s25 =	simm.s32 @!p1 $0x1FC7;
	s23 =	sshrl.u32 @!p1 s15, $0x3;
	s26 =	rddreg [dreg:$0x11]  }
0x2d: {  	[hbm:s26], [sflag:s25] =	dma.local @!p1 [spmem:s23], $0x2800  }
0x2e: {  	s23 =	simm.s32 @!p1 $0x7  }
0x2f: {  	s28 =	stileid.u32;
	_ =	swait.ge @!p1 [sflag:s23], $0x2800  }
0x30: {  	s25 =	sshll.u32 @!p2 s28, $0x6;
	[sflag:s23] =	ssyncset.done @!p1 $0x0;
	s26 =	rddreg [dreg:$0x10]  }
0x31: {  	[sflag:s23] =	ssyncadd.s32 @!p1 $0xFFFFD800;
	s23 =	sor.u32 @!p2 $0x1C07, s25;
	s25 =	sshrl.u32 @!p2 s5, $0x3  }
0x32: {  	[hbm:s26], [sflag:s23] =	dma.local @!p2 [spmem:s25], $0x2700  }
0x33: {  	s23 =	simm.s32 @!p2 $0x7  }
0x34: {  	_ =	swait.ge @!p2 [sflag:s23], $0x2700  }
0x35: {  	s25 =	simm.s32 @!p3 $0x1FC7;
	[sflag:s23] =	ssyncset.done @!p2 $0x0  }
0x36: {  	s26 =	rddreg [dreg:$0xf];
	[sflag:s23] =	ssyncadd.s32 @!p2 $0xFFFFD900;
	s23 =	sshrl.u32 @!p3 s15, $0x3  }
0x37: {  	[hbm:s26], [sflag:s25] =	dma.local @!p3 [spmem:s23], $0x2800  }
0x38: {  	s23 =	simm.s32 @!p3 $0x7  }
0x39: {  	_ =	swait.ge @!p3 [sflag:s23], $0x2800  }
0x3a: {  	s25 =	sshll.u32 @!p4 s28, $0x6;
	[sflag:s23] =	ssyncset.done @!p3 $0x0;
	s28 =	rddreg [dreg:$0xe]  }
0x3b: {  	[sflag:s23] =	ssyncadd.s32 @!p3 $0xFFFFD800;
	s23 =	sor.u32 @!p4 $0x1C07, s25;
	s25 =	sshrl.u32 @!p4 s5, $0x3  }
0x3c: {  	[hbm:s28], [sflag:s23] =	dma.local @!p4 [spmem:s25], $0x2700  }
0x3d: {  	s23 =	simm.s32 @!p4 $0x7  }
0x3e: {  	_ =	swait.ge @!p4 [sflag:s23], $0x2700  }
0x3f: {  	s22 =	sadd.s32 $0x1, s22;
	s29 =	rddreg [dreg:$0x12]  }
0x40: {  	p5 =	sne.s32 s22, s29  }
.Ltmp1:
0x41: {  	_ = 	snop;
	(pc) =	sbr.rel @!p5 .LBB2_7-.Ltmp1, $3  }
0x42: {  	_ =	sdelay $0x1  }
0x43: {  	[sflag:s23] =	ssyncset.done @!p4 $0x0  }
0x44: {  	s26 =	stileid.u32;
	[sflag:s23] =	ssyncadd.s32 @!p4 $0xFFFFD900  }
.LBB2_1:
0x45: {  	s23 =	simm.s32 $0x0;
	s25 =	simm.s32 $0x200  }
.LBB2_2:
0x46: {  	p5 =	sne.s32 s25, $0x7E00;
	[tilespmem:s23+$0x370] =	vst v0  }
0x47: {  	[tilespmem:s23+$0x300] =	vst v0  }
0x48: {  	[tilespmem:s23+$0x310] =	vst v0  }
.Ltmp2:
0x49: {  	[tilespmem:s23+$0x320] =	vst v0;
	(pc) =	sbr.rel @p5 .LBB2_2-.Ltmp2, $4  }
0x4a: {  	[tilespmem:s23+$0x330] =	vst v0  }
0x4b: {  	[tilespmem:s23+$0x340] =	vst v0  }
0x4c: {  	[tilespmem:s23+$0x350] =	vst v0  }
0x4d: {  	[tilespmem:s23+$0x360] =	vst v0;
	s23 =	sshra.s32 s25, $0x2;
	s25 =	sadd.s32 $0x200, s25  }
0x4e: {  	[tilespmem:s23+$0x370] =	vst v0  }
0x4f: {  	[tilespmem:s23+$0x300] =	vst v0  }
0x50: {  	[tilespmem:s23+$0x310] =	vst v0  }
0x51: {  	[tilespmem:s23+$0x320] =	vst v0  }
0x52: {  	[tilespmem:s23+$0x330] =	vst v0  }
0x53: {  	[tilespmem:s23+$0x340] =	vst v0  }
0x54: {  	[tilespmem:s23+$0x350] =	vst v0  }
0x55: {  	[tilespmem:s23+$0x360] =	vst v0;
	s23 =	simm.s32 @p0 $0x300;
	s25 =	simm.s32 @p0 $0x7  }
0x56: {  	[spmem:s15] =	stream.linear.scatter @p0 [tilespmem:s23], [sflag:$0x7], $0x2000, $0x38;
	[tilespmem:$0x1BBC0] =	vst v63  }
0x57: {  	_ =	swait.ge @p0 [sflag:s25], $0x2000  }
0x58: {  	[sflag:s25] =	ssyncset.done @p0 $0x0  }
0x59: {  	s26 =	rddreg [dreg:$0xc];
	[sflag:s25] =	ssyncadd.s32 @p0 $0xFFFFE000  }
0x5a: {  	[spmem:s26] =	stream.linear.scatter @p0 [tilespmem:s23], [sflag:$0x7], $0x2000, $0x38;
	[tilespmem:$0x1BBC0] =	vst v63  }
0x5b: {  	_ =	swait.ge @p0 [sflag:s25], $0x2000  }
0x5c: {  	[sflag:s25] =	ssyncset.done @p0 $0x0  }
0x5d: {  	s26 =	rddreg [dreg:$0x14];
	[sflag:s25] =	ssyncadd.s32 @p0 $0xFFFFE000  }
0x5e: {  	[spmem:s26] =	stream.linear.scatter @p0 [tilespmem:s23], [sflag:$0x7], $0x2000, $0x38;
	[tilespmem:$0x1BBC0] =	vst v63  }
0x5f: {  	_ =	swait.ge @p0 [sflag:s25], $0x2000  }
0x60: {  	[sflag:s25] =	ssyncset.done @p0 $0x0  }
0x61: {  	s26 =	rddreg [dreg:$0x15];
	[sflag:s25] =	ssyncadd.s32 @p0 $0xFFFFE000  }
0x62: {  	[spmem:s26] =	stream.linear.scatter @p0 [tilespmem:s23], [sflag:$0x7], $0x2000, $0x38;
	[tilespmem:$0x1BBC0] =	vst v63  }
0x63: {  	_ =	swait.ge @p0 [sflag:s25], $0x2000  }
0x64: {  	[sflag:s25] =	ssyncset.done @p0 $0x0  }
0x65: {  	s26 =	rddreg [dreg:$0x16];
	[sflag:s25] =	ssyncadd.s32 @p0 $0xFFFFE000  }
0x66: {  	[spmem:s26] =	stream.linear.scatter @p0 [tilespmem:s23], [sflag:$0x7], $0x2000, $0x38;
	[tilespmem:$0x1BBC0] =	vst v63  }
0x67: {  	_ =	swait.ge @p0 [sflag:s25], $0x2000  }
0x68: {  	[sflag:s25] =	ssyncset.done @p0 $0x0  }
0x69: {  	[sflag:s25] =	ssyncadd.s32 @p0 $0xFFFFE000  }
0x6a: {  	[spmem:s30] =	stream.linear.scatter @p0 [tilespmem:s23], [sflag:$0x7], $0x2000, $0x38;
	[tilespmem:$0x1BBC0] =	vst v63  }
0x6b: {  	_ =	swait.ge @p0 [sflag:s25], $0x2000  }
0x6c: {  	[sflag:s25] =	ssyncset.done @p0 $0x0  }
0x6d: {  	[sflag:s25] =	ssyncadd.s32 @p0 $0xFFFFE000  }
0x6e: {  	[spmem:s31] =	stream.linear.scatter @p0 [tilespmem:s23], [sflag:$0x7], $0x2000, $0x38;
	[tilespmem:$0x1BBC0] =	vst v63  }
0x6f: {  	_ =	swait.ge @p0 [sflag:s25], $0x2000  }
0x70: {  	[sflag:s25] =	ssyncset.done @p0 $0x0  }
0x71: {  	[sflag:s25] =	ssyncadd.s32 @p0 $0xFFFFE000  }
0x72: {  	[spmem:s0] =	stream.linear.scatter @p0 [tilespmem:s23], [sflag:$0x7], $0x2000, $0x38;
	[tilespmem:$0x1BBC0] =	vst v63  }
0x73: {  	_ =	swait.ge @p0 [sflag:s25], $0x2000  }
0x74: {  	[sflag:s25] =	ssyncset.done @p0 $0x0  }
0x75: {  	[sflag:s25] =	ssyncadd.s32 @p0 $0xFFFFE000  }
0x76: {  	[spmem:s6] =	stream.linear.scatter @p0 [tilespmem:s23], [sflag:$0x7], $0x2000, $0x38;
	[tilespmem:$0x1BBC0] =	vst v63  }
0x77: {  	_ =	swait.ge @p0 [sflag:s25], $0x2000  }
0x78: {  	[sflag:s25] =	ssyncset.done @p0 $0x0  }
0x79: {  	[sflag:s25] =	ssyncadd.s32 @p0 $0xFFFFE000  }
0x7a: {  	[spmem:s7] =	stream.linear.scatter @p0 [tilespmem:s23], [sflag:$0x7], $0x2000, $0x38;
	[tilespmem:$0x1BBC0] =	vst v63  }
0x7b: {  	_ =	swait.ge @p0 [sflag:s25], $0x2000  }
0x7c: {  	[sflag:s25] =	ssyncset.done @p0 $0x0  }
0x7d: {  	[sflag:s25] =	ssyncadd.s32 @p0 $0xFFFFE000  }
0x7e: {  	[spmem:s8] =	stream.linear.scatter @p0 [tilespmem:s23], [sflag:$0x7], $0x400, $0x38;
	[tilespmem:$0x1BBC0] =	vst v63  }
0x7f: {  	_ =	swait.ge @p0 [sflag:s25], $0x400  }
0x80: {  	[sflag:s25] =	ssyncset.done @p0 $0x0  }
0x81: {  	s23 =	simm.s32 @!p0 $0x300;
	[sflag:s25] =	ssyncadd.s32 @p0 $0xFFFFFC00;
	s25 =	simm.s32 @!p0 $0x7  }
0x82: {  	[spmem:s5] =	stream.linear.scatter @!p0 [tilespmem:s23], [sflag:$0x7], $0x2000, $0x38;
	[tilespmem:$0x1BBC0] =	vst v63  }
0x83: {  	_ =	swait.ge @!p0 [sflag:s25], $0x2000  }
0x84: {  	[sflag:s25] =	ssyncset.done @!p0 $0x0  }
0x85: {  	s26 =	rddreg [dreg:$0x3];
	[sflag:s25] =	ssyncadd.s32 @!p0 $0xFFFFE000  }
0x86: {  	[spmem:s26] =	stream.linear.scatter @!p0 [tilespmem:s23], [sflag:$0x7], $0x2000, $0x38;
	[tilespmem:$0x1BBC0] =	vst v63  }
0x87: {  	_ =	swait.ge @!p0 [sflag:s25], $0x2000  }
0x88: {  	[sflag:s25] =	ssyncset.done @!p0 $0x0  }
0x89: {  	s26 =	rddreg [dreg:$0x4];
	[sflag:s25] =	ssyncadd.s32 @!p0 $0xFFFFE000  }
0x8a: {  	[spmem:s26] =	stream.linear.scatter @!p0 [tilespmem:s23], [sflag:$0x7], $0x2000, $0x38;
	[tilespmem:$0x1BBC0] =	vst v63  }
0x8b: {  	_ =	swait.ge @!p0 [sflag:s25], $0x2000  }
0x8c: {  	[sflag:s25] =	ssyncset.done @!p0 $0x0  }
0x8d: {  	s26 =	rddreg [dreg:$0x5];
	[sflag:s25] =	ssyncadd.s32 @!p0 $0xFFFFE000  }
0x8e: {  	[spmem:s26] =	stream.linear.scatter @!p0 [tilespmem:s23], [sflag:$0x7], $0x2000, $0x38;
	[tilespmem:$0x1BBC0] =	vst v63  }
0x8f: {  	_ =	swait.ge @!p0 [sflag:s25], $0x2000  }
0x90: {  	[sflag:s25] =	ssyncset.done @!p0 $0x0  }
0x91: {  	s26 =	rddreg [dreg:$0x6];
	[sflag:s25] =	ssyncadd.s32 @!p0 $0xFFFFE000  }
0x92: {  	[spmem:s26] =	stream.linear.scatter @!p0 [tilespmem:s23], [sflag:$0x7], $0x2000, $0x38;
	[tilespmem:$0x1BBC0] =	vst v63  }
0x93: {  	_ =	swait.ge @!p0 [sflag:s25], $0x2000  }
0x94: {  	[sflag:s25] =	ssyncset.done @!p0 $0x0  }
0x95: {  	s26 =	rddreg [dreg:$0x7];
	[sflag:s25] =	ssyncadd.s32 @!p0 $0xFFFFE000  }
0x96: {  	[spmem:s26] =	stream.linear.scatter @!p0 [tilespmem:s23], [sflag:$0x7], $0x2000, $0x38;
	[tilespmem:$0x1BBC0] =	vst v63  }
0x97: {  	_ =	swait.ge @!p0 [sflag:s25], $0x2000  }
0x98: {  	[sflag:s25] =	ssyncset.done @!p0 $0x0  }
0x99: {  	s26 =	rddreg [dreg:$0x8];
	[sflag:s25] =	ssyncadd.s32 @!p0 $0xFFFFE000  }
0x9a: {  	[spmem:s26] =	stream.linear.scatter @!p0 [tilespmem:s23], [sflag:$0x7], $0x2000, $0x38;
	[tilespmem:$0x1BBC0] =	vst v63  }
0x9b: {  	_ =	swait.ge @!p0 [sflag:s25], $0x2000  }
0x9c: {  	[sflag:s25] =	ssyncset.done @!p0 $0x0  }
0x9d: {  	s26 =	rddreg [dreg:$0x9];
	[sflag:s25] =	ssyncadd.s32 @!p0 $0xFFFFE000  }
0x9e: {  	[spmem:s26] =	stream.linear.scatter @!p0 [tilespmem:s23], [sflag:$0x7], $0x2000, $0x38;
	[tilespmem:$0x1BBC0] =	vst v63  }
0x9f: {  	_ =	swait.ge @!p0 [sflag:s25], $0x2000  }
0xa0: {  	[sflag:s25] =	ssyncset.done @!p0 $0x0  }
0xa1: {  	s26 =	rddreg [dreg:$0xa];
	[sflag:s25] =	ssyncadd.s32 @!p0 $0xFFFFE000  }
0xa2: {  	[spmem:s26] =	stream.linear.scatter @!p0 [tilespmem:s23], [sflag:$0x7], $0x2000, $0x38;
	[tilespmem:$0x1BBC0] =	vst v63  }
0xa3: {  	_ =	swait.ge @!p0 [sflag:s25], $0x2000  }
0xa4: {  	[sflag:s25] =	ssyncset.done @!p0 $0x0  }
0xa5: {  	s26 =	rddreg [dreg:$0xb];
	[sflag:s25] =	ssyncadd.s32 @!p0 $0xFFFFE000  }
0xa6: {  	[spmem:s26] =	stream.linear.scatter @!p0 [tilespmem:s23], [sflag:$0x7], $0x1800, $0x38;
	[tilespmem:$0x1BBC0] =	vst v63  }
0xa7: {  	_ =	swait.ge @!p0 [sflag:s25], $0x1800  }
0xa8: {  	[sflag:s25] =	ssyncset.done @!p0 $0x0  }
0xa9: {  	[sflag:s25] =	ssyncadd.s32 @!p0 $0xFFFFE800  }
0xaa: {  	[bflag:$0x0] =	sbarrier.arrive $0xFFFF  }
0xab: {  	s29 =	rddreg [dreg:$0xd]  }
0xac: {  	s23 =	simm.s32 $0x0;
	s25 =	rddreg [dreg:$0x13]  }
0xad: {  	[tilespmem:s23], [sflag:$0x1] =	stream.strided.gather [hbm4b:s29+s9], $0x100, s10, s9, $0x38;
	[tilespmem:$0x1BBC0] =	vst v63  }
.LBB2_4:
0xae: {  	p5 =	seq.s32 s23, $0x0  }
0xaf: {  	s26 =	simm.s32 @!p5 $0x5  }
0xb0: {  	_ =	swait.ge @!p5 [sflag:s26], $0x4000  }
0xb1: {  	[sflag:s26] =	ssyncset.done @!p5 $0x0  }
0xb2: {  	[sflag:s26] =	ssyncadd.s32 @!p5 $0xFFFFC000  }
0xb3: {  	_ =	swait.ge [sflag:s11], $0x100  }
0xb4: {  	[sflag:s11] =	ssyncset.done $0x0  }
0xb5: {  	[sflag:s11] =	ssyncadd.s32 $0xFFFFFF00  }
0xb6: {  	v1 =	vld [tilespmem:$0x80]  }
0xb7: {  	v2 =	vld [tilespmem:$0x90]  }
0xb8: {  	v3 =	vld [tilespmem:$0xA0]  }
0xb9: {  	v4 =	vld [tilespmem:$0xB0]  }
0xba: {  	v5 =	vld [tilespmem:$0xC0]  }
0xbb: {  	[tilespmem:$0x200] =	vst v1;
	v1 =	vld [tilespmem:$0xD0]  }
0xbc: {  	[tilespmem:$0x210] =	vst v2;
	v2 =	vld [tilespmem:$0xE0]  }
0xbd: {  	[tilespmem:$0x220] =	vst v3;
	v3 =	vld [tilespmem:$0xF0]  }
0xbe: {  	[tilespmem:$0x230] =	vst v4  }
0xbf: {  	[tilespmem:$0x240] =	vst v5  }
0xc0: {  	[tilespmem:$0x250] =	vst v1  }
0xc1: {  	[tilespmem:$0x260] =	vst v2  }
0xc2: {  	s26 =	simm.s32 @!p5 $0x4;
	[tilespmem:$0x270] =	vst v3  }
0xc3: {  	[tilespmem:s12], [sflag:$0x3] =	stream.indirect.gather [hbm4b:s21+s9], $0x80, s3, s9, $0xb8;
	[tilespmem:$0x1BBC0] =	vst v63  }
0xc4: {  	_ =	swait.ge @!p5 [sflag:s26], $0x4000  }
0xc5: {  	s28 =	simm.s32 @!p5 $0x280;
	[sflag:s26] =	ssyncset.done @!p5 $0x0  }
0xc6: {  	s29 =	simm.s32 @!p5 $0x4300;
	[sflag:s26] =	ssyncadd.s32 @!p5 $0xFFFFC000;
	s26 =	simm.s32 @!p5 $0x80  }
0xc7: {  	[spmem:s2] =	stream.indirect.scatter.add.f32 @!p5 [tilespmem:s29], [sflag:$0x6], $0x80, s28, s26, $0xb8;
	[tilespmem:$0x1BBC0] =	vst v63  }
0xc8: {  	s26 =	sadd.s32 $0xFFFFFFC0, s25;
	s29 =	sand.u32 $0x60, s23  }
0xc9: {  	s26 =	sand.u32 $0x1FF00, s26;
	s28 =	sadd.s32 s29, s4  }
0xca: {  	s26 =	sadd.s32 s26, s28  }
0xcb: {  	s26 =	sadd.s32 $0x10, s26  }
0xcc: {  	[tilespmem:s13], [sflag:$0x2] =	stream.strided.gather [hbm4b:s26+s9], $0x100, s10, s9, $0x38;
	[tilespmem:$0x1BBC0] =	vst v63  }
0xcd: {  	s26 =	simm.s32 @!p5 $0x6  }
0xce: {  	_ =	swait.ge @!p5 [sflag:s26], $0x4000  }
0xcf: {  	[sflag:s26] =	ssyncset.done @!p5 $0x0  }
0xd0: {  	[sflag:s26] =	ssyncadd.s32 @!p5 $0xFFFFC000  }
0xd1: {  	_ =	swait.ge [sflag:s14], $0x100  }
0xd2: {  	[sflag:s14] =	ssyncset.done $0x0  }
0xd3: {  	[sflag:s14] =	ssyncadd.s32 $0xFFFFFF00  }
0xd4: {  	v1 =	vld [tilespmem:$0x180]  }
0xd5: {  	v2 =	vld [tilespmem:$0x190]  }
0xd6: {  	v3 =	vld [tilespmem:$0x1A0]  }
0xd7: {  	v62 =	vld [tilespmem:$0x1B0]  }
0xd8: {  	v63 =	vld [tilespmem:$0x1C0]  }
0xd9: {  	[tilespmem:$0x280] =	vst v1;
	v1 =	vld [tilespmem:$0x1D0]  }
0xda: {  	[tilespmem:$0x290] =	vst v2;
	v2 =	vld [tilespmem:$0x1E0]  }
0xdb: {  	[tilespmem:$0x2A0] =	vst v3;
	v3 =	vld [tilespmem:$0x1F0]  }
0xdc: {  	[tilespmem:$0x2B0] =	vst v62  }
0xdd: {  	[tilespmem:$0x2C0] =	vst v63  }
0xde: {  	[tilespmem:$0x2D0] =	vst v1  }
0xdf: {  	[tilespmem:$0x2E0] =	vst v2  }
0xe0: {  	p5 =	seq.s32 s23, $0x4E0;
	[tilespmem:$0x2F0] =	vst v3  }
0xe1: {  	[tilespmem:s16], [sflag:$0x4] =	stream.indirect.gather [hbm4b:s21+s9], $0x80, s13, s9, $0xb8;
	[tilespmem:$0x1BBC0] =	vst v63  }
.Ltmp3:
0xe2: {  	_ = 	snop;
	(pc) =	sbr.rel @p5 .LBB2_6-.Ltmp3, $4  }
0xe3: {  	_ =	swait.ge [sflag:s17], $0x4000  }
0xe4: {  	[sflag:s17] =	ssyncset.done $0x0  }
0xe5: {  	[sflag:s17] =	ssyncadd.s32 $0xFFFFC000  }
0xe6: {  	[spmem:s2] =	stream.indirect.scatter.add.f32 [tilespmem:s12], [sflag:$0x5], $0x80, s18, s9, $0xb8;
	[tilespmem:$0x1BBC0] =	vst v63  }
.Ltmp4:
0xe7: {  	s26 =	sadd.s32 s23, s24;
	(pc) =	sbr.rel .LBB2_4-.Ltmp4, $4  }
0xe8: {  	s26 =	sand.u32 $0x60, s26  }
0xe9: {  	s28 =	sand.u32 $0xFFFFF00, s25;
	s26 =	sadd.s32 s4, s26  }
0xea: {  	s23 =	sadd.s32 $0x20, s23;
	s25 =	sadd.s32 $0x40, s25;
	s26 =	sadd.s32 s28, s26  }
0xeb: {  	[tilespmem:s3], [sflag:$0x1] =	stream.strided.gather [hbm4b:s26+s9], $0x100, s10, s9, $0x38;
	[tilespmem:$0x1BBC0] =	vst v63  }
.LBB2_7:
0xec: {  	_ =	sfence.sel $0x180000  }
0xed: {  	[bflag:$0x0] =	sbarrier.arrive $0xFFFF  }
0xee: {  	_ =	strace $0x9000004D  }
0xef: {  	[bflag:$0x2] =	sbarrier.arrive $0xFFFF  }
0xf0: {  	p0 =	sne.s32 s26, $0x0;
	s0 =	rddreg [dreg:$0x2]  }
0xf1: {  	s0 =	sadd.s32 @!p0 $0x100000, s0  }
0xf2: {  	[sflag:s0] =	ssyncadd.tile.s32 @!p0 $0x1;
	_ =	shalt  }
.Lfunc_end2:
_tile_overlayer_lowered:
.L_overlay_start_2:
0xf3: {  	(tag) =	ssettag $0x2  }
0xf4: {  	s0 =	rddreg [dreg:$0x0];
	s2 =	stileid.u32  }
0xf5: {  	s1 =	rddreg [dreg:$0x1];
	p0 =	sne.s32 s2, $0x0  }
0xf6: {  	s3 =	rddreg [dreg:$0x2];
	[bflag:$0x3] =	sbarrier.arrive $0xFFFF;
	s2 =	simm.s32 @!p0 $0x1C07  }
0xf7: {  	[timem:s3], [sflag:s2] =	dma.local @!p0 [hbm:s0], s1  }
0xf8: {  	s0 =	simm.s32 @!p0 $0x7  }
0xf9: {  	_ =	swait.ge @!p0 [sflag:s0], s1  }
0xfa: {  	s1 =	ssub.s32 @!p0 $0x0, s1;
	[sflag:s0] =	ssyncset.done @!p0 $0x0  }
0xfb: {  	[sflag:s0] =	ssyncadd.s32 @!p0 s1  }
0xfc: {  	[bflag:$0x3] =	sbarrier.arrive $0xFFFF  }
0xfd: {  	_ =	shalt  }

// kernel: kernel.7.cloned.1.call-start
scs
__scs_entry_jumppad:
0x0: {  	(pc) =	sbr.rel $0x88, $3  }
0x1: {  	(tag) =	ssettag $0x0;
	lr =	simm.s32 $0x1  }
0x2: {  	[smem:$0x3F99] =	sst lr;
	_ =	strace $0xD0000000  }
0x3: {  	_ = 	snop  }
0x4: {  	_ = 	snop  }
0x5: {  	_ = 	snop  }
0x6: {  	_ = 	snop  }
0x7: {  	_ = 	snop  }
__scs_overlays_trampoline_lowered:
0x8: {  	[smem:$0x3FA8] =	sst s0  }
0x9: {  	[smem:$0x3FA9] =	sst s1  }
0xa: {  	[smem:$0x3FAA] =	sst s2  }
0xb: {  	[smem:$0x3FAB] =	sst s3  }
0xc: {  	[smem:$0x3FAC] =	sst s4  }
0xd: {  	[smem:$0x3FAD] =	sst s5  }
0xe: {  	[smem:$0x3FAE] =	sst s6  }
0xf: {  	[smem:$0x3FAF] =	sst s7  }
0x10: {  	[smem:$0x3FB0] =	sst s8  }
0x11: {  	[smem:$0x3FB1] =	sst s9;
	s0 =	simm.s32 @!p0 $0x0  }
0x12: {  	s1 =	sld [smem:$0x3F97];
	s0 =	simm.s32 @p0 $0x1  }
0x13: {  	[smem:$0x3FB2] =	sst s0;
	s0 =	simm.s32 @!p1 $0x0  }
0x14: {  	s2 =	sld [smem:$0x3F96];
	s0 =	simm.s32 @p1 $0x1  }
0x15: {  	[smem:$0x3FB3] =	sst s0;
	s0 =	simm.s32 @!p2 $0x0  }
0x16: {  	s3 =	sld [smem:$0x3FDB];
	s0 =	simm.s32 @p2 $0x1  }
0x17: {  	s4 =	simm.s32 $0x1BF5;
	[smem:$0x3FB5] =	sst s0  }
0x18: {  	s0 =	sld [smem:$0x3F98];
	_ =	swait.ge [sflag:s4], $0x0  }
0x19: {  	s7 =	sld [smem:$0x3F99]  }
0x1a: {  	s8 =	sadd.s32 $0xFFFFE003, lr  }
0x1b: {  	s9 =	sadd.s32 $0xFFFFFEF7, lr;
	s5 =	simm.s32 $0xFFFFFFFF;
	p2 =	slt.u32 s8, $0xFFFFF086  }
0x1c: {  	p1 =	slt.u32 s9, $0xF7A;
	s5 =	simm.s32 @!p2 $0x0  }
0x1d: {  	s5 =	simm.s32 @p1 $0x1;
	p0 =	seq.s32 s7, s2  }
0x1e: {  	s7 =	smul.u32 @!p0 $0xF7A, s2;
	p2 =	seq.s32 @!p0 s5, $0x0  }
0x1f: {  	s9 =	smul.u32 $0xF7A, s1;
	s8 =	simm.s32 @!p0 $0x1BF5;
	p2 =	por !p2, p0  }
0x20: {  	[sflag:s8] =	ssyncset.s32 @!p0 $0xFFFFF086;
	s6 =	sadd.s32 @!p0 s3, s7;
	s7 =	simm.s32 @!p0 $0x108  }
0x21: {  	s3 =	sadd.s32 s3, s9;
	s6 =	sadd.s32 @!p0 $0x88, s6;
	s7 =	simm.s32 @p2 $0x1082  }
0x22: {  	[simem:s7], [sflag:s8] =	dma.local @!p0 [hbm:s6], $0xF7A  }
0x23: {  	s9 =	sor.u32 $0xD0000000, s2;
	s6 =	simm.s32 $0x108;
	_ =	swait.ge @!p0 [sflag:s8], $0x0  }
0x24: {  	s3 =	sadd.s32 $0x88, s3;
	s6 =	simm.s32 @!p1 $0x1082;
	[sflag:s4] =	ssyncset.s32 $0xFFFFF086  }
0x25: {  	[simem:s6], [sflag:s4] =	dma.local [hbm:s3], $0xF7A  }
0x26: {  	[smem:$0x3F99] =	sst s1;
	(tag) =	ssettag s2;
	_ =	strace s9  }
0x27: {  	s1 =	sld [smem:$0x3FA9]  }
0x28: {  	s2 =	sld [smem:$0x3FAA]  }
0x29: {  	s4 =	sld [smem:$0x3FAC]  }
0x2a: {  	p0 =	seq.s32 s5, $0x0;
	s5 =	sld [smem:$0x3FAD]  }
0x2b: {  	s6 =	sld [smem:$0x3FAE]  }
0x2c: {  	s7 =	sld [smem:$0x3FAF]  }
0x2d: {  	s3 =	simm.s32 $0x108;
	s8 =	sld [smem:$0x3FB0]  }
0x2e: {  	s3 =	simm.s32 @!p0 $0x1082;
	s9 =	sld [smem:$0x3FB1]  }
0x2f: {  	lr =	sadd.s32 s0, s3;
	s0 =	sld [smem:$0x3FA8]  }
0x30: {  	s3 =	sld [smem:$0x3FAB]  }
0x31: {  	[smem:$0x3FB4] =	sst s10  }
0x32: {  	s10 =	sld [smem:$0x3FB2];
	_ =	sdelay $0x3  }
0x33: {  	p0 =	seq.s32 s10, $0x1;
	s10 =	sld [smem:$0x3FB4];
	_ =	sdelay $0x3  }
0x34: {  	[smem:$0x3FB4] =	sst s10  }
0x35: {  	s10 =	sld [smem:$0x3FB3];
	_ =	sdelay $0x3  }
0x36: {  	p1 =	seq.s32 s10, $0x1;
	s10 =	sld [smem:$0x3FB4];
	_ =	sdelay $0x3  }
0x37: {  	[smem:$0x3FB4] =	sst s10  }
0x38: {  	s10 =	sld [smem:$0x3FB5]  }
0x39: {  	_ = 	snop;
	(pc) =	sbr.ind lr, $3  }
0x3a: {  	_ = 	snop  }
0x3b: {  	_ = 	snop  }
0x3c: {  	p2 =	seq.s32 s10, $0x1;
	s10 =	sld [smem:$0x3FB4]  }
0x3d: {  	_ =	shalt  }
0x3e: {  	_ =	shalt  }
0x3f: {  	_ =	shalt  }
0x40: {  	_ =	shalt  }
0x41: {  	_ =	shalt  }
0x42: {  	_ =	shalt  }
0x43: {  	_ =	shalt  }
0x44: {  	_ =	shalt  }
0x45: {  	_ =	shalt  }
0x46: {  	_ =	shalt  }
0x47: {  	_ =	shalt  }
0x48: {  	_ =	shalt  }
0x49: {  	_ =	shalt  }
0x4a: {  	_ =	shalt  }
0x4b: {  	_ =	shalt  }
0x4c: {  	_ =	shalt  }
0x4d: {  	_ =	shalt  }
0x4e: {  	_ =	shalt  }
0x4f: {  	_ =	shalt  }
0x50: {  	_ =	shalt  }
0x51: {  	_ =	shalt  }
0x52: {  	_ =	shalt  }
0x53: {  	_ =	shalt  }
0x54: {  	_ =	shalt  }
0x55: {  	_ =	shalt  }
0x56: {  	_ =	shalt  }
0x57: {  	_ =	shalt  }
0x58: {  	_ =	shalt  }
0x59: {  	_ =	shalt  }
0x5a: {  	_ =	shalt  }
0x5b: {  	_ =	shalt  }
0x5c: {  	_ =	shalt  }
0x5d: {  	_ =	shalt  }
0x5e: {  	_ =	shalt  }
0x5f: {  	_ =	shalt  }
0x60: {  	_ =	shalt  }
0x61: {  	_ =	shalt  }
0x62: {  	_ =	shalt  }
0x63: {  	_ =	shalt  }
0x64: {  	_ =	shalt  }
0x65: {  	_ =	shalt  }
0x66: {  	_ =	shalt  }
0x67: {  	_ =	shalt  }
0x68: {  	_ =	shalt  }
0x69: {  	_ =	shalt  }
0x6a: {  	_ =	shalt  }
0x6b: {  	_ =	shalt  }
0x6c: {  	_ =	shalt  }
0x6d: {  	_ =	shalt  }
0x6e: {  	_ =	shalt  }
0x6f: {  	_ =	shalt  }
0x70: {  	_ =	shalt  }
0x71: {  	_ =	shalt  }
0x72: {  	_ =	shalt  }
0x73: {  	_ =	shalt  }
0x74: {  	_ =	shalt  }
0x75: {  	_ =	shalt  }
0x76: {  	_ =	shalt  }
0x77: {  	_ =	shalt  }
0x78: {  	_ =	shalt  }
0x79: {  	_ =	shalt  }
0x7a: {  	_ =	shalt  }
0x7b: {  	_ =	shalt  }
0x7c: {  	_ =	shalt  }
0x7d: {  	_ =	shalt  }
0x7e: {  	_ =	shalt  }
0x7f: {  	_ =	shalt  }
0x80: {  	_ =	shalt  }
0x81: {  	_ =	shalt  }
0x82: {  	_ =	shalt  }
0x83: {  	_ =	shalt  }
0x84: {  	_ =	shalt  }
0x85: {  	_ =	shalt  }
0x86: {  	_ =	shalt  }
0x87: {  	_ =	shalt  }
.Lfunc_end0:
.L_simem_size_0:
called_computation_lowered:
.L_overlay_start_0:
0x88: {  	s2 =	sld [smem:$0x3FD9]  }
0x89: {  	s3 =	sld [smem:$0x3FFE];
	_ =	sdelay $0x1  }
0x8a: {  	s1 =	srdreg.scid  }
0x8b: {  	s0 =	sand.u32 $0x1, s1  }
0x8c: {  	s17 =	sshll.u32 s0, $0xA;
	s2 =	sadd.s32 s3, s2  }
0x8d: {  	s2 =	sadd.s32 s2, s17  }
0x8e: {  	[smem:$0x3FC0] =	sst s2  }
0x8f: {  	_ = 	snop  }
0x90: {  	(tm) =	ssettm $0x1  }
0x91: {  	s18 =	sld [smem:$0x3FFB];
	_ =	sdelay $0x3  }
0x92: {  	_ =	strace s18  }
0x93: {  	s2 =	sld [smem:$0x3FFC];
	_ =	sdelay $0x3  }
0x94: {  	_ =	strace s2  }
0x95: {  	s2 =	sld [smem:$0x3FFD];
	_ =	sdelay $0x3  }
0x96: {  	_ =	strace s2  }
0x97: {  	_ =	strace $0x8FFFFFFF  }
0x98: {  	s19 =	sld [smem:$0x3FDB];
	_ =	sdelay $0x1  }
0x99: {  	s20 =	simm.s32 $_scs_section_size  }
0x9a: {  	s4 =	simm.s32 $_size__tile_overlayer_lowered;
	s5 =	simm.s32 $_tile_overlayer_lowered  }
0x9b: {  	s6 =	simm.s32 $0x1BFF;
	s21 =	sshll.u32 s5, $0x1;
	s3 =	sadd.s32 s20, s19  }
0x9c: {  	s22 =	simm.s32 $0x0;
	s4 =	sshll.u32 s4, $0x1;
	s5 =	sadd.s32 s21, s3  }
0x9d: {  	[timem:s22], [sflag:s6] =	dma.local [hbm:s5], s4  }
0x9e: {  	_ =	swait.ge [sflag:s6], s4  }
0x9f: {  	s4 =	ssub.s32 $0x0, s4;
	[sflag:s6] =	ssyncset.done $0x0  }
0xa0: {  	[sflag:s6] =	ssyncadd.s32 s4;
	_ =	sdelay $0x1  }
0xa1: {  	s23 =	simm.s32 $0x1B8B  }
0xa2: {  	_ =	swait.ge [sflag:s23], $0x1  }
0xa3: {  	[sflag:s23] =	ssyncset.done $0x0  }
0xa4: {  	[sflag:s23] =	ssyncadd.s32 $0xFFFFFFFF  }
0xa5: {  	s4 =	sld [smem:$0x0]  }
0xa6: {  	s5 =	sand.u32 $0xFFFFFFFE, s1  }
0xa7: {  	p0 =	sne.s32 s1, s5  }
0xa8: {  	s5 =	sshll.u32 @p0 s5, $0xE  }
0xa9: {  	s5 =	sadd.s32 @p0 $0x11B8D, s5;
	s6 =	sshll.u32 @p0 s4, $0x11  }
0xaa: {  	s5 =	sor.u32 @p0 s6, s5  }
0xab: {  	[sflag:s5] =	ssyncadd.remote.s32 @p0 $0x1;
	_ =	sdelay $0x1  }
0xac: {  	s5 =	simm.s32 @p0 $0x1B8D  }
0xad: {  	_ =	swait.eq @p0 [sflag:s5], $0x1  }
0xae: {  	[sflag:s5] =	ssyncadd.s32 @p0 $0xFFFFFFFF  }
0xaf: {  	s6 =	sshll.u32 @!p0 s1, $0xE  }
0xb0: {  	s6 =	sor.u32 @!p0 $0x4000, s6;
	s5 =	simm.s32 @!p0 $0x1B8D  }
0xb1: {  	s4 =	sshll.u32 @!p0 s4, $0x11;
	s6 =	sadd.s32 @!p0 $0x11B8D, s6;
	_ =	swait.eq @!p0 [sflag:s5], $0x1  }
0xb2: {  	s4 =	sor.u32 @!p0 s4, s6;
	[sflag:s5] =	ssyncadd.s32 @!p0 $0xFFFFFFFF  }
0xb3: {  	s25 =	simm.s32 $0x1B8E;
	s24 =	sld [smem:$0x3FFE];
	[sflag:s4] =	ssyncadd.remote.s32 @!p0 $0x1  }
0xb4: {  	s26 =	simm.s32 $execute0_lowered;
	[smem:$0x3FD2] =	sst s25  }
0xb5: {  	s5 =	sshll.u32 s26, $0x1;
	_ =	strace $0x80000049;
	[dreg:$0x1] =	wrdreg $0xFFFFFFFF  }
0xb6: {  	s28 =	simm.s32 $_size_execute0_lowered;
	s3 =	sadd.s32 s3, s5;
	[dreg:$0x0] =	wrdreg $0x0  }
0xb7: {  	s5 =	sshll.u32 s28, $0x1;
	[dreg:$0x2] =	wrdreg s3  }
0xb8: {  	[dreg:$0x3] =	wrdreg s5  }
0xb9: {  	[dreg:$0x4] =	wrdreg $0xC0  }
0xba: {  	_ =	task [dreg:s22], $0x5FFFF  }
0xbb: {  	[dreg:$0x1] =	wrdreg $0xFFFFFFFF  }
0xbc: {  	[dreg:$0x0] =	wrdreg $0x60  }
0xbd: {  	[dreg:$0x2] =	wrdreg s24  }
0xbe: {  	[dreg:$0x3] =	wrdreg $0x83000  }
0xbf: {  	[dreg:$0x4] =	wrdreg $0x9  }
0xc0: {  	_ =	task.clear_ibuf [dreg:s22], $0x5FFFF;
	_ =	strace $0x90000049  }
0xc1: {  	s29 =	simm.s32 $0x9;
	_ =	strace $0x8000004B  }
0xc2: {  	_ =	swait.ge [sflag:s29], $0x1  }
0xc3: {  	[sflag:s29] =	ssyncadd.s32 $0xFFFFFFFF  }
0xc4: {  	_ =	strace $0x9000004B  }
0xc5: {  	_ =	sfence  }
0xc6: {  	s30 =	sld [smem:$0x0];
	_ =	sdelay $0x2  }
0xc7: {  	s31 =	sshll.u32 s1, $0xD;
	s1 =	sshrl.u32 s1, $0x2  }
0xc8: {  	s4 =	sand.u32 $0x4000, s31;
	s1 =	sadd.s32 s1, s30  }
0xc9: {  	s0 =	sor.u32 s4, s0;
	s1 =	sshll.u32 s1, $0x11  }
0xca: {  	s0 =	sor.u32 s1, s0  }
0xcb: {  	s0 =	sadd.s32 $0x8F2B, s0  }
0xcc: {  	[sflag:s0] =	ssyncadd.remote.s32 $0x1  }
0xcd: {  	_ =	sfence.sel $0xFFFF  }
0xce: {  	[dreg:$0x0] =	wrdreg $0xFFFFFFFF;
	(pc) =	sbr.abs _section_cstart, $3  }
0xcf: {  	[dreg:$0x1] =	wrdreg $0xFFFFFFFF  }
0xd0: {  	_ =	task.clear_ibuf [dreg:s22], $0x2FFFF;
	_ =	strace $0x9FFFFFFF  }
0xd1: {  	(tm) =	ssettm $0x7FFFFFFF  }
tec
execute0_lowered:
.L_overlay_start_1:
0x0: {  	(tag) =	ssettag $0x1  }
0x1: {  	s0 =	rddreg [dreg:$0x0]  }
0x2: {  	s2 =	rddreg [dreg:$0x1];
	s10 =	stileid.u32  }
0x3: {  	s3 =	simm.s32 $0x0;
	s1 =	srdreg.scid;
	s5 =	smul.u32 $0x4E000, s10  }
0x4: {  	[smem:$0x7FF] =	sst s3;
	s6 =	smul.u32 $0x2700, s10;
	s1 =	sand.u32 $0x1, s1  }
0x5: {  	s4 =	sadd.s32 $0x3200, s0;
	s17 =	smul.u32 $0xA00, s10;
	s19 =	sadd.s32 $0x126800, s2  }
0x6: {  	s22 =	sadd.s32 $0x7FF00, s0;
	s23 =	smul.u32 $0x500, s10;
	s26 =	sadd.s32 $0x128800, s2  }
0x7: {  	s28 =	sadd.s32 $0x12A800, s2;
	_ =	strace $0x8000004A;
	[dreg:$0xc] =	wrdreg s19  }
0x8: {  	s29 =	sadd.s32 $0x12C800, s2;
	s30 =	sadd.s32 $0x12E800, s2;
	[dreg:$0xf] =	wrdreg s22  }
0x9: {  	s31 =	sadd.s32 $0x130800, s2;
	s7 =	ssub.s32 $0x2, s1;
	[dreg:$0x14] =	wrdreg s26  }
0xa: {  	p0 =	seq.s32 s1, $0x0;
	p4 =	seq.s32 s1, $0x1;
	[dreg:$0x15] =	wrdreg s28  }
0xb: {  	s1 =	simm.s32 $0x34400;
	[dreg:$0x16] =	wrdreg s29;
	s19 =	simm.s32 $0x5  }
0xc: {  	s22 =	simm.s32 $0x0;
	s5 =	sshrl.u32 s5, $0x2;
	s6 =	sadd.s32 s6, s0  }
0xd: {  	s8 =	sshrl.u32 s7, $0x1;
	s20 =	sadd.s32 s4, s17;
	s1 =	simm.s32 @!p0 $0xD200  }
0xe: {  	s25 =	sor.u32 $0x40, s17;
	p0 =	seq.s32 s10, $0xF;
	p2 =	seq.s32 @p4 s10, $0xF  }
0xf: {  	p5 =	seq.s32 @!p4 s10, $0xF;
	s10 =	simm.s32 $0x400;
	s17 =	simm.s32 $0x3  }
0x10: {  	s5 =	sadd.s32 s5, s2;
	s7 =	ssub.s32 s7, s8;
	[dreg:$0xd] =	wrdreg s20  }
0x11: {  	s21 =	sadd.s32 $0x5B600, s6;
	s6 =	sadd.s32 $0x82800, s6;
	[dreg:$0x13] =	wrdreg s25  }
0x12: {  	p1 =	por !p2, !p4;
	p2 =	por p2, !p4;
	[dreg:$0xe] =	wrdreg s21  }
0x13: {  	p3 =	por !p5, p4;
	s9 =	sadd.s32 $0x2000, s5;
	[dreg:$0x10] =	wrdreg s6  }
0x14: {  	p4 =	por p5, p4;
	s11 =	sadd.s32 $0x4000, s5;
	[dreg:$0x3] =	wrdreg s9  }
0x15: {  	s8 =	sadd.s32 $0x138800, s2;
	s12 =	sadd.s32 $0x6000, s5;
	[dreg:$0x4] =	wrdreg s11  }
0x16: {  	s20 =	simm.s32 $0x6;
	s13 =	sadd.s32 $0x8000, s5;
	[dreg:$0x5] =	wrdreg s12  }
0x17: {  	s14 =	sadd.s32 $0xA000, s5;
	s15 =	sadd.s32 $0xC000, s5;
	[dreg:$0x6] =	wrdreg s13  }
0x18: {  	s16 =	sadd.s32 $0xE000, s5;
	s18 =	sadd.s32 $0x12000, s5;
	[dreg:$0x7] =	wrdreg s14  }
0x19: {  	s21 =	sadd.s32 s1, s0;
	s0 =	sadd.s32 $0xA7100, s0;
	[dreg:$0x8] =	wrdreg s15  }
0x1a: {  	s24 =	smax.u32 s7, $0x1;
	s6 =	sadd.s32 $0x134800, s2;
	[dreg:$0x9] =	wrdreg s16  }
0x1b: {  	s7 =	sadd.s32 $0x136800, s2;
	s1 =	simm.s32 $0x4;
	[dreg:$0xb] =	wrdreg s18  }
.Ltmp0:
0x1c: {  	s9 =	sadd.s32 $0x10000, s5;
	[dreg:$0x11] =	wrdreg s0;
	(pc) =	sbr.rel .LBB2_1-.Ltmp0, $4  }
0x1d: {  	s15 =	sadd.s32 $0x124800, s2;
	[dreg:$0x12] =	wrdreg s24;
	s24 =	sor.u32 $0x20, s23  }
0x1e: {  	s0 =	sadd.s32 $0x132800, s2;
	s11 =	simm.s32 $0x1;
	s12 =	simm.s32 $0x300  }
0x1f: {  	s13 =	simm.s32 $0x100;
	s14 =	simm.s32 $0x2;
	s16 =	simm.s32 $0x4300  }
0x20: {  	v0 =	vimm.f32 $0.0e+00;
	s18 =	simm.s32 $0x200;
	[dreg:$0xa] =	wrdreg s9;
	s9 =	simm.s32 $0x80  }
.LBB2_6:
0x21: {  	_ =	swait.ge [sflag:s1], $0x4000  }
0x22: {  	[sflag:s1] =	ssyncset.done $0x0  }
0x23: {  	s23 =	simm.s32 $0x280;
	[sflag:s1] =	ssyncadd.s32 $0xFFFFC000  }
0x24: {  	[spmem:s2] =	stream.indirect.scatter.add.f32 [tilespmem:s16], [sflag:$0x6], $0x80, s23, s9, $0xb8;
	[tilespmem:$0x1BBC0] =	vst v63  }
0x25: {  	_ =	swait.ge [sflag:s19], $0x4000  }
0x26: {  	[sflag:s19] =	ssyncset.done $0x0  }
0x27: {  	[sflag:s19] =	ssyncadd.s32 $0xFFFFC000  }
0x28: {  	_ =	swait.ge [sflag:s20], $0x4000  }
0x29: {  	[sflag:s20] =	ssyncset.done $0x0  }
0x2a: {  	[sflag:s20] =	ssyncadd.s32 $0xFFFFC000  }
0x2b: {  	[bflag:$0x0] =	sbarrier.arrive $0xFFFF  }
0x2c: {  	s25 =	simm.s32 @!p1 $0x1FC7;
	s23 =	sshrl.u32 @!p1 s15, $0x3;
	s26 =	rddreg [dreg:$0x11]  }
0x2d: {  	[hbm:s26], [sflag:s25] =	dma.local @!p1 [spmem:s23], $0x2800  }
0x2e: {  	s23 =	simm.s32 @!p1 $0x7  }
0x2f: {  	s28 =	stileid.u32;
	_ =	swait.ge @!p1 [sflag:s23], $0x2800  }
0x30: {  	s25 =	sshll.u32 @!p2 s28, $0x6;
	[sflag:s23] =	ssyncset.done @!p1 $0x0;
	s26 =	rddreg [dreg:$0x10]  }
0x31: {  	[sflag:s23] =	ssyncadd.s32 @!p1 $0xFFFFD800;
	s23 =	sor.u32 @!p2 $0x1C07, s25;
	s25 =	sshrl.u32 @!p2 s5, $0x3  }
0x32: {  	[hbm:s26], [sflag:s23] =	dma.local @!p2 [spmem:s25], $0x2700  }
0x33: {  	s23 =	simm.s32 @!p2 $0x7  }
0x34: {  	_ =	swait.ge @!p2 [sflag:s23], $0x2700  }
0x35: {  	s25 =	simm.s32 @!p3 $0x1FC7;
	[sflag:s23] =	ssyncset.done @!p2 $0x0  }
0x36: {  	s26 =	rddreg [dreg:$0xf];
	[sflag:s23] =	ssyncadd.s32 @!p2 $0xFFFFD900;
	s23 =	sshrl.u32 @!p3 s15, $0x3  }
0x37: {  	[hbm:s26], [sflag:s25] =	dma.local @!p3 [spmem:s23], $0x2800  }
0x38: {  	s23 =	simm.s32 @!p3 $0x7  }
0x39: {  	_ =	swait.ge @!p3 [sflag:s23], $0x2800  }
0x3a: {  	s25 =	sshll.u32 @!p4 s28, $0x6;
	[sflag:s23] =	ssyncset.done @!p3 $0x0;
	s28 =	rddreg [dreg:$0xe]  }
0x3b: {  	[sflag:s23] =	ssyncadd.s32 @!p3 $0xFFFFD800;
	s23 =	sor.u32 @!p4 $0x1C07, s25;
	s25 =	sshrl.u32 @!p4 s5, $0x3  }
0x3c: {  	[hbm:s28], [sflag:s23] =	dma.local @!p4 [spmem:s25], $0x2700  }
0x3d: {  	s23 =	simm.s32 @!p4 $0x7  }
0x3e: {  	_ =	swait.ge @!p4 [sflag:s23], $0x2700  }
0x3f: {  	s22 =	sadd.s32 $0x1, s22;
	s29 =	rddreg [dreg:$0x12]  }
0x40: {  	p5 =	sne.s32 s22, s29  }
.Ltmp1:
0x41: {  	_ = 	snop;
	(pc) =	sbr.rel @!p5 .LBB2_7-.Ltmp1, $3  }
0x42: {  	_ =	sdelay $0x1  }
0x43: {  	[sflag:s23] =	ssyncset.done @!p4 $0x0  }
0x44: {  	s26 =	stileid.u32;
	[sflag:s23] =	ssyncadd.s32 @!p4 $0xFFFFD900  }
.LBB2_1:
0x45: {  	s23 =	simm.s32 $0x0;
	s25 =	simm.s32 $0x200  }
.LBB2_2:
0x46: {  	p5 =	sne.s32 s25, $0x7E00;
	[tilespmem:s23+$0x370] =	vst v0  }
0x47: {  	[tilespmem:s23+$0x300] =	vst v0  }
0x48: {  	[tilespmem:s23+$0x310] =	vst v0  }
.Ltmp2:
0x49: {  	[tilespmem:s23+$0x320] =	vst v0;
	(pc) =	sbr.rel @p5 .LBB2_2-.Ltmp2, $4  }
0x4a: {  	[tilespmem:s23+$0x330] =	vst v0  }
0x4b: {  	[tilespmem:s23+$0x340] =	vst v0  }
0x4c: {  	[tilespmem:s23+$0x350] =	vst v0  }
0x4d: {  	[tilespmem:s23+$0x360] =	vst v0;
	s23 =	sshra.s32 s25, $0x2;
	s25 =	sadd.s32 $0x200, s25  }
0x4e: {  	[tilespmem:s23+$0x370] =	vst v0  }
0x4f: {  	[tilespmem:s23+$0x300] =	vst v0  }
0x50: {  	[tilespmem:s23+$0x310] =	vst v0  }
0x51: {  	[tilespmem:s23+$0x320] =	vst v0  }
0x52: {  	[tilespmem:s23+$0x330] =	vst v0  }
0x53: {  	[tilespmem:s23+$0x340] =	vst v0  }
0x54: {  	[tilespmem:s23+$0x350] =	vst v0  }
0x55: {  	[tilespmem:s23+$0x360] =	vst v0;
	s23 =	simm.s32 @p0 $0x300;
	s25 =	simm.s32 @p0 $0x7  }
0x56: {  	[spmem:s15] =	stream.linear.scatter @p0 [tilespmem:s23], [sflag:$0x7], $0x2000, $0x38;
	[tilespmem:$0x1BBC0] =	vst v63  }
0x57: {  	_ =	swait.ge @p0 [sflag:s25], $0x2000  }
0x58: {  	[sflag:s25] =	ssyncset.done @p0 $0x0  }
0x59: {  	s26 =	rddreg [dreg:$0xc];
	[sflag:s25] =	ssyncadd.s32 @p0 $0xFFFFE000  }
0x5a: {  	[spmem:s26] =	stream.linear.scatter @p0 [tilespmem:s23], [sflag:$0x7], $0x2000, $0x38;
	[tilespmem:$0x1BBC0] =	vst v63  }
0x5b: {  	_ =	swait.ge @p0 [sflag:s25], $0x2000  }
0x5c: {  	[sflag:s25] =	ssyncset.done @p0 $0x0  }
0x5d: {  	s26 =	rddreg [dreg:$0x14];
	[sflag:s25] =	ssyncadd.s32 @p0 $0xFFFFE000  }
0x5e: {  	[spmem:s26] =	stream.linear.scatter @p0 [tilespmem:s23], [sflag:$0x7], $0x2000, $0x38;
	[tilespmem:$0x1BBC0] =	vst v63  }
0x5f: {  	_ =	swait.ge @p0 [sflag:s25], $0x2000  }
0x60: {  	[sflag:s25] =	ssyncset.done @p0 $0x0  }
0x61: {  	s26 =	rddreg [dreg:$0x15];
	[sflag:s25] =	ssyncadd.s32 @p0 $0xFFFFE000  }
0x62: {  	[spmem:s26] =	stream.linear.scatter @p0 [tilespmem:s23], [sflag:$0x7], $0x2000, $0x38;
	[tilespmem:$0x1BBC0] =	vst v63  }
0x63: {  	_ =	swait.ge @p0 [sflag:s25], $0x2000  }
0x64: {  	[sflag:s25] =	ssyncset.done @p0 $0x0  }
0x65: {  	s26 =	rddreg [dreg:$0x16];
	[sflag:s25] =	ssyncadd.s32 @p0 $0xFFFFE000  }
0x66: {  	[spmem:s26] =	stream.linear.scatter @p0 [tilespmem:s23], [sflag:$0x7], $0x2000, $0x38;
	[tilespmem:$0x1BBC0] =	vst v63  }
0x67: {  	_ =	swait.ge @p0 [sflag:s25], $0x2000  }
0x68: {  	[sflag:s25] =	ssyncset.done @p0 $0x0  }
0x69: {  	[sflag:s25] =	ssyncadd.s32 @p0 $0xFFFFE000  }
0x6a: {  	[spmem:s30] =	stream.linear.scatter @p0 [tilespmem:s23], [sflag:$0x7], $0x2000, $0x38;
	[tilespmem:$0x1BBC0] =	vst v63  }
0x6b: {  	_ =	swait.ge @p0 [sflag:s25], $0x2000  }
0x6c: {  	[sflag:s25] =	ssyncset.done @p0 $0x0  }
0x6d: {  	[sflag:s25] =	ssyncadd.s32 @p0 $0xFFFFE000  }
0x6e: {  	[spmem:s31] =	stream.linear.scatter @p0 [tilespmem:s23], [sflag:$0x7], $0x2000, $0x38;
	[tilespmem:$0x1BBC0] =	vst v63  }
0x6f: {  	_ =	swait.ge @p0 [sflag:s25], $0x2000  }
0x70: {  	[sflag:s25] =	ssyncset.done @p0 $0x0  }
0x71: {  	[sflag:s25] =	ssyncadd.s32 @p0 $0xFFFFE000  }
0x72: {  	[spmem:s0] =	stream.linear.scatter @p0 [tilespmem:s23], [sflag:$0x7], $0x2000, $0x38;
	[tilespmem:$0x1BBC0] =	vst v63  }
0x73: {  	_ =	swait.ge @p0 [sflag:s25], $0x2000  }
0x74: {  	[sflag:s25] =	ssyncset.done @p0 $0x0  }
0x75: {  	[sflag:s25] =	ssyncadd.s32 @p0 $0xFFFFE000  }
0x76: {  	[spmem:s6] =	stream.linear.scatter @p0 [tilespmem:s23], [sflag:$0x7], $0x2000, $0x38;
	[tilespmem:$0x1BBC0] =	vst v63  }
0x77: {  	_ =	swait.ge @p0 [sflag:s25], $0x2000  }
0x78: {  	[sflag:s25] =	ssyncset.done @p0 $0x0  }
0x79: {  	[sflag:s25] =	ssyncadd.s32 @p0 $0xFFFFE000  }
0x7a: {  	[spmem:s7] =	stream.linear.scatter @p0 [tilespmem:s23], [sflag:$0x7], $0x2000, $0x38;
	[tilespmem:$0x1BBC0] =	vst v63  }
0x7b: {  	_ =	swait.ge @p0 [sflag:s25], $0x2000  }
0x7c: {  	[sflag:s25] =	ssyncset.done @p0 $0x0  }
0x7d: {  	[sflag:s25] =	ssyncadd.s32 @p0 $0xFFFFE000  }
0x7e: {  	[spmem:s8] =	stream.linear.scatter @p0 [tilespmem:s23], [sflag:$0x7], $0x400, $0x38;
	[tilespmem:$0x1BBC0] =	vst v63  }
0x7f: {  	_ =	swait.ge @p0 [sflag:s25], $0x400  }
0x80: {  	[sflag:s25] =	ssyncset.done @p0 $0x0  }
0x81: {  	s23 =	simm.s32 @!p0 $0x300;
	[sflag:s25] =	ssyncadd.s32 @p0 $0xFFFFFC00;
	s25 =	simm.s32 @!p0 $0x7  }
0x82: {  	[spmem:s5] =	stream.linear.scatter @!p0 [tilespmem:s23], [sflag:$0x7], $0x2000, $0x38;
	[tilespmem:$0x1BBC0] =	vst v63  }
0x83: {  	_ =	swait.ge @!p0 [sflag:s25], $0x2000  }
0x84: {  	[sflag:s25] =	ssyncset.done @!p0 $0x0  }
0x85: {  	s26 =	rddreg [dreg:$0x3];
	[sflag:s25] =	ssyncadd.s32 @!p0 $0xFFFFE000  }
0x86: {  	[spmem:s26] =	stream.linear.scatter @!p0 [tilespmem:s23], [sflag:$0x7], $0x2000, $0x38;
	[tilespmem:$0x1BBC0] =	vst v63  }
0x87: {  	_ =	swait.ge @!p0 [sflag:s25], $0x2000  }
0x88: {  	[sflag:s25] =	ssyncset.done @!p0 $0x0  }
0x89: {  	s26 =	rddreg [dreg:$0x4];
	[sflag:s25] =	ssyncadd.s32 @!p0 $0xFFFFE000  }
0x8a: {  	[spmem:s26] =	stream.linear.scatter @!p0 [tilespmem:s23], [sflag:$0x7], $0x2000, $0x38;
	[tilespmem:$0x1BBC0] =	vst v63  }
0x8b: {  	_ =	swait.ge @!p0 [sflag:s25], $0x2000  }
0x8c: {  	[sflag:s25] =	ssyncset.done @!p0 $0x0  }
0x8d: {  	s26 =	rddreg [dreg:$0x5];
	[sflag:s25] =	ssyncadd.s32 @!p0 $0xFFFFE000  }
0x8e: {  	[spmem:s26] =	stream.linear.scatter @!p0 [tilespmem:s23], [sflag:$0x7], $0x2000, $0x38;
	[tilespmem:$0x1BBC0] =	vst v63  }
0x8f: {  	_ =	swait.ge @!p0 [sflag:s25], $0x2000  }
0x90: {  	[sflag:s25] =	ssyncset.done @!p0 $0x0  }
0x91: {  	s26 =	rddreg [dreg:$0x6];
	[sflag:s25] =	ssyncadd.s32 @!p0 $0xFFFFE000  }
0x92: {  	[spmem:s26] =	stream.linear.scatter @!p0 [tilespmem:s23], [sflag:$0x7], $0x2000, $0x38;
	[tilespmem:$0x1BBC0] =	vst v63  }
0x93: {  	_ =	swait.ge @!p0 [sflag:s25], $0x2000  }
0x94: {  	[sflag:s25] =	ssyncset.done @!p0 $0x0  }
0x95: {  	s26 =	rddreg [dreg:$0x7];
	[sflag:s25] =	ssyncadd.s32 @!p0 $0xFFFFE000  }
0x96: {  	[spmem:s26] =	stream.linear.scatter @!p0 [tilespmem:s23], [sflag:$0x7], $0x2000, $0x38;
	[tilespmem:$0x1BBC0] =	vst v63  }
0x97: {  	_ =	swait.ge @!p0 [sflag:s25], $0x2000  }
0x98: {  	[sflag:s25] =	ssyncset.done @!p0 $0x0  }
0x99: {  	s26 =	rddreg [dreg:$0x8];
	[sflag:s25] =	ssyncadd.s32 @!p0 $0xFFFFE000  }
0x9a: {  	[spmem:s26] =	stream.linear.scatter @!p0 [tilespmem:s23], [sflag:$0x7], $0x2000, $0x38;
	[tilespmem:$0x1BBC0] =	vst v63  }
0x9b: {  	_ =	swait.ge @!p0 [sflag:s25], $0x2000  }
0x9c: {  	[sflag:s25] =	ssyncset.done @!p0 $0x0  }
0x9d: {  	s26 =	rddreg [dreg:$0x9];
	[sflag:s25] =	ssyncadd.s32 @!p0 $0xFFFFE000  }
0x9e: {  	[spmem:s26] =	stream.linear.scatter @!p0 [tilespmem:s23], [sflag:$0x7], $0x2000, $0x38;
	[tilespmem:$0x1BBC0] =	vst v63  }
0x9f: {  	_ =	swait.ge @!p0 [sflag:s25], $0x2000  }
0xa0: {  	[sflag:s25] =	ssyncset.done @!p0 $0x0  }
0xa1: {  	s26 =	rddreg [dreg:$0xa];
	[sflag:s25] =	ssyncadd.s32 @!p0 $0xFFFFE000  }
0xa2: {  	[spmem:s26] =	stream.linear.scatter @!p0 [tilespmem:s23], [sflag:$0x7], $0x2000, $0x38;
	[tilespmem:$0x1BBC0] =	vst v63  }
0xa3: {  	_ =	swait.ge @!p0 [sflag:s25], $0x2000  }
0xa4: {  	[sflag:s25] =	ssyncset.done @!p0 $0x0  }
0xa5: {  	s26 =	rddreg [dreg:$0xb];
	[sflag:s25] =	ssyncadd.s32 @!p0 $0xFFFFE000  }
0xa6: {  	[spmem:s26] =	stream.linear.scatter @!p0 [tilespmem:s23], [sflag:$0x7], $0x1800, $0x38;
	[tilespmem:$0x1BBC0] =	vst v63  }
0xa7: {  	_ =	swait.ge @!p0 [sflag:s25], $0x1800  }
0xa8: {  	[sflag:s25] =	ssyncset.done @!p0 $0x0  }
0xa9: {  	[sflag:s25] =	ssyncadd.s32 @!p0 $0xFFFFE800  }
0xaa: {  	[bflag:$0x0] =	sbarrier.arrive $0xFFFF  }
0xab: {  	s29 =	rddreg [dreg:$0xd]  }
0xac: {  	s23 =	simm.s32 $0x0;
	s25 =	rddreg [dreg:$0x13]  }
0xad: {  	[tilespmem:s23], [sflag:$0x1] =	stream.strided.gather [hbm4b:s29+s9], $0x100, s10, s9, $0x38;
	[tilespmem:$0x1BBC0] =	vst v63  }
.LBB2_4:
0xae: {  	p5 =	seq.s32 s23, $0x0  }
0xaf: {  	s26 =	simm.s32 @!p5 $0x5  }
0xb0: {  	_ =	swait.ge @!p5 [sflag:s26], $0x4000  }
0xb1: {  	[sflag:s26] =	ssyncset.done @!p5 $0x0  }
0xb2: {  	[sflag:s26] =	ssyncadd.s32 @!p5 $0xFFFFC000  }
0xb3: {  	_ =	swait.ge [sflag:s11], $0x100  }
0xb4: {  	[sflag:s11] =	ssyncset.done $0x0  }
0xb5: {  	[sflag:s11] =	ssyncadd.s32 $0xFFFFFF00  }
0xb6: {  	v1 =	vld [tilespmem:$0x80]  }
0xb7: {  	v2 =	vld [tilespmem:$0x90]  }
0xb8: {  	v3 =	vld [tilespmem:$0xA0]  }
0xb9: {  	v4 =	vld [tilespmem:$0xB0]  }
0xba: {  	v5 =	vld [tilespmem:$0xC0]  }
0xbb: {  	[tilespmem:$0x200] =	vst v1;
	v1 =	vld [tilespmem:$0xD0]  }
0xbc: {  	[tilespmem:$0x210] =	vst v2;
	v2 =	vld [tilespmem:$0xE0]  }
0xbd: {  	[tilespmem:$0x220] =	vst v3;
	v3 =	vld [tilespmem:$0xF0]  }
0xbe: {  	[tilespmem:$0x230] =	vst v4  }
0xbf: {  	[tilespmem:$0x240] =	vst v5  }
0xc0: {  	[tilespmem:$0x250] =	vst v1  }
0xc1: {  	[tilespmem:$0x260] =	vst v2  }
0xc2: {  	s26 =	simm.s32 @!p5 $0x4;
	[tilespmem:$0x270] =	vst v3  }
0xc3: {  	[tilespmem:s12], [sflag:$0x3] =	stream.indirect.gather [hbm4b:s21+s9], $0x80, s3, s9, $0xb8;
	[tilespmem:$0x1BBC0] =	vst v63  }
0xc4: {  	_ =	swait.ge @!p5 [sflag:s26], $0x4000  }
0xc5: {  	s28 =	simm.s32 @!p5 $0x280;
	[sflag:s26] =	ssyncset.done @!p5 $0x0  }
0xc6: {  	s29 =	simm.s32 @!p5 $0x4300;
	[sflag:s26] =	ssyncadd.s32 @!p5 $0xFFFFC000;
	s26 =	simm.s32 @!p5 $0x80  }
0xc7: {  	[spmem:s2] =	stream.indirect.scatter.add.f32 @!p5 [tilespmem:s29], [sflag:$0x6], $0x80, s28, s26, $0xb8;
	[tilespmem:$0x1BBC0] =	vst v63  }
0xc8: {  	s26 =	sadd.s32 $0xFFFFFFC0, s25;
	s29 =	sand.u32 $0x60, s23  }
0xc9: {  	s26 =	sand.u32 $0x1FF00, s26;
	s28 =	sadd.s32 s29, s4  }
0xca: {  	s26 =	sadd.s32 s26, s28  }
0xcb: {  	s26 =	sadd.s32 $0x10, s26  }
0xcc: {  	[tilespmem:s13], [sflag:$0x2] =	stream.strided.gather [hbm4b:s26+s9], $0x100, s10, s9, $0x38;
	[tilespmem:$0x1BBC0] =	vst v63  }
0xcd: {  	s26 =	simm.s32 @!p5 $0x6  }
0xce: {  	_ =	swait.ge @!p5 [sflag:s26], $0x4000  }
0xcf: {  	[sflag:s26] =	ssyncset.done @!p5 $0x0  }
0xd0: {  	[sflag:s26] =	ssyncadd.s32 @!p5 $0xFFFFC000  }
0xd1: {  	_ =	swait.ge [sflag:s14], $0x100  }
0xd2: {  	[sflag:s14] =	ssyncset.done $0x0  }
0xd3: {  	[sflag:s14] =	ssyncadd.s32 $0xFFFFFF00  }
0xd4: {  	v1 =	vld [tilespmem:$0x180]  }
0xd5: {  	v2 =	vld [tilespmem:$0x190]  }
0xd6: {  	v3 =	vld [tilespmem:$0x1A0]  }
0xd7: {  	v62 =	vld [tilespmem:$0x1B0]  }
0xd8: {  	v63 =	vld [tilespmem:$0x1C0]  }
0xd9: {  	[tilespmem:$0x280] =	vst v1;
	v1 =	vld [tilespmem:$0x1D0]  }
0xda: {  	[tilespmem:$0x290] =	vst v2;
	v2 =	vld [tilespmem:$0x1E0]  }
0xdb: {  	[tilespmem:$0x2A0] =	vst v3;
	v3 =	vld [tilespmem:$0x1F0]  }
0xdc: {  	[tilespmem:$0x2B0] =	vst v62  }
0xdd: {  	[tilespmem:$0x2C0] =	vst v63  }
0xde: {  	[tilespmem:$0x2D0] =	vst v1  }
0xdf: {  	[tilespmem:$0x2E0] =	vst v2  }
0xe0: {  	p5 =	seq.s32 s23, $0x4E0;
	[tilespmem:$0x2F0] =	vst v3  }
0xe1: {  	[tilespmem:s16], [sflag:$0x4] =	stream.indirect.gather [hbm4b:s21+s9], $0x80, s13, s9, $0xb8;
	[tilespmem:$0x1BBC0] =	vst v63  }
.Ltmp3:
0xe2: {  	_ = 	snop;
	(pc) =	sbr.rel @p5 .LBB2_6-.Ltmp3, $4  }
0xe3: {  	_ =	swait.ge [sflag:s17], $0x4000  }
0xe4: {  	[sflag:s17] =	ssyncset.done $0x0  }
0xe5: {  	[sflag:s17] =	ssyncadd.s32 $0xFFFFC000  }
0xe6: {  	[spmem:s2] =	stream.indirect.scatter.add.f32 [tilespmem:s12], [sflag:$0x5], $0x80, s18, s9, $0xb8;
	[tilespmem:$0x1BBC0] =	vst v63  }
.Ltmp4:
0xe7: {  	s26 =	sadd.s32 s23, s24;
	(pc) =	sbr.rel .LBB2_4-.Ltmp4, $4  }
0xe8: {  	s26 =	sand.u32 $0x60, s26  }
0xe9: {  	s28 =	sand.u32 $0xFFFFF00, s25;
	s26 =	sadd.s32 s4, s26  }
0xea: {  	s23 =	sadd.s32 $0x20, s23;
	s25 =	sadd.s32 $0x40, s25;
	s26 =	sadd.s32 s28, s26  }
0xeb: {  	[tilespmem:s3], [sflag:$0x1] =	stream.strided.gather [hbm4b:s26+s9], $0x100, s10, s9, $0x38;
	[tilespmem:$0x1BBC0] =	vst v63  }
.LBB2_7:
0xec: {  	_ =	sfence.sel $0x180000  }
0xed: {  	[bflag:$0x0] =	sbarrier.arrive $0xFFFF  }
0xee: {  	_ =	strace $0x9000004A  }
0xef: {  	[bflag:$0x2] =	sbarrier.arrive $0xFFFF  }
0xf0: {  	p0 =	sne.s32 s26, $0x0;
	s0 =	rddreg [dreg:$0x2]  }
0xf1: {  	s0 =	sadd.s32 @!p0 $0x100000, s0  }
0xf2: {  	[sflag:s0] =	ssyncadd.tile.s32 @!p0 $0x1;
	_ =	shalt  }
.Lfunc_end2:
_tile_overlayer_lowered:
.L_overlay_start_2:
0xf3: {  	(tag) =	ssettag $0x2  }
0xf4: {  	s0 =	rddreg [dreg:$0x0];
	s2 =	stileid.u32  }
0xf5: {  	s1 =	rddreg [dreg:$0x1];
	p0 =	sne.s32 s2, $0x0  }
0xf6: {  	s3 =	rddreg [dreg:$0x2];
	[bflag:$0x3] =	sbarrier.arrive $0xFFFF;
	s2 =	simm.s32 @!p0 $0x1C07  }
0xf7: {  	[timem:s3], [sflag:s2] =	dma.local @!p0 [hbm:s0], s1  }
0xf8: {  	s0 =	simm.s32 @!p0 $0x7  }
0xf9: {  	_ =	swait.ge @!p0 [sflag:s0], s1  }
0xfa: {  	s1 =	ssub.s32 @!p0 $0x0, s1;
	[sflag:s0] =	ssyncset.done @!p0 $0x0  }
0xfb: {  	[sflag:s0] =	ssyncadd.s32 @!p0 s1  }
0xfc: {  	[bflag:$0x3] =	sbarrier.arrive $0xFFFF  }
0xfd: {  	_ =	shalt  }

</sc_bundles>
